<compile_context>
chip_gen: v7x
topology: tpu7x:2x2x1
jax: 0.10.2.dev20260603
libtpu: 0.0.44.dev20260713+nightly
codegen_flags: <defaults>
</compile_context>

<pallas_src>
import functools

import jax
import jax.numpy as jnp
from jax import lax
from jax.experimental import pallas as pl
from jax.experimental.pallas import tpu as pltpu
from jax.experimental.pallas import tpu_sc as plsc

N = 10000
E = 320000
HEADS = 8
DIM = 16
D = HEADS * DIM
HALF = D // 2

NC = 2
NS = 16
NW = NC * NS

C = 112
NBUF = 4
NCHUNK = 180
PER_TILE = NCHUNK * C
E_PAD = PER_TILE * NS
NMETA = 6

STRIPE = 632
STRIPE_LAST = N - 15 * STRIPE


def _mm_body(x_ref, w_ref, o_ref):
    o_ref[...] = jnp.dot(x_ref[...], w_ref[0],
                         preferred_element_type=jnp.float32)[None]


def _project_split(x, W):
    w_split = W.reshape(D, NC, HALF).transpose(1, 0, 2)
    return pl.pallas_call(
        _mm_body,
        grid=(10, NC),
        in_specs=[
            pl.BlockSpec((N // 10, D), lambda i, j: (i, 0)),
            pl.BlockSpec((1, D, HALF), lambda i, j: (j, 0, 0)),
        ],
        out_specs=pl.BlockSpec((1, N // 10, HALF), lambda i, j: (j, i, 0)),
        out_shape=jax.ShapeDtypeStruct((NC, N, HALF), jnp.float32),
    )(x, w_split)


def _combine(partials, bias):
    bias2d = jnp.broadcast_to(bias.reshape(1, D), (8, D))

    def body(p_ref, b_ref, o_ref):
        o_ref[...] = (
            jnp.concatenate([p_ref[0], p_ref[1]], axis=-1) + b_ref[0:1, :])

    return pl.pallas_call(
        body,
        grid=(10,),
        in_specs=[
            pl.BlockSpec((NC, N // 10, HALF), lambda i: (0, i, 0)),
            pl.BlockSpec((8, D), lambda i: (0, 0)),
        ],
        out_specs=pl.BlockSpec((N // 10, D), lambda i: (i, 0)),
        out_shape=jax.ShapeDtypeStruct((N, D), jnp.float32),
    )(partials, bias2d)


def _sc_body(h_hbm, meta_hbm, zeros_hbm, out_hbm,
             meta, rows, shared, gsem, ssem, isem):
    hsp = shared.at[0]
    acc = shared.at[1]
    c_id = lax.axis_index("c")
    s_id = lax.axis_index("s")

    start = pl.multiple_of(s_id * STRIPE, 8)

    @pl.when(s_id < NS - 1)
    def _stage_main():
        sl = pl.ds(start, STRIPE)
        pltpu.sync_copy(h_hbm.at[c_id].at[sl], hsp.at[sl])
        pltpu.sync_copy(zeros_hbm.at[sl], acc.at[sl])

    @pl.when(s_id == NS - 1)
    def _stage_last():
        sl = pl.ds((NS - 1) * STRIPE, STRIPE_LAST)
        pltpu.sync_copy(h_hbm.at[c_id].at[sl], hsp.at[sl])
        pltpu.sync_copy(zeros_hbm.at[sl], acc.at[sl])

    plsc.subcore_barrier()

    chunk0 = s_id * NCHUNK


    def i_desc(j, p):
        return pltpu.make_async_copy(
            meta_hbm.at[c_id].at[chunk0 + j], meta.at[p], isem.at[p])

    def g_desc(p):
        return pltpu.make_async_copy(
            hsp.at[meta.at[p, 0]], rows.at[p], gsem.at[p])

    def s_desc(p):
        return pltpu.make_async_copy(
            rows.at[p], acc.at[meta.at[p, 1]], ssem.at[p])

    def multiply(p):
        nh = HEADS // NC

        def group(q, carry2):
            r = 2 + q // (C // 16)
            col = 16 * (q % (C // 16))
            av = lax.bitcast_convert_type(
                meta[p, r, pl.ds(col, 16)], jnp.float32)
            for e in range(4):
                c = 4 * q + e
                for hd in range(nh):
                    rows[p, c, pl.ds(hd * DIM, DIM)] = (
                        rows[p, c, pl.ds(hd * DIM, DIM)] * av[nh * e + hd])
            return carry2

        lax.fori_loop(0, C // 4, group, 0, unroll=2)

    for jj in range(2):
        i_desc(jj, jj).start()
    for jj in range(2):
        i_desc(jj, jj).wait()
        g_desc(jj).start()

    def body(t, carry):
        for p in range(NBUF):
            j = NBUF * t + p
            p2 = (p + 2) % NBUF

            @pl.when(j >= NBUF - 2)
            def _wait_s():
                s_desc(p2).wait()

            @pl.when(j + 2 < NCHUNK)
            def _issue_i():
                i_desc(j + 2, p2).start()

            g_desc(p).wait()
            multiply(p)
            pltpu.async_copy(
                rows.at[p], acc.at[meta.at[p, 1]], ssem.at[p], add=True)

            @pl.when(j + 2 < NCHUNK)
            def _issue_g():
                i_desc(j + 2, p2).wait()
                g_desc(p2).start()
        return carry

    lax.fori_loop(0, NCHUNK // NBUF, body, 0)
    for k in range(NBUF - 2):
        s_desc((NCHUNK - (NBUF - 2) + k) % NBUF).wait()
    plsc.subcore_barrier()

    @pl.when(s_id < NS - 1)
    def _flush_main():
        sl = pl.ds(start, STRIPE)
        pltpu.sync_copy(acc.at[sl], out_hbm.at[c_id].at[sl])

    @pl.when(s_id == NS - 1)
    def _flush_last():
        sl = pl.ds((NS - 1) * STRIPE, STRIPE_LAST)
        pltpu.sync_copy(acc.at[sl], out_hbm.at[c_id].at[sl])


@functools.partial(jax.jit, static_argnums=())
def _sc_scatter(h, meta, zeros):
    mesh = plsc.VectorSubcoreMesh(core_axis_name="c", subcore_axis_name="s",
                                  num_cores=NC, num_subcores=NS)
    f = pl.kernel(
        _sc_body,
        out_type=jax.ShapeDtypeStruct((NC, N, HALF), jnp.float32),
        mesh=mesh,
        compiler_params=pltpu.CompilerParams(use_tc_tiling_on_sc=False),
        scratch_types=[
            pltpu.VMEM((NBUF, NMETA, C), jnp.int32),
            pltpu.VMEM((NBUF, C, HALF), jnp.float32),
            pltpu.VMEM_SHARED((NC, N, HALF), jnp.float32),
            pltpu.SemaphoreType.DMA((NBUF,)),
            pltpu.SemaphoreType.DMA((NBUF,)),
            pltpu.SemaphoreType.DMA((NBUF,)),
        ],
    )
    return f(h, meta, zeros)


def kernel(x, edge_index, agg_alpha, W, bias):
    h = _project_split(x, W)
    pad = E_PAD - E
    tot = E_PAD // C
    src = jnp.concatenate([edge_index[0], jnp.zeros((pad,), jnp.int32)])
    dst = jnp.concatenate([edge_index[1], jnp.zeros((pad,), jnp.int32)])
    alpha = jnp.concatenate(
        [agg_alpha, jnp.zeros((pad, HEADS), jnp.float32)], axis=0)
    nh = HEADS // NC
    metas = []
    for cc in range(NC):
        metas.append(jnp.concatenate(
            [src.reshape(tot, 1, C),
             dst.reshape(tot, 1, C),
             lax.bitcast_convert_type(
                 alpha[:, cc * nh:(cc + 1) * nh],
                 jnp.int32).reshape(tot, nh, C)],
            axis=1))
    meta = jnp.stack(metas, axis=0)
    zeros = jnp.zeros((N, HALF), jnp.float32)
    partials = _sc_scatter(h, meta, zeros)
    return _combine(partials, bias)

# --- scband reference (transcript-rebuilt; emitter-appended) ---
"""Pipeline reference for scband-icon-combo-41850161332740 (READ-ONLY COPY).

The authoritative reference and input builder live on the scoring server;
editing this copy changes nothing except your own understanding.
"""

import jax, jax.numpy as jnp
import numpy as np

N = 10000
E = 320000
HEADS = 8
DIM = 16
D = HEADS * DIM  # 128


def setup_inputs(seed: int = 0) -> dict:
    key = jax.random.key(seed)
    k1, k2, k3, k4 = jax.random.split(key, 4)
    x = jax.random.normal(k1, (N, D), dtype=jnp.float32)
    edge_index = jax.random.randint(k2, (2, E), 0, N, dtype=jnp.int32)
    # agg_alpha: pre-aggregated per-edge, per-head attention coefficients
    # (produced upstream by aggregat_edge_weights over co-GAT attentions).
    agg_alpha = jax.random.uniform(k3, (E, HEADS), dtype=jnp.float32)
    # Learned linear projection of the shared-weight GAT conv:
    # in_channels = dimension * n_heads, out = heads * dimension
    W = jax.random.normal(k4, (D, HEADS * DIM), dtype=jnp.float32) * 0.05
    bias = jnp.zeros((HEADS * DIM,), dtype=jnp.float32)
    return {"x": x, "edge_index": edge_index, "agg_alpha": agg_alpha, "W": W, "bias": bias}


def reference(x, edge_index, agg_alpha, W, bias):
    # Faithful jax translation of IconCombo.forward message-passing step:
    # x = self.gat((x, x[:adj.size[1]]), local_edge_index, alpha=agg_alpha, size=adj.size)
    # ComboWGATConv with externally supplied attention coefficients alpha:
    #   1) linear projection into heads
    #   2) gather source-node features per edge
    #   3) scale by per-edge per-head alpha
    #   4) scatter-add into destination nodes
    #   5) concatenate heads + bias
    src = edge_index[0]
    dst = edge_index[1]
    h = (x @ W).reshape(N, HEADS, DIM)
    msgs = jnp.take(h, src, axis=0) * agg_alpha[:, :, None]
    out = jnp.zeros((N, HEADS, DIM), dtype=x.dtype).at[dst].add(msgs)
    out = out.reshape(N, HEADS * DIM) + bias
    return out


if False:  # reference __main__ guard neutralized (emitter)
    inp = setup_inputs()
    y = reference(**inp)
    print(y.shape, y.dtype)

if __name__ == "__main__":
    import jax
    _d = setup_inputs()
    print(jax.jit(kernel)(*tuple(_d.values())))

</pallas_src>

<mosaic_0001>
#map = affine_map<(d0, d1) -> (0, 0, 0)>
#map1 = affine_map<(d0, d1) -> (0, 0, 0, 0)>
#map2 = affine_map<(d0, d1) -> (0, 0)>
module attributes {stable_mosaic.version = 14 : i64} {
  func.func @_sc_body(%arg0: i32, %arg1: i32, %arg2: memref<2x10000x64xf32, #tpu.memory_space<hbm>>, %arg3: memref<2x2880x6x112xi32, #tpu.memory_space<hbm>>, %arg4: memref<10000x64xf32, #tpu.memory_space<hbm>>, %arg5: memref<2x10000x64xf32, #tpu.memory_space<hbm>>, %arg6: memref<4x6x112xi32, #tpu.memory_space<vmem>>, %arg7: memref<4x112x64xf32, #tpu.memory_space<vmem>>, %arg8: memref<2x10000x64xf32, #tpu.memory_space<vmem_shared>>, %arg9: memref<4x!tpu.dma_semaphore, #tpu.memory_space<semaphore_mem>>, %arg10: memref<4x!tpu.dma_semaphore, #tpu.memory_space<semaphore_mem>>, %arg11: memref<4x!tpu.dma_semaphore, #tpu.memory_space<semaphore_mem>>) attributes {dimension_semantics = [#tpu.dimension_semantics<core_parallel>, #tpu.dimension_semantics<subcore_parallel>], iteration_bounds = array<i64: 2, 16>, scalar_prefetch = 0 : i64, scratch_operands = 6 : i64, tpu.core_type = #tpu.core_type<sc_vector_subcore>, window_params = [{transform_indices = #map}, {transform_indices = #map1}, {transform_indices = #map2}, {transform_indices = #map}]} {
    %mul3A = arith.constant 632 : i32
    %mul3A_0 = arith.muli %arg1, %mul3A : i32
    %multiple_of3A = tpu.assume_multiple %mul3A_0, 8 : i32
    %lt3A = arith.constant 15 : i32
    %lt3A_1 = arith.cmpi slt, %arg1, %lt3A : i32
    %convert_element_type3A = arith.extui %lt3A_1 : i1 to i32
    %cond3A = arith.constant 0 : i32
    %cond3A_2 = arith.constant 1 : i32
    %cond3A_3 = arith.constant 0 : i32
    %cond3A_4 = arith.cmpi ne, %convert_element_type3A, %cond3A_3 : i32
    scf.if %cond3A_4 {
      "tpu.region"() ({
        %run_scoped3A = tpu.sem_alloc : memref<!tpu.dma_semaphore, #tpu.memory_space<semaphore_mem>>
        %dma_start3A_242 = arith.constant 0 : i32
        %dma_start3A_243 = arith.constant 0 : i32
        %dma_start3A_244 = tpu.memref_slice %arg8[%cond3A, %dma_start3A_242, %dma_start3A_243] : memref<2x10000x64xf32, #tpu.memory_space<vmem_shared>> -> memref<1x10000x64xf32, #tpu.memory_space<vmem_shared>>
        %dma_start3A_245 = tpu.memref_squeeze %dma_start3A_244 : memref<1x10000x64xf32, #tpu.memory_space<vmem_shared>> -> memref<10000x64xf32, #tpu.memory_space<vmem_shared>>
        %dma_start3A_246 = arith.constant 0 : i32
        %dma_start3A_247 = tpu.memref_slice %dma_start3A_245[%multiple_of3A, %dma_start3A_246] : memref<10000x64xf32, #tpu.memory_space<vmem_shared>> -> memref<632x64xf32, #tpu.memory_space<vmem_shared>>
        %dma_start3A_248 = arith.constant 0 : i32
        %dma_start3A_249 = arith.constant 0 : i32
        %dma_start3A_250 = tpu.memref_slice %arg2[%arg0, %dma_start3A_248, %dma_start3A_249] : memref<2x10000x64xf32, #tpu.memory_space<hbm>> -> memref<1x10000x64xf32, #tpu.memory_space<hbm>>
        %dma_start3A_251 = tpu.memref_squeeze %dma_start3A_250 : memref<1x10000x64xf32, #tpu.memory_space<hbm>> -> memref<10000x64xf32, #tpu.memory_space<hbm>>
        %dma_start3A_252 = arith.constant 0 : i32
        %dma_start3A_253 = tpu.memref_slice %dma_start3A_251[%multiple_of3A, %dma_start3A_252] : memref<10000x64xf32, #tpu.memory_space<hbm>> -> memref<632x64xf32, #tpu.memory_space<hbm>>
        tpu.enqueue_dma source(%dma_start3A_253 : memref<632x64xf32, #tpu.memory_space<hbm>>) target(%dma_start3A_247 : memref<632x64xf32, #tpu.memory_space<vmem_shared>>) target_semaphore(%run_scoped3A : memref<!tpu.dma_semaphore, #tpu.memory_space<semaphore_mem>>)
        %dma_wait3A_254 = arith.constant 0 : i32
        %dma_wait3A_255 = arith.constant 0 : i32
        %dma_wait3A_256 = tpu.memref_slice %arg8[%cond3A, %dma_wait3A_254, %dma_wait3A_255] : memref<2x10000x64xf32, #tpu.memory_space<vmem_shared>> -> memref<1x10000x64xf32, #tpu.memory_space<vmem_shared>>
        %dma_wait3A_257 = tpu.memref_squeeze %dma_wait3A_256 : memref<1x10000x64xf32, #tpu.memory_space<vmem_shared>> -> memref<10000x64xf32, #tpu.memory_space<vmem_shared>>
        %dma_wait3A_258 = arith.constant 0 : i32
        %dma_wait3A_259 = tpu.memref_slice %dma_wait3A_257[%multiple_of3A, %dma_wait3A_258] : memref<10000x64xf32, #tpu.memory_space<vmem_shared>> -> memref<632x64xf32, #tpu.memory_space<vmem_shared>>
        %dma_wait3A_260 = arith.constant 0 : i32
        %dma_wait3A_261 = arith.constant 0 : i32
        %dma_wait3A_262 = tpu.memref_slice %arg2[%arg0, %dma_wait3A_260, %dma_wait3A_261] : memref<2x10000x64xf32, #tpu.memory_space<hbm>> -> memref<1x10000x64xf32, #tpu.memory_space<hbm>>
        %dma_wait3A_263 = tpu.memref_squeeze %dma_wait3A_262 : memref<1x10000x64xf32, #tpu.memory_space<hbm>> -> memref<10000x64xf32, #tpu.memory_space<hbm>>
        %dma_wait3A_264 = arith.constant 0 : i32
        %dma_wait3A_265 = tpu.memref_slice %dma_wait3A_263[%multiple_of3A, %dma_wait3A_264] : memref<10000x64xf32, #tpu.memory_space<hbm>> -> memref<632x64xf32, #tpu.memory_space<hbm>>
        tpu.wait_dma2 semaphore(%run_scoped3A : memref<!tpu.dma_semaphore, #tpu.memory_space<semaphore_mem>>) src(%dma_wait3A_265 : memref<632x64xf32, #tpu.memory_space<hbm>>) dst(%dma_wait3A_259 : memref<632x64xf32, #tpu.memory_space<vmem_shared>>)
        tpu.yield
      }) : () -> ()
      "tpu.region"() ({
        %run_scoped3A = tpu.sem_alloc : memref<!tpu.dma_semaphore, #tpu.memory_space<semaphore_mem>>
        %dma_start3A_242 = arith.constant 0 : i32
        %dma_start3A_243 = arith.constant 0 : i32
        %dma_start3A_244 = tpu.memref_slice %arg8[%cond3A_2, %dma_start3A_242, %dma_start3A_243] : memref<2x10000x64xf32, #tpu.memory_space<vmem_shared>> -> memref<1x10000x64xf32, #tpu.memory_space<vmem_shared>>
        %dma_start3A_245 = tpu.memref_squeeze %dma_start3A_244 : memref<1x10000x64xf32, #tpu.memory_space<vmem_shared>> -> memref<10000x64xf32, #tpu.memory_space<vmem_shared>>
        %dma_start3A_246 = arith.constant 0 : i32
        %dma_start3A_247 = tpu.memref_slice %dma_start3A_245[%multiple_of3A, %dma_start3A_246] : memref<10000x64xf32, #tpu.memory_space<vmem_shared>> -> memref<632x64xf32, #tpu.memory_space<vmem_shared>>
        %dma_start3A_248 = arith.constant 0 : i32
        %dma_start3A_249 = tpu.memref_slice %arg4[%multiple_of3A, %dma_start3A_248] : memref<10000x64xf32, #tpu.memory_space<hbm>> -> memref<632x64xf32, #tpu.memory_space<hbm>>
        tpu.enqueue_dma source(%dma_start3A_249 : memref<632x64xf32, #tpu.memory_space<hbm>>) target(%dma_start3A_247 : memref<632x64xf32, #tpu.memory_space<vmem_shared>>) target_semaphore(%run_scoped3A : memref<!tpu.dma_semaphore, #tpu.memory_space<semaphore_mem>>)
        %dma_wait3A_250 = arith.constant 0 : i32
        %dma_wait3A_251 = arith.constant 0 : i32
        %dma_wait3A_252 = tpu.memref_slice %arg8[%cond3A_2, %dma_wait3A_250, %dma_wait3A_251] : memref<2x10000x64xf32, #tpu.memory_space<vmem_shared>> -> memref<1x10000x64xf32, #tpu.memory_space<vmem_shared>>
        %dma_wait3A_253 = tpu.memref_squeeze %dma_wait3A_252 : memref<1x10000x64xf32, #tpu.memory_space<vmem_shared>> -> memref<10000x64xf32, #tpu.memory_space<vmem_shared>>
        %dma_wait3A_254 = arith.constant 0 : i32
        %dma_wait3A_255 = tpu.memref_slice %dma_wait3A_253[%multiple_of3A, %dma_wait3A_254] : memref<10000x64xf32, #tpu.memory_space<vmem_shared>> -> memref<632x64xf32, #tpu.memory_space<vmem_shared>>
        %dma_wait3A_256 = arith.constant 0 : i32
        %dma_wait3A_257 = tpu.memref_slice %arg4[%multiple_of3A, %dma_wait3A_256] : memref<10000x64xf32, #tpu.memory_space<hbm>> -> memref<632x64xf32, #tpu.memory_space<hbm>>
        tpu.wait_dma2 semaphore(%run_scoped3A : memref<!tpu.dma_semaphore, #tpu.memory_space<semaphore_mem>>) src(%dma_wait3A_257 : memref<632x64xf32, #tpu.memory_space<hbm>>) dst(%dma_wait3A_255 : memref<632x64xf32, #tpu.memory_space<vmem_shared>>)
        tpu.yield
      }) : () -> ()
    } else {
    }
    %eq3A = arith.constant 15 : i32
    %eq3A_5 = arith.cmpi eq, %arg1, %eq3A : i32
    %convert_element_type3A_6 = arith.extui %eq3A_5 : i1 to i32
    %cond3A_7 = arith.constant 0 : i32
    %cond3A_8 = arith.constant 1 : i32
    %cond3A_9 = arith.constant 0 : i32
    %cond3A_10 = arith.cmpi ne, %convert_element_type3A_6, %cond3A_9 : i32
    scf.if %cond3A_10 {
      "tpu.region"() ({
        %run_scoped3A = tpu.sem_alloc : memref<!tpu.dma_semaphore, #tpu.memory_space<semaphore_mem>>
        %dma_start3A_242 = arith.constant 0 : i32
        %dma_start3A_243 = arith.constant 0 : i32
        %dma_start3A_244 = tpu.memref_slice %arg8[%cond3A_7, %dma_start3A_242, %dma_start3A_243] : memref<2x10000x64xf32, #tpu.memory_space<vmem_shared>> -> memref<1x10000x64xf32, #tpu.memory_space<vmem_shared>>
        %dma_start3A_245 = tpu.memref_squeeze %dma_start3A_244 : memref<1x10000x64xf32, #tpu.memory_space<vmem_shared>> -> memref<10000x64xf32, #tpu.memory_space<vmem_shared>>
        %dma_start3A_246 = arith.constant 9480 : i32
        %dma_start3A_247 = arith.constant 0 : i32
        %dma_start3A_248 = tpu.memref_slice %dma_start3A_245[%dma_start3A_246, %dma_start3A_247] : memref<10000x64xf32, #tpu.memory_space<vmem_shared>> -> memref<520x64xf32, #tpu.memory_space<vmem_shared>>
        %dma_start3A_249 = arith.constant 0 : i32
        %dma_start3A_250 = arith.constant 0 : i32
        %dma_start3A_251 = tpu.memref_slice %arg2[%arg0, %dma_start3A_249, %dma_start3A_250] : memref<2x10000x64xf32, #tpu.memory_space<hbm>> -> memref<1x10000x64xf32, #tpu.memory_space<hbm>>
        %dma_start3A_252 = tpu.memref_squeeze %dma_start3A_251 : memref<1x10000x64xf32, #tpu.memory_space<hbm>> -> memref<10000x64xf32, #tpu.memory_space<hbm>>
        %dma_start3A_253 = arith.constant 9480 : i32
        %dma_start3A_254 = arith.constant 0 : i32
        %dma_start3A_255 = tpu.memref_slice %dma_start3A_252[%dma_start3A_253, %dma_start3A_254] : memref<10000x64xf32, #tpu.memory_space<hbm>> -> memref<520x64xf32, #tpu.memory_space<hbm>>
        tpu.enqueue_dma source(%dma_start3A_255 : memref<520x64xf32, #tpu.memory_space<hbm>>) target(%dma_start3A_248 : memref<520x64xf32, #tpu.memory_space<vmem_shared>>) target_semaphore(%run_scoped3A : memref<!tpu.dma_semaphore, #tpu.memory_space<semaphore_mem>>)
        %dma_wait3A_256 = arith.constant 0 : i32
        %dma_wait3A_257 = arith.constant 0 : i32
        %dma_wait3A_258 = tpu.memref_slice %arg8[%cond3A_7, %dma_wait3A_256, %dma_wait3A_257] : memref<2x10000x64xf32, #tpu.memory_space<vmem_shared>> -> memref<1x10000x64xf32, #tpu.memory_space<vmem_shared>>
        %dma_wait3A_259 = tpu.memref_squeeze %dma_wait3A_258 : memref<1x10000x64xf32, #tpu.memory_space<vmem_shared>> -> memref<10000x64xf32, #tpu.memory_space<vmem_shared>>
        %dma_wait3A_260 = arith.constant 9480 : i32
        %dma_wait3A_261 = arith.constant 0 : i32
        %dma_wait3A_262 = tpu.memref_slice %dma_wait3A_259[%dma_wait3A_260, %dma_wait3A_261] : memref<10000x64xf32, #tpu.memory_space<vmem_shared>> -> memref<520x64xf32, #tpu.memory_space<vmem_shared>>
        %dma_wait3A_263 = arith.constant 0 : i32
        %dma_wait3A_264 = arith.constant 0 : i32
        %dma_wait3A_265 = tpu.memref_slice %arg2[%arg0, %dma_wait3A_263, %dma_wait3A_264] : memref<2x10000x64xf32, #tpu.memory_space<hbm>> -> memref<1x10000x64xf32, #tpu.memory_space<hbm>>
        %dma_wait3A_266 = tpu.memref_squeeze %dma_wait3A_265 : memref<1x10000x64xf32, #tpu.memory_space<hbm>> -> memref<10000x64xf32, #tpu.memory_space<hbm>>
        %dma_wait3A_267 = arith.constant 9480 : i32
        %dma_wait3A_268 = arith.constant 0 : i32
        %dma_wait3A_269 = tpu.memref_slice %dma_wait3A_266[%dma_wait3A_267, %dma_wait3A_268] : memref<10000x64xf32, #tpu.memory_space<hbm>> -> memref<520x64xf32, #tpu.memory_space<hbm>>
        tpu.wait_dma2 semaphore(%run_scoped3A : memref<!tpu.dma_semaphore, #tpu.memory_space<semaphore_mem>>) src(%dma_wait3A_269 : memref<520x64xf32, #tpu.memory_space<hbm>>) dst(%dma_wait3A_262 : memref<520x64xf32, #tpu.memory_space<vmem_shared>>)
        tpu.yield
      }) : () -> ()
      "tpu.region"() ({
        %run_scoped3A = tpu.sem_alloc : memref<!tpu.dma_semaphore, #tpu.memory_space<semaphore_mem>>
        %dma_start3A_242 = arith.constant 0 : i32
        %dma_start3A_243 = arith.constant 0 : i32
        %dma_start3A_244 = tpu.memref_slice %arg8[%cond3A_8, %dma_start3A_242, %dma_start3A_243] : memref<2x10000x64xf32, #tpu.memory_space<vmem_shared>> -> memref<1x10000x64xf32, #tpu.memory_space<vmem_shared>>
        %dma_start3A_245 = tpu.memref_squeeze %dma_start3A_244 : memref<1x10000x64xf32, #tpu.memory_space<vmem_shared>> -> memref<10000x64xf32, #tpu.memory_space<vmem_shared>>
        %dma_start3A_246 = arith.constant 9480 : i32
        %dma_start3A_247 = arith.constant 0 : i32
        %dma_start3A_248 = tpu.memref_slice %dma_start3A_245[%dma_start3A_246, %dma_start3A_247] : memref<10000x64xf32, #tpu.memory_space<vmem_shared>> -> memref<520x64xf32, #tpu.memory_space<vmem_shared>>
        %dma_start3A_249 = arith.constant 9480 : i32
        %dma_start3A_250 = arith.constant 0 : i32
        %dma_start3A_251 = tpu.memref_slice %arg4[%dma_start3A_249, %dma_start3A_250] : memref<10000x64xf32, #tpu.memory_space<hbm>> -> memref<520x64xf32, #tpu.memory_space<hbm>>
        tpu.enqueue_dma source(%dma_start3A_251 : memref<520x64xf32, #tpu.memory_space<hbm>>) target(%dma_start3A_248 : memref<520x64xf32, #tpu.memory_space<vmem_shared>>) target_semaphore(%run_scoped3A : memref<!tpu.dma_semaphore, #tpu.memory_space<semaphore_mem>>)
        %dma_wait3A_252 = arith.constant 0 : i32
        %dma_wait3A_253 = arith.constant 0 : i32
        %dma_wait3A_254 = tpu.memref_slice %arg8[%cond3A_8, %dma_wait3A_252, %dma_wait3A_253] : memref<2x10000x64xf32, #tpu.memory_space<vmem_shared>> -> memref<1x10000x64xf32, #tpu.memory_space<vmem_shared>>
        %dma_wait3A_255 = tpu.memref_squeeze %dma_wait3A_254 : memref<1x10000x64xf32, #tpu.memory_space<vmem_shared>> -> memref<10000x64xf32, #tpu.memory_space<vmem_shared>>
        %dma_wait3A_256 = arith.constant 9480 : i32
        %dma_wait3A_257 = arith.constant 0 : i32
        %dma_wait3A_258 = tpu.memref_slice %dma_wait3A_255[%dma_wait3A_256, %dma_wait3A_257] : memref<10000x64xf32, #tpu.memory_space<vmem_shared>> -> memref<520x64xf32, #tpu.memory_space<vmem_shared>>
        %dma_wait3A_259 = arith.constant 9480 : i32
        %dma_wait3A_260 = arith.constant 0 : i32
        %dma_wait3A_261 = tpu.memref_slice %arg4[%dma_wait3A_259, %dma_wait3A_260] : memref<10000x64xf32, #tpu.memory_space<hbm>> -> memref<520x64xf32, #tpu.memory_space<hbm>>
        tpu.wait_dma2 semaphore(%run_scoped3A : memref<!tpu.dma_semaphore, #tpu.memory_space<semaphore_mem>>) src(%dma_wait3A_261 : memref<520x64xf32, #tpu.memory_space<hbm>>) dst(%dma_wait3A_258 : memref<520x64xf32, #tpu.memory_space<vmem_shared>>)
        tpu.yield
      }) : () -> ()
    } else {
    }
    %barrier3A = arith.constant 0 : index
    tpu.barrier barrier_id(%barrier3A)
    %mul3A_11 = arith.constant 180 : i32
    %mul3A_12 = arith.muli %arg1, %mul3A_11 : i32
    %add3A = arith.constant 0 : i32
    %add3A_13 = arith.addi %mul3A_12, %add3A : i32
    %dma_start3A = arith.constant 0 : i32
    %dma_start3A_14 = arith.constant 0 : i32
    %dma_start3A_15 = arith.constant 0 : i32
    %dma_start3A_16 = arith.constant 0 : i32
    %dma_start3A_17 = tpu.memref_slice %arg6[%dma_start3A, %dma_start3A_15, %dma_start3A_16] : memref<4x6x112xi32, #tpu.memory_space<vmem>> -> memref<1x6x112xi32, #tpu.memory_space<vmem>>
    %dma_start3A_18 = tpu.memref_squeeze %dma_start3A_17 : memref<1x6x112xi32, #tpu.memory_space<vmem>> -> memref<6x112xi32, #tpu.memory_space<vmem>>
    %dma_start3A_19 = arith.constant 0 : i32
    %dma_start3A_20 = arith.constant 0 : i32
    %dma_start3A_21 = arith.constant 0 : i32
    %dma_start3A_22 = tpu.memref_slice %arg3[%arg0, %dma_start3A_19, %dma_start3A_20, %dma_start3A_21] : memref<2x2880x6x112xi32, #tpu.memory_space<hbm>> -> memref<1x2880x6x112xi32, #tpu.memory_space<hbm>>
    %dma_start3A_23 = tpu.memref_squeeze %dma_start3A_22 : memref<1x2880x6x112xi32, #tpu.memory_space<hbm>> -> memref<2880x6x112xi32, #tpu.memory_space<hbm>>
    %dma_start3A_24 = arith.constant 0 : i32
    %dma_start3A_25 = arith.constant 0 : i32
    %dma_start3A_26 = tpu.memref_slice %dma_start3A_23[%add3A_13, %dma_start3A_24, %dma_start3A_25] : memref<2880x6x112xi32, #tpu.memory_space<hbm>> -> memref<1x6x112xi32, #tpu.memory_space<hbm>>
    %dma_start3A_27 = tpu.memref_squeeze %dma_start3A_26 : memref<1x6x112xi32, #tpu.memory_space<hbm>> -> memref<6x112xi32, #tpu.memory_space<hbm>>
    %dma_start3A_28 = tpu.memref_slice %arg11[%dma_start3A_14] : memref<4x!tpu.dma_semaphore, #tpu.memory_space<semaphore_mem>> -> memref<1x!tpu.dma_semaphore, #tpu.memory_space<semaphore_mem>>
    %dma_start3A_29 = tpu.memref_squeeze %dma_start3A_28 : memref<1x!tpu.dma_semaphore, #tpu.memory_space<semaphore_mem>> -> memref<!tpu.dma_semaphore, #tpu.memory_space<semaphore_mem>>
    %dma_start3A_30 = arith.constant 0 : i32
    %dma_start3A_31 = arith.constant 0 : i32
    %dma_start3A_32 = tpu.memref_slice %arg6[%dma_start3A, %dma_start3A_30, %dma_start3A_31] : memref<4x6x112xi32, #tpu.memory_space<vmem>> -> memref<1x6x112xi32, #tpu.memory_space<vmem>>
    %dma_start3A_33 = tpu.memref_squeeze %dma_start3A_32 : memref<1x6x112xi32, #tpu.memory_space<vmem>> -> memref<6x112xi32, #tpu.memory_space<vmem>>
    %dma_start3A_34 = arith.constant 0 : i32
    %dma_start3A_35 = arith.constant 0 : i32
    %dma_start3A_36 = arith.constant 0 : i32
    %dma_start3A_37 = tpu.memref_slice %arg3[%arg0, %dma_start3A_34, %dma_start3A_35, %dma_start3A_36] : memref<2x2880x6x112xi32, #tpu.memory_space<hbm>> -> memref<1x2880x6x112xi32, #tpu.memory_space<hbm>>
    %dma_start3A_38 = tpu.memref_squeeze %dma_start3A_37 : memref<1x2880x6x112xi32, #tpu.memory_space<hbm>> -> memref<2880x6x112xi32, #tpu.memory_space<hbm>>
    %dma_start3A_39 = arith.constant 0 : i32
    %dma_start3A_40 = arith.constant 0 : i32
    %dma_start3A_41 = tpu.memref_slice %dma_start3A_38[%add3A_13, %dma_start3A_39, %dma_start3A_40] : memref<2880x6x112xi32, #tpu.memory_space<hbm>> -> memref<1x6x112xi32, #tpu.memory_space<hbm>>
    %dma_start3A_42 = tpu.memref_squeeze %dma_start3A_41 : memref<1x6x112xi32, #tpu.memory_space<hbm>> -> memref<6x112xi32, #tpu.memory_space<hbm>>
    tpu.enqueue_dma source(%dma_start3A_42 : memref<6x112xi32, #tpu.memory_space<hbm>>) target(%dma_start3A_33 : memref<6x112xi32, #tpu.memory_space<vmem>>) target_semaphore(%dma_start3A_29 : memref<!tpu.dma_semaphore, #tpu.memory_space<semaphore_mem>>)
    %add3A_43 = arith.constant 1 : i32
    %add3A_44 = arith.addi %mul3A_12, %add3A_43 : i32
    %dma_start3A_45 = arith.constant 1 : i32
    %dma_start3A_46 = arith.constant 1 : i32
    %dma_start3A_47 = arith.constant 0 : i32
    %dma_start3A_48 = arith.constant 0 : i32
    %dma_start3A_49 = tpu.memref_slice %arg6[%dma_start3A_45, %dma_start3A_47, %dma_start3A_48] : memref<4x6x112xi32, #tpu.memory_space<vmem>> -> memref<1x6x112xi32, #tpu.memory_space<vmem>>
    %dma_start3A_50 = tpu.memref_squeeze %dma_start3A_49 : memref<1x6x112xi32, #tpu.memory_space<vmem>> -> memref<6x112xi32, #tpu.memory_space<vmem>>
    %dma_start3A_51 = arith.constant 0 : i32
    %dma_start3A_52 = arith.constant 0 : i32
    %dma_start3A_53 = arith.constant 0 : i32
    %dma_start3A_54 = tpu.memref_slice %arg3[%arg0, %dma_start3A_51, %dma_start3A_52, %dma_start3A_53] : memref<2x2880x6x112xi32, #tpu.memory_space<hbm>> -> memref<1x2880x6x112xi32, #tpu.memory_space<hbm>>
    %dma_start3A_55 = tpu.memref_squeeze %dma_start3A_54 : memref<1x2880x6x112xi32, #tpu.memory_space<hbm>> -> memref<2880x6x112xi32, #tpu.memory_space<hbm>>
    %dma_start3A_56 = arith.constant 0 : i32
    %dma_start3A_57 = arith.constant 0 : i32
    %dma_start3A_58 = tpu.memref_slice %dma_start3A_55[%add3A_44, %dma_start3A_56, %dma_start3A_57] : memref<2880x6x112xi32, #tpu.memory_space<hbm>> -> memref<1x6x112xi32, #tpu.memory_space<hbm>>
    %dma_start3A_59 = tpu.memref_squeeze %dma_start3A_58 : memref<1x6x112xi32, #tpu.memory_space<hbm>> -> memref<6x112xi32, #tpu.memory_space<hbm>>
    %dma_start3A_60 = tpu.memref_slice %arg11[%dma_start3A_46] : memref<4x!tpu.dma_semaphore, #tpu.memory_space<semaphore_mem>> -> memref<1x!tpu.dma_semaphore, #tpu.memory_space<semaphore_mem>>
    %dma_start3A_61 = tpu.memref_squeeze %dma_start3A_60 : memref<1x!tpu.dma_semaphore, #tpu.memory_space<semaphore_mem>> -> memref<!tpu.dma_semaphore, #tpu.memory_space<semaphore_mem>>
    %dma_start3A_62 = arith.constant 0 : i32
    %dma_start3A_63 = arith.constant 0 : i32
    %dma_start3A_64 = tpu.memref_slice %arg6[%dma_start3A_45, %dma_start3A_62, %dma_start3A_63] : memref<4x6x112xi32, #tpu.memory_space<vmem>> -> memref<1x6x112xi32, #tpu.memory_space<vmem>>
    %dma_start3A_65 = tpu.memref_squeeze %dma_start3A_64 : memref<1x6x112xi32, #tpu.memory_space<vmem>> -> memref<6x112xi32, #tpu.memory_space<vmem>>
    %dma_start3A_66 = arith.constant 0 : i32
    %dma_start3A_67 = arith.constant 0 : i32
    %dma_start3A_68 = arith.constant 0 : i32
    %dma_start3A_69 = tpu.memref_slice %arg3[%arg0, %dma_start3A_66, %dma_start3A_67, %dma_start3A_68] : memref<2x2880x6x112xi32, #tpu.memory_space<hbm>> -> memref<1x2880x6x112xi32, #tpu.memory_space<hbm>>
    %dma_start3A_70 = tpu.memref_squeeze %dma_start3A_69 : memref<1x2880x6x112xi32, #tpu.memory_space<hbm>> -> memref<2880x6x112xi32, #tpu.memory_space<hbm>>
    %dma_start3A_71 = arith.constant 0 : i32
    %dma_start3A_72 = arith.constant 0 : i32
    %dma_start3A_73 = tpu.memref_slice %dma_start3A_70[%add3A_44, %dma_start3A_71, %dma_start3A_72] : memref<2880x6x112xi32, #tpu.memory_space<hbm>> -> memref<1x6x112xi32, #tpu.memory_space<hbm>>
    %dma_start3A_74 = tpu.memref_squeeze %dma_start3A_73 : memref<1x6x112xi32, #tpu.memory_space<hbm>> -> memref<6x112xi32, #tpu.memory_space<hbm>>
    tpu.enqueue_dma source(%dma_start3A_74 : memref<6x112xi32, #tpu.memory_space<hbm>>) target(%dma_start3A_65 : memref<6x112xi32, #tpu.memory_space<vmem>>) target_semaphore(%dma_start3A_61 : memref<!tpu.dma_semaphore, #tpu.memory_space<semaphore_mem>>)
    %add3A_75 = arith.constant 0 : i32
    %add3A_76 = arith.addi %mul3A_12, %add3A_75 : i32
    %dma_wait3A = arith.constant 0 : i32
    %dma_wait3A_77 = arith.constant 0 : i32
    %dma_wait3A_78 = arith.constant 0 : i32
    %dma_wait3A_79 = arith.constant 0 : i32
    %dma_wait3A_80 = tpu.memref_slice %arg6[%dma_wait3A, %dma_wait3A_78, %dma_wait3A_79] : memref<4x6x112xi32, #tpu.memory_space<vmem>> -> memref<1x6x112xi32, #tpu.memory_space<vmem>>
    %dma_wait3A_81 = tpu.memref_squeeze %dma_wait3A_80 : memref<1x6x112xi32, #tpu.memory_space<vmem>> -> memref<6x112xi32, #tpu.memory_space<vmem>>
    %dma_wait3A_82 = arith.constant 0 : i32
    %dma_wait3A_83 = arith.constant 0 : i32
    %dma_wait3A_84 = arith.constant 0 : i32
    %dma_wait3A_85 = tpu.memref_slice %arg3[%arg0, %dma_wait3A_82, %dma_wait3A_83, %dma_wait3A_84] : memref<2x2880x6x112xi32, #tpu.memory_space<hbm>> -> memref<1x2880x6x112xi32, #tpu.memory_space<hbm>>
    %dma_wait3A_86 = tpu.memref_squeeze %dma_wait3A_85 : memref<1x2880x6x112xi32, #tpu.memory_space<hbm>> -> memref<2880x6x112xi32, #tpu.memory_space<hbm>>
    %dma_wait3A_87 = arith.constant 0 : i32
    %dma_wait3A_88 = arith.constant 0 : i32
    %dma_wait3A_89 = tpu.memref_slice %dma_wait3A_86[%add3A_76, %dma_wait3A_87, %dma_wait3A_88] : memref<2880x6x112xi32, #tpu.memory_space<hbm>> -> memref<1x6x112xi32, #tpu.memory_space<hbm>>
    %dma_wait3A_90 = tpu.memref_squeeze %dma_wait3A_89 : memref<1x6x112xi32, #tpu.memory_space<hbm>> -> memref<6x112xi32, #tpu.memory_space<hbm>>
    %dma_wait3A_91 = tpu.memref_slice %arg11[%dma_wait3A_77] : memref<4x!tpu.dma_semaphore, #tpu.memory_space<semaphore_mem>> -> memref<1x!tpu.dma_semaphore, #tpu.memory_space<semaphore_mem>>
    %dma_wait3A_92 = tpu.memref_squeeze %dma_wait3A_91 : memref<1x!tpu.dma_semaphore, #tpu.memory_space<semaphore_mem>> -> memref<!tpu.dma_semaphore, #tpu.memory_space<semaphore_mem>>
    %dma_wait3A_93 = arith.constant 0 : i32
    %dma_wait3A_94 = arith.constant 0 : i32
    %dma_wait3A_95 = tpu.memref_slice %arg6[%dma_wait3A, %dma_wait3A_93, %dma_wait3A_94] : memref<4x6x112xi32, #tpu.memory_space<vmem>> -> memref<1x6x112xi32, #tpu.memory_space<vmem>>
    %dma_wait3A_96 = tpu.memref_squeeze %dma_wait3A_95 : memref<1x6x112xi32, #tpu.memory_space<vmem>> -> memref<6x112xi32, #tpu.memory_space<vmem>>
    %dma_wait3A_97 = arith.constant 0 : i32
    %dma_wait3A_98 = arith.constant 0 : i32
    %dma_wait3A_99 = arith.constant 0 : i32
    %dma_wait3A_100 = tpu.memref_slice %arg3[%arg0, %dma_wait3A_97, %dma_wait3A_98, %dma_wait3A_99] : memref<2x2880x6x112xi32, #tpu.memory_space<hbm>> -> memref<1x2880x6x112xi32, #tpu.memory_space<hbm>>
    %dma_wait3A_101 = tpu.memref_squeeze %dma_wait3A_100 : memref<1x2880x6x112xi32, #tpu.memory_space<hbm>> -> memref<2880x6x112xi32, #tpu.memory_space<hbm>>
    %dma_wait3A_102 = arith.constant 0 : i32
    %dma_wait3A_103 = arith.constant 0 : i32
    %dma_wait3A_104 = tpu.memref_slice %dma_wait3A_101[%add3A_76, %dma_wait3A_102, %dma_wait3A_103] : memref<2880x6x112xi32, #tpu.memory_space<hbm>> -> memref<1x6x112xi32, #tpu.memory_space<hbm>>
    %dma_wait3A_105 = tpu.memref_squeeze %dma_wait3A_104 : memref<1x6x112xi32, #tpu.memory_space<hbm>> -> memref<6x112xi32, #tpu.memory_space<hbm>>
    tpu.wait_dma2 semaphore(%dma_wait3A_92 : memref<!tpu.dma_semaphore, #tpu.memory_space<semaphore_mem>>) src(%dma_wait3A_105 : memref<6x112xi32, #tpu.memory_space<hbm>>) dst(%dma_wait3A_96 : memref<6x112xi32, #tpu.memory_space<vmem>>)
    %dma_start3A_106 = arith.constant 0 : i32
    %dma_start3A_107 = arith.constant 0 : i32
    %dma_start3A_108 = arith.constant 0 : i32
    %dma_start3A_109 = arith.constant 0 : i32
    %dma_start3A_110 = arith.constant 0 : i32
    %dma_start3A_111 = arith.constant 0 : i32
    %dma_start3A_112 = arith.constant 0 : i32
    %dma_start3A_113 = tpu.memref_slice %arg7[%dma_start3A_109, %dma_start3A_111, %dma_start3A_112] : memref<4x112x64xf32, #tpu.memory_space<vmem>> -> memref<1x112x64xf32, #tpu.memory_space<vmem>>
    %dma_start3A_114 = tpu.memref_squeeze %dma_start3A_113 : memref<1x112x64xf32, #tpu.memory_space<vmem>> -> memref<112x64xf32, #tpu.memory_space<vmem>>
    %dma_start3A_115 = arith.constant 0 : i32
    %dma_start3A_116 = tpu.memref_slice %arg6[%dma_start3A_107, %dma_start3A_108, %dma_start3A_115] : memref<4x6x112xi32, #tpu.memory_space<vmem>> -> memref<1x1x112xi32, #tpu.memory_space<vmem>>
    %dma_start3A_117 = tpu.memref_squeeze %dma_start3A_116 : memref<1x1x112xi32, #tpu.memory_space<vmem>> -> memref<112xi32, #tpu.memory_space<vmem>>
    %dma_start3A_118 = arith.constant 0 : i32
    %dma_start3A_119 = arith.constant 0 : i32
    %dma_start3A_120 = tpu.memref_slice %arg8[%dma_start3A_106, %dma_start3A_118, %dma_start3A_119] : memref<2x10000x64xf32, #tpu.memory_space<vmem_shared>> -> memref<1x10000x64xf32, #tpu.memory_space<vmem_shared>>
    %dma_start3A_121 = tpu.memref_squeeze %dma_start3A_120 : memref<1x10000x64xf32, #tpu.memory_space<vmem_shared>> -> memref<10000x64xf32, #tpu.memory_space<vmem_shared>>
    %dma_start3A_122 = arith.constant 0 : i32
    %dma_start3A_123 = arith.constant 0 : i32
    %dma_start3A_124 = tpu.memref_slice %dma_start3A_121[%dma_start3A_122, %dma_start3A_123] : memref<10000x64xf32, #tpu.memory_space<vmem_shared>> -> memref<10000x64xf32, #tpu.memory_space<vmem_shared>>
    %dma_start3A_125 = tpu.memref_slice %arg9[%dma_start3A_110] : memref<4x!tpu.dma_semaphore, #tpu.memory_space<semaphore_mem>> -> memref<1x!tpu.dma_semaphore, #tpu.memory_space<semaphore_mem>>
    %dma_start3A_126 = tpu.memref_squeeze %dma_start3A_125 : memref<1x!tpu.dma_semaphore, #tpu.memory_space<semaphore_mem>> -> memref<!tpu.dma_semaphore, #tpu.memory_space<semaphore_mem>>
    tpu.enqueue_indirect_dma source(%dma_start3A_124 : memref<10000x64xf32, #tpu.memory_space<vmem_shared>>) target(%dma_start3A_114 : memref<112x64xf32, #tpu.memory_space<vmem>>) offsets(%dma_start3A_117 : memref<112xi32, #tpu.memory_space<vmem>>) semaphore(%dma_start3A_126 : memref<!tpu.dma_semaphore, #tpu.memory_space<semaphore_mem>>)
    %add3A_127 = arith.constant 1 : i32
    %add3A_128 = arith.addi %mul3A_12, %add3A_127 : i32
    %dma_wait3A_129 = arith.constant 1 : i32
    %dma_wait3A_130 = arith.constant 1 : i32
    %dma_wait3A_131 = arith.constant 0 : i32
    %dma_wait3A_132 = arith.constant 0 : i32
    %dma_wait3A_133 = tpu.memref_slice %arg6[%dma_wait3A_129, %dma_wait3A_131, %dma_wait3A_132] : memref<4x6x112xi32, #tpu.memory_space<vmem>> -> memref<1x6x112xi32, #tpu.memory_space<vmem>>
    %dma_wait3A_134 = tpu.memref_squeeze %dma_wait3A_133 : memref<1x6x112xi32, #tpu.memory_space<vmem>> -> memref<6x112xi32, #tpu.memory_space<vmem>>
    %dma_wait3A_135 = arith.constant 0 : i32
    %dma_wait3A_136 = arith.constant 0 : i32
    %dma_wait3A_137 = arith.constant 0 : i32
    %dma_wait3A_138 = tpu.memref_slice %arg3[%arg0, %dma_wait3A_135, %dma_wait3A_136, %dma_wait3A_137] : memref<2x2880x6x112xi32, #tpu.memory_space<hbm>> -> memref<1x2880x6x112xi32, #tpu.memory_space<hbm>>
    %dma_wait3A_139 = tpu.memref_squeeze %dma_wait3A_138 : memref<1x2880x6x112xi32, #tpu.memory_space<hbm>> -> memref<2880x6x112xi32, #tpu.memory_space<hbm>>
    %dma_wait3A_140 = arith.constant 0 : i32
    %dma_wait3A_141 = arith.constant 0 : i32
    %dma_wait3A_142 = tpu.memref_slice %dma_wait3A_139[%add3A_128, %dma_wait3A_140, %dma_wait3A_141] : memref<2880x6x112xi32, #tpu.memory_space<hbm>> -> memref<1x6x112xi32, #tpu.memory_space<hbm>>
    %dma_wait3A_143 = tpu.memref_squeeze %dma_wait3A_142 : memref<1x6x112xi32, #tpu.memory_space<hbm>> -> memref<6x112xi32, #tpu.memory_space<hbm>>
    %dma_wait3A_144 = tpu.memref_slice %arg11[%dma_wait3A_130] : memref<4x!tpu.dma_semaphore, #tpu.memory_space<semaphore_mem>> -> memref<1x!tpu.dma_semaphore, #tpu.memory_space<semaphore_mem>>
    %dma_wait3A_145 = tpu.memref_squeeze %dma_wait3A_144 : memref<1x!tpu.dma_semaphore, #tpu.memory_space<semaphore_mem>> -> memref<!tpu.dma_semaphore, #tpu.memory_space<semaphore_mem>>
    %dma_wait3A_146 = arith.constant 0 : i32
    %dma_wait3A_147 = arith.constant 0 : i32
    %dma_wait3A_148 = tpu.memref_slice %arg6[%dma_wait3A_129, %dma_wait3A_146, %dma_wait3A_147] : memref<4x6x112xi32, #tpu.memory_space<vmem>> -> memref<1x6x112xi32, #tpu.memory_space<vmem>>
    %dma_wait3A_149 = tpu.memref_squeeze %dma_wait3A_148 : memref<1x6x112xi32, #tpu.memory_space<vmem>> -> memref<6x112xi32, #tpu.memory_space<vmem>>
    %dma_wait3A_150 = arith.constant 0 : i32
    %dma_wait3A_151 = arith.constant 0 : i32
    %dma_wait3A_152 = arith.constant 0 : i32
    %dma_wait3A_153 = tpu.memref_slice %arg3[%arg0, %dma_wait3A_150, %dma_wait3A_151, %dma_wait3A_152] : memref<2x2880x6x112xi32, #tpu.memory_space<hbm>> -> memref<1x2880x6x112xi32, #tpu.memory_space<hbm>>
    %dma_wait3A_154 = tpu.memref_squeeze %dma_wait3A_153 : memref<1x2880x6x112xi32, #tpu.memory_space<hbm>> -> memref<2880x6x112xi32, #tpu.memory_space<hbm>>
    %dma_wait3A_155 = arith.constant 0 : i32
    %dma_wait3A_156 = arith.constant 0 : i32
    %dma_wait3A_157 = tpu.memref_slice %dma_wait3A_154[%add3A_128, %dma_wait3A_155, %dma_wait3A_156] : memref<2880x6x112xi32, #tpu.memory_space<hbm>> -> memref<1x6x112xi32, #tpu.memory_space<hbm>>
    %dma_wait3A_158 = tpu.memref_squeeze %dma_wait3A_157 : memref<1x6x112xi32, #tpu.memory_space<hbm>> -> memref<6x112xi32, #tpu.memory_space<hbm>>
    tpu.wait_dma2 semaphore(%dma_wait3A_145 : memref<!tpu.dma_semaphore, #tpu.memory_space<semaphore_mem>>) src(%dma_wait3A_158 : memref<6x112xi32, #tpu.memory_space<hbm>>) dst(%dma_wait3A_149 : memref<6x112xi32, #tpu.memory_space<vmem>>)
    %dma_start3A_159 = arith.constant 0 : i32
    %dma_start3A_160 = arith.constant 1 : i32
    %dma_start3A_161 = arith.constant 0 : i32
    %dma_start3A_162 = arith.constant 1 : i32
    %dma_start3A_163 = arith.constant 1 : i32
    %dma_start3A_164 = arith.constant 0 : i32
    %dma_start3A_165 = arith.constant 0 : i32
    %dma_start3A_166 = tpu.memref_slice %arg7[%dma_start3A_162, %dma_start3A_164, %dma_start3A_165] : memref<4x112x64xf32, #tpu.memory_space<vmem>> -> memref<1x112x64xf32, #tpu.memory_space<vmem>>
    %dma_start3A_167 = tpu.memref_squeeze %dma_start3A_166 : memref<1x112x64xf32, #tpu.memory_space<vmem>> -> memref<112x64xf32, #tpu.memory_space<vmem>>
    %dma_start3A_168 = arith.constant 0 : i32
    %dma_start3A_169 = tpu.memref_slice %arg6[%dma_start3A_160, %dma_start3A_161, %dma_start3A_168] : memref<4x6x112xi32, #tpu.memory_space<vmem>> -> memref<1x1x112xi32, #tpu.memory_space<vmem>>
    %dma_start3A_170 = tpu.memref_squeeze %dma_start3A_169 : memref<1x1x112xi32, #tpu.memory_space<vmem>> -> memref<112xi32, #tpu.memory_space<vmem>>
    %dma_start3A_171 = arith.constant 0 : i32
    %dma_start3A_172 = arith.constant 0 : i32
    %dma_start3A_173 = tpu.memref_slice %arg8[%dma_start3A_159, %dma_start3A_171, %dma_start3A_172] : memref<2x10000x64xf32, #tpu.memory_space<vmem_shared>> -> memref<1x10000x64xf32, #tpu.memory_space<vmem_shared>>
    %dma_start3A_174 = tpu.memref_squeeze %dma_start3A_173 : memref<1x10000x64xf32, #tpu.memory_space<vmem_shared>> -> memref<10000x64xf32, #tpu.memory_space<vmem_shared>>
    %dma_start3A_175 = arith.constant 0 : i32
    %dma_start3A_176 = arith.constant 0 : i32
    %dma_start3A_177 = tpu.memref_slice %dma_start3A_174[%dma_start3A_175, %dma_start3A_176] : memref<10000x64xf32, #tpu.memory_space<vmem_shared>> -> memref<10000x64xf32, #tpu.memory_space<vmem_shared>>
    %dma_start3A_178 = tpu.memref_slice %arg9[%dma_start3A_163] : memref<4x!tpu.dma_semaphore, #tpu.memory_space<semaphore_mem>> -> memref<1x!tpu.dma_semaphore, #tpu.memory_space<semaphore_mem>>
    %dma_start3A_179 = tpu.memref_squeeze %dma_start3A_178 : memref<1x!tpu.dma_semaphore, #tpu.memory_space<semaphore_mem>> -> memref<!tpu.dma_semaphore, #tpu.memory_space<semaphore_mem>>
    tpu.enqueue_indirect_dma source(%dma_start3A_177 : memref<10000x64xf32, #tpu.memory_space<vmem_shared>>) target(%dma_start3A_167 : memref<112x64xf32, #tpu.memory_space<vmem>>) offsets(%dma_start3A_170 : memref<112xi32, #tpu.memory_space<vmem>>) semaphore(%dma_start3A_179 : memref<!tpu.dma_semaphore, #tpu.memory_space<semaphore_mem>>)
    %scan3A = arith.constant 0 : i32
    %scan3A_180 = arith.constant 1 : i32
    %scan3A_181 = arith.constant 0 : i32
    %scan3A_182 = arith.constant 0 : i32
    %scan3A_183 = arith.constant 45 : i32
    %scan3A_184 = arith.addi %scan3A_182, %scan3A_183 : i32
    %scan3A_185 = arith.constant 1 : i32
    scf.for %scan3A_242 = %scan3A_182 to %scan3A_184 step %scan3A_185  : i32 {
      %mul3A_243 = arith.constant 4 : i32
      %mul3A_244 = arith.muli %mul3A_243, %scan3A_242 : i32
      %add3A_245 = arith.constant 0 : i32
      %add3A_246 = arith.addi %mul3A_244, %add3A_245 : i32
      %ge3A = arith.constant 2 : i32
      %ge3A_247 = arith.cmpi sge, %add3A_246, %ge3A : i32
      %convert_element_type3A_248 = arith.extui %ge3A_247 : i1 to i32
      %cond3A_249 = arith.constant 0 : i32
      %cond3A_250 = arith.cmpi ne, %convert_element_type3A_248, %cond3A_249 : i32
      scf.if %cond3A_250 {
        %dma_wait3A_518 = arith.constant 2 : i32
        %dma_wait3A_519 = arith.constant 2 : i32
        %dma_wait3A_520 = arith.constant 1 : i32
        %dma_wait3A_521 = arith.constant 2 : i32
        %dma_wait3A_522 = arith.constant 0 : i32
        %dma_wait3A_523 = arith.constant 0 : i32
        %dma_wait3A_524 = tpu.memref_slice %arg7[%dma_wait3A_518, %dma_wait3A_522, %dma_wait3A_523] : memref<4x112x64xf32, #tpu.memory_space<vmem>> -> memref<1x112x64xf32, #tpu.memory_space<vmem>>
        %dma_wait3A_525 = tpu.memref_squeeze %dma_wait3A_524 : memref<1x112x64xf32, #tpu.memory_space<vmem>> -> memref<112x64xf32, #tpu.memory_space<vmem>>
        %dma_wait3A_526 = arith.constant 0 : i32
        %dma_wait3A_527 = tpu.memref_slice %arg6[%dma_wait3A_519, %dma_wait3A_520, %dma_wait3A_526] : memref<4x6x112xi32, #tpu.memory_space<vmem>> -> memref<1x1x112xi32, #tpu.memory_space<vmem>>
        %dma_wait3A_528 = tpu.memref_squeeze %dma_wait3A_527 : memref<1x1x112xi32, #tpu.memory_space<vmem>> -> memref<112xi32, #tpu.memory_space<vmem>>
        %dma_wait3A_529 = arith.constant 0 : i32
        %dma_wait3A_530 = arith.constant 0 : i32
        %dma_wait3A_531 = tpu.memref_slice %arg8[%scan3A_180, %dma_wait3A_529, %dma_wait3A_530] : memref<2x10000x64xf32, #tpu.memory_space<vmem_shared>> -> memref<1x10000x64xf32, #tpu.memory_space<vmem_shared>>
        %dma_wait3A_532 = tpu.memref_squeeze %dma_wait3A_531 : memref<1x10000x64xf32, #tpu.memory_space<vmem_shared>> -> memref<10000x64xf32, #tpu.memory_space<vmem_shared>>
        %dma_wait3A_533 = arith.constant 0 : i32
        %dma_wait3A_534 = arith.constant 0 : i32
        %dma_wait3A_535 = tpu.memref_slice %dma_wait3A_532[%dma_wait3A_533, %dma_wait3A_534] : memref<10000x64xf32, #tpu.memory_space<vmem_shared>> -> memref<10000x64xf32, #tpu.memory_space<vmem_shared>>
        %dma_wait3A_536 = tpu.memref_slice %arg10[%dma_wait3A_521] : memref<4x!tpu.dma_semaphore, #tpu.memory_space<semaphore_mem>> -> memref<1x!tpu.dma_semaphore, #tpu.memory_space<semaphore_mem>>
        %dma_wait3A_537 = tpu.memref_squeeze %dma_wait3A_536 : memref<1x!tpu.dma_semaphore, #tpu.memory_space<semaphore_mem>> -> memref<!tpu.dma_semaphore, #tpu.memory_space<semaphore_mem>>
        tpu.wait_indirect_dma semaphore(%dma_wait3A_537 : memref<!tpu.dma_semaphore, #tpu.memory_space<semaphore_mem>>) src(%dma_wait3A_525 : memref<112x64xf32, #tpu.memory_space<vmem>>) dst(%dma_wait3A_535 : memref<10000x64xf32, #tpu.memory_space<vmem_shared>>)
      } else {
      }
      %add3A_251 = arith.constant 2 : i32
      %add3A_252 = arith.addi %add3A_246, %add3A_251 : i32
      %lt3A_253 = arith.constant 180 : i32
      %lt3A_254 = arith.cmpi slt, %add3A_252, %lt3A_253 : i32
      %convert_element_type3A_255 = arith.extui %lt3A_254 : i1 to i32
      %cond3A_256 = arith.constant 0 : i32
      %cond3A_257 = arith.cmpi ne, %convert_element_type3A_255, %cond3A_256 : i32
      scf.if %cond3A_257 {
        %add3A_518 = arith.constant 2 : i32
        %add3A_519 = arith.addi %add3A_246, %add3A_518 : i32
        %add3A_520 = arith.addi %mul3A_12, %add3A_519 : i32
        %dma_start3A_521 = arith.constant 2 : i32
        %dma_start3A_522 = arith.constant 2 : i32
        %dma_start3A_523 = arith.constant 0 : i32
        %dma_start3A_524 = arith.constant 0 : i32
        %dma_start3A_525 = tpu.memref_slice %arg6[%dma_start3A_521, %dma_start3A_523, %dma_start3A_524] : memref<4x6x112xi32, #tpu.memory_space<vmem>> -> memref<1x6x112xi32, #tpu.memory_space<vmem>>
        %dma_start3A_526 = tpu.memref_squeeze %dma_start3A_525 : memref<1x6x112xi32, #tpu.memory_space<vmem>> -> memref<6x112xi32, #tpu.memory_space<vmem>>
        %dma_start3A_527 = arith.constant 0 : i32
        %dma_start3A_528 = arith.constant 0 : i32
        %dma_start3A_529 = arith.constant 0 : i32
        %dma_start3A_530 = tpu.memref_slice %arg3[%arg0, %dma_start3A_527, %dma_start3A_528, %dma_start3A_529] : memref<2x2880x6x112xi32, #tpu.memory_space<hbm>> -> memref<1x2880x6x112xi32, #tpu.memory_space<hbm>>
        %dma_start3A_531 = tpu.memref_squeeze %dma_start3A_530 : memref<1x2880x6x112xi32, #tpu.memory_space<hbm>> -> memref<2880x6x112xi32, #tpu.memory_space<hbm>>
        %dma_start3A_532 = arith.constant 0 : i32
        %dma_start3A_533 = arith.constant 0 : i32
        %dma_start3A_534 = tpu.memref_slice %dma_start3A_531[%add3A_520, %dma_start3A_532, %dma_start3A_533] : memref<2880x6x112xi32, #tpu.memory_space<hbm>> -> memref<1x6x112xi32, #tpu.memory_space<hbm>>
        %dma_start3A_535 = tpu.memref_squeeze %dma_start3A_534 : memref<1x6x112xi32, #tpu.memory_space<hbm>> -> memref<6x112xi32, #tpu.memory_space<hbm>>
        %dma_start3A_536 = tpu.memref_slice %arg11[%dma_start3A_522] : memref<4x!tpu.dma_semaphore, #tpu.memory_space<semaphore_mem>> -> memref<1x!tpu.dma_semaphore, #tpu.memory_space<semaphore_mem>>
        %dma_start3A_537 = tpu.memref_squeeze %dma_start3A_536 : memref<1x!tpu.dma_semaphore, #tpu.memory_space<semaphore_mem>> -> memref<!tpu.dma_semaphore, #tpu.memory_space<semaphore_mem>>
        %dma_start3A_538 = arith.constant 0 : i32
        %dma_start3A_539 = arith.constant 0 : i32
        %dma_start3A_540 = tpu.memref_slice %arg6[%dma_start3A_521, %dma_start3A_538, %dma_start3A_539] : memref<4x6x112xi32, #tpu.memory_space<vmem>> -> memref<1x6x112xi32, #tpu.memory_space<vmem>>
        %dma_start3A_541 = tpu.memref_squeeze %dma_start3A_540 : memref<1x6x112xi32, #tpu.memory_space<vmem>> -> memref<6x112xi32, #tpu.memory_space<vmem>>
        %dma_start3A_542 = arith.constant 0 : i32
        %dma_start3A_543 = arith.constant 0 : i32
        %dma_start3A_544 = arith.constant 0 : i32
        %dma_start3A_545 = tpu.memref_slice %arg3[%arg0, %dma_start3A_542, %dma_start3A_543, %dma_start3A_544] : memref<2x2880x6x112xi32, #tpu.memory_space<hbm>> -> memref<1x2880x6x112xi32, #tpu.memory_space<hbm>>
        %dma_start3A_546 = tpu.memref_squeeze %dma_start3A_545 : memref<1x2880x6x112xi32, #tpu.memory_space<hbm>> -> memref<2880x6x112xi32, #tpu.memory_space<hbm>>
        %dma_start3A_547 = arith.constant 0 : i32
        %dma_start3A_548 = arith.constant 0 : i32
        %dma_start3A_549 = tpu.memref_slice %dma_start3A_546[%add3A_520, %dma_start3A_547, %dma_start3A_548] : memref<2880x6x112xi32, #tpu.memory_space<hbm>> -> memref<1x6x112xi32, #tpu.memory_space<hbm>>
        %dma_start3A_550 = tpu.memref_squeeze %dma_start3A_549 : memref<1x6x112xi32, #tpu.memory_space<hbm>> -> memref<6x112xi32, #tpu.memory_space<hbm>>
        tpu.enqueue_dma source(%dma_start3A_550 : memref<6x112xi32, #tpu.memory_space<hbm>>) target(%dma_start3A_541 : memref<6x112xi32, #tpu.memory_space<vmem>>) target_semaphore(%dma_start3A_537 : memref<!tpu.dma_semaphore, #tpu.memory_space<semaphore_mem>>)
      } else {
      }
      %dma_wait3A_258 = arith.constant 0 : i32
      %dma_wait3A_259 = arith.constant 0 : i32
      %dma_wait3A_260 = arith.constant 0 : i32
      %dma_wait3A_261 = arith.constant 0 : i32
      %dma_wait3A_262 = arith.constant 0 : i32
      %dma_wait3A_263 = arith.constant 0 : i32
      %dma_wait3A_264 = tpu.memref_slice %arg7[%dma_wait3A_260, %dma_wait3A_262, %dma_wait3A_263] : memref<4x112x64xf32, #tpu.memory_space<vmem>> -> memref<1x112x64xf32, #tpu.memory_space<vmem>>
      %dma_wait3A_265 = tpu.memref_squeeze %dma_wait3A_264 : memref<1x112x64xf32, #tpu.memory_space<vmem>> -> memref<112x64xf32, #tpu.memory_space<vmem>>
      %dma_wait3A_266 = arith.constant 0 : i32
      %dma_wait3A_267 = tpu.memref_slice %arg6[%dma_wait3A_258, %dma_wait3A_259, %dma_wait3A_266] : memref<4x6x112xi32, #tpu.memory_space<vmem>> -> memref<1x1x112xi32, #tpu.memory_space<vmem>>
      %dma_wait3A_268 = tpu.memref_squeeze %dma_wait3A_267 : memref<1x1x112xi32, #tpu.memory_space<vmem>> -> memref<112xi32, #tpu.memory_space<vmem>>
      %dma_wait3A_269 = arith.constant 0 : i32
      %dma_wait3A_270 = arith.constant 0 : i32
      %dma_wait3A_271 = tpu.memref_slice %arg8[%scan3A_181, %dma_wait3A_269, %dma_wait3A_270] : memref<2x10000x64xf32, #tpu.memory_space<vmem_shared>> -> memref<1x10000x64xf32, #tpu.memory_space<vmem_shared>>
      %dma_wait3A_272 = tpu.memref_squeeze %dma_wait3A_271 : memref<1x10000x64xf32, #tpu.memory_space<vmem_shared>> -> memref<10000x64xf32, #tpu.memory_space<vmem_shared>>
      %dma_wait3A_273 = arith.constant 0 : i32
      %dma_wait3A_274 = arith.constant 0 : i32
      %dma_wait3A_275 = tpu.memref_slice %dma_wait3A_272[%dma_wait3A_273, %dma_wait3A_274] : memref<10000x64xf32, #tpu.memory_space<vmem_shared>> -> memref<10000x64xf32, #tpu.memory_space<vmem_shared>>
      %dma_wait3A_276 = tpu.memref_slice %arg9[%dma_wait3A_261] : memref<4x!tpu.dma_semaphore, #tpu.memory_space<semaphore_mem>> -> memref<1x!tpu.dma_semaphore, #tpu.memory_space<semaphore_mem>>
      %dma_wait3A_277 = tpu.memref_squeeze %dma_wait3A_276 : memref<1x!tpu.dma_semaphore, #tpu.memory_space<semaphore_mem>> -> memref<!tpu.dma_semaphore, #tpu.memory_space<semaphore_mem>>
      tpu.wait_indirect_dma semaphore(%dma_wait3A_277 : memref<!tpu.dma_semaphore, #tpu.memory_space<semaphore_mem>>) src(%dma_wait3A_275 : memref<10000x64xf32, #tpu.memory_space<vmem_shared>>) dst(%dma_wait3A_265 : memref<112x64xf32, #tpu.memory_space<vmem>>)
      %scan3A_278 = arith.constant 0 : i32
      %scan3A_279 = arith.constant 0 : i32
      %scan3A_280 = arith.constant 28 : i32
      %scan3A_281 = arith.addi %scan3A_279, %scan3A_280 : i32
      %scan3A_282 = arith.constant 2 : i32
      scf.for %scan3A_518 = %scan3A_279 to %scan3A_281 step %scan3A_282  : i32 {
        %jit3A = arith.constant 7 : i32
        %div3A = arith.divsi %scan3A_518, %jit3A : i32
        %sign3A = arith.constant 0 : i32
        %sign3A_519 = arith.cmpi sgt, %scan3A_518, %sign3A : i32
        %sign3A_520 = arith.extui %sign3A_519 : i1 to i32
        %sign3A_521 = arith.constant 0 : i32
        %sign3A_522 = arith.cmpi slt, %scan3A_518, %sign3A_521 : i32
        %sign3A_523 = arith.extui %sign3A_522 : i1 to i32
        %sign3A_524 = arith.subi %sign3A_520, %sign3A_523 : i32
        %sign3A_525 = arith.constant 0 : i32
        %sign3A_526 = arith.cmpi sgt, %jit3A, %sign3A_525 : i32
        %sign3A_527 = arith.extui %sign3A_526 : i1 to i32
        %sign3A_528 = arith.constant 0 : i32
        %sign3A_529 = arith.cmpi slt, %jit3A, %sign3A_528 : i32
        %sign3A_530 = arith.extui %sign3A_529 : i1 to i32
        %sign3A_531 = arith.subi %sign3A_527, %sign3A_530 : i32
        %ne3A = arith.cmpi ne, %sign3A_524, %sign3A_531 : i32
        %rem3A = arith.remsi %scan3A_518, %jit3A : i32
        %ne3A_532 = arith.constant 0 : i32
        %ne3A_533 = arith.cmpi ne, %rem3A, %ne3A_532 : i32
        %and3A = arith.andi %ne3A, %ne3A_533 : i1
        %sub3A = arith.constant 1 : i32
        %sub3A_534 = arith.subi %div3A, %sub3A : i32
        %select_n3A = arith.select %and3A, %sub3A_534, %div3A : i32
        %add3A_535 = arith.constant 2 : i32
        %add3A_536 = arith.addi %add3A_535, %select_n3A : i32
        %jit3A_537 = arith.constant 7 : i32
        %eq3A_538 = arith.constant 0 : i32
        %eq3A_539 = arith.cmpi eq, %jit3A_537, %eq3A_538 : i32
        %jit3A_540 = arith.constant 1 : i32
        %select_n3A_541 = arith.select %eq3A_539, %jit3A_540, %jit3A_537 : i32
        %rem3A_542 = arith.remsi %scan3A_518, %select_n3A_541 : i32
        %ne3A_543 = arith.constant 0 : i32
        %ne3A_544 = arith.cmpi ne, %rem3A_542, %ne3A_543 : i32
        %lt3A_545 = arith.constant 0 : i32
        %lt3A_546 = arith.cmpi slt, %rem3A_542, %lt3A_545 : i32
        %lt3A_547 = arith.constant 0 : i32
        %lt3A_548 = arith.cmpi slt, %select_n3A_541, %lt3A_547 : i32
        %ne3A_549 = arith.xori %lt3A_546, %lt3A_548 : i1
        %and3A_550 = arith.andi %ne3A_549, %ne3A_544 : i1
        %add3A_551 = arith.addi %rem3A_542, %select_n3A_541 : i32
        %select_n3A_552 = arith.select %and3A_550, %add3A_551, %rem3A_542 : i32
        %mul3A_553 = arith.constant 16 : i32
        %mul3A_554 = arith.muli %mul3A_553, %select_n3A_552 : i32
        %get3A = arith.constant 0 : i32
        %get3A_555 = arith.index_cast %get3A : i32 to index
        %get3A_556 = arith.index_cast %add3A_536 : i32 to index
        %get3A_557 = arith.index_cast %mul3A_554 : i32 to index
        %get3A_558 = tpu.vector_load %arg6[%get3A_555, %get3A_556, %get3A_557] {strides = array<i32>} : memref<4x6x112xi32, #tpu.memory_space<vmem>>, vector<1x1x16xi32>,
        %get3A_559 = vector.shape_cast %get3A_558 : vector<1x1x16xi32> to vector<16xi32>
        %bitcast_convert_type3A = tpu.bitcast %get3A_559 : vector<16xi32> -> vector<16xf32>
        %mul3A_560 = arith.constant 4 : i32
        %mul3A_561 = arith.muli %mul3A_560, %scan3A_518 : i32
        %add3A_562 = arith.constant 0 : i32
        %add3A_563 = arith.addi %mul3A_561, %add3A_562 : i32
        %get3A_564 = arith.constant 0 : i32
        %get3A_565 = arith.index_cast %get3A_564 : i32 to index
        %get3A_566 = arith.index_cast %add3A_563 : i32 to index
        %get3A_567 = arith.constant 0 : index
        %get3A_568 = tpu.vector_load %arg7[%get3A_565, %get3A_566, %get3A_567] {strides = array<i32>} : memref<4x112x64xf32, #tpu.memory_space<vmem>>, vector<1x1x16xf32>,
        %get3A_569 = vector.shape_cast %get3A_568 : vector<1x1x16xf32> to vector<16xf32>
        %slice3A = vector.extract_strided_slice %bitcast_convert_type3A {offsets = [0], sizes = [1], strides = [1]} : vector<16xf32> to vector<1xf32>
        %squeeze3A = vector.extract %slice3A[0] : f32 from vector<1xf32>
        %mul3A_570 = vector.broadcast %squeeze3A : f32 to vector<16xf32>
        %mul3A_571 = arith.mulf %get3A_569, %mul3A_570 : vector<16xf32>
        %swap3A = arith.constant 0 : i32
        %swap3A_572 = arith.index_cast %swap3A : i32 to index
        %swap3A_573 = arith.index_cast %add3A_563 : i32 to index
        %swap3A_574 = arith.constant 0 : index
        %swap3A_575 = tpu.vector_load %arg7[%swap3A_572, %swap3A_573, %swap3A_574] {strides = array<i32>} : memref<4x112x64xf32, #tpu.memory_space<vmem>>, vector<1x1x16xf32>,
        %swap3A_576 = vector.shape_cast %swap3A_575 : vector<1x1x16xf32> to vector<16xf32>
        %swap3A_577 = vector.shape_cast %mul3A_571 : vector<16xf32> to vector<1x1x16xf32>
        tpu.vector_store %arg7[%swap3A_572, %swap3A_573, %swap3A_574], %swap3A_577 {strides = array<i32>} : memref<4x112x64xf32, #tpu.memory_space<vmem>>, vector<1x1x16xf32>,
        %get3A_578 = arith.constant 0 : i32
        %get3A_579 = arith.index_cast %get3A_578 : i32 to index
        %get3A_580 = arith.index_cast %add3A_563 : i32 to index
        %get3A_581 = arith.constant 16 : index
        %get3A_582 = tpu.vector_load %arg7[%get3A_579, %get3A_580, %get3A_581] {strides = array<i32>} : memref<4x112x64xf32, #tpu.memory_space<vmem>>, vector<1x1x16xf32>,
        %get3A_583 = vector.shape_cast %get3A_582 : vector<1x1x16xf32> to vector<16xf32>
        %slice3A_584 = vector.extract_strided_slice %bitcast_convert_type3A {offsets = [1], sizes = [1], strides = [1]} : vector<16xf32> to vector<1xf32>
        %squeeze3A_585 = vector.extract %slice3A_584[0] : f32 from vector<1xf32>
        %mul3A_586 = vector.broadcast %squeeze3A_585 : f32 to vector<16xf32>
        %mul3A_587 = arith.mulf %get3A_583, %mul3A_586 : vector<16xf32>
        %swap3A_588 = arith.constant 0 : i32
        %swap3A_589 = arith.index_cast %swap3A_588 : i32 to index
        %swap3A_590 = arith.index_cast %add3A_563 : i32 to index
        %swap3A_591 = arith.constant 16 : index
        %swap3A_592 = tpu.vector_load %arg7[%swap3A_589, %swap3A_590, %swap3A_591] {strides = array<i32>} : memref<4x112x64xf32, #tpu.memory_space<vmem>>, vector<1x1x16xf32>,
        %swap3A_593 = vector.shape_cast %swap3A_592 : vector<1x1x16xf32> to vector<16xf32>
        %swap3A_594 = vector.shape_cast %mul3A_587 : vector<16xf32> to vector<1x1x16xf32>
        tpu.vector_store %arg7[%swap3A_589, %swap3A_590, %swap3A_591], %swap3A_594 {strides = array<i32>} : memref<4x112x64xf32, #tpu.memory_space<vmem>>, vector<1x1x16xf32>,
        %get3A_595 = arith.constant 0 : i32
        %get3A_596 = arith.index_cast %get3A_595 : i32 to index
        %get3A_597 = arith.index_cast %add3A_563 : i32 to index
        %get3A_598 = arith.constant 32 : index
        %get3A_599 = tpu.vector_load %arg7[%get3A_596, %get3A_597, %get3A_598] {strides = array<i32>} : memref<4x112x64xf32, #tpu.memory_space<vmem>>, vector<1x1x16xf32>,
        %get3A_600 = vector.shape_cast %get3A_599 : vector<1x1x16xf32> to vector<16xf32>
        %slice3A_601 = vector.extract_strided_slice %bitcast_convert_type3A {offsets = [2], sizes = [1], strides = [1]} : vector<16xf32> to vector<1xf32>
        %squeeze3A_602 = vector.extract %slice3A_601[0] : f32 from vector<1xf32>
        %mul3A_603 = vector.broadcast %squeeze3A_602 : f32 to vector<16xf32>
        %mul3A_604 = arith.mulf %get3A_600, %mul3A_603 : vector<16xf32>
        %swap3A_605 = arith.constant 0 : i32
        %swap3A_606 = arith.index_cast %swap3A_605 : i32 to index
        %swap3A_607 = arith.index_cast %add3A_563 : i32 to index
        %swap3A_608 = arith.constant 32 : index
        %swap3A_609 = tpu.vector_load %arg7[%swap3A_606, %swap3A_607, %swap3A_608] {strides = array<i32>} : memref<4x112x64xf32, #tpu.memory_space<vmem>>, vector<1x1x16xf32>,
        %swap3A_610 = vector.shape_cast %swap3A_609 : vector<1x1x16xf32> to vector<16xf32>
        %swap3A_611 = vector.shape_cast %mul3A_604 : vector<16xf32> to vector<1x1x16xf32>
        tpu.vector_store %arg7[%swap3A_606, %swap3A_607, %swap3A_608], %swap3A_611 {strides = array<i32>} : memref<4x112x64xf32, #tpu.memory_space<vmem>>, vector<1x1x16xf32>,
        %get3A_612 = arith.constant 0 : i32
        %get3A_613 = arith.index_cast %get3A_612 : i32 to index
        %get3A_614 = arith.index_cast %add3A_563 : i32 to index
        %get3A_615 = arith.constant 48 : index
        %get3A_616 = tpu.vector_load %arg7[%get3A_613, %get3A_614, %get3A_615] {strides = array<i32>} : memref<4x112x64xf32, #tpu.memory_space<vmem>>, vector<1x1x16xf32>,
        %get3A_617 = vector.shape_cast %get3A_616 : vector<1x1x16xf32> to vector<16xf32>
        %slice3A_618 = vector.extract_strided_slice %bitcast_convert_type3A {offsets = [3], sizes = [1], strides = [1]} : vector<16xf32> to vector<1xf32>
        %squeeze3A_619 = vector.extract %slice3A_618[0] : f32 from vector<1xf32>
        %mul3A_620 = vector.broadcast %squeeze3A_619 : f32 to vector<16xf32>
        %mul3A_621 = arith.mulf %get3A_617, %mul3A_620 : vector<16xf32>
        %swap3A_622 = arith.constant 0 : i32
        %swap3A_623 = arith.index_cast %swap3A_622 : i32 to index
        %swap3A_624 = arith.index_cast %add3A_563 : i32 to index
        %swap3A_625 = arith.constant 48 : index
        %swap3A_626 = tpu.vector_load %arg7[%swap3A_623, %swap3A_624, %swap3A_625] {strides = array<i32>} : memref<4x112x64xf32, #tpu.memory_space<vmem>>, vector<1x1x16xf32>,
        %swap3A_627 = vector.shape_cast %swap3A_626 : vector<1x1x16xf32> to vector<16xf32>
        %swap3A_628 = vector.shape_cast %mul3A_621 : vector<16xf32> to vector<1x1x16xf32>
        tpu.vector_store %arg7[%swap3A_623, %swap3A_624, %swap3A_625], %swap3A_628 {strides = array<i32>} : memref<4x112x64xf32, #tpu.memory_space<vmem>>, vector<1x1x16xf32>,
        %mul3A_629 = arith.constant 4 : i32
        %mul3A_630 = arith.muli %mul3A_629, %scan3A_518 : i32
        %add3A_631 = arith.constant 1 : i32
        %add3A_632 = arith.addi %mul3A_630, %add3A_631 : i32
        %get3A_633 = arith.constant 0 : i32
        %get3A_634 = arith.index_cast %get3A_633 : i32 to index
        %get3A_635 = arith.index_cast %add3A_632 : i32 to index
        %get3A_636 = arith.constant 0 : index
        %get3A_637 = tpu.vector_load %arg7[%get3A_634, %get3A_635, %get3A_636] {strides = array<i32>} : memref<4x112x64xf32, #tpu.memory_space<vmem>>, vector<1x1x16xf32>,
        %get3A_638 = vector.shape_cast %get3A_637 : vector<1x1x16xf32> to vector<16xf32>
        %slice3A_639 = vector.extract_strided_slice %bitcast_convert_type3A {offsets = [4], sizes = [1], strides = [1]} : vector<16xf32> to vector<1xf32>
        %squeeze3A_640 = vector.extract %slice3A_639[0] : f32 from vector<1xf32>
        %mul3A_641 = vector.broadcast %squeeze3A_640 : f32 to vector<16xf32>
        %mul3A_642 = arith.mulf %get3A_638, %mul3A_641 : vector<16xf32>
        %swap3A_643 = arith.constant 0 : i32
        %swap3A_644 = arith.index_cast %swap3A_643 : i32 to index
        %swap3A_645 = arith.index_cast %add3A_632 : i32 to index
        %swap3A_646 = arith.constant 0 : index
        %swap3A_647 = tpu.vector_load %arg7[%swap3A_644, %swap3A_645, %swap3A_646] {strides = array<i32>} : memref<4x112x64xf32, #tpu.memory_space<vmem>>, vector<1x1x16xf32>,
        %swap3A_648 = vector.shape_cast %swap3A_647 : vector<1x1x16xf32> to vector<16xf32>
        %swap3A_649 = vector.shape_cast %mul3A_642 : vector<16xf32> to vector<1x1x16xf32>
        tpu.vector_store %arg7[%swap3A_644, %swap3A_645, %swap3A_646], %swap3A_649 {strides = array<i32>} : memref<4x112x64xf32, #tpu.memory_space<vmem>>, vector<1x1x16xf32>,
        %get3A_650 = arith.constant 0 : i32
        %get3A_651 = arith.index_cast %get3A_650 : i32 to index
        %get3A_652 = arith.index_cast %add3A_632 : i32 to index
        %get3A_653 = arith.constant 16 : index
        %get3A_654 = tpu.vector_load %arg7[%get3A_651, %get3A_652, %get3A_653] {strides = array<i32>} : memref<4x112x64xf32, #tpu.memory_space<vmem>>, vector<1x1x16xf32>,
        %get3A_655 = vector.shape_cast %get3A_654 : vector<1x1x16xf32> to vector<16xf32>
        %slice3A_656 = vector.extract_strided_slice %bitcast_convert_type3A {offsets = [5], sizes = [1], strides = [1]} : vector<16xf32> to vector<1xf32>
        %squeeze3A_657 = vector.extract %slice3A_656[0] : f32 from vector<1xf32>
        %mul3A_658 = vector.broadcast %squeeze3A_657 : f32 to vector<16xf32>
        %mul3A_659 = arith.mulf %get3A_655, %mul3A_658 : vector<16xf32>
        %swap3A_660 = arith.constant 0 : i32
        %swap3A_661 = arith.index_cast %swap3A_660 : i32 to index
        %swap3A_662 = arith.index_cast %add3A_632 : i32 to index
        %swap3A_663 = arith.constant 16 : index
        %swap3A_664 = tpu.vector_load %arg7[%swap3A_661, %swap3A_662, %swap3A_663] {strides = array<i32>} : memref<4x112x64xf32, #tpu.memory_space<vmem>>, vector<1x1x16xf32>,
        %swap3A_665 = vector.shape_cast %swap3A_664 : vector<1x1x16xf32> to vector<16xf32>
        %swap3A_666 = vector.shape_cast %mul3A_659 : vector<16xf32> to vector<1x1x16xf32>
        tpu.vector_store %arg7[%swap3A_661, %swap3A_662, %swap3A_663], %swap3A_666 {strides = array<i32>} : memref<4x112x64xf32, #tpu.memory_space<vmem>>, vector<1x1x16xf32>,
        %get3A_667 = arith.constant 0 : i32
        %get3A_668 = arith.index_cast %get3A_667 : i32 to index
        %get3A_669 = arith.index_cast %add3A_632 : i32 to index
        %get3A_670 = arith.constant 32 : index
        %get3A_671 = tpu.vector_load %arg7[%get3A_668, %get3A_669, %get3A_670] {strides = array<i32>} : memref<4x112x64xf32, #tpu.memory_space<vmem>>, vector<1x1x16xf32>,
        %get3A_672 = vector.shape_cast %get3A_671 : vector<1x1x16xf32> to vector<16xf32>
        %slice3A_673 = vector.extract_strided_slice %bitcast_convert_type3A {offsets = [6], sizes = [1], strides = [1]} : vector<16xf32> to vector<1xf32>
        %squeeze3A_674 = vector.extract %slice3A_673[0] : f32 from vector<1xf32>
        %mul3A_675 = vector.broadcast %squeeze3A_674 : f32 to vector<16xf32>
        %mul3A_676 = arith.mulf %get3A_672, %mul3A_675 : vector<16xf32>
        %swap3A_677 = arith.constant 0 : i32
        %swap3A_678 = arith.index_cast %swap3A_677 : i32 to index
        %swap3A_679 = arith.index_cast %add3A_632 : i32 to index
        %swap3A_680 = arith.constant 32 : index
        %swap3A_681 = tpu.vector_load %arg7[%swap3A_678, %swap3A_679, %swap3A_680] {strides = array<i32>} : memref<4x112x64xf32, #tpu.memory_space<vmem>>, vector<1x1x16xf32>,
        %swap3A_682 = vector.shape_cast %swap3A_681 : vector<1x1x16xf32> to vector<16xf32>
        %swap3A_683 = vector.shape_cast %mul3A_676 : vector<16xf32> to vector<1x1x16xf32>
        tpu.vector_store %arg7[%swap3A_678, %swap3A_679, %swap3A_680], %swap3A_683 {strides = array<i32>} : memref<4x112x64xf32, #tpu.memory_space<vmem>>, vector<1x1x16xf32>,
        %get3A_684 = arith.constant 0 : i32
        %get3A_685 = arith.index_cast %get3A_684 : i32 to index
        %get3A_686 = arith.index_cast %add3A_632 : i32 to index
        %get3A_687 = arith.constant 48 : index
        %get3A_688 = tpu.vector_load %arg7[%get3A_685, %get3A_686, %get3A_687] {strides = array<i32>} : memref<4x112x64xf32, #tpu.memory_space<vmem>>, vector<1x1x16xf32>,
        %get3A_689 = vector.shape_cast %get3A_688 : vector<1x1x16xf32> to vector<16xf32>
        %slice3A_690 = vector.extract_strided_slice %bitcast_convert_type3A {offsets = [7], sizes = [1], strides = [1]} : vector<16xf32> to vector<1xf32>
        %squeeze3A_691 = vector.extract %slice3A_690[0] : f32 from vector<1xf32>
        %mul3A_692 = vector.broadcast %squeeze3A_691 : f32 to vector<16xf32>
        %mul3A_693 = arith.mulf %get3A_689, %mul3A_692 : vector<16xf32>
        %swap3A_694 = arith.constant 0 : i32
        %swap3A_695 = arith.index_cast %swap3A_694 : i32 to index
        %swap3A_696 = arith.index_cast %add3A_632 : i32 to index
        %swap3A_697 = arith.constant 48 : index
        %swap3A_698 = tpu.vector_load %arg7[%swap3A_695, %swap3A_696, %swap3A_697] {strides = array<i32>} : memref<4x112x64xf32, #tpu.memory_space<vmem>>, vector<1x1x16xf32>,
        %swap3A_699 = vector.shape_cast %swap3A_698 : vector<1x1x16xf32> to vector<16xf32>
        %swap3A_700 = vector.shape_cast %mul3A_693 : vector<16xf32> to vector<1x1x16xf32>
        tpu.vector_store %arg7[%swap3A_695, %swap3A_696, %swap3A_697], %swap3A_700 {strides = array<i32>} : memref<4x112x64xf32, #tpu.memory_space<vmem>>, vector<1x1x16xf32>,
        %mul3A_701 = arith.constant 4 : i32
        %mul3A_702 = arith.muli %mul3A_701, %scan3A_518 : i32
        %add3A_703 = arith.constant 2 : i32
        %add3A_704 = arith.addi %mul3A_702, %add3A_703 : i32
        %get3A_705 = arith.constant 0 : i32
        %get3A_706 = arith.index_cast %get3A_705 : i32 to index
        %get3A_707 = arith.index_cast %add3A_704 : i32 to index
        %get3A_708 = arith.constant 0 : index
        %get3A_709 = tpu.vector_load %arg7[%get3A_706, %get3A_707, %get3A_708] {strides = array<i32>} : memref<4x112x64xf32, #tpu.memory_space<vmem>>, vector<1x1x16xf32>,
        %get3A_710 = vector.shape_cast %get3A_709 : vector<1x1x16xf32> to vector<16xf32>
        %slice3A_711 = vector.extract_strided_slice %bitcast_convert_type3A {offsets = [8], sizes = [1], strides = [1]} : vector<16xf32> to vector<1xf32>
        %squeeze3A_712 = vector.extract %slice3A_711[0] : f32 from vector<1xf32>
        %mul3A_713 = vector.broadcast %squeeze3A_712 : f32 to vector<16xf32>
        %mul3A_714 = arith.mulf %get3A_710, %mul3A_713 : vector<16xf32>
        %swap3A_715 = arith.constant 0 : i32
        %swap3A_716 = arith.index_cast %swap3A_715 : i32 to index
        %swap3A_717 = arith.index_cast %add3A_704 : i32 to index
        %swap3A_718 = arith.constant 0 : index
        %swap3A_719 = tpu.vector_load %arg7[%swap3A_716, %swap3A_717, %swap3A_718] {strides = array<i32>} : memref<4x112x64xf32, #tpu.memory_space<vmem>>, vector<1x1x16xf32>,
        %swap3A_720 = vector.shape_cast %swap3A_719 : vector<1x1x16xf32> to vector<16xf32>
        %swap3A_721 = vector.shape_cast %mul3A_714 : vector<16xf32> to vector<1x1x16xf32>
        tpu.vector_store %arg7[%swap3A_716, %swap3A_717, %swap3A_718], %swap3A_721 {strides = array<i32>} : memref<4x112x64xf32, #tpu.memory_space<vmem>>, vector<1x1x16xf32>,
        %get3A_722 = arith.constant 0 : i32
        %get3A_723 = arith.index_cast %get3A_722 : i32 to index
        %get3A_724 = arith.index_cast %add3A_704 : i32 to index
        %get3A_725 = arith.constant 16 : index
        %get3A_726 = tpu.vector_load %arg7[%get3A_723, %get3A_724, %get3A_725] {strides = array<i32>} : memref<4x112x64xf32, #tpu.memory_space<vmem>>, vector<1x1x16xf32>,
        %get3A_727 = vector.shape_cast %get3A_726 : vector<1x1x16xf32> to vector<16xf32>
        %slice3A_728 = vector.extract_strided_slice %bitcast_convert_type3A {offsets = [9], sizes = [1], strides = [1]} : vector<16xf32> to vector<1xf32>
        %squeeze3A_729 = vector.extract %slice3A_728[0] : f32 from vector<1xf32>
        %mul3A_730 = vector.broadcast %squeeze3A_729 : f32 to vector<16xf32>
        %mul3A_731 = arith.mulf %get3A_727, %mul3A_730 : vector<16xf32>
        %swap3A_732 = arith.constant 0 : i32
        %swap3A_733 = arith.index_cast %swap3A_732 : i32 to index
        %swap3A_734 = arith.index_cast %add3A_704 : i32 to index
        %swap3A_735 = arith.constant 16 : index
        %swap3A_736 = tpu.vector_load %arg7[%swap3A_733, %swap3A_734, %swap3A_735] {strides = array<i32>} : memref<4x112x64xf32, #tpu.memory_space<vmem>>, vector<1x1x16xf32>,
        %swap3A_737 = vector.shape_cast %swap3A_736 : vector<1x1x16xf32> to vector<16xf32>
        %swap3A_738 = vector.shape_cast %mul3A_731 : vector<16xf32> to vector<1x1x16xf32>
        tpu.vector_store %arg7[%swap3A_733, %swap3A_734, %swap3A_735], %swap3A_738 {strides = array<i32>} : memref<4x112x64xf32, #tpu.memory_space<vmem>>, vector<1x1x16xf32>,
        %get3A_739 = arith.constant 0 : i32
        %get3A_740 = arith.index_cast %get3A_739 : i32 to index
        %get3A_741 = arith.index_cast %add3A_704 : i32 to index
        %get3A_742 = arith.constant 32 : index
        %get3A_743 = tpu.vector_load %arg7[%get3A_740, %get3A_741, %get3A_742] {strides = array<i32>} : memref<4x112x64xf32, #tpu.memory_space<vmem>>, vector<1x1x16xf32>,
        %get3A_744 = vector.shape_cast %get3A_743 : vector<1x1x16xf32> to vector<16xf32>
        %slice3A_745 = vector.extract_strided_slice %bitcast_convert_type3A {offsets = [10], sizes = [1], strides = [1]} : vector<16xf32> to vector<1xf32>
        %squeeze3A_746 = vector.extract %slice3A_745[0] : f32 from vector<1xf32>
        %mul3A_747 = vector.broadcast %squeeze3A_746 : f32 to vector<16xf32>
        %mul3A_748 = arith.mulf %get3A_744, %mul3A_747 : vector<16xf32>
        %swap3A_749 = arith.constant 0 : i32
        %swap3A_750 = arith.index_cast %swap3A_749 : i32 to index
        %swap3A_751 = arith.index_cast %add3A_704 : i32 to index
        %swap3A_752 = arith.constant 32 : index
        %swap3A_753 = tpu.vector_load %arg7[%swap3A_750, %swap3A_751, %swap3A_752] {strides = array<i32>} : memref<4x112x64xf32, #tpu.memory_space<vmem>>, vector<1x1x16xf32>,
        %swap3A_754 = vector.shape_cast %swap3A_753 : vector<1x1x16xf32> to vector<16xf32>
        %swap3A_755 = vector.shape_cast %mul3A_748 : vector<16xf32> to vector<1x1x16xf32>
        tpu.vector_store %arg7[%swap3A_750, %swap3A_751, %swap3A_752], %swap3A_755 {strides = array<i32>} : memref<4x112x64xf32, #tpu.memory_space<vmem>>, vector<1x1x16xf32>,
        %get3A_756 = arith.constant 0 : i32
        %get3A_757 = arith.index_cast %get3A_756 : i32 to index
        %get3A_758 = arith.index_cast %add3A_704 : i32 to index
        %get3A_759 = arith.constant 48 : index
        %get3A_760 = tpu.vector_load %arg7[%get3A_757, %get3A_758, %get3A_759] {strides = array<i32>} : memref<4x112x64xf32, #tpu.memory_space<vmem>>, vector<1x1x16xf32>,
        %get3A_761 = vector.shape_cast %get3A_760 : vector<1x1x16xf32> to vector<16xf32>
        %slice3A_762 = vector.extract_strided_slice %bitcast_convert_type3A {offsets = [11], sizes = [1], strides = [1]} : vector<16xf32> to vector<1xf32>
        %squeeze3A_763 = vector.extract %slice3A_762[0] : f32 from vector<1xf32>
        %mul3A_764 = vector.broadcast %squeeze3A_763 : f32 to vector<16xf32>
        %mul3A_765 = arith.mulf %get3A_761, %mul3A_764 : vector<16xf32>
        %swap3A_766 = arith.constant 0 : i32
        %swap3A_767 = arith.index_cast %swap3A_766 : i32 to index
        %swap3A_768 = arith.index_cast %add3A_704 : i32 to index
        %swap3A_769 = arith.constant 48 : index
        %swap3A_770 = tpu.vector_load %arg7[%swap3A_767, %swap3A_768, %swap3A_769] {strides = array<i32>} : memref<4x112x64xf32, #tpu.memory_space<vmem>>, vector<1x1x16xf32>,
        %swap3A_771 = vector.shape_cast %swap3A_770 : vector<1x1x16xf32> to vector<16xf32>
        %swap3A_772 = vector.shape_cast %mul3A_765 : vector<16xf32> to vector<1x1x16xf32>
        tpu.vector_store %arg7[%swap3A_767, %swap3A_768, %swap3A_769], %swap3A_772 {strides = array<i32>} : memref<4x112x64xf32, #tpu.memory_space<vmem>>, vector<1x1x16xf32>,
        %mul3A_773 = arith.constant 4 : i32
        %mul3A_774 = arith.muli %mul3A_773, %scan3A_518 : i32
        %add3A_775 = arith.constant 3 : i32
        %add3A_776 = arith.addi %mul3A_774, %add3A_775 : i32
        %get3A_777 = arith.constant 0 : i32
        %get3A_778 = arith.index_cast %get3A_777 : i32 to index
        %get3A_779 = arith.index_cast %add3A_776 : i32 to index
        %get3A_780 = arith.constant 0 : index
        %get3A_781 = tpu.vector_load %arg7[%get3A_778, %get3A_779, %get3A_780] {strides = array<i32>} : memref<4x112x64xf32, #tpu.memory_space<vmem>>, vector<1x1x16xf32>,
        %get3A_782 = vector.shape_cast %get3A_781 : vector<1x1x16xf32> to vector<16xf32>
        %slice3A_783 = vector.extract_strided_slice %bitcast_convert_type3A {offsets = [12], sizes = [1], strides = [1]} : vector<16xf32> to vector<1xf32>
        %squeeze3A_784 = vector.extract %slice3A_783[0] : f32 from vector<1xf32>
        %mul3A_785 = vector.broadcast %squeeze3A_784 : f32 to vector<16xf32>
        %mul3A_786 = arith.mulf %get3A_782, %mul3A_785 : vector<16xf32>
        %swap3A_787 = arith.constant 0 : i32
        %swap3A_788 = arith.index_cast %swap3A_787 : i32 to index
        %swap3A_789 = arith.index_cast %add3A_776 : i32 to index
        %swap3A_790 = arith.constant 0 : index
        %swap3A_791 = tpu.vector_load %arg7[%swap3A_788, %swap3A_789, %swap3A_790] {strides = array<i32>} : memref<4x112x64xf32, #tpu.memory_space<vmem>>, vector<1x1x16xf32>,
        %swap3A_792 = vector.shape_cast %swap3A_791 : vector<1x1x16xf32> to vector<16xf32>
        %swap3A_793 = vector.shape_cast %mul3A_786 : vector<16xf32> to vector<1x1x16xf32>
        tpu.vector_store %arg7[%swap3A_788, %swap3A_789, %swap3A_790], %swap3A_793 {strides = array<i32>} : memref<4x112x64xf32, #tpu.memory_space<vmem>>, vector<1x1x16xf32>,
        %get3A_794 = arith.constant 0 : i32
        %get3A_795 = arith.index_cast %get3A_794 : i32 to index
        %get3A_796 = arith.index_cast %add3A_776 : i32 to index
        %get3A_797 = arith.constant 16 : index
        %get3A_798 = tpu.vector_load %arg7[%get3A_795, %get3A_796, %get3A_797] {strides = array<i32>} : memref<4x112x64xf32, #tpu.memory_space<vmem>>, vector<1x1x16xf32>,
        %get3A_799 = vector.shape_cast %get3A_798 : vector<1x1x16xf32> to vector<16xf32>
        %slice3A_800 = vector.extract_strided_slice %bitcast_convert_type3A {offsets = [13], sizes = [1], strides = [1]} : vector<16xf32> to vector<1xf32>
        %squeeze3A_801 = vector.extract %slice3A_800[0] : f32 from vector<1xf32>
        %mul3A_802 = vector.broadcast %squeeze3A_801 : f32 to vector<16xf32>
        %mul3A_803 = arith.mulf %get3A_799, %mul3A_802 : vector<16xf32>
        %swap3A_804 = arith.constant 0 : i32
        %swap3A_805 = arith.index_cast %swap3A_804 : i32 to index
        %swap3A_806 = arith.index_cast %add3A_776 : i32 to index
        %swap3A_807 = arith.constant 16 : index
        %swap3A_808 = tpu.vector_load %arg7[%swap3A_805, %swap3A_806, %swap3A_807] {strides = array<i32>} : memref<4x112x64xf32, #tpu.memory_space<vmem>>, vector<1x1x16xf32>,
        %swap3A_809 = vector.shape_cast %swap3A_808 : vector<1x1x16xf32> to vector<16xf32>
        %swap3A_810 = vector.shape_cast %mul3A_803 : vector<16xf32> to vector<1x1x16xf32>
        tpu.vector_store %arg7[%swap3A_805, %swap3A_806, %swap3A_807], %swap3A_810 {strides = array<i32>} : memref<4x112x64xf32, #tpu.memory_space<vmem>>, vector<1x1x16xf32>,
        %get3A_811 = arith.constant 0 : i32
        %get3A_812 = arith.index_cast %get3A_811 : i32 to index
        %get3A_813 = arith.index_cast %add3A_776 : i32 to index
        %get3A_814 = arith.constant 32 : index
        %get3A_815 = tpu.vector_load %arg7[%get3A_812, %get3A_813, %get3A_814] {strides = array<i32>} : memref<4x112x64xf32, #tpu.memory_space<vmem>>, vector<1x1x16xf32>,
        %get3A_816 = vector.shape_cast %get3A_815 : vector<1x1x16xf32> to vector<16xf32>
        %slice3A_817 = vector.extract_strided_slice %bitcast_convert_type3A {offsets = [14], sizes = [1], strides = [1]} : vector<16xf32> to vector<1xf32>
        %squeeze3A_818 = vector.extract %slice3A_817[0] : f32 from vector<1xf32>
        %mul3A_819 = vector.broadcast %squeeze3A_818 : f32 to vector<16xf32>
        %mul3A_820 = arith.mulf %get3A_816, %mul3A_819 : vector<16xf32>
        %swap3A_821 = arith.constant 0 : i32
        %swap3A_822 = arith.index_cast %swap3A_821 : i32 to index
        %swap3A_823 = arith.index_cast %add3A_776 : i32 to index
        %swap3A_824 = arith.constant 32 : index
        %swap3A_825 = tpu.vector_load %arg7[%swap3A_822, %swap3A_823, %swap3A_824] {strides = array<i32>} : memref<4x112x64xf32, #tpu.memory_space<vmem>>, vector<1x1x16xf32>,
        %swap3A_826 = vector.shape_cast %swap3A_825 : vector<1x1x16xf32> to vector<16xf32>
        %swap3A_827 = vector.shape_cast %mul3A_820 : vector<16xf32> to vector<1x1x16xf32>
        tpu.vector_store %arg7[%swap3A_822, %swap3A_823, %swap3A_824], %swap3A_827 {strides = array<i32>} : memref<4x112x64xf32, #tpu.memory_space<vmem>>, vector<1x1x16xf32>,
        %get3A_828 = arith.constant 0 : i32
        %get3A_829 = arith.index_cast %get3A_828 : i32 to index
        %get3A_830 = arith.index_cast %add3A_776 : i32 to index
        %get3A_831 = arith.constant 48 : index
        %get3A_832 = tpu.vector_load %arg7[%get3A_829, %get3A_830, %get3A_831] {strides = array<i32>} : memref<4x112x64xf32, #tpu.memory_space<vmem>>, vector<1x1x16xf32>,
        %get3A_833 = vector.shape_cast %get3A_832 : vector<1x1x16xf32> to vector<16xf32>
        %slice3A_834 = vector.extract_strided_slice %bitcast_convert_type3A {offsets = [15], sizes = [1], strides = [1]} : vector<16xf32> to vector<1xf32>
        %squeeze3A_835 = vector.extract %slice3A_834[0] : f32 from vector<1xf32>
        %mul3A_836 = vector.broadcast %squeeze3A_835 : f32 to vector<16xf32>
        %mul3A_837 = arith.mulf %get3A_833, %mul3A_836 : vector<16xf32>
        %swap3A_838 = arith.constant 0 : i32
        %swap3A_839 = arith.index_cast %swap3A_838 : i32 to index
        %swap3A_840 = arith.index_cast %add3A_776 : i32 to index
        %swap3A_841 = arith.constant 48 : index
        %swap3A_842 = tpu.vector_load %arg7[%swap3A_839, %swap3A_840, %swap3A_841] {strides = array<i32>} : memref<4x112x64xf32, #tpu.memory_space<vmem>>, vector<1x1x16xf32>,
        %swap3A_843 = vector.shape_cast %swap3A_842 : vector<1x1x16xf32> to vector<16xf32>
        %swap3A_844 = vector.shape_cast %mul3A_837 : vector<16xf32> to vector<1x1x16xf32>
        tpu.vector_store %arg7[%swap3A_839, %swap3A_840, %swap3A_841], %swap3A_844 {strides = array<i32>} : memref<4x112x64xf32, #tpu.memory_space<vmem>>, vector<1x1x16xf32>,
        %scan3A_845 = arith.constant 1 : i32
        %scan3A_846 = arith.addi %scan3A_518, %scan3A_845 : i32
        %jit3A_847 = arith.constant 7 : i32
        %div3A_848 = arith.divsi %scan3A_846, %jit3A_847 : i32
        %sign3A_849 = arith.constant 0 : i32
        %sign3A_850 = arith.cmpi sgt, %scan3A_846, %sign3A_849 : i32
        %sign3A_851 = arith.extui %sign3A_850 : i1 to i32
        %sign3A_852 = arith.constant 0 : i32
        %sign3A_853 = arith.cmpi slt, %scan3A_846, %sign3A_852 : i32
        %sign3A_854 = arith.extui %sign3A_853 : i1 to i32
        %sign3A_855 = arith.subi %sign3A_851, %sign3A_854 : i32
        %sign3A_856 = arith.constant 0 : i32
        %sign3A_857 = arith.cmpi sgt, %jit3A_847, %sign3A_856 : i32
        %sign3A_858 = arith.extui %sign3A_857 : i1 to i32
        %sign3A_859 = arith.constant 0 : i32
        %sign3A_860 = arith.cmpi slt, %jit3A_847, %sign3A_859 : i32
        %sign3A_861 = arith.extui %sign3A_860 : i1 to i32
        %sign3A_862 = arith.subi %sign3A_858, %sign3A_861 : i32
        %ne3A_863 = arith.cmpi ne, %sign3A_855, %sign3A_862 : i32
        %rem3A_864 = arith.remsi %scan3A_846, %jit3A_847 : i32
        %ne3A_865 = arith.constant 0 : i32
        %ne3A_866 = arith.cmpi ne, %rem3A_864, %ne3A_865 : i32
        %and3A_867 = arith.andi %ne3A_863, %ne3A_866 : i1
        %sub3A_868 = arith.constant 1 : i32
        %sub3A_869 = arith.subi %div3A_848, %sub3A_868 : i32
        %select_n3A_870 = arith.select %and3A_867, %sub3A_869, %div3A_848 : i32
        %add3A_871 = arith.constant 2 : i32
        %add3A_872 = arith.addi %add3A_871, %select_n3A_870 : i32
        %jit3A_873 = arith.constant 7 : i32
        %eq3A_874 = arith.constant 0 : i32
        %eq3A_875 = arith.cmpi eq, %jit3A_873, %eq3A_874 : i32
        %jit3A_876 = arith.constant 1 : i32
        %select_n3A_877 = arith.select %eq3A_875, %jit3A_876, %jit3A_873 : i32
        %rem3A_878 = arith.remsi %scan3A_846, %select_n3A_877 : i32
        %ne3A_879 = arith.constant 0 : i32
        %ne3A_880 = arith.cmpi ne, %rem3A_878, %ne3A_879 : i32
        %lt3A_881 = arith.constant 0 : i32
        %lt3A_882 = arith.cmpi slt, %rem3A_878, %lt3A_881 : i32
        %lt3A_883 = arith.constant 0 : i32
        %lt3A_884 = arith.cmpi slt, %select_n3A_877, %lt3A_883 : i32
        %ne3A_885 = arith.xori %lt3A_882, %lt3A_884 : i1
        %and3A_886 = arith.andi %ne3A_885, %ne3A_880 : i1
        %add3A_887 = arith.addi %rem3A_878, %select_n3A_877 : i32
        %select_n3A_888 = arith.select %and3A_886, %add3A_887, %rem3A_878 : i32
        %mul3A_889 = arith.constant 16 : i32
        %mul3A_890 = arith.muli %mul3A_889, %select_n3A_888 : i32
        %get3A_891 = arith.constant 0 : i32
        %get3A_892 = arith.index_cast %get3A_891 : i32 to index
        %get3A_893 = arith.index_cast %add3A_872 : i32 to index
        %get3A_894 = arith.index_cast %mul3A_890 : i32 to index
        %get3A_895 = tpu.vector_load %arg6[%get3A_892, %get3A_893, %get3A_894] {strides = array<i32>} : memref<4x6x112xi32, #tpu.memory_space<vmem>>, vector<1x1x16xi32>,
        %get3A_896 = vector.shape_cast %get3A_895 : vector<1x1x16xi32> to vector<16xi32>
        %bitcast_convert_type3A_897 = tpu.bitcast %get3A_896 : vector<16xi32> -> vector<16xf32>
        %mul3A_898 = arith.constant 4 : i32
        %mul3A_899 = arith.muli %mul3A_898, %scan3A_846 : i32
        %add3A_900 = arith.constant 0 : i32
        %add3A_901 = arith.addi %mul3A_899, %add3A_900 : i32
        %get3A_902 = arith.constant 0 : i32
        %get3A_903 = arith.index_cast %get3A_902 : i32 to index
        %get3A_904 = arith.index_cast %add3A_901 : i32 to index
        %get3A_905 = arith.constant 0 : index
        %get3A_906 = tpu.vector_load %arg7[%get3A_903, %get3A_904, %get3A_905] {strides = array<i32>} : memref<4x112x64xf32, #tpu.memory_space<vmem>>, vector<1x1x16xf32>,
        %get3A_907 = vector.shape_cast %get3A_906 : vector<1x1x16xf32> to vector<16xf32>
        %slice3A_908 = vector.extract_strided_slice %bitcast_convert_type3A_897 {offsets = [0], sizes = [1], strides = [1]} : vector<16xf32> to vector<1xf32>
        %squeeze3A_909 = vector.extract %slice3A_908[0] : f32 from vector<1xf32>
        %mul3A_910 = vector.broadcast %squeeze3A_909 : f32 to vector<16xf32>
        %mul3A_911 = arith.mulf %get3A_907, %mul3A_910 : vector<16xf32>
        %swap3A_912 = arith.constant 0 : i32
        %swap3A_913 = arith.index_cast %swap3A_912 : i32 to index
        %swap3A_914 = arith.index_cast %add3A_901 : i32 to index
        %swap3A_915 = arith.constant 0 : index
        %swap3A_916 = tpu.vector_load %arg7[%swap3A_913, %swap3A_914, %swap3A_915] {strides = array<i32>} : memref<4x112x64xf32, #tpu.memory_space<vmem>>, vector<1x1x16xf32>,
        %swap3A_917 = vector.shape_cast %swap3A_916 : vector<1x1x16xf32> to vector<16xf32>
        %swap3A_918 = vector.shape_cast %mul3A_911 : vector<16xf32> to vector<1x1x16xf32>
        tpu.vector_store %arg7[%swap3A_913, %swap3A_914, %swap3A_915], %swap3A_918 {strides = array<i32>} : memref<4x112x64xf32, #tpu.memory_space<vmem>>, vector<1x1x16xf32>,
        %get3A_919 = arith.constant 0 : i32
        %get3A_920 = arith.index_cast %get3A_919 : i32 to index
        %get3A_921 = arith.index_cast %add3A_901 : i32 to index
        %get3A_922 = arith.constant 16 : index
        %get3A_923 = tpu.vector_load %arg7[%get3A_920, %get3A_921, %get3A_922] {strides = array<i32>} : memref<4x112x64xf32, #tpu.memory_space<vmem>>, vector<1x1x16xf32>,
        %get3A_924 = vector.shape_cast %get3A_923 : vector<1x1x16xf32> to vector<16xf32>
        %slice3A_925 = vector.extract_strided_slice %bitcast_convert_type3A_897 {offsets = [1], sizes = [1], strides = [1]} : vector<16xf32> to vector<1xf32>
        %squeeze3A_926 = vector.extract %slice3A_925[0] : f32 from vector<1xf32>
        %mul3A_927 = vector.broadcast %squeeze3A_926 : f32 to vector<16xf32>
        %mul3A_928 = arith.mulf %get3A_924, %mul3A_927 : vector<16xf32>
        %swap3A_929 = arith.constant 0 : i32
        %swap3A_930 = arith.index_cast %swap3A_929 : i32 to index
        %swap3A_931 = arith.index_cast %add3A_901 : i32 to index
        %swap3A_932 = arith.constant 16 : index
        %swap3A_933 = tpu.vector_load %arg7[%swap3A_930, %swap3A_931, %swap3A_932] {strides = array<i32>} : memref<4x112x64xf32, #tpu.memory_space<vmem>>, vector<1x1x16xf32>,
        %swap3A_934 = vector.shape_cast %swap3A_933 : vector<1x1x16xf32> to vector<16xf32>
        %swap3A_935 = vector.shape_cast %mul3A_928 : vector<16xf32> to vector<1x1x16xf32>
        tpu.vector_store %arg7[%swap3A_930, %swap3A_931, %swap3A_932], %swap3A_935 {strides = array<i32>} : memref<4x112x64xf32, #tpu.memory_space<vmem>>, vector<1x1x16xf32>,
        %get3A_936 = arith.constant 0 : i32
        %get3A_937 = arith.index_cast %get3A_936 : i32 to index
        %get3A_938 = arith.index_cast %add3A_901 : i32 to index
        %get3A_939 = arith.constant 32 : index
        %get3A_940 = tpu.vector_load %arg7[%get3A_937, %get3A_938, %get3A_939] {strides = array<i32>} : memref<4x112x64xf32, #tpu.memory_space<vmem>>, vector<1x1x16xf32>,
        %get3A_941 = vector.shape_cast %get3A_940 : vector<1x1x16xf32> to vector<16xf32>
        %slice3A_942 = vector.extract_strided_slice %bitcast_convert_type3A_897 {offsets = [2], sizes = [1], strides = [1]} : vector<16xf32> to vector<1xf32>
        %squeeze3A_943 = vector.extract %slice3A_942[0] : f32 from vector<1xf32>
        %mul3A_944 = vector.broadcast %squeeze3A_943 : f32 to vector<16xf32>
        %mul3A_945 = arith.mulf %get3A_941, %mul3A_944 : vector<16xf32>
        %swap3A_946 = arith.constant 0 : i32
        %swap3A_947 = arith.index_cast %swap3A_946 : i32 to index
        %swap3A_948 = arith.index_cast %add3A_901 : i32 to index
        %swap3A_949 = arith.constant 32 : index
        %swap3A_950 = tpu.vector_load %arg7[%swap3A_947, %swap3A_948, %swap3A_949] {strides = array<i32>} : memref<4x112x64xf32, #tpu.memory_space<vmem>>, vector<1x1x16xf32>,
        %swap3A_951 = vector.shape_cast %swap3A_950 : vector<1x1x16xf32> to vector<16xf32>
        %swap3A_952 = vector.shape_cast %mul3A_945 : vector<16xf32> to vector<1x1x16xf32>
        tpu.vector_store %arg7[%swap3A_947, %swap3A_948, %swap3A_949], %swap3A_952 {strides = array<i32>} : memref<4x112x64xf32, #tpu.memory_space<vmem>>, vector<1x1x16xf32>,
        %get3A_953 = arith.constant 0 : i32
        %get3A_954 = arith.index_cast %get3A_953 : i32 to index
        %get3A_955 = arith.index_cast %add3A_901 : i32 to index
        %get3A_956 = arith.constant 48 : index
        %get3A_957 = tpu.vector_load %arg7[%get3A_954, %get3A_955, %get3A_956] {strides = array<i32>} : memref<4x112x64xf32, #tpu.memory_space<vmem>>, vector<1x1x16xf32>,
        %get3A_958 = vector.shape_cast %get3A_957 : vector<1x1x16xf32> to vector<16xf32>
        %slice3A_959 = vector.extract_strided_slice %bitcast_convert_type3A_897 {offsets = [3], sizes = [1], strides = [1]} : vector<16xf32> to vector<1xf32>
        %squeeze3A_960 = vector.extract %slice3A_959[0] : f32 from vector<1xf32>
        %mul3A_961 = vector.broadcast %squeeze3A_960 : f32 to vector<16xf32>
        %mul3A_962 = arith.mulf %get3A_958, %mul3A_961 : vector<16xf32>
        %swap3A_963 = arith.constant 0 : i32
        %swap3A_964 = arith.index_cast %swap3A_963 : i32 to index
        %swap3A_965 = arith.index_cast %add3A_901 : i32 to index
        %swap3A_966 = arith.constant 48 : index
        %swap3A_967 = tpu.vector_load %arg7[%swap3A_964, %swap3A_965, %swap3A_966] {strides = array<i32>} : memref<4x112x64xf32, #tpu.memory_space<vmem>>, vector<1x1x16xf32>,
        %swap3A_968 = vector.shape_cast %swap3A_967 : vector<1x1x16xf32> to vector<16xf32>
        %swap3A_969 = vector.shape_cast %mul3A_962 : vector<16xf32> to vector<1x1x16xf32>
        tpu.vector_store %arg7[%swap3A_964, %swap3A_965, %swap3A_966], %swap3A_969 {strides = array<i32>} : memref<4x112x64xf32, #tpu.memory_space<vmem>>, vector<1x1x16xf32>,
        %mul3A_970 = arith.constant 4 : i32
        %mul3A_971 = arith.muli %mul3A_970, %scan3A_846 : i32
        %add3A_972 = arith.constant 1 : i32
        %add3A_973 = arith.addi %mul3A_971, %add3A_972 : i32
        %get3A_974 = arith.constant 0 : i32
        %get3A_975 = arith.index_cast %get3A_974 : i32 to index
        %get3A_976 = arith.index_cast %add3A_973 : i32 to index
        %get3A_977 = arith.constant 0 : index
        %get3A_978 = tpu.vector_load %arg7[%get3A_975, %get3A_976, %get3A_977] {strides = array<i32>} : memref<4x112x64xf32, #tpu.memory_space<vmem>>, vector<1x1x16xf32>,
        %get3A_979 = vector.shape_cast %get3A_978 : vector<1x1x16xf32> to vector<16xf32>
        %slice3A_980 = vector.extract_strided_slice %bitcast_convert_type3A_897 {offsets = [4], sizes = [1], strides = [1]} : vector<16xf32> to vector<1xf32>
        %squeeze3A_981 = vector.extract %slice3A_980[0] : f32 from vector<1xf32>
        %mul3A_982 = vector.broadcast %squeeze3A_981 : f32 to vector<16xf32>
        %mul3A_983 = arith.mulf %get3A_979, %mul3A_982 : vector<16xf32>
        %swap3A_984 = arith.constant 0 : i32
        %swap3A_985 = arith.index_cast %swap3A_984 : i32 to index
        %swap3A_986 = arith.index_cast %add3A_973 : i32 to index
        %swap3A_987 = arith.constant 0 : index
        %swap3A_988 = tpu.vector_load %arg7[%swap3A_985, %swap3A_986, %swap3A_987] {strides = array<i32>} : memref<4x112x64xf32, #tpu.memory_space<vmem>>, vector<1x1x16xf32>,
        %swap3A_989 = vector.shape_cast %swap3A_988 : vector<1x1x16xf32> to vector<16xf32>
        %swap3A_990 = vector.shape_cast %mul3A_983 : vector<16xf32> to vector<1x1x16xf32>
        tpu.vector_store %arg7[%swap3A_985, %swap3A_986, %swap3A_987], %swap3A_990 {strides = array<i32>} : memref<4x112x64xf32, #tpu.memory_space<vmem>>, vector<1x1x16xf32>,
        %get3A_991 = arith.constant 0 : i32
        %get3A_992 = arith.index_cast %get3A_991 : i32 to index
        %get3A_993 = arith.index_cast %add3A_973 : i32 to index
        %get3A_994 = arith.constant 16 : index
        %get3A_995 = tpu.vector_load %arg7[%get3A_992, %get3A_993, %get3A_994] {strides = array<i32>} : memref<4x112x64xf32, #tpu.memory_space<vmem>>, vector<1x1x16xf32>,
        %get3A_996 = vector.shape_cast %get3A_995 : vector<1x1x16xf32> to vector<16xf32>
        %slice3A_997 = vector.extract_strided_slice %bitcast_convert_type3A_897 {offsets = [5], sizes = [1], strides = [1]} : vector<16xf32> to vector<1xf32>
        %squeeze3A_998 = vector.extract %slice3A_997[0] : f32 from vector<1xf32>
        %mul3A_999 = vector.broadcast %squeeze3A_998 : f32 to vector<16xf32>
        %mul3A_1000 = arith.mulf %get3A_996, %mul3A_999 : vector<16xf32>
        %swap3A_1001 = arith.constant 0 : i32
        %swap3A_1002 = arith.index_cast %swap3A_1001 : i32 to index
        %swap3A_1003 = arith.index_cast %add3A_973 : i32 to index
        %swap3A_1004 = arith.constant 16 : index
        %swap3A_1005 = tpu.vector_load %arg7[%swap3A_1002, %swap3A_1003, %swap3A_1004] {strides = array<i32>} : memref<4x112x64xf32, #tpu.memory_space<vmem>>, vector<1x1x16xf32>,
        %swap3A_1006 = vector.shape_cast %swap3A_1005 : vector<1x1x16xf32> to vector<16xf32>
        %swap3A_1007 = vector.shape_cast %mul3A_1000 : vector<16xf32> to vector<1x1x16xf32>
        tpu.vector_store %arg7[%swap3A_1002, %swap3A_1003, %swap3A_1004], %swap3A_1007 {strides = array<i32>} : memref<4x112x64xf32, #tpu.memory_space<vmem>>, vector<1x1x16xf32>,
        %get3A_1008 = arith.constant 0 : i32
        %get3A_1009 = arith.index_cast %get3A_1008 : i32 to index
        %get3A_1010 = arith.index_cast %add3A_973 : i32 to index
        %get3A_1011 = arith.constant 32 : index
        %get3A_1012 = tpu.vector_load %arg7[%get3A_1009, %get3A_1010, %get3A_1011] {strides = array<i32>} : memref<4x112x64xf32, #tpu.memory_space<vmem>>, vector<1x1x16xf32>,
        %get3A_1013 = vector.shape_cast %get3A_1012 : vector<1x1x16xf32> to vector<16xf32>
        %slice3A_1014 = vector.extract_strided_slice %bitcast_convert_type3A_897 {offsets = [6], sizes = [1], strides = [1]} : vector<16xf32> to vector<1xf32>
        %squeeze3A_1015 = vector.extract %slice3A_1014[0] : f32 from vector<1xf32>
        %mul3A_1016 = vector.broadcast %squeeze3A_1015 : f32 to vector<16xf32>
        %mul3A_1017 = arith.mulf %get3A_1013, %mul3A_1016 : vector<16xf32>
        %swap3A_1018 = arith.constant 0 : i32
        %swap3A_1019 = arith.index_cast %swap3A_1018 : i32 to index
        %swap3A_1020 = arith.index_cast %add3A_973 : i32 to index
        %swap3A_1021 = arith.constant 32 : index
        %swap3A_1022 = tpu.vector_load %arg7[%swap3A_1019, %swap3A_1020, %swap3A_1021] {strides = array<i32>} : memref<4x112x64xf32, #tpu.memory_space<vmem>>, vector<1x1x16xf32>,
        %swap3A_1023 = vector.shape_cast %swap3A_1022 : vector<1x1x16xf32> to vector<16xf32>
        %swap3A_1024 = vector.shape_cast %mul3A_1017 : vector<16xf32> to vector<1x1x16xf32>
        tpu.vector_store %arg7[%swap3A_1019, %swap3A_1020, %swap3A_1021], %swap3A_1024 {strides = array<i32>} : memref<4x112x64xf32, #tpu.memory_space<vmem>>, vector<1x1x16xf32>,
        %get3A_1025 = arith.constant 0 : i32
        %get3A_1026 = arith.index_cast %get3A_1025 : i32 to index
        %get3A_1027 = arith.index_cast %add3A_973 : i32 to index
        %get3A_1028 = arith.constant 48 : index
        %get3A_1029 = tpu.vector_load %arg7[%get3A_1026, %get3A_1027, %get3A_1028] {strides = array<i32>} : memref<4x112x64xf32, #tpu.memory_space<vmem>>, vector<1x1x16xf32>,
        %get3A_1030 = vector.shape_cast %get3A_1029 : vector<1x1x16xf32> to vector<16xf32>
        %slice3A_1031 = vector.extract_strided_slice %bitcast_convert_type3A_897 {offsets = [7], sizes = [1], strides = [1]} : vector<16xf32> to vector<1xf32>
        %squeeze3A_1032 = vector.extract %slice3A_1031[0] : f32 from vector<1xf32>
        %mul3A_1033 = vector.broadcast %squeeze3A_1032 : f32 to vector<16xf32>
        %mul3A_1034 = arith.mulf %get3A_1030, %mul3A_1033 : vector<16xf32>
        %swap3A_1035 = arith.constant 0 : i32
        %swap3A_1036 = arith.index_cast %swap3A_1035 : i32 to index
        %swap3A_1037 = arith.index_cast %add3A_973 : i32 to index
        %swap3A_1038 = arith.constant 48 : index
        %swap3A_1039 = tpu.vector_load %arg7[%swap3A_1036, %swap3A_1037, %swap3A_1038] {strides = array<i32>} : memref<4x112x64xf32, #tpu.memory_space<vmem>>, vector<1x1x16xf32>,
        %swap3A_1040 = vector.shape_cast %swap3A_1039 : vector<1x1x16xf32> to vector<16xf32>
        %swap3A_1041 = vector.shape_cast %mul3A_1034 : vector<16xf32> to vector<1x1x16xf32>
        tpu.vector_store %arg7[%swap3A_1036, %swap3A_1037, %swap3A_1038], %swap3A_1041 {strides = array<i32>} : memref<4x112x64xf32, #tpu.memory_space<vmem>>, vector<1x1x16xf32>,
        %mul3A_1042 = arith.constant 4 : i32
        %mul3A_1043 = arith.muli %mul3A_1042, %scan3A_846 : i32
        %add3A_1044 = arith.constant 2 : i32
        %add3A_1045 = arith.addi %mul3A_1043, %add3A_1044 : i32
        %get3A_1046 = arith.constant 0 : i32
        %get3A_1047 = arith.index_cast %get3A_1046 : i32 to index
        %get3A_1048 = arith.index_cast %add3A_1045 : i32 to index
        %get3A_1049 = arith.constant 0 : index
        %get3A_1050 = tpu.vector_load %arg7[%get3A_1047, %get3A_1048, %get3A_1049] {strides = array<i32>} : memref<4x112x64xf32, #tpu.memory_space<vmem>>, vector<1x1x16xf32>,
        %get3A_1051 = vector.shape_cast %get3A_1050 : vector<1x1x16xf32> to vector<16xf32>
        %slice3A_1052 = vector.extract_strided_slice %bitcast_convert_type3A_897 {offsets = [8], sizes = [1], strides = [1]} : vector<16xf32> to vector<1xf32>
        %squeeze3A_1053 = vector.extract %slice3A_1052[0] : f32 from vector<1xf32>
        %mul3A_1054 = vector.broadcast %squeeze3A_1053 : f32 to vector<16xf32>
        %mul3A_1055 = arith.mulf %get3A_1051, %mul3A_1054 : vector<16xf32>
        %swap3A_1056 = arith.constant 0 : i32
        %swap3A_1057 = arith.index_cast %swap3A_1056 : i32 to index
        %swap3A_1058 = arith.index_cast %add3A_1045 : i32 to index
        %swap3A_1059 = arith.constant 0 : index
        %swap3A_1060 = tpu.vector_load %arg7[%swap3A_1057, %swap3A_1058, %swap3A_1059] {strides = array<i32>} : memref<4x112x64xf32, #tpu.memory_space<vmem>>, vector<1x1x16xf32>,
        %swap3A_1061 = vector.shape_cast %swap3A_1060 : vector<1x1x16xf32> to vector<16xf32>
        %swap3A_1062 = vector.shape_cast %mul3A_1055 : vector<16xf32> to vector<1x1x16xf32>
        tpu.vector_store %arg7[%swap3A_1057, %swap3A_1058, %swap3A_1059], %swap3A_1062 {strides = array<i32>} : memref<4x112x64xf32, #tpu.memory_space<vmem>>, vector<1x1x16xf32>,
        %get3A_1063 = arith.constant 0 : i32
        %get3A_1064 = arith.index_cast %get3A_1063 : i32 to index
        %get3A_1065 = arith.index_cast %add3A_1045 : i32 to index
        %get3A_1066 = arith.constant 16 : index
        %get3A_1067 = tpu.vector_load %arg7[%get3A_1064, %get3A_1065, %get3A_1066] {strides = array<i32>} : memref<4x112x64xf32, #tpu.memory_space<vmem>>, vector<1x1x16xf32>,
        %get3A_1068 = vector.shape_cast %get3A_1067 : vector<1x1x16xf32> to vector<16xf32>
        %slice3A_1069 = vector.extract_strided_slice %bitcast_convert_type3A_897 {offsets = [9], sizes = [1], strides = [1]} : vector<16xf32> to vector<1xf32>
        %squeeze3A_1070 = vector.extract %slice3A_1069[0] : f32 from vector<1xf32>
        %mul3A_1071 = vector.broadcast %squeeze3A_1070 : f32 to vector<16xf32>
        %mul3A_1072 = arith.mulf %get3A_1068, %mul3A_1071 : vector<16xf32>
        %swap3A_1073 = arith.constant 0 : i32
        %swap3A_1074 = arith.index_cast %swap3A_1073 : i32 to index
        %swap3A_1075 = arith.index_cast %add3A_1045 : i32 to index
        %swap3A_1076 = arith.constant 16 : index
        %swap3A_1077 = tpu.vector_load %arg7[%swap3A_1074, %swap3A_1075, %swap3A_1076] {strides = array<i32>} : memref<4x112x64xf32, #tpu.memory_space<vmem>>, vector<1x1x16xf32>,
        %swap3A_1078 = vector.shape_cast %swap3A_1077 : vector<1x1x16xf32> to vector<16xf32>
        %swap3A_1079 = vector.shape_cast %mul3A_1072 : vector<16xf32> to vector<1x1x16xf32>
        tpu.vector_store %arg7[%swap3A_1074, %swap3A_1075, %swap3A_1076], %swap3A_1079 {strides = array<i32>} : memref<4x112x64xf32, #tpu.memory_space<vmem>>, vector<1x1x16xf32>,
        %get3A_1080 = arith.constant 0 : i32
        %get3A_1081 = arith.index_cast %get3A_1080 : i32 to index
        %get3A_1082 = arith.index_cast %add3A_1045 : i32 to index
        %get3A_1083 = arith.constant 32 : index
        %get3A_1084 = tpu.vector_load %arg7[%get3A_1081, %get3A_1082, %get3A_1083] {strides = array<i32>} : memref<4x112x64xf32, #tpu.memory_space<vmem>>, vector<1x1x16xf32>,
        %get3A_1085 = vector.shape_cast %get3A_1084 : vector<1x1x16xf32> to vector<16xf32>
        %slice3A_1086 = vector.extract_strided_slice %bitcast_convert_type3A_897 {offsets = [10], sizes = [1], strides = [1]} : vector<16xf32> to vector<1xf32>
        %squeeze3A_1087 = vector.extract %slice3A_1086[0] : f32 from vector<1xf32>
        %mul3A_1088 = vector.broadcast %squeeze3A_1087 : f32 to vector<16xf32>
        %mul3A_1089 = arith.mulf %get3A_1085, %mul3A_1088 : vector<16xf32>
        %swap3A_1090 = arith.constant 0 : i32
        %swap3A_1091 = arith.index_cast %swap3A_1090 : i32 to index
        %swap3A_1092 = arith.index_cast %add3A_1045 : i32 to index
        %swap3A_1093 = arith.constant 32 : index
        %swap3A_1094 = tpu.vector_load %arg7[%swap3A_1091, %swap3A_1092, %swap3A_1093] {strides = array<i32>} : memref<4x112x64xf32, #tpu.memory_space<vmem>>, vector<1x1x16xf32>,
        %swap3A_1095 = vector.shape_cast %swap3A_1094 : vector<1x1x16xf32> to vector<16xf32>
        %swap3A_1096 = vector.shape_cast %mul3A_1089 : vector<16xf32> to vector<1x1x16xf32>
        tpu.vector_store %arg7[%swap3A_1091, %swap3A_1092, %swap3A_1093], %swap3A_1096 {strides = array<i32>} : memref<4x112x64xf32, #tpu.memory_space<vmem>>, vector<1x1x16xf32>,
        %get3A_1097 = arith.constant 0 : i32
        %get3A_1098 = arith.index_cast %get3A_1097 : i32 to index
        %get3A_1099 = arith.index_cast %add3A_1045 : i32 to index
        %get3A_1100 = arith.constant 48 : index
        %get3A_1101 = tpu.vector_load %arg7[%get3A_1098, %get3A_1099, %get3A_1100] {strides = array<i32>} : memref<4x112x64xf32, #tpu.memory_space<vmem>>, vector<1x1x16xf32>,
        %get3A_1102 = vector.shape_cast %get3A_1101 : vector<1x1x16xf32> to vector<16xf32>
        %slice3A_1103 = vector.extract_strided_slice %bitcast_convert_type3A_897 {offsets = [11], sizes = [1], strides = [1]} : vector<16xf32> to vector<1xf32>
        %squeeze3A_1104 = vector.extract %slice3A_1103[0] : f32 from vector<1xf32>
        %mul3A_1105 = vector.broadcast %squeeze3A_1104 : f32 to vector<16xf32>
        %mul3A_1106 = arith.mulf %get3A_1102, %mul3A_1105 : vector<16xf32>
        %swap3A_1107 = arith.constant 0 : i32
        %swap3A_1108 = arith.index_cast %swap3A_1107 : i32 to index
        %swap3A_1109 = arith.index_cast %add3A_1045 : i32 to index
        %swap3A_1110 = arith.constant 48 : index
        %swap3A_1111 = tpu.vector_load %arg7[%swap3A_1108, %swap3A_1109, %swap3A_1110] {strides = array<i32>} : memref<4x112x64xf32, #tpu.memory_space<vmem>>, vector<1x1x16xf32>,
        %swap3A_1112 = vector.shape_cast %swap3A_1111 : vector<1x1x16xf32> to vector<16xf32>
        %swap3A_1113 = vector.shape_cast %mul3A_1106 : vector<16xf32> to vector<1x1x16xf32>
        tpu.vector_store %arg7[%swap3A_1108, %swap3A_1109, %swap3A_1110], %swap3A_1113 {strides = array<i32>} : memref<4x112x64xf32, #tpu.memory_space<vmem>>, vector<1x1x16xf32>,
        %mul3A_1114 = arith.constant 4 : i32
        %mul3A_1115 = arith.muli %mul3A_1114, %scan3A_846 : i32
        %add3A_1116 = arith.constant 3 : i32
        %add3A_1117 = arith.addi %mul3A_1115, %add3A_1116 : i32
        %get3A_1118 = arith.constant 0 : i32
        %get3A_1119 = arith.index_cast %get3A_1118 : i32 to index
        %get3A_1120 = arith.index_cast %add3A_1117 : i32 to index
        %get3A_1121 = arith.constant 0 : index
        %get3A_1122 = tpu.vector_load %arg7[%get3A_1119, %get3A_1120, %get3A_1121] {strides = array<i32>} : memref<4x112x64xf32, #tpu.memory_space<vmem>>, vector<1x1x16xf32>,
        %get3A_1123 = vector.shape_cast %get3A_1122 : vector<1x1x16xf32> to vector<16xf32>
        %slice3A_1124 = vector.extract_strided_slice %bitcast_convert_type3A_897 {offsets = [12], sizes = [1], strides = [1]} : vector<16xf32> to vector<1xf32>
        %squeeze3A_1125 = vector.extract %slice3A_1124[0] : f32 from vector<1xf32>
        %mul3A_1126 = vector.broadcast %squeeze3A_1125 : f32 to vector<16xf32>
        %mul3A_1127 = arith.mulf %get3A_1123, %mul3A_1126 : vector<16xf32>
        %swap3A_1128 = arith.constant 0 : i32
        %swap3A_1129 = arith.index_cast %swap3A_1128 : i32 to index
        %swap3A_1130 = arith.index_cast %add3A_1117 : i32 to index
        %swap3A_1131 = arith.constant 0 : index
        %swap3A_1132 = tpu.vector_load %arg7[%swap3A_1129, %swap3A_1130, %swap3A_1131] {strides = array<i32>} : memref<4x112x64xf32, #tpu.memory_space<vmem>>, vector<1x1x16xf32>,
        %swap3A_1133 = vector.shape_cast %swap3A_1132 : vector<1x1x16xf32> to vector<16xf32>
        %swap3A_1134 = vector.shape_cast %mul3A_1127 : vector<16xf32> to vector<1x1x16xf32>
        tpu.vector_store %arg7[%swap3A_1129, %swap3A_1130, %swap3A_1131], %swap3A_1134 {strides = array<i32>} : memref<4x112x64xf32, #tpu.memory_space<vmem>>, vector<1x1x16xf32>,
        %get3A_1135 = arith.constant 0 : i32
        %get3A_1136 = arith.index_cast %get3A_1135 : i32 to index
        %get3A_1137 = arith.index_cast %add3A_1117 : i32 to index
        %get3A_1138 = arith.constant 16 : index
        %get3A_1139 = tpu.vector_load %arg7[%get3A_1136, %get3A_1137, %get3A_1138] {strides = array<i32>} : memref<4x112x64xf32, #tpu.memory_space<vmem>>, vector<1x1x16xf32>,
        %get3A_1140 = vector.shape_cast %get3A_1139 : vector<1x1x16xf32> to vector<16xf32>
        %slice3A_1141 = vector.extract_strided_slice %bitcast_convert_type3A_897 {offsets = [13], sizes = [1], strides = [1]} : vector<16xf32> to vector<1xf32>
        %squeeze3A_1142 = vector.extract %slice3A_1141[0] : f32 from vector<1xf32>
        %mul3A_1143 = vector.broadcast %squeeze3A_1142 : f32 to vector<16xf32>
        %mul3A_1144 = arith.mulf %get3A_1140, %mul3A_1143 : vector<16xf32>
        %swap3A_1145 = arith.constant 0 : i32
        %swap3A_1146 = arith.index_cast %swap3A_1145 : i32 to index
        %swap3A_1147 = arith.index_cast %add3A_1117 : i32 to index
        %swap3A_1148 = arith.constant 16 : index
        %swap3A_1149 = tpu.vector_load %arg7[%swap3A_1146, %swap3A_1147, %swap3A_1148] {strides = array<i32>} : memref<4x112x64xf32, #tpu.memory_space<vmem>>, vector<1x1x16xf32>,
        %swap3A_1150 = vector.shape_cast %swap3A_1149 : vector<1x1x16xf32> to vector<16xf32>
        %swap3A_1151 = vector.shape_cast %mul3A_1144 : vector<16xf32> to vector<1x1x16xf32>
        tpu.vector_store %arg7[%swap3A_1146, %swap3A_1147, %swap3A_1148], %swap3A_1151 {strides = array<i32>} : memref<4x112x64xf32, #tpu.memory_space<vmem>>, vector<1x1x16xf32>,
        %get3A_1152 = arith.constant 0 : i32
        %get3A_1153 = arith.index_cast %get3A_1152 : i32 to index
        %get3A_1154 = arith.index_cast %add3A_1117 : i32 to index
        %get3A_1155 = arith.constant 32 : index
        %get3A_1156 = tpu.vector_load %arg7[%get3A_1153, %get3A_1154, %get3A_1155] {strides = array<i32>} : memref<4x112x64xf32, #tpu.memory_space<vmem>>, vector<1x1x16xf32>,
        %get3A_1157 = vector.shape_cast %get3A_1156 : vector<1x1x16xf32> to vector<16xf32>
        %slice3A_1158 = vector.extract_strided_slice %bitcast_convert_type3A_897 {offsets = [14], sizes = [1], strides = [1]} : vector<16xf32> to vector<1xf32>
        %squeeze3A_1159 = vector.extract %slice3A_1158[0] : f32 from vector<1xf32>
        %mul3A_1160 = vector.broadcast %squeeze3A_1159 : f32 to vector<16xf32>
        %mul3A_1161 = arith.mulf %get3A_1157, %mul3A_1160 : vector<16xf32>
        %swap3A_1162 = arith.constant 0 : i32
        %swap3A_1163 = arith.index_cast %swap3A_1162 : i32 to index
        %swap3A_1164 = arith.index_cast %add3A_1117 : i32 to index
        %swap3A_1165 = arith.constant 32 : index
        %swap3A_1166 = tpu.vector_load %arg7[%swap3A_1163, %swap3A_1164, %swap3A_1165] {strides = array<i32>} : memref<4x112x64xf32, #tpu.memory_space<vmem>>, vector<1x1x16xf32>,
        %swap3A_1167 = vector.shape_cast %swap3A_1166 : vector<1x1x16xf32> to vector<16xf32>
        %swap3A_1168 = vector.shape_cast %mul3A_1161 : vector<16xf32> to vector<1x1x16xf32>
        tpu.vector_store %arg7[%swap3A_1163, %swap3A_1164, %swap3A_1165], %swap3A_1168 {strides = array<i32>} : memref<4x112x64xf32, #tpu.memory_space<vmem>>, vector<1x1x16xf32>,
        %get3A_1169 = arith.constant 0 : i32
        %get3A_1170 = arith.index_cast %get3A_1169 : i32 to index
        %get3A_1171 = arith.index_cast %add3A_1117 : i32 to index
        %get3A_1172 = arith.constant 48 : index
        %get3A_1173 = tpu.vector_load %arg7[%get3A_1170, %get3A_1171, %get3A_1172] {strides = array<i32>} : memref<4x112x64xf32, #tpu.memory_space<vmem>>, vector<1x1x16xf32>,
        %get3A_1174 = vector.shape_cast %get3A_1173 : vector<1x1x16xf32> to vector<16xf32>
        %slice3A_1175 = vector.extract_strided_slice %bitcast_convert_type3A_897 {offsets = [15], sizes = [1], strides = [1]} : vector<16xf32> to vector<1xf32>
        %squeeze3A_1176 = vector.extract %slice3A_1175[0] : f32 from vector<1xf32>
        %mul3A_1177 = vector.broadcast %squeeze3A_1176 : f32 to vector<16xf32>
        %mul3A_1178 = arith.mulf %get3A_1174, %mul3A_1177 : vector<16xf32>
        %swap3A_1179 = arith.constant 0 : i32
        %swap3A_1180 = arith.index_cast %swap3A_1179 : i32 to index
        %swap3A_1181 = arith.index_cast %add3A_1117 : i32 to index
        %swap3A_1182 = arith.constant 48 : index
        %swap3A_1183 = tpu.vector_load %arg7[%swap3A_1180, %swap3A_1181, %swap3A_1182] {strides = array<i32>} : memref<4x112x64xf32, #tpu.memory_space<vmem>>, vector<1x1x16xf32>,
        %swap3A_1184 = vector.shape_cast %swap3A_1183 : vector<1x1x16xf32> to vector<16xf32>
        %swap3A_1185 = vector.shape_cast %mul3A_1178 : vector<16xf32> to vector<1x1x16xf32>
        tpu.vector_store %arg7[%swap3A_1180, %swap3A_1181, %swap3A_1182], %swap3A_1185 {strides = array<i32>} : memref<4x112x64xf32, #tpu.memory_space<vmem>>, vector<1x1x16xf32>,
      }
      %scan3A_283 = arith.constant 28 : i32
      %dma_start3A_284 = arith.constant 0 : i32
      %dma_start3A_285 = arith.constant 0 : i32
      %dma_start3A_286 = arith.constant 1 : i32
      %dma_start3A_287 = arith.constant 0 : i32
      %dma_start3A_288 = arith.constant 0 : i32
      %dma_start3A_289 = arith.constant 0 : i32
      %dma_start3A_290 = tpu.memref_slice %arg7[%dma_start3A_284, %dma_start3A_288, %dma_start3A_289] : memref<4x112x64xf32, #tpu.memory_space<vmem>> -> memref<1x112x64xf32, #tpu.memory_space<vmem>>
      %dma_start3A_291 = tpu.memref_squeeze %dma_start3A_290 : memref<1x112x64xf32, #tpu.memory_space<vmem>> -> memref<112x64xf32, #tpu.memory_space<vmem>>
      %dma_start3A_292 = arith.constant 0 : i32
      %dma_start3A_293 = tpu.memref_slice %arg6[%dma_start3A_285, %dma_start3A_286, %dma_start3A_292] : memref<4x6x112xi32, #tpu.memory_space<vmem>> -> memref<1x1x112xi32, #tpu.memory_space<vmem>>
      %dma_start3A_294 = tpu.memref_squeeze %dma_start3A_293 : memref<1x1x112xi32, #tpu.memory_space<vmem>> -> memref<112xi32, #tpu.memory_space<vmem>>
      %dma_start3A_295 = arith.constant 0 : i32
      %dma_start3A_296 = arith.constant 0 : i32
      %dma_start3A_297 = tpu.memref_slice %arg8[%scan3A_180, %dma_start3A_295, %dma_start3A_296] : memref<2x10000x64xf32, #tpu.memory_space<vmem_shared>> -> memref<1x10000x64xf32, #tpu.memory_space<vmem_shared>>
      %dma_start3A_298 = tpu.memref_squeeze %dma_start3A_297 : memref<1x10000x64xf32, #tpu.memory_space<vmem_shared>> -> memref<10000x64xf32, #tpu.memory_space<vmem_shared>>
      %dma_start3A_299 = arith.constant 0 : i32
      %dma_start3A_300 = arith.constant 0 : i32
      %dma_start3A_301 = tpu.memref_slice %dma_start3A_298[%dma_start3A_299, %dma_start3A_300] : memref<10000x64xf32, #tpu.memory_space<vmem_shared>> -> memref<10000x64xf32, #tpu.memory_space<vmem_shared>>
      %dma_start3A_302 = tpu.memref_slice %arg10[%dma_start3A_287] : memref<4x!tpu.dma_semaphore, #tpu.memory_space<semaphore_mem>> -> memref<1x!tpu.dma_semaphore, #tpu.memory_space<semaphore_mem>>
      %dma_start3A_303 = tpu.memref_squeeze %dma_start3A_302 : memref<1x!tpu.dma_semaphore, #tpu.memory_space<semaphore_mem>> -> memref<!tpu.dma_semaphore, #tpu.memory_space<semaphore_mem>>
      tpu.enqueue_indirect_dma source(%dma_start3A_291 : memref<112x64xf32, #tpu.memory_space<vmem>>) target(%dma_start3A_301 : memref<10000x64xf32, #tpu.memory_space<vmem_shared>>) offsets(%dma_start3A_294 : memref<112xi32, #tpu.memory_space<vmem>>) semaphore(%dma_start3A_303 : memref<!tpu.dma_semaphore, #tpu.memory_space<semaphore_mem>>) {add = true}
      %add3A_304 = arith.constant 2 : i32
      %add3A_305 = arith.addi %add3A_246, %add3A_304 : i32
      %lt3A_306 = arith.constant 180 : i32
      %lt3A_307 = arith.cmpi slt, %add3A_305, %lt3A_306 : i32
      %convert_element_type3A_308 = arith.extui %lt3A_307 : i1 to i32
      %cond3A_309 = arith.constant 0 : i32
      %cond3A_310 = arith.cmpi ne, %convert_element_type3A_308, %cond3A_309 : i32
      scf.if %cond3A_310 {
        %add3A_518 = arith.constant 2 : i32
        %add3A_519 = arith.addi %add3A_246, %add3A_518 : i32
        %add3A_520 = arith.addi %mul3A_12, %add3A_519 : i32
        %dma_wait3A_521 = arith.constant 2 : i32
        %dma_wait3A_522 = arith.constant 2 : i32
        %dma_wait3A_523 = arith.constant 0 : i32
        %dma_wait3A_524 = arith.constant 0 : i32
        %dma_wait3A_525 = tpu.memref_slice %arg6[%dma_wait3A_521, %dma_wait3A_523, %dma_wait3A_524] : memref<4x6x112xi32, #tpu.memory_space<vmem>> -> memref<1x6x112xi32, #tpu.memory_space<vmem>>
        %dma_wait3A_526 = tpu.memref_squeeze %dma_wait3A_525 : memref<1x6x112xi32, #tpu.memory_space<vmem>> -> memref<6x112xi32, #tpu.memory_space<vmem>>
        %dma_wait3A_527 = arith.constant 0 : i32
        %dma_wait3A_528 = arith.constant 0 : i32
        %dma_wait3A_529 = arith.constant 0 : i32
        %dma_wait3A_530 = tpu.memref_slice %arg3[%arg0, %dma_wait3A_527, %dma_wait3A_528, %dma_wait3A_529] : memref<2x2880x6x112xi32, #tpu.memory_space<hbm>> -> memref<1x2880x6x112xi32, #tpu.memory_space<hbm>>
        %dma_wait3A_531 = tpu.memref_squeeze %dma_wait3A_530 : memref<1x2880x6x112xi32, #tpu.memory_space<hbm>> -> memref<2880x6x112xi32, #tpu.memory_space<hbm>>
        %dma_wait3A_532 = arith.constant 0 : i32
        %dma_wait3A_533 = arith.constant 0 : i32
        %dma_wait3A_534 = tpu.memref_slice %dma_wait3A_531[%add3A_520, %dma_wait3A_532, %dma_wait3A_533] : memref<2880x6x112xi32, #tpu.memory_space<hbm>> -> memref<1x6x112xi32, #tpu.memory_space<hbm>>
        %dma_wait3A_535 = tpu.memref_squeeze %dma_wait3A_534 : memref<1x6x112xi32, #tpu.memory_space<hbm>> -> memref<6x112xi32, #tpu.memory_space<hbm>>
        %dma_wait3A_536 = tpu.memref_slice %arg11[%dma_wait3A_522] : memref<4x!tpu.dma_semaphore, #tpu.memory_space<semaphore_mem>> -> memref<1x!tpu.dma_semaphore, #tpu.memory_space<semaphore_mem>>
        %dma_wait3A_537 = tpu.memref_squeeze %dma_wait3A_536 : memref<1x!tpu.dma_semaphore, #tpu.memory_space<semaphore_mem>> -> memref<!tpu.dma_semaphore, #tpu.memory_space<semaphore_mem>>
        %dma_wait3A_538 = arith.constant 0 : i32
        %dma_wait3A_539 = arith.constant 0 : i32
        %dma_wait3A_540 = tpu.memref_slice %arg6[%dma_wait3A_521, %dma_wait3A_538, %dma_wait3A_539] : memref<4x6x112xi32, #tpu.memory_space<vmem>> -> memref<1x6x112xi32, #tpu.memory_space<vmem>>
        %dma_wait3A_541 = tpu.memref_squeeze %dma_wait3A_540 : memref<1x6x112xi32, #tpu.memory_space<vmem>> -> memref<6x112xi32, #tpu.memory_space<vmem>>
        %dma_wait3A_542 = arith.constant 0 : i32
        %dma_wait3A_543 = arith.constant 0 : i32
        %dma_wait3A_544 = arith.constant 0 : i32
        %dma_wait3A_545 = tpu.memref_slice %arg3[%arg0, %dma_wait3A_542, %dma_wait3A_543, %dma_wait3A_544] : memref<2x2880x6x112xi32, #tpu.memory_space<hbm>> -> memref<1x2880x6x112xi32, #tpu.memory_space<hbm>>
        %dma_wait3A_546 = tpu.memref_squeeze %dma_wait3A_545 : memref<1x2880x6x112xi32, #tpu.memory_space<hbm>> -> memref<2880x6x112xi32, #tpu.memory_space<hbm>>
        %dma_wait3A_547 = arith.constant 0 : i32
        %dma_wait3A_548 = arith.constant 0 : i32
        %dma_wait3A_549 = tpu.memref_slice %dma_wait3A_546[%add3A_520, %dma_wait3A_547, %dma_wait3A_548] : memref<2880x6x112xi32, #tpu.memory_space<hbm>> -> memref<1x6x112xi32, #tpu.memory_space<hbm>>
        %dma_wait3A_550 = tpu.memref_squeeze %dma_wait3A_549 : memref<1x6x112xi32, #tpu.memory_space<hbm>> -> memref<6x112xi32, #tpu.memory_space<hbm>>
        tpu.wait_dma2 semaphore(%dma_wait3A_537 : memref<!tpu.dma_semaphore, #tpu.memory_space<semaphore_mem>>) src(%dma_wait3A_550 : memref<6x112xi32, #tpu.memory_space<hbm>>) dst(%dma_wait3A_541 : memref<6x112xi32, #tpu.memory_space<vmem>>)
        %dma_start3A_551 = arith.constant 2 : i32
        %dma_start3A_552 = arith.constant 0 : i32
        %dma_start3A_553 = arith.constant 2 : i32
        %dma_start3A_554 = arith.constant 2 : i32
        %dma_start3A_555 = arith.constant 0 : i32
        %dma_start3A_556 = arith.constant 0 : i32
        %dma_start3A_557 = tpu.memref_slice %arg7[%dma_start3A_553, %dma_start3A_555, %dma_start3A_556] : memref<4x112x64xf32, #tpu.memory_space<vmem>> -> memref<1x112x64xf32, #tpu.memory_space<vmem>>
        %dma_start3A_558 = tpu.memref_squeeze %dma_start3A_557 : memref<1x112x64xf32, #tpu.memory_space<vmem>> -> memref<112x64xf32, #tpu.memory_space<vmem>>
        %dma_start3A_559 = arith.constant 0 : i32
        %dma_start3A_560 = tpu.memref_slice %arg6[%dma_start3A_551, %dma_start3A_552, %dma_start3A_559] : memref<4x6x112xi32, #tpu.memory_space<vmem>> -> memref<1x1x112xi32, #tpu.memory_space<vmem>>
        %dma_start3A_561 = tpu.memref_squeeze %dma_start3A_560 : memref<1x1x112xi32, #tpu.memory_space<vmem>> -> memref<112xi32, #tpu.memory_space<vmem>>
        %dma_start3A_562 = arith.constant 0 : i32
        %dma_start3A_563 = arith.constant 0 : i32
        %dma_start3A_564 = tpu.memref_slice %arg8[%scan3A_181, %dma_start3A_562, %dma_start3A_563] : memref<2x10000x64xf32, #tpu.memory_space<vmem_shared>> -> memref<1x10000x64xf32, #tpu.memory_space<vmem_shared>>
        %dma_start3A_565 = tpu.memref_squeeze %dma_start3A_564 : memref<1x10000x64xf32, #tpu.memory_space<vmem_shared>> -> memref<10000x64xf32, #tpu.memory_space<vmem_shared>>
        %dma_start3A_566 = arith.constant 0 : i32
        %dma_start3A_567 = arith.constant 0 : i32
        %dma_start3A_568 = tpu.memref_slice %dma_start3A_565[%dma_start3A_566, %dma_start3A_567] : memref<10000x64xf32, #tpu.memory_space<vmem_shared>> -> memref<10000x64xf32, #tpu.memory_space<vmem_shared>>
        %dma_start3A_569 = tpu.memref_slice %arg9[%dma_start3A_554] : memref<4x!tpu.dma_semaphore, #tpu.memory_space<semaphore_mem>> -> memref<1x!tpu.dma_semaphore, #tpu.memory_space<semaphore_mem>>
        %dma_start3A_570 = tpu.memref_squeeze %dma_start3A_569 : memref<1x!tpu.dma_semaphore, #tpu.memory_space<semaphore_mem>> -> memref<!tpu.dma_semaphore, #tpu.memory_space<semaphore_mem>>
        tpu.enqueue_indirect_dma source(%dma_start3A_568 : memref<10000x64xf32, #tpu.memory_space<vmem_shared>>) target(%dma_start3A_558 : memref<112x64xf32, #tpu.memory_space<vmem>>) offsets(%dma_start3A_561 : memref<112xi32, #tpu.memory_space<vmem>>) semaphore(%dma_start3A_570 : memref<!tpu.dma_semaphore, #tpu.memory_space<semaphore_mem>>)
      } else {
      }
      %mul3A_311 = arith.constant 4 : i32
      %mul3A_312 = arith.muli %mul3A_311, %scan3A_242 : i32
      %add3A_313 = arith.constant 1 : i32
      %add3A_314 = arith.addi %mul3A_312, %add3A_313 : i32
      %ge3A_315 = arith.constant 2 : i32
      %ge3A_316 = arith.cmpi sge, %add3A_314, %ge3A_315 : i32
      %convert_element_type3A_317 = arith.extui %ge3A_316 : i1 to i32
      %cond3A_318 = arith.constant 0 : i32
      %cond3A_319 = arith.cmpi ne, %convert_element_type3A_317, %cond3A_318 : i32
      scf.if %cond3A_319 {
        %dma_wait3A_518 = arith.constant 3 : i32
        %dma_wait3A_519 = arith.constant 3 : i32
        %dma_wait3A_520 = arith.constant 1 : i32
        %dma_wait3A_521 = arith.constant 3 : i32
        %dma_wait3A_522 = arith.constant 0 : i32
        %dma_wait3A_523 = arith.constant 0 : i32
        %dma_wait3A_524 = tpu.memref_slice %arg7[%dma_wait3A_518, %dma_wait3A_522, %dma_wait3A_523] : memref<4x112x64xf32, #tpu.memory_space<vmem>> -> memref<1x112x64xf32, #tpu.memory_space<vmem>>
        %dma_wait3A_525 = tpu.memref_squeeze %dma_wait3A_524 : memref<1x112x64xf32, #tpu.memory_space<vmem>> -> memref<112x64xf32, #tpu.memory_space<vmem>>
        %dma_wait3A_526 = arith.constant 0 : i32
        %dma_wait3A_527 = tpu.memref_slice %arg6[%dma_wait3A_519, %dma_wait3A_520, %dma_wait3A_526] : memref<4x6x112xi32, #tpu.memory_space<vmem>> -> memref<1x1x112xi32, #tpu.memory_space<vmem>>
        %dma_wait3A_528 = tpu.memref_squeeze %dma_wait3A_527 : memref<1x1x112xi32, #tpu.memory_space<vmem>> -> memref<112xi32, #tpu.memory_space<vmem>>
        %dma_wait3A_529 = arith.constant 0 : i32
        %dma_wait3A_530 = arith.constant 0 : i32
        %dma_wait3A_531 = tpu.memref_slice %arg8[%scan3A_180, %dma_wait3A_529, %dma_wait3A_530] : memref<2x10000x64xf32, #tpu.memory_space<vmem_shared>> -> memref<1x10000x64xf32, #tpu.memory_space<vmem_shared>>
        %dma_wait3A_532 = tpu.memref_squeeze %dma_wait3A_531 : memref<1x10000x64xf32, #tpu.memory_space<vmem_shared>> -> memref<10000x64xf32, #tpu.memory_space<vmem_shared>>
        %dma_wait3A_533 = arith.constant 0 : i32
        %dma_wait3A_534 = arith.constant 0 : i32
        %dma_wait3A_535 = tpu.memref_slice %dma_wait3A_532[%dma_wait3A_533, %dma_wait3A_534] : memref<10000x64xf32, #tpu.memory_space<vmem_shared>> -> memref<10000x64xf32, #tpu.memory_space<vmem_shared>>
        %dma_wait3A_536 = tpu.memref_slice %arg10[%dma_wait3A_521] : memref<4x!tpu.dma_semaphore, #tpu.memory_space<semaphore_mem>> -> memref<1x!tpu.dma_semaphore, #tpu.memory_space<semaphore_mem>>
        %dma_wait3A_537 = tpu.memref_squeeze %dma_wait3A_536 : memref<1x!tpu.dma_semaphore, #tpu.memory_space<semaphore_mem>> -> memref<!tpu.dma_semaphore, #tpu.memory_space<semaphore_mem>>
        tpu.wait_indirect_dma semaphore(%dma_wait3A_537 : memref<!tpu.dma_semaphore, #tpu.memory_space<semaphore_mem>>) src(%dma_wait3A_525 : memref<112x64xf32, #tpu.memory_space<vmem>>) dst(%dma_wait3A_535 : memref<10000x64xf32, #tpu.memory_space<vmem_shared>>)
      } else {
      }
      %add3A_320 = arith.constant 2 : i32
      %add3A_321 = arith.addi %add3A_314, %add3A_320 : i32
      %lt3A_322 = arith.constant 180 : i32
      %lt3A_323 = arith.cmpi slt, %add3A_321, %lt3A_322 : i32
      %convert_element_type3A_324 = arith.extui %lt3A_323 : i1 to i32
      %cond3A_325 = arith.constant 0 : i32
      %cond3A_326 = arith.cmpi ne, %convert_element_type3A_324, %cond3A_325 : i32
      scf.if %cond3A_326 {
        %add3A_518 = arith.constant 2 : i32
        %add3A_519 = arith.addi %add3A_314, %add3A_518 : i32
        %add3A_520 = arith.addi %mul3A_12, %add3A_519 : i32
        %dma_start3A_521 = arith.constant 3 : i32
        %dma_start3A_522 = arith.constant 3 : i32
        %dma_start3A_523 = arith.constant 0 : i32
        %dma_start3A_524 = arith.constant 0 : i32
        %dma_start3A_525 = tpu.memref_slice %arg6[%dma_start3A_521, %dma_start3A_523, %dma_start3A_524] : memref<4x6x112xi32, #tpu.memory_space<vmem>> -> memref<1x6x112xi32, #tpu.memory_space<vmem>>
        %dma_start3A_526 = tpu.memref_squeeze %dma_start3A_525 : memref<1x6x112xi32, #tpu.memory_space<vmem>> -> memref<6x112xi32, #tpu.memory_space<vmem>>
        %dma_start3A_527 = arith.constant 0 : i32
        %dma_start3A_528 = arith.constant 0 : i32
        %dma_start3A_529 = arith.constant 0 : i32
        %dma_start3A_530 = tpu.memref_slice %arg3[%arg0, %dma_start3A_527, %dma_start3A_528, %dma_start3A_529] : memref<2x2880x6x112xi32, #tpu.memory_space<hbm>> -> memref<1x2880x6x112xi32, #tpu.memory_space<hbm>>
        %dma_start3A_531 = tpu.memref_squeeze %dma_start3A_530 : memref<1x2880x6x112xi32, #tpu.memory_space<hbm>> -> memref<2880x6x112xi32, #tpu.memory_space<hbm>>
        %dma_start3A_532 = arith.constant 0 : i32
        %dma_start3A_533 = arith.constant 0 : i32
        %dma_start3A_534 = tpu.memref_slice %dma_start3A_531[%add3A_520, %dma_start3A_532, %dma_start3A_533] : memref<2880x6x112xi32, #tpu.memory_space<hbm>> -> memref<1x6x112xi32, #tpu.memory_space<hbm>>
        %dma_start3A_535 = tpu.memref_squeeze %dma_start3A_534 : memref<1x6x112xi32, #tpu.memory_space<hbm>> -> memref<6x112xi32, #tpu.memory_space<hbm>>
        %dma_start3A_536 = tpu.memref_slice %arg11[%dma_start3A_522] : memref<4x!tpu.dma_semaphore, #tpu.memory_space<semaphore_mem>> -> memref<1x!tpu.dma_semaphore, #tpu.memory_space<semaphore_mem>>
        %dma_start3A_537 = tpu.memref_squeeze %dma_start3A_536 : memref<1x!tpu.dma_semaphore, #tpu.memory_space<semaphore_mem>> -> memref<!tpu.dma_semaphore, #tpu.memory_space<semaphore_mem>>
        %dma_start3A_538 = arith.constant 0 : i32
        %dma_start3A_539 = arith.constant 0 : i32
        %dma_start3A_540 = tpu.memref_slice %arg6[%dma_start3A_521, %dma_start3A_538, %dma_start3A_539] : memref<4x6x112xi32, #tpu.memory_space<vmem>> -> memref<1x6x112xi32, #tpu.memory_space<vmem>>
        %dma_start3A_541 = tpu.memref_squeeze %dma_start3A_540 : memref<1x6x112xi32, #tpu.memory_space<vmem>> -> memref<6x112xi32, #tpu.memory_space<vmem>>
        %dma_start3A_542 = arith.constant 0 : i32
        %dma_start3A_543 = arith.constant 0 : i32
        %dma_start3A_544 = arith.constant 0 : i32
        %dma_start3A_545 = tpu.memref_slice %arg3[%arg0, %dma_start3A_542, %dma_start3A_543, %dma_start3A_544] : memref<2x2880x6x112xi32, #tpu.memory_space<hbm>> -> memref<1x2880x6x112xi32, #tpu.memory_space<hbm>>
        %dma_start3A_546 = tpu.memref_squeeze %dma_start3A_545 : memref<1x2880x6x112xi32, #tpu.memory_space<hbm>> -> memref<2880x6x112xi32, #tpu.memory_space<hbm>>
        %dma_start3A_547 = arith.constant 0 : i32
        %dma_start3A_548 = arith.constant 0 : i32
        %dma_start3A_549 = tpu.memref_slice %dma_start3A_546[%add3A_520, %dma_start3A_547, %dma_start3A_548] : memref<2880x6x112xi32, #tpu.memory_space<hbm>> -> memref<1x6x112xi32, #tpu.memory_space<hbm>>
        %dma_start3A_550 = tpu.memref_squeeze %dma_start3A_549 : memref<1x6x112xi32, #tpu.memory_space<hbm>> -> memref<6x112xi32, #tpu.memory_space<hbm>>
        tpu.enqueue_dma source(%dma_start3A_550 : memref<6x112xi32, #tpu.memory_space<hbm>>) target(%dma_start3A_541 : memref<6x112xi32, #tpu.memory_space<vmem>>) target_semaphore(%dma_start3A_537 : memref<!tpu.dma_semaphore, #tpu.memory_space<semaphore_mem>>)
      } else {
      }
      %dma_wait3A_327 = arith.constant 1 : i32
      %dma_wait3A_328 = arith.constant 0 : i32
      %dma_wait3A_329 = arith.constant 1 : i32
      %dma_wait3A_330 = arith.constant 1 : i32
      %dma_wait3A_331 = arith.constant 0 : i32
      %dma_wait3A_332 = arith.constant 0 : i32
      %dma_wait3A_333 = tpu.memref_slice %arg7[%dma_wait3A_329, %dma_wait3A_331, %dma_wait3A_332] : memref<4x112x64xf32, #tpu.memory_space<vmem>> -> memref<1x112x64xf32, #tpu.memory_space<vmem>>
      %dma_wait3A_334 = tpu.memref_squeeze %dma_wait3A_333 : memref<1x112x64xf32, #tpu.memory_space<vmem>> -> memref<112x64xf32, #tpu.memory_space<vmem>>
      %dma_wait3A_335 = arith.constant 0 : i32
      %dma_wait3A_336 = tpu.memref_slice %arg6[%dma_wait3A_327, %dma_wait3A_328, %dma_wait3A_335] : memref<4x6x112xi32, #tpu.memory_space<vmem>> -> memref<1x1x112xi32, #tpu.memory_space<vmem>>
      %dma_wait3A_337 = tpu.memref_squeeze %dma_wait3A_336 : memref<1x1x112xi32, #tpu.memory_space<vmem>> -> memref<112xi32, #tpu.memory_space<vmem>>
      %dma_wait3A_338 = arith.constant 0 : i32
      %dma_wait3A_339 = arith.constant 0 : i32
      %dma_wait3A_340 = tpu.memref_slice %arg8[%scan3A_181, %dma_wait3A_338, %dma_wait3A_339] : memref<2x10000x64xf32, #tpu.memory_space<vmem_shared>> -> memref<1x10000x64xf32, #tpu.memory_space<vmem_shared>>
      %dma_wait3A_341 = tpu.memref_squeeze %dma_wait3A_340 : memref<1x10000x64xf32, #tpu.memory_space<vmem_shared>> -> memref<10000x64xf32, #tpu.memory_space<vmem_shared>>
      %dma_wait3A_342 = arith.constant 0 : i32
      %dma_wait3A_343 = arith.constant 0 : i32
      %dma_wait3A_344 = tpu.memref_slice %dma_wait3A_341[%dma_wait3A_342, %dma_wait3A_343] : memref<10000x64xf32, #tpu.memory_space<vmem_shared>> -> memref<10000x64xf32, #tpu.memory_space<vmem_shared>>
      %dma_wait3A_345 = tpu.memref_slice %arg9[%dma_wait3A_330] : memref<4x!tpu.dma_semaphore, #tpu.memory_space<semaphore_mem>> -> memref<1x!tpu.dma_semaphore, #tpu.memory_space<semaphore_mem>>
      %dma_wait3A_346 = tpu.memref_squeeze %dma_wait3A_345 : memref<1x!tpu.dma_semaphore, #tpu.memory_space<semaphore_mem>> -> memref<!tpu.dma_semaphore, #tpu.memory_space<semaphore_mem>>
      tpu.wait_indirect_dma semaphore(%dma_wait3A_346 : memref<!tpu.dma_semaphore, #tpu.memory_space<semaphore_mem>>) src(%dma_wait3A_344 : memref<10000x64xf32, #tpu.memory_space<vmem_shared>>) dst(%dma_wait3A_334 : memref<112x64xf32, #tpu.memory_space<vmem>>)
      %scan3A_347 = arith.constant 0 : i32
      %scan3A_348 = arith.constant 0 : i32
      %scan3A_349 = arith.constant 28 : i32
      %scan3A_350 = arith.addi %scan3A_348, %scan3A_349 : i32
      %scan3A_351 = arith.constant 2 : i32
      scf.for %scan3A_518 = %scan3A_348 to %scan3A_350 step %scan3A_351  : i32 {
        %jit3A = arith.constant 7 : i32
        %div3A = arith.divsi %scan3A_518, %jit3A : i32
        %sign3A = arith.constant 0 : i32
        %sign3A_519 = arith.cmpi sgt, %scan3A_518, %sign3A : i32
        %sign3A_520 = arith.extui %sign3A_519 : i1 to i32
        %sign3A_521 = arith.constant 0 : i32
        %sign3A_522 = arith.cmpi slt, %scan3A_518, %sign3A_521 : i32
        %sign3A_523 = arith.extui %sign3A_522 : i1 to i32
        %sign3A_524 = arith.subi %sign3A_520, %sign3A_523 : i32
        %sign3A_525 = arith.constant 0 : i32
        %sign3A_526 = arith.cmpi sgt, %jit3A, %sign3A_525 : i32
        %sign3A_527 = arith.extui %sign3A_526 : i1 to i32
        %sign3A_528 = arith.constant 0 : i32
        %sign3A_529 = arith.cmpi slt, %jit3A, %sign3A_528 : i32
        %sign3A_530 = arith.extui %sign3A_529 : i1 to i32
        %sign3A_531 = arith.subi %sign3A_527, %sign3A_530 : i32
        %ne3A = arith.cmpi ne, %sign3A_524, %sign3A_531 : i32
        %rem3A = arith.remsi %scan3A_518, %jit3A : i32
        %ne3A_532 = arith.constant 0 : i32
        %ne3A_533 = arith.cmpi ne, %rem3A, %ne3A_532 : i32
        %and3A = arith.andi %ne3A, %ne3A_533 : i1
        %sub3A = arith.constant 1 : i32
        %sub3A_534 = arith.subi %div3A, %sub3A : i32
        %select_n3A = arith.select %and3A, %sub3A_534, %div3A : i32
        %add3A_535 = arith.constant 2 : i32
        %add3A_536 = arith.addi %add3A_535, %select_n3A : i32
        %jit3A_537 = arith.constant 7 : i32
        %eq3A_538 = arith.constant 0 : i32
        %eq3A_539 = arith.cmpi eq, %jit3A_537, %eq3A_538 : i32
        %jit3A_540 = arith.constant 1 : i32
        %select_n3A_541 = arith.select %eq3A_539, %jit3A_540, %jit3A_537 : i32
        %rem3A_542 = arith.remsi %scan3A_518, %select_n3A_541 : i32
        %ne3A_543 = arith.constant 0 : i32
        %ne3A_544 = arith.cmpi ne, %rem3A_542, %ne3A_543 : i32
        %lt3A_545 = arith.constant 0 : i32
        %lt3A_546 = arith.cmpi slt, %rem3A_542, %lt3A_545 : i32
        %lt3A_547 = arith.constant 0 : i32
        %lt3A_548 = arith.cmpi slt, %select_n3A_541, %lt3A_547 : i32
        %ne3A_549 = arith.xori %lt3A_546, %lt3A_548 : i1
        %and3A_550 = arith.andi %ne3A_549, %ne3A_544 : i1
        %add3A_551 = arith.addi %rem3A_542, %select_n3A_541 : i32
        %select_n3A_552 = arith.select %and3A_550, %add3A_551, %rem3A_542 : i32
        %mul3A_553 = arith.constant 16 : i32
        %mul3A_554 = arith.muli %mul3A_553, %select_n3A_552 : i32
        %get3A = arith.constant 1 : i32
        %get3A_555 = arith.index_cast %get3A : i32 to index
        %get3A_556 = arith.index_cast %add3A_536 : i32 to index
        %get3A_557 = arith.index_cast %mul3A_554 : i32 to index
        %get3A_558 = tpu.vector_load %arg6[%get3A_555, %get3A_556, %get3A_557] {strides = array<i32>} : memref<4x6x112xi32, #tpu.memory_space<vmem>>, vector<1x1x16xi32>,
        %get3A_559 = vector.shape_cast %get3A_558 : vector<1x1x16xi32> to vector<16xi32>
        %bitcast_convert_type3A = tpu.bitcast %get3A_559 : vector<16xi32> -> vector<16xf32>
        %mul3A_560 = arith.constant 4 : i32
        %mul3A_561 = arith.muli %mul3A_560, %scan3A_518 : i32
        %add3A_562 = arith.constant 0 : i32
        %add3A_563 = arith.addi %mul3A_561, %add3A_562 : i32
        %get3A_564 = arith.constant 1 : i32
        %get3A_565 = arith.index_cast %get3A_564 : i32 to index
        %get3A_566 = arith.index_cast %add3A_563 : i32 to index
        %get3A_567 = arith.constant 0 : index
        %get3A_568 = tpu.vector_load %arg7[%get3A_565, %get3A_566, %get3A_567] {strides = array<i32>} : memref<4x112x64xf32, #tpu.memory_space<vmem>>, vector<1x1x16xf32>,
        %get3A_569 = vector.shape_cast %get3A_568 : vector<1x1x16xf32> to vector<16xf32>
        %slice3A = vector.extract_strided_slice %bitcast_convert_type3A {offsets = [0], sizes = [1], strides = [1]} : vector<16xf32> to vector<1xf32>
        %squeeze3A = vector.extract %slice3A[0] : f32 from vector<1xf32>
        %mul3A_570 = vector.broadcast %squeeze3A : f32 to vector<16xf32>
        %mul3A_571 = arith.mulf %get3A_569, %mul3A_570 : vector<16xf32>
        %swap3A = arith.constant 1 : i32
        %swap3A_572 = arith.index_cast %swap3A : i32 to index
        %swap3A_573 = arith.index_cast %add3A_563 : i32 to index
        %swap3A_574 = arith.constant 0 : index
        %swap3A_575 = tpu.vector_load %arg7[%swap3A_572, %swap3A_573, %swap3A_574] {strides = array<i32>} : memref<4x112x64xf32, #tpu.memory_space<vmem>>, vector<1x1x16xf32>,
        %swap3A_576 = vector.shape_cast %swap3A_575 : vector<1x1x16xf32> to vector<16xf32>
        %swap3A_577 = vector.shape_cast %mul3A_571 : vector<16xf32> to vector<1x1x16xf32>
        tpu.vector_store %arg7[%swap3A_572, %swap3A_573, %swap3A_574], %swap3A_577 {strides = array<i32>} : memref<4x112x64xf32, #tpu.memory_space<vmem>>, vector<1x1x16xf32>,
        %get3A_578 = arith.constant 1 : i32
        %get3A_579 = arith.index_cast %get3A_578 : i32 to index
        %get3A_580 = arith.index_cast %add3A_563 : i32 to index
        %get3A_581 = arith.constant 16 : index
        %get3A_582 = tpu.vector_load %arg7[%get3A_579, %get3A_580, %get3A_581] {strides = array<i32>} : memref<4x112x64xf32, #tpu.memory_space<vmem>>, vector<1x1x16xf32>,
        %get3A_583 = vector.shape_cast %get3A_582 : vector<1x1x16xf32> to vector<16xf32>
        %slice3A_584 = vector.extract_strided_slice %bitcast_convert_type3A {offsets = [1], sizes = [1], strides = [1]} : vector<16xf32> to vector<1xf32>
        %squeeze3A_585 = vector.extract %slice3A_584[0] : f32 from vector<1xf32>
        %mul3A_586 = vector.broadcast %squeeze3A_585 : f32 to vector<16xf32>
        %mul3A_587 = arith.mulf %get3A_583, %mul3A_586 : vector<16xf32>
        %swap3A_588 = arith.constant 1 : i32
        %swap3A_589 = arith.index_cast %swap3A_588 : i32 to index
        %swap3A_590 = arith.index_cast %add3A_563 : i32 to index
        %swap3A_591 = arith.constant 16 : index
        %swap3A_592 = tpu.vector_load %arg7[%swap3A_589, %swap3A_590, %swap3A_591] {strides = array<i32>} : memref<4x112x64xf32, #tpu.memory_space<vmem>>, vector<1x1x16xf32>,
        %swap3A_593 = vector.shape_cast %swap3A_592 : vector<1x1x16xf32> to vector<16xf32>
        %swap3A_594 = vector.shape_cast %mul3A_587 : vector<16xf32> to vector<1x1x16xf32>
        tpu.vector_store %arg7[%swap3A_589, %swap3A_590, %swap3A_591], %swap3A_594 {strides = array<i32>} : memref<4x112x64xf32, #tpu.memory_space<vmem>>, vector<1x1x16xf32>,
        %get3A_595 = arith.constant 1 : i32
        %get3A_596 = arith.index_cast %get3A_595 : i32 to index
        %get3A_597 = arith.index_cast %add3A_563 : i32 to index
        %get3A_598 = arith.constant 32 : index
        %get3A_599 = tpu.vector_load %arg7[%get3A_596, %get3A_597, %get3A_598] {strides = array<i32>} : memref<4x112x64xf32, #tpu.memory_space<vmem>>, vector<1x1x16xf32>,
        %get3A_600 = vector.shape_cast %get3A_599 : vector<1x1x16xf32> to vector<16xf32>
        %slice3A_601 = vector.extract_strided_slice %bitcast_convert_type3A {offsets = [2], sizes = [1], strides = [1]} : vector<16xf32> to vector<1xf32>
        %squeeze3A_602 = vector.extract %slice3A_601[0] : f32 from vector<1xf32>
        %mul3A_603 = vector.broadcast %squeeze3A_602 : f32 to vector<16xf32>
        %mul3A_604 = arith.mulf %get3A_600, %mul3A_603 : vector<16xf32>
        %swap3A_605 = arith.constant 1 : i32
        %swap3A_606 = arith.index_cast %swap3A_605 : i32 to index
        %swap3A_607 = arith.index_cast %add3A_563 : i32 to index
        %swap3A_608 = arith.constant 32 : index
        %swap3A_609 = tpu.vector_load %arg7[%swap3A_606, %swap3A_607, %swap3A_608] {strides = array<i32>} : memref<4x112x64xf32, #tpu.memory_space<vmem>>, vector<1x1x16xf32>,
        %swap3A_610 = vector.shape_cast %swap3A_609 : vector<1x1x16xf32> to vector<16xf32>
        %swap3A_611 = vector.shape_cast %mul3A_604 : vector<16xf32> to vector<1x1x16xf32>
        tpu.vector_store %arg7[%swap3A_606, %swap3A_607, %swap3A_608], %swap3A_611 {strides = array<i32>} : memref<4x112x64xf32, #tpu.memory_space<vmem>>, vector<1x1x16xf32>,
        %get3A_612 = arith.constant 1 : i32
        %get3A_613 = arith.index_cast %get3A_612 : i32 to index
        %get3A_614 = arith.index_cast %add3A_563 : i32 to index
        %get3A_615 = arith.constant 48 : index
        %get3A_616 = tpu.vector_load %arg7[%get3A_613, %get3A_614, %get3A_615] {strides = array<i32>} : memref<4x112x64xf32, #tpu.memory_space<vmem>>, vector<1x1x16xf32>,
        %get3A_617 = vector.shape_cast %get3A_616 : vector<1x1x16xf32> to vector<16xf32>
        %slice3A_618 = vector.extract_strided_slice %bitcast_convert_type3A {offsets = [3], sizes = [1], strides = [1]} : vector<16xf32> to vector<1xf32>
        %squeeze3A_619 = vector.extract %slice3A_618[0] : f32 from vector<1xf32>
        %mul3A_620 = vector.broadcast %squeeze3A_619 : f32 to vector<16xf32>
        %mul3A_621 = arith.mulf %get3A_617, %mul3A_620 : vector<16xf32>
        %swap3A_622 = arith.constant 1 : i32
        %swap3A_623 = arith.index_cast %swap3A_622 : i32 to index
        %swap3A_624 = arith.index_cast %add3A_563 : i32 to index
        %swap3A_625 = arith.constant 48 : index
        %swap3A_626 = tpu.vector_load %arg7[%swap3A_623, %swap3A_624, %swap3A_625] {strides = array<i32>} : memref<4x112x64xf32, #tpu.memory_space<vmem>>, vector<1x1x16xf32>,
        %swap3A_627 = vector.shape_cast %swap3A_626 : vector<1x1x16xf32> to vector<16xf32>
        %swap3A_628 = vector.shape_cast %mul3A_621 : vector<16xf32> to vector<1x1x16xf32>
        tpu.vector_store %arg7[%swap3A_623, %swap3A_624, %swap3A_625], %swap3A_628 {strides = array<i32>} : memref<4x112x64xf32, #tpu.memory_space<vmem>>, vector<1x1x16xf32>,
        %mul3A_629 = arith.constant 4 : i32
        %mul3A_630 = arith.muli %mul3A_629, %scan3A_518 : i32
        %add3A_631 = arith.constant 1 : i32
        %add3A_632 = arith.addi %mul3A_630, %add3A_631 : i32
        %get3A_633 = arith.constant 1 : i32
        %get3A_634 = arith.index_cast %get3A_633 : i32 to index
        %get3A_635 = arith.index_cast %add3A_632 : i32 to index
        %get3A_636 = arith.constant 0 : index
        %get3A_637 = tpu.vector_load %arg7[%get3A_634, %get3A_635, %get3A_636] {strides = array<i32>} : memref<4x112x64xf32, #tpu.memory_space<vmem>>, vector<1x1x16xf32>,
        %get3A_638 = vector.shape_cast %get3A_637 : vector<1x1x16xf32> to vector<16xf32>
        %slice3A_639 = vector.extract_strided_slice %bitcast_convert_type3A {offsets = [4], sizes = [1], strides = [1]} : vector<16xf32> to vector<1xf32>
        %squeeze3A_640 = vector.extract %slice3A_639[0] : f32 from vector<1xf32>
        %mul3A_641 = vector.broadcast %squeeze3A_640 : f32 to vector<16xf32>
        %mul3A_642 = arith.mulf %get3A_638, %mul3A_641 : vector<16xf32>
        %swap3A_643 = arith.constant 1 : i32
        %swap3A_644 = arith.index_cast %swap3A_643 : i32 to index
        %swap3A_645 = arith.index_cast %add3A_632 : i32 to index
        %swap3A_646 = arith.constant 0 : index
        %swap3A_647 = tpu.vector_load %arg7[%swap3A_644, %swap3A_645, %swap3A_646] {strides = array<i32>} : memref<4x112x64xf32, #tpu.memory_space<vmem>>, vector<1x1x16xf32>,
        %swap3A_648 = vector.shape_cast %swap3A_647 : vector<1x1x16xf32> to vector<16xf32>
        %swap3A_649 = vector.shape_cast %mul3A_642 : vector<16xf32> to vector<1x1x16xf32>
        tpu.vector_store %arg7[%swap3A_644, %swap3A_645, %swap3A_646], %swap3A_649 {strides = array<i32>} : memref<4x112x64xf32, #tpu.memory_space<vmem>>, vector<1x1x16xf32>,
        %get3A_650 = arith.constant 1 : i32
        %get3A_651 = arith.index_cast %get3A_650 : i32 to index
        %get3A_652 = arith.index_cast %add3A_632 : i32 to index
        %get3A_653 = arith.constant 16 : index
        %get3A_654 = tpu.vector_load %arg7[%get3A_651, %get3A_652, %get3A_653] {strides = array<i32>} : memref<4x112x64xf32, #tpu.memory_space<vmem>>, vector<1x1x16xf32>,
        %get3A_655 = vector.shape_cast %get3A_654 : vector<1x1x16xf32> to vector<16xf32>
        %slice3A_656 = vector.extract_strided_slice %bitcast_convert_type3A {offsets = [5], sizes = [1], strides = [1]} : vector<16xf32> to vector<1xf32>
        %squeeze3A_657 = vector.extract %slice3A_656[0] : f32 from vector<1xf32>
        %mul3A_658 = vector.broadcast %squeeze3A_657 : f32 to vector<16xf32>
        %mul3A_659 = arith.mulf %get3A_655, %mul3A_658 : vector<16xf32>
        %swap3A_660 = arith.constant 1 : i32
        %swap3A_661 = arith.index_cast %swap3A_660 : i32 to index
        %swap3A_662 = arith.index_cast %add3A_632 : i32 to index
        %swap3A_663 = arith.constant 16 : index
        %swap3A_664 = tpu.vector_load %arg7[%swap3A_661, %swap3A_662, %swap3A_663] {strides = array<i32>} : memref<4x112x64xf32, #tpu.memory_space<vmem>>, vector<1x1x16xf32>,
        %swap3A_665 = vector.shape_cast %swap3A_664 : vector<1x1x16xf32> to vector<16xf32>
        %swap3A_666 = vector.shape_cast %mul3A_659 : vector<16xf32> to vector<1x1x16xf32>
        tpu.vector_store %arg7[%swap3A_661, %swap3A_662, %swap3A_663], %swap3A_666 {strides = array<i32>} : memref<4x112x64xf32, #tpu.memory_space<vmem>>, vector<1x1x16xf32>,
        %get3A_667 = arith.constant 1 : i32
        %get3A_668 = arith.index_cast %get3A_667 : i32 to index
        %get3A_669 = arith.index_cast %add3A_632 : i32 to index
        %get3A_670 = arith.constant 32 : index
        %get3A_671 = tpu.vector_load %arg7[%get3A_668, %get3A_669, %get3A_670] {strides = array<i32>} : memref<4x112x64xf32, #tpu.memory_space<vmem>>, vector<1x1x16xf32>,
        %get3A_672 = vector.shape_cast %get3A_671 : vector<1x1x16xf32> to vector<16xf32>
        %slice3A_673 = vector.extract_strided_slice %bitcast_convert_type3A {offsets = [6], sizes = [1], strides = [1]} : vector<16xf32> to vector<1xf32>
        %squeeze3A_674 = vector.extract %slice3A_673[0] : f32 from vector<1xf32>
        %mul3A_675 = vector.broadcast %squeeze3A_674 : f32 to vector<16xf32>
        %mul3A_676 = arith.mulf %get3A_672, %mul3A_675 : vector<16xf32>
        %swap3A_677 = arith.constant 1 : i32
        %swap3A_678 = arith.index_cast %swap3A_677 : i32 to index
        %swap3A_679 = arith.index_cast %add3A_632 : i32 to index
        %swap3A_680 = arith.constant 32 : index
        %swap3A_681 = tpu.vector_load %arg7[%swap3A_678, %swap3A_679, %swap3A_680] {strides = array<i32>} : memref<4x112x64xf32, #tpu.memory_space<vmem>>, vector<1x1x16xf32>,
        %swap3A_682 = vector.shape_cast %swap3A_681 : vector<1x1x16xf32> to vector<16xf32>
        %swap3A_683 = vector.shape_cast %mul3A_676 : vector<16xf32> to vector<1x1x16xf32>
        tpu.vector_store %arg7[%swap3A_678, %swap3A_679, %swap3A_680], %swap3A_683 {strides = array<i32>} : memref<4x112x64xf32, #tpu.memory_space<vmem>>, vector<1x1x16xf32>,
        %get3A_684 = arith.constant 1 : i32
        %get3A_685 = arith.index_cast %get3A_684 : i32 to index
        %get3A_686 = arith.index_cast %add3A_632 : i32 to index
        %get3A_687 = arith.constant 48 : index
        %get3A_688 = tpu.vector_load %arg7[%get3A_685, %get3A_686, %get3A_687] {strides = array<i32>} : memref<4x112x64xf32, #tpu.memory_space<vmem>>, vector<1x1x16xf32>,
        %get3A_689 = vector.shape_cast %get3A_688 : vector<1x1x16xf32> to vector<16xf32>
        %slice3A_690 = vector.extract_strided_slice %bitcast_convert_type3A {offsets = [7], sizes = [1], strides = [1]} : vector<16xf32> to vector<1xf32>
        %squeeze3A_691 = vector.extract %slice3A_690[0] : f32 from vector<1xf32>
        %mul3A_692 = vector.broadcast %squeeze3A_691 : f32 to vector<16xf32>
        %mul3A_693 = arith.mulf %get3A_689, %mul3A_692 : vector<16xf32>
        %swap3A_694 = arith.constant 1 : i32
        %swap3A_695 = arith.index_cast %swap3A_694 : i32 to index
        %swap3A_696 = arith.index_cast %add3A_632 : i32 to index
        %swap3A_697 = arith.constant 48 : index
        %swap3A_698 = tpu.vector_load %arg7[%swap3A_695, %swap3A_696, %swap3A_697] {strides = array<i32>} : memref<4x112x64xf32, #tpu.memory_space<vmem>>, vector<1x1x16xf32>,
        %swap3A_699 = vector.shape_cast %swap3A_698 : vector<1x1x16xf32> to vector<16xf32>
        %swap3A_700 = vector.shape_cast %mul3A_693 : vector<16xf32> to vector<1x1x16xf32>
        tpu.vector_store %arg7[%swap3A_695, %swap3A_696, %swap3A_697], %swap3A_700 {strides = array<i32>} : memref<4x112x64xf32, #tpu.memory_space<vmem>>, vector<1x1x16xf32>,
        %mul3A_701 = arith.constant 4 : i32
        %mul3A_702 = arith.muli %mul3A_701, %scan3A_518 : i32
        %add3A_703 = arith.constant 2 : i32
        %add3A_704 = arith.addi %mul3A_702, %add3A_703 : i32
        %get3A_705 = arith.constant 1 : i32
        %get3A_706 = arith.index_cast %get3A_705 : i32 to index
        %get3A_707 = arith.index_cast %add3A_704 : i32 to index
        %get3A_708 = arith.constant 0 : index
        %get3A_709 = tpu.vector_load %arg7[%get3A_706, %get3A_707, %get3A_708] {strides = array<i32>} : memref<4x112x64xf32, #tpu.memory_space<vmem>>, vector<1x1x16xf32>,
        %get3A_710 = vector.shape_cast %get3A_709 : vector<1x1x16xf32> to vector<16xf32>
        %slice3A_711 = vector.extract_strided_slice %bitcast_convert_type3A {offsets = [8], sizes = [1], strides = [1]} : vector<16xf32> to vector<1xf32>
        %squeeze3A_712 = vector.extract %slice3A_711[0] : f32 from vector<1xf32>
        %mul3A_713 = vector.broadcast %squeeze3A_712 : f32 to vector<16xf32>
        %mul3A_714 = arith.mulf %get3A_710, %mul3A_713 : vector<16xf32>
        %swap3A_715 = arith.constant 1 : i32
        %swap3A_716 = arith.index_cast %swap3A_715 : i32 to index
        %swap3A_717 = arith.index_cast %add3A_704 : i32 to index
        %swap3A_718 = arith.constant 0 : index
        %swap3A_719 = tpu.vector_load %arg7[%swap3A_716, %swap3A_717, %swap3A_718] {strides = array<i32>} : memref<4x112x64xf32, #tpu.memory_space<vmem>>, vector<1x1x16xf32>,
        %swap3A_720 = vector.shape_cast %swap3A_719 : vector<1x1x16xf32> to vector<16xf32>
        %swap3A_721 = vector.shape_cast %mul3A_714 : vector<16xf32> to vector<1x1x16xf32>
        tpu.vector_store %arg7[%swap3A_716, %swap3A_717, %swap3A_718], %swap3A_721 {strides = array<i32>} : memref<4x112x64xf32, #tpu.memory_space<vmem>>, vector<1x1x16xf32>,
        %get3A_722 = arith.constant 1 : i32
        %get3A_723 = arith.index_cast %get3A_722 : i32 to index
        %get3A_724 = arith.index_cast %add3A_704 : i32 to index
        %get3A_725 = arith.constant 16 : index
        %get3A_726 = tpu.vector_load %arg7[%get3A_723, %get3A_724, %get3A_725] {strides = array<i32>} : memref<4x112x64xf32, #tpu.memory_space<vmem>>, vector<1x1x16xf32>,
        %get3A_727 = vector.shape_cast %get3A_726 : vector<1x1x16xf32> to vector<16xf32>
        %slice3A_728 = vector.extract_strided_slice %bitcast_convert_type3A {offsets = [9], sizes = [1], strides = [1]} : vector<16xf32> to vector<1xf32>
        %squeeze3A_729 = vector.extract %slice3A_728[0] : f32 from vector<1xf32>
        %mul3A_730 = vector.broadcast %squeeze3A_729 : f32 to vector<16xf32>
        %mul3A_731 = arith.mulf %get3A_727, %mul3A_730 : vector<16xf32>
        %swap3A_732 = arith.constant 1 : i32
        %swap3A_733 = arith.index_cast %swap3A_732 : i32 to index
        %swap3A_734 = arith.index_cast %add3A_704 : i32 to index
        %swap3A_735 = arith.constant 16 : index
        %swap3A_736 = tpu.vector_load %arg7[%swap3A_733, %swap3A_734, %swap3A_735] {strides = array<i32>} : memref<4x112x64xf32, #tpu.memory_space<vmem>>, vector<1x1x16xf32>,
        %swap3A_737 = vector.shape_cast %swap3A_736 : vector<1x1x16xf32> to vector<16xf32>
        %swap3A_738 = vector.shape_cast %mul3A_731 : vector<16xf32> to vector<1x1x16xf32>
        tpu.vector_store %arg7[%swap3A_733, %swap3A_734, %swap3A_735], %swap3A_738 {strides = array<i32>} : memref<4x112x64xf32, #tpu.memory_space<vmem>>, vector<1x1x16xf32>,
        %get3A_739 = arith.constant 1 : i32
        %get3A_740 = arith.index_cast %get3A_739 : i32 to index
        %get3A_741 = arith.index_cast %add3A_704 : i32 to index
        %get3A_742 = arith.constant 32 : index
        %get3A_743 = tpu.vector_load %arg7[%get3A_740, %get3A_741, %get3A_742] {strides = array<i32>} : memref<4x112x64xf32, #tpu.memory_space<vmem>>, vector<1x1x16xf32>,
        %get3A_744 = vector.shape_cast %get3A_743 : vector<1x1x16xf32> to vector<16xf32>
        %slice3A_745 = vector.extract_strided_slice %bitcast_convert_type3A {offsets = [10], sizes = [1], strides = [1]} : vector<16xf32> to vector<1xf32>
        %squeeze3A_746 = vector.extract %slice3A_745[0] : f32 from vector<1xf32>
        %mul3A_747 = vector.broadcast %squeeze3A_746 : f32 to vector<16xf32>
        %mul3A_748 = arith.mulf %get3A_744, %mul3A_747 : vector<16xf32>
        %swap3A_749 = arith.constant 1 : i32
        %swap3A_750 = arith.index_cast %swap3A_749 : i32 to index
        %swap3A_751 = arith.index_cast %add3A_704 : i32 to index
        %swap3A_752 = arith.constant 32 : index
        %swap3A_753 = tpu.vector_load %arg7[%swap3A_750, %swap3A_751, %swap3A_752] {strides = array<i32>} : memref<4x112x64xf32, #tpu.memory_space<vmem>>, vector<1x1x16xf32>,
        %swap3A_754 = vector.shape_cast %swap3A_753 : vector<1x1x16xf32> to vector<16xf32>
        %swap3A_755 = vector.shape_cast %mul3A_748 : vector<16xf32> to vector<1x1x16xf32>
        tpu.vector_store %arg7[%swap3A_750, %swap3A_751, %swap3A_752], %swap3A_755 {strides = array<i32>} : memref<4x112x64xf32, #tpu.memory_space<vmem>>, vector<1x1x16xf32>,
        %get3A_756 = arith.constant 1 : i32
        %get3A_757 = arith.index_cast %get3A_756 : i32 to index
        %get3A_758 = arith.index_cast %add3A_704 : i32 to index
        %get3A_759 = arith.constant 48 : index
        %get3A_760 = tpu.vector_load %arg7[%get3A_757, %get3A_758, %get3A_759] {strides = array<i32>} : memref<4x112x64xf32, #tpu.memory_space<vmem>>, vector<1x1x16xf32>,
        %get3A_761 = vector.shape_cast %get3A_760 : vector<1x1x16xf32> to vector<16xf32>
        %slice3A_762 = vector.extract_strided_slice %bitcast_convert_type3A {offsets = [11], sizes = [1], strides = [1]} : vector<16xf32> to vector<1xf32>
        %squeeze3A_763 = vector.extract %slice3A_762[0] : f32 from vector<1xf32>
        %mul3A_764 = vector.broadcast %squeeze3A_763 : f32 to vector<16xf32>
        %mul3A_765 = arith.mulf %get3A_761, %mul3A_764 : vector<16xf32>
        %swap3A_766 = arith.constant 1 : i32
        %swap3A_767 = arith.index_cast %swap3A_766 : i32 to index
        %swap3A_768 = arith.index_cast %add3A_704 : i32 to index
        %swap3A_769 = arith.constant 48 : index
        %swap3A_770 = tpu.vector_load %arg7[%swap3A_767, %swap3A_768, %swap3A_769] {strides = array<i32>} : memref<4x112x64xf32, #tpu.memory_space<vmem>>, vector<1x1x16xf32>,
        %swap3A_771 = vector.shape_cast %swap3A_770 : vector<1x1x16xf32> to vector<16xf32>
        %swap3A_772 = vector.shape_cast %mul3A_765 : vector<16xf32> to vector<1x1x16xf32>
        tpu.vector_store %arg7[%swap3A_767, %swap3A_768, %swap3A_769], %swap3A_772 {strides = array<i32>} : memref<4x112x64xf32, #tpu.memory_space<vmem>>, vector<1x1x16xf32>,
        %mul3A_773 = arith.constant 4 : i32
        %mul3A_774 = arith.muli %mul3A_773, %scan3A_518 : i32
        %add3A_775 = arith.constant 3 : i32
        %add3A_776 = arith.addi %mul3A_774, %add3A_775 : i32
        %get3A_777 = arith.constant 1 : i32
        %get3A_778 = arith.index_cast %get3A_777 : i32 to index
        %get3A_779 = arith.index_cast %add3A_776 : i32 to index
        %get3A_780 = arith.constant 0 : index
        %get3A_781 = tpu.vector_load %arg7[%get3A_778, %get3A_779, %get3A_780] {strides = array<i32>} : memref<4x112x64xf32, #tpu.memory_space<vmem>>, vector<1x1x16xf32>,
        %get3A_782 = vector.shape_cast %get3A_781 : vector<1x1x16xf32> to vector<16xf32>
        %slice3A_783 = vector.extract_strided_slice %bitcast_convert_type3A {offsets = [12], sizes = [1], strides = [1]} : vector<16xf32> to vector<1xf32>
        %squeeze3A_784 = vector.extract %slice3A_783[0] : f32 from vector<1xf32>
        %mul3A_785 = vector.broadcast %squeeze3A_784 : f32 to vector<16xf32>
        %mul3A_786 = arith.mulf %get3A_782, %mul3A_785 : vector<16xf32>
        %swap3A_787 = arith.constant 1 : i32
        %swap3A_788 = arith.index_cast %swap3A_787 : i32 to index
        %swap3A_789 = arith.index_cast %add3A_776 : i32 to index
        %swap3A_790 = arith.constant 0 : index
        %swap3A_791 = tpu.vector_load %arg7[%swap3A_788, %swap3A_789, %swap3A_790] {strides = array<i32>} : memref<4x112x64xf32, #tpu.memory_space<vmem>>, vector<1x1x16xf32>,
        %swap3A_792 = vector.shape_cast %swap3A_791 : vector<1x1x16xf32> to vector<16xf32>
        %swap3A_793 = vector.shape_cast %mul3A_786 : vector<16xf32> to vector<1x1x16xf32>
        tpu.vector_store %arg7[%swap3A_788, %swap3A_789, %swap3A_790], %swap3A_793 {strides = array<i32>} : memref<4x112x64xf32, #tpu.memory_space<vmem>>, vector<1x1x16xf32>,
        %get3A_794 = arith.constant 1 : i32
        %get3A_795 = arith.index_cast %get3A_794 : i32 to index
        %get3A_796 = arith.index_cast %add3A_776 : i32 to index
        %get3A_797 = arith.constant 16 : index
        %get3A_798 = tpu.vector_load %arg7[%get3A_795, %get3A_796, %get3A_797] {strides = array<i32>} : memref<4x112x64xf32, #tpu.memory_space<vmem>>, vector<1x1x16xf32>,
        %get3A_799 = vector.shape_cast %get3A_798 : vector<1x1x16xf32> to vector<16xf32>
        %slice3A_800 = vector.extract_strided_slice %bitcast_convert_type3A {offsets = [13], sizes = [1], strides = [1]} : vector<16xf32> to vector<1xf32>
        %squeeze3A_801 = vector.extract %slice3A_800[0] : f32 from vector<1xf32>
        %mul3A_802 = vector.broadcast %squeeze3A_801 : f32 to vector<16xf32>
        %mul3A_803 = arith.mulf %get3A_799, %mul3A_802 : vector<16xf32>
        %swap3A_804 = arith.constant 1 : i32
        %swap3A_805 = arith.index_cast %swap3A_804 : i32 to index
        %swap3A_806 = arith.index_cast %add3A_776 : i32 to index
        %swap3A_807 = arith.constant 16 : index
        %swap3A_808 = tpu.vector_load %arg7[%swap3A_805, %swap3A_806, %swap3A_807] {strides = array<i32>} : memref<4x112x64xf32, #tpu.memory_space<vmem>>, vector<1x1x16xf32>,
        %swap3A_809 = vector.shape_cast %swap3A_808 : vector<1x1x16xf32> to vector<16xf32>
        %swap3A_810 = vector.shape_cast %mul3A_803 : vector<16xf32> to vector<1x1x16xf32>
        tpu.vector_store %arg7[%swap3A_805, %swap3A_806, %swap3A_807], %swap3A_810 {strides = array<i32>} : memref<4x112x64xf32, #tpu.memory_space<vmem>>, vector<1x1x16xf32>,
        %get3A_811 = arith.constant 1 : i32
        %get3A_812 = arith.index_cast %get3A_811 : i32 to index
        %get3A_813 = arith.index_cast %add3A_776 : i32 to index
        %get3A_814 = arith.constant 32 : index
        %get3A_815 = tpu.vector_load %arg7[%get3A_812, %get3A_813, %get3A_814] {strides = array<i32>} : memref<4x112x64xf32, #tpu.memory_space<vmem>>, vector<1x1x16xf32>,
        %get3A_816 = vector.shape_cast %get3A_815 : vector<1x1x16xf32> to vector<16xf32>
        %slice3A_817 = vector.extract_strided_slice %bitcast_convert_type3A {offsets = [14], sizes = [1], strides = [1]} : vector<16xf32> to vector<1xf32>
        %squeeze3A_818 = vector.extract %slice3A_817[0] : f32 from vector<1xf32>
        %mul3A_819 = vector.broadcast %squeeze3A_818 : f32 to vector<16xf32>
        %mul3A_820 = arith.mulf %get3A_816, %mul3A_819 : vector<16xf32>
        %swap3A_821 = arith.constant 1 : i32
        %swap3A_822 = arith.index_cast %swap3A_821 : i32 to index
        %swap3A_823 = arith.index_cast %add3A_776 : i32 to index
        %swap3A_824 = arith.constant 32 : index
        %swap3A_825 = tpu.vector_load %arg7[%swap3A_822, %swap3A_823, %swap3A_824] {strides = array<i32>} : memref<4x112x64xf32, #tpu.memory_space<vmem>>, vector<1x1x16xf32>,
        %swap3A_826 = vector.shape_cast %swap3A_825 : vector<1x1x16xf32> to vector<16xf32>
        %swap3A_827 = vector.shape_cast %mul3A_820 : vector<16xf32> to vector<1x1x16xf32>
        tpu.vector_store %arg7[%swap3A_822, %swap3A_823, %swap3A_824], %swap3A_827 {strides = array<i32>} : memref<4x112x64xf32, #tpu.memory_space<vmem>>, vector<1x1x16xf32>,
        %get3A_828 = arith.constant 1 : i32
        %get3A_829 = arith.index_cast %get3A_828 : i32 to index
        %get3A_830 = arith.index_cast %add3A_776 : i32 to index
        %get3A_831 = arith.constant 48 : index
        %get3A_832 = tpu.vector_load %arg7[%get3A_829, %get3A_830, %get3A_831] {strides = array<i32>} : memref<4x112x64xf32, #tpu.memory_space<vmem>>, vector<1x1x16xf32>,
        %get3A_833 = vector.shape_cast %get3A_832 : vector<1x1x16xf32> to vector<16xf32>
        %slice3A_834 = vector.extract_strided_slice %bitcast_convert_type3A {offsets = [15], sizes = [1], strides = [1]} : vector<16xf32> to vector<1xf32>
        %squeeze3A_835 = vector.extract %slice3A_834[0] : f32 from vector<1xf32>
        %mul3A_836 = vector.broadcast %squeeze3A_835 : f32 to vector<16xf32>
        %mul3A_837 = arith.mulf %get3A_833, %mul3A_836 : vector<16xf32>
        %swap3A_838 = arith.constant 1 : i32
        %swap3A_839 = arith.index_cast %swap3A_838 : i32 to index
        %swap3A_840 = arith.index_cast %add3A_776 : i32 to index
        %swap3A_841 = arith.constant 48 : index
        %swap3A_842 = tpu.vector_load %arg7[%swap3A_839, %swap3A_840, %swap3A_841] {strides = array<i32>} : memref<4x112x64xf32, #tpu.memory_space<vmem>>, vector<1x1x16xf32>,
        %swap3A_843 = vector.shape_cast %swap3A_842 : vector<1x1x16xf32> to vector<16xf32>
        %swap3A_844 = vector.shape_cast %mul3A_837 : vector<16xf32> to vector<1x1x16xf32>
        tpu.vector_store %arg7[%swap3A_839, %swap3A_840, %swap3A_841], %swap3A_844 {strides = array<i32>} : memref<4x112x64xf32, #tpu.memory_space<vmem>>, vector<1x1x16xf32>,
        %scan3A_845 = arith.constant 1 : i32
        %scan3A_846 = arith.addi %scan3A_518, %scan3A_845 : i32
        %jit3A_847 = arith.constant 7 : i32
        %div3A_848 = arith.divsi %scan3A_846, %jit3A_847 : i32
        %sign3A_849 = arith.constant 0 : i32
        %sign3A_850 = arith.cmpi sgt, %scan3A_846, %sign3A_849 : i32
        %sign3A_851 = arith.extui %sign3A_850 : i1 to i32
        %sign3A_852 = arith.constant 0 : i32
        %sign3A_853 = arith.cmpi slt, %scan3A_846, %sign3A_852 : i32
        %sign3A_854 = arith.extui %sign3A_853 : i1 to i32
        %sign3A_855 = arith.subi %sign3A_851, %sign3A_854 : i32
        %sign3A_856 = arith.constant 0 : i32
        %sign3A_857 = arith.cmpi sgt, %jit3A_847, %sign3A_856 : i32
        %sign3A_858 = arith.extui %sign3A_857 : i1 to i32
        %sign3A_859 = arith.constant 0 : i32
        %sign3A_860 = arith.cmpi slt, %jit3A_847, %sign3A_859 : i32
        %sign3A_861 = arith.extui %sign3A_860 : i1 to i32
        %sign3A_862 = arith.subi %sign3A_858, %sign3A_861 : i32
        %ne3A_863 = arith.cmpi ne, %sign3A_855, %sign3A_862 : i32
        %rem3A_864 = arith.remsi %scan3A_846, %jit3A_847 : i32
        %ne3A_865 = arith.constant 0 : i32
        %ne3A_866 = arith.cmpi ne, %rem3A_864, %ne3A_865 : i32
        %and3A_867 = arith.andi %ne3A_863, %ne3A_866 : i1
        %sub3A_868 = arith.constant 1 : i32
        %sub3A_869 = arith.subi %div3A_848, %sub3A_868 : i32
        %select_n3A_870 = arith.select %and3A_867, %sub3A_869, %div3A_848 : i32
        %add3A_871 = arith.constant 2 : i32
        %add3A_872 = arith.addi %add3A_871, %select_n3A_870 : i32
        %jit3A_873 = arith.constant 7 : i32
        %eq3A_874 = arith.constant 0 : i32
        %eq3A_875 = arith.cmpi eq, %jit3A_873, %eq3A_874 : i32
        %jit3A_876 = arith.constant 1 : i32
        %select_n3A_877 = arith.select %eq3A_875, %jit3A_876, %jit3A_873 : i32
        %rem3A_878 = arith.remsi %scan3A_846, %select_n3A_877 : i32
        %ne3A_879 = arith.constant 0 : i32
        %ne3A_880 = arith.cmpi ne, %rem3A_878, %ne3A_879 : i32
        %lt3A_881 = arith.constant 0 : i32
        %lt3A_882 = arith.cmpi slt, %rem3A_878, %lt3A_881 : i32
        %lt3A_883 = arith.constant 0 : i32
        %lt3A_884 = arith.cmpi slt, %select_n3A_877, %lt3A_883 : i32
        %ne3A_885 = arith.xori %lt3A_882, %lt3A_884 : i1
        %and3A_886 = arith.andi %ne3A_885, %ne3A_880 : i1
        %add3A_887 = arith.addi %rem3A_878, %select_n3A_877 : i32
        %select_n3A_888 = arith.select %and3A_886, %add3A_887, %rem3A_878 : i32
        %mul3A_889 = arith.constant 16 : i32
        %mul3A_890 = arith.muli %mul3A_889, %select_n3A_888 : i32
        %get3A_891 = arith.constant 1 : i32
        %get3A_892 = arith.index_cast %get3A_891 : i32 to index
        %get3A_893 = arith.index_cast %add3A_872 : i32 to index
        %get3A_894 = arith.index_cast %mul3A_890 : i32 to index
        %get3A_895 = tpu.vector_load %arg6[%get3A_892, %get3A_893, %get3A_894] {strides = array<i32>} : memref<4x6x112xi32, #tpu.memory_space<vmem>>, vector<1x1x16xi32>,
        %get3A_896 = vector.shape_cast %get3A_895 : vector<1x1x16xi32> to vector<16xi32>
        %bitcast_convert_type3A_897 = tpu.bitcast %get3A_896 : vector<16xi32> -> vector<16xf32>
        %mul3A_898 = arith.constant 4 : i32
        %mul3A_899 = arith.muli %mul3A_898, %scan3A_846 : i32
        %add3A_900 = arith.constant 0 : i32
        %add3A_901 = arith.addi %mul3A_899, %add3A_900 : i32
        %get3A_902 = arith.constant 1 : i32
        %get3A_903 = arith.index_cast %get3A_902 : i32 to index
        %get3A_904 = arith.index_cast %add3A_901 : i32 to index
        %get3A_905 = arith.constant 0 : index
        %get3A_906 = tpu.vector_load %arg7[%get3A_903, %get3A_904, %get3A_905] {strides = array<i32>} : memref<4x112x64xf32, #tpu.memory_space<vmem>>, vector<1x1x16xf32>,
        %get3A_907 = vector.shape_cast %get3A_906 : vector<1x1x16xf32> to vector<16xf32>
        %slice3A_908 = vector.extract_strided_slice %bitcast_convert_type3A_897 {offsets = [0], sizes = [1], strides = [1]} : vector<16xf32> to vector<1xf32>
        %squeeze3A_909 = vector.extract %slice3A_908[0] : f32 from vector<1xf32>
        %mul3A_910 = vector.broadcast %squeeze3A_909 : f32 to vector<16xf32>
        %mul3A_911 = arith.mulf %get3A_907, %mul3A_910 : vector<16xf32>
        %swap3A_912 = arith.constant 1 : i32
        %swap3A_913 = arith.index_cast %swap3A_912 : i32 to index
        %swap3A_914 = arith.index_cast %add3A_901 : i32 to index
        %swap3A_915 = arith.constant 0 : index
        %swap3A_916 = tpu.vector_load %arg7[%swap3A_913, %swap3A_914, %swap3A_915] {strides = array<i32>} : memref<4x112x64xf32, #tpu.memory_space<vmem>>, vector<1x1x16xf32>,
        %swap3A_917 = vector.shape_cast %swap3A_916 : vector<1x1x16xf32> to vector<16xf32>
        %swap3A_918 = vector.shape_cast %mul3A_911 : vector<16xf32> to vector<1x1x16xf32>
        tpu.vector_store %arg7[%swap3A_913, %swap3A_914, %swap3A_915], %swap3A_918 {strides = array<i32>} : memref<4x112x64xf32, #tpu.memory_space<vmem>>, vector<1x1x16xf32>,
        %get3A_919 = arith.constant 1 : i32
        %get3A_920 = arith.index_cast %get3A_919 : i32 to index
        %get3A_921 = arith.index_cast %add3A_901 : i32 to index
        %get3A_922 = arith.constant 16 : index
        %get3A_923 = tpu.vector_load %arg7[%get3A_920, %get3A_921, %get3A_922] {strides = array<i32>} : memref<4x112x64xf32, #tpu.memory_space<vmem>>, vector<1x1x16xf32>,
        %get3A_924 = vector.shape_cast %get3A_923 : vector<1x1x16xf32> to vector<16xf32>
        %slice3A_925 = vector.extract_strided_slice %bitcast_convert_type3A_897 {offsets = [1], sizes = [1], strides = [1]} : vector<16xf32> to vector<1xf32>
        %squeeze3A_926 = vector.extract %slice3A_925[0] : f32 from vector<1xf32>
        %mul3A_927 = vector.broadcast %squeeze3A_926 : f32 to vector<16xf32>
        %mul3A_928 = arith.mulf %get3A_924, %mul3A_927 : vector<16xf32>
        %swap3A_929 = arith.constant 1 : i32
        %swap3A_930 = arith.index_cast %swap3A_929 : i32 to index
        %swap3A_931 = arith.index_cast %add3A_901 : i32 to index
        %swap3A_932 = arith.constant 16 : index
        %swap3A_933 = tpu.vector_load %arg7[%swap3A_930, %swap3A_931, %swap3A_932] {strides = array<i32>} : memref<4x112x64xf32, #tpu.memory_space<vmem>>, vector<1x1x16xf32>,
        %swap3A_934 = vector.shape_cast %swap3A_933 : vector<1x1x16xf32> to vector<16xf32>
        %swap3A_935 = vector.shape_cast %mul3A_928 : vector<16xf32> to vector<1x1x16xf32>
        tpu.vector_store %arg7[%swap3A_930, %swap3A_931, %swap3A_932], %swap3A_935 {strides = array<i32>} : memref<4x112x64xf32, #tpu.memory_space<vmem>>, vector<1x1x16xf32>,
        %get3A_936 = arith.constant 1 : i32
        %get3A_937 = arith.index_cast %get3A_936 : i32 to index
        %get3A_938 = arith.index_cast %add3A_901 : i32 to index
        %get3A_939 = arith.constant 32 : index
        %get3A_940 = tpu.vector_load %arg7[%get3A_937, %get3A_938, %get3A_939] {strides = array<i32>} : memref<4x112x64xf32, #tpu.memory_space<vmem>>, vector<1x1x16xf32>,
        %get3A_941 = vector.shape_cast %get3A_940 : vector<1x1x16xf32> to vector<16xf32>
        %slice3A_942 = vector.extract_strided_slice %bitcast_convert_type3A_897 {offsets = [2], sizes = [1], strides = [1]} : vector<16xf32> to vector<1xf32>
        %squeeze3A_943 = vector.extract %slice3A_942[0] : f32 from vector<1xf32>
        %mul3A_944 = vector.broadcast %squeeze3A_943 : f32 to vector<16xf32>
        %mul3A_945 = arith.mulf %get3A_941, %mul3A_944 : vector<16xf32>
        %swap3A_946 = arith.constant 1 : i32
        %swap3A_947 = arith.index_cast %swap3A_946 : i32 to index
        %swap3A_948 = arith.index_cast %add3A_901 : i32 to index
        %swap3A_949 = arith.constant 32 : index
        %swap3A_950 = tpu.vector_load %arg7[%swap3A_947, %swap3A_948, %swap3A_949] {strides = array<i32>} : memref<4x112x64xf32, #tpu.memory_space<vmem>>, vector<1x1x16xf32>,
        %swap3A_951 = vector.shape_cast %swap3A_950 : vector<1x1x16xf32> to vector<16xf32>
        %swap3A_952 = vector.shape_cast %mul3A_945 : vector<16xf32> to vector<1x1x16xf32>
        tpu.vector_store %arg7[%swap3A_947, %swap3A_948, %swap3A_949], %swap3A_952 {strides = array<i32>} : memref<4x112x64xf32, #tpu.memory_space<vmem>>, vector<1x1x16xf32>,
        %get3A_953 = arith.constant 1 : i32
        %get3A_954 = arith.index_cast %get3A_953 : i32 to index
        %get3A_955 = arith.index_cast %add3A_901 : i32 to index
        %get3A_956 = arith.constant 48 : index
        %get3A_957 = tpu.vector_load %arg7[%get3A_954, %get3A_955, %get3A_956] {strides = array<i32>} : memref<4x112x64xf32, #tpu.memory_space<vmem>>, vector<1x1x16xf32>,
        %get3A_958 = vector.shape_cast %get3A_957 : vector<1x1x16xf32> to vector<16xf32>
        %slice3A_959 = vector.extract_strided_slice %bitcast_convert_type3A_897 {offsets = [3], sizes = [1], strides = [1]} : vector<16xf32> to vector<1xf32>
        %squeeze3A_960 = vector.extract %slice3A_959[0] : f32 from vector<1xf32>
        %mul3A_961 = vector.broadcast %squeeze3A_960 : f32 to vector<16xf32>
        %mul3A_962 = arith.mulf %get3A_958, %mul3A_961 : vector<16xf32>
        %swap3A_963 = arith.constant 1 : i32
        %swap3A_964 = arith.index_cast %swap3A_963 : i32 to index
        %swap3A_965 = arith.index_cast %add3A_901 : i32 to index
        %swap3A_966 = arith.constant 48 : index
        %swap3A_967 = tpu.vector_load %arg7[%swap3A_964, %swap3A_965, %swap3A_966] {strides = array<i32>} : memref<4x112x64xf32, #tpu.memory_space<vmem>>, vector<1x1x16xf32>,
        %swap3A_968 = vector.shape_cast %swap3A_967 : vector<1x1x16xf32> to vector<16xf32>
        %swap3A_969 = vector.shape_cast %mul3A_962 : vector<16xf32> to vector<1x1x16xf32>
        tpu.vector_store %arg7[%swap3A_964, %swap3A_965, %swap3A_966], %swap3A_969 {strides = array<i32>} : memref<4x112x64xf32, #tpu.memory_space<vmem>>, vector<1x1x16xf32>,
        %mul3A_970 = arith.constant 4 : i32
        %mul3A_971 = arith.muli %mul3A_970, %scan3A_846 : i32
        %add3A_972 = arith.constant 1 : i32
        %add3A_973 = arith.addi %mul3A_971, %add3A_972 : i32
        %get3A_974 = arith.constant 1 : i32
        %get3A_975 = arith.index_cast %get3A_974 : i32 to index
        %get3A_976 = arith.index_cast %add3A_973 : i32 to index
        %get3A_977 = arith.constant 0 : index
        %get3A_978 = tpu.vector_load %arg7[%get3A_975, %get3A_976, %get3A_977] {strides = array<i32>} : memref<4x112x64xf32, #tpu.memory_space<vmem>>, vector<1x1x16xf32>,
        %get3A_979 = vector.shape_cast %get3A_978 : vector<1x1x16xf32> to vector<16xf32>
        %slice3A_980 = vector.extract_strided_slice %bitcast_convert_type3A_897 {offsets = [4], sizes = [1], strides = [1]} : vector<16xf32> to vector<1xf32>
        %squeeze3A_981 = vector.extract %slice3A_980[0] : f32 from vector<1xf32>
        %mul3A_982 = vector.broadcast %squeeze3A_981 : f32 to vector<16xf32>
        %mul3A_983 = arith.mulf %get3A_979, %mul3A_982 : vector<16xf32>
        %swap3A_984 = arith.constant 1 : i32
        %swap3A_985 = arith.index_cast %swap3A_984 : i32 to index
        %swap3A_986 = arith.index_cast %add3A_973 : i32 to index
        %swap3A_987 = arith.constant 0 : index
        %swap3A_988 = tpu.vector_load %arg7[%swap3A_985, %swap3A_986, %swap3A_987] {strides = array<i32>} : memref<4x112x64xf32, #tpu.memory_space<vmem>>, vector<1x1x16xf32>,
        %swap3A_989 = vector.shape_cast %swap3A_988 : vector<1x1x16xf32> to vector<16xf32>
        %swap3A_990 = vector.shape_cast %mul3A_983 : vector<16xf32> to vector<1x1x16xf32>
        tpu.vector_store %arg7[%swap3A_985, %swap3A_986, %swap3A_987], %swap3A_990 {strides = array<i32>} : memref<4x112x64xf32, #tpu.memory_space<vmem>>, vector<1x1x16xf32>,
        %get3A_991 = arith.constant 1 : i32
        %get3A_992 = arith.index_cast %get3A_991 : i32 to index
        %get3A_993 = arith.index_cast %add3A_973 : i32 to index
        %get3A_994 = arith.constant 16 : index
        %get3A_995 = tpu.vector_load %arg7[%get3A_992, %get3A_993, %get3A_994] {strides = array<i32>} : memref<4x112x64xf32, #tpu.memory_space<vmem>>, vector<1x1x16xf32>,
        %get3A_996 = vector.shape_cast %get3A_995 : vector<1x1x16xf32> to vector<16xf32>
        %slice3A_997 = vector.extract_strided_slice %bitcast_convert_type3A_897 {offsets = [5], sizes = [1], strides = [1]} : vector<16xf32> to vector<1xf32>
        %squeeze3A_998 = vector.extract %slice3A_997[0] : f32 from vector<1xf32>
        %mul3A_999 = vector.broadcast %squeeze3A_998 : f32 to vector<16xf32>
        %mul3A_1000 = arith.mulf %get3A_996, %mul3A_999 : vector<16xf32>
        %swap3A_1001 = arith.constant 1 : i32
        %swap3A_1002 = arith.index_cast %swap3A_1001 : i32 to index
        %swap3A_1003 = arith.index_cast %add3A_973 : i32 to index
        %swap3A_1004 = arith.constant 16 : index
        %swap3A_1005 = tpu.vector_load %arg7[%swap3A_1002, %swap3A_1003, %swap3A_1004] {strides = array<i32>} : memref<4x112x64xf32, #tpu.memory_space<vmem>>, vector<1x1x16xf32>,
        %swap3A_1006 = vector.shape_cast %swap3A_1005 : vector<1x1x16xf32> to vector<16xf32>
        %swap3A_1007 = vector.shape_cast %mul3A_1000 : vector<16xf32> to vector<1x1x16xf32>
        tpu.vector_store %arg7[%swap3A_1002, %swap3A_1003, %swap3A_1004], %swap3A_1007 {strides = array<i32>} : memref<4x112x64xf32, #tpu.memory_space<vmem>>, vector<1x1x16xf32>,
        %get3A_1008 = arith.constant 1 : i32
        %get3A_1009 = arith.index_cast %get3A_1008 : i32 to index
        %get3A_1010 = arith.index_cast %add3A_973 : i32 to index
        %get3A_1011 = arith.constant 32 : index
        %get3A_1012 = tpu.vector_load %arg7[%get3A_1009, %get3A_1010, %get3A_1011] {strides = array<i32>} : memref<4x112x64xf32, #tpu.memory_space<vmem>>, vector<1x1x16xf32>,
        %get3A_1013 = vector.shape_cast %get3A_1012 : vector<1x1x16xf32> to vector<16xf32>
        %slice3A_1014 = vector.extract_strided_slice %bitcast_convert_type3A_897 {offsets = [6], sizes = [1], strides = [1]} : vector<16xf32> to vector<1xf32>
        %squeeze3A_1015 = vector.extract %slice3A_1014[0] : f32 from vector<1xf32>
        %mul3A_1016 = vector.broadcast %squeeze3A_1015 : f32 to vector<16xf32>
        %mul3A_1017 = arith.mulf %get3A_1013, %mul3A_1016 : vector<16xf32>
        %swap3A_1018 = arith.constant 1 : i32
        %swap3A_1019 = arith.index_cast %swap3A_1018 : i32 to index
        %swap3A_1020 = arith.index_cast %add3A_973 : i32 to index
        %swap3A_1021 = arith.constant 32 : index
        %swap3A_1022 = tpu.vector_load %arg7[%swap3A_1019, %swap3A_1020, %swap3A_1021] {strides = array<i32>} : memref<4x112x64xf32, #tpu.memory_space<vmem>>, vector<1x1x16xf32>,
        %swap3A_1023 = vector.shape_cast %swap3A_1022 : vector<1x1x16xf32> to vector<16xf32>
        %swap3A_1024 = vector.shape_cast %mul3A_1017 : vector<16xf32> to vector<1x1x16xf32>
        tpu.vector_store %arg7[%swap3A_1019, %swap3A_1020, %swap3A_1021], %swap3A_1024 {strides = array<i32>} : memref<4x112x64xf32, #tpu.memory_space<vmem>>, vector<1x1x16xf32>,
        %get3A_1025 = arith.constant 1 : i32
        %get3A_1026 = arith.index_cast %get3A_1025 : i32 to index
        %get3A_1027 = arith.index_cast %add3A_973 : i32 to index
        %get3A_1028 = arith.constant 48 : index
        %get3A_1029 = tpu.vector_load %arg7[%get3A_1026, %get3A_1027, %get3A_1028] {strides = array<i32>} : memref<4x112x64xf32, #tpu.memory_space<vmem>>, vector<1x1x16xf32>,
        %get3A_1030 = vector.shape_cast %get3A_1029 : vector<1x1x16xf32> to vector<16xf32>
        %slice3A_1031 = vector.extract_strided_slice %bitcast_convert_type3A_897 {offsets = [7], sizes = [1], strides = [1]} : vector<16xf32> to vector<1xf32>
        %squeeze3A_1032 = vector.extract %slice3A_1031[0] : f32 from vector<1xf32>
        %mul3A_1033 = vector.broadcast %squeeze3A_1032 : f32 to vector<16xf32>
        %mul3A_1034 = arith.mulf %get3A_1030, %mul3A_1033 : vector<16xf32>
        %swap3A_1035 = arith.constant 1 : i32
        %swap3A_1036 = arith.index_cast %swap3A_1035 : i32 to index
        %swap3A_1037 = arith.index_cast %add3A_973 : i32 to index
        %swap3A_1038 = arith.constant 48 : index
        %swap3A_1039 = tpu.vector_load %arg7[%swap3A_1036, %swap3A_1037, %swap3A_1038] {strides = array<i32>} : memref<4x112x64xf32, #tpu.memory_space<vmem>>, vector<1x1x16xf32>,
        %swap3A_1040 = vector.shape_cast %swap3A_1039 : vector<1x1x16xf32> to vector<16xf32>
        %swap3A_1041 = vector.shape_cast %mul3A_1034 : vector<16xf32> to vector<1x1x16xf32>
        tpu.vector_store %arg7[%swap3A_1036, %swap3A_1037, %swap3A_1038], %swap3A_1041 {strides = array<i32>} : memref<4x112x64xf32, #tpu.memory_space<vmem>>, vector<1x1x16xf32>,
        %mul3A_1042 = arith.constant 4 : i32
        %mul3A_1043 = arith.muli %mul3A_1042, %scan3A_846 : i32
        %add3A_1044 = arith.constant 2 : i32
        %add3A_1045 = arith.addi %mul3A_1043, %add3A_1044 : i32
        %get3A_1046 = arith.constant 1 : i32
        %get3A_1047 = arith.index_cast %get3A_1046 : i32 to index
        %get3A_1048 = arith.index_cast %add3A_1045 : i32 to index
        %get3A_1049 = arith.constant 0 : index
        %get3A_1050 = tpu.vector_load %arg7[%get3A_1047, %get3A_1048, %get3A_1049] {strides = array<i32>} : memref<4x112x64xf32, #tpu.memory_space<vmem>>, vector<1x1x16xf32>,
        %get3A_1051 = vector.shape_cast %get3A_1050 : vector<1x1x16xf32> to vector<16xf32>
        %slice3A_1052 = vector.extract_strided_slice %bitcast_convert_type3A_897 {offsets = [8], sizes = [1], strides = [1]} : vector<16xf32> to vector<1xf32>
        %squeeze3A_1053 = vector.extract %slice3A_1052[0] : f32 from vector<1xf32>
        %mul3A_1054 = vector.broadcast %squeeze3A_1053 : f32 to vector<16xf32>
        %mul3A_1055 = arith.mulf %get3A_1051, %mul3A_1054 : vector<16xf32>
        %swap3A_1056 = arith.constant 1 : i32
        %swap3A_1057 = arith.index_cast %swap3A_1056 : i32 to index
        %swap3A_1058 = arith.index_cast %add3A_1045 : i32 to index
        %swap3A_1059 = arith.constant 0 : index
        %swap3A_1060 = tpu.vector_load %arg7[%swap3A_1057, %swap3A_1058, %swap3A_1059] {strides = array<i32>} : memref<4x112x64xf32, #tpu.memory_space<vmem>>, vector<1x1x16xf32>,
        %swap3A_1061 = vector.shape_cast %swap3A_1060 : vector<1x1x16xf32> to vector<16xf32>
        %swap3A_1062 = vector.shape_cast %mul3A_1055 : vector<16xf32> to vector<1x1x16xf32>
        tpu.vector_store %arg7[%swap3A_1057, %swap3A_1058, %swap3A_1059], %swap3A_1062 {strides = array<i32>} : memref<4x112x64xf32, #tpu.memory_space<vmem>>, vector<1x1x16xf32>,
        %get3A_1063 = arith.constant 1 : i32
        %get3A_1064 = arith.index_cast %get3A_1063 : i32 to index
        %get3A_1065 = arith.index_cast %add3A_1045 : i32 to index
        %get3A_1066 = arith.constant 16 : index
        %get3A_1067 = tpu.vector_load %arg7[%get3A_1064, %get3A_1065, %get3A_1066] {strides = array<i32>} : memref<4x112x64xf32, #tpu.memory_space<vmem>>, vector<1x1x16xf32>,
        %get3A_1068 = vector.shape_cast %get3A_1067 : vector<1x1x16xf32> to vector<16xf32>
        %slice3A_1069 = vector.extract_strided_slice %bitcast_convert_type3A_897 {offsets = [9], sizes = [1], strides = [1]} : vector<16xf32> to vector<1xf32>
        %squeeze3A_1070 = vector.extract %slice3A_1069[0] : f32 from vector<1xf32>
        %mul3A_1071 = vector.broadcast %squeeze3A_1070 : f32 to vector<16xf32>
        %mul3A_1072 = arith.mulf %get3A_1068, %mul3A_1071 : vector<16xf32>
        %swap3A_1073 = arith.constant 1 : i32
        %swap3A_1074 = arith.index_cast %swap3A_1073 : i32 to index
        %swap3A_1075 = arith.index_cast %add3A_1045 : i32 to index
        %swap3A_1076 = arith.constant 16 : index
        %swap3A_1077 = tpu.vector_load %arg7[%swap3A_1074, %swap3A_1075, %swap3A_1076] {strides = array<i32>} : memref<4x112x64xf32, #tpu.memory_space<vmem>>, vector<1x1x16xf32>,
        %swap3A_1078 = vector.shape_cast %swap3A_1077 : vector<1x1x16xf32> to vector<16xf32>
        %swap3A_1079 = vector.shape_cast %mul3A_1072 : vector<16xf32> to vector<1x1x16xf32>
        tpu.vector_store %arg7[%swap3A_1074, %swap3A_1075, %swap3A_1076], %swap3A_1079 {strides = array<i32>} : memref<4x112x64xf32, #tpu.memory_space<vmem>>, vector<1x1x16xf32>,
        %get3A_1080 = arith.constant 1 : i32
        %get3A_1081 = arith.index_cast %get3A_1080 : i32 to index
        %get3A_1082 = arith.index_cast %add3A_1045 : i32 to index
        %get3A_1083 = arith.constant 32 : index
        %get3A_1084 = tpu.vector_load %arg7[%get3A_1081, %get3A_1082, %get3A_1083] {strides = array<i32>} : memref<4x112x64xf32, #tpu.memory_space<vmem>>, vector<1x1x16xf32>,
        %get3A_1085 = vector.shape_cast %get3A_1084 : vector<1x1x16xf32> to vector<16xf32>
        %slice3A_1086 = vector.extract_strided_slice %bitcast_convert_type3A_897 {offsets = [10], sizes = [1], strides = [1]} : vector<16xf32> to vector<1xf32>
        %squeeze3A_1087 = vector.extract %slice3A_1086[0] : f32 from vector<1xf32>
        %mul3A_1088 = vector.broadcast %squeeze3A_1087 : f32 to vector<16xf32>
        %mul3A_1089 = arith.mulf %get3A_1085, %mul3A_1088 : vector<16xf32>
        %swap3A_1090 = arith.constant 1 : i32
        %swap3A_1091 = arith.index_cast %swap3A_1090 : i32 to index
        %swap3A_1092 = arith.index_cast %add3A_1045 : i32 to index
        %swap3A_1093 = arith.constant 32 : index
        %swap3A_1094 = tpu.vector_load %arg7[%swap3A_1091, %swap3A_1092, %swap3A_1093] {strides = array<i32>} : memref<4x112x64xf32, #tpu.memory_space<vmem>>, vector<1x1x16xf32>,
        %swap3A_1095 = vector.shape_cast %swap3A_1094 : vector<1x1x16xf32> to vector<16xf32>
        %swap3A_1096 = vector.shape_cast %mul3A_1089 : vector<16xf32> to vector<1x1x16xf32>
        tpu.vector_store %arg7[%swap3A_1091, %swap3A_1092, %swap3A_1093], %swap3A_1096 {strides = array<i32>} : memref<4x112x64xf32, #tpu.memory_space<vmem>>, vector<1x1x16xf32>,
        %get3A_1097 = arith.constant 1 : i32
        %get3A_1098 = arith.index_cast %get3A_1097 : i32 to index
        %get3A_1099 = arith.index_cast %add3A_1045 : i32 to index
        %get3A_1100 = arith.constant 48 : index
        %get3A_1101 = tpu.vector_load %arg7[%get3A_1098, %get3A_1099, %get3A_1100] {strides = array<i32>} : memref<4x112x64xf32, #tpu.memory_space<vmem>>, vector<1x1x16xf32>,
        %get3A_1102 = vector.shape_cast %get3A_1101 : vector<1x1x16xf32> to vector<16xf32>
        %slice3A_1103 = vector.extract_strided_slice %bitcast_convert_type3A_897 {offsets = [11], sizes = [1], strides = [1]} : vector<16xf32> to vector<1xf32>
        %squeeze3A_1104 = vector.extract %slice3A_1103[0] : f32 from vector<1xf32>
        %mul3A_1105 = vector.broadcast %squeeze3A_1104 : f32 to vector<16xf32>
        %mul3A_1106 = arith.mulf %get3A_1102, %mul3A_1105 : vector<16xf32>
        %swap3A_1107 = arith.constant 1 : i32
        %swap3A_1108 = arith.index_cast %swap3A_1107 : i32 to index
        %swap3A_1109 = arith.index_cast %add3A_1045 : i32 to index
        %swap3A_1110 = arith.constant 48 : index
        %swap3A_1111 = tpu.vector_load %arg7[%swap3A_1108, %swap3A_1109, %swap3A_1110] {strides = array<i32>} : memref<4x112x64xf32, #tpu.memory_space<vmem>>, vector<1x1x16xf32>,
        %swap3A_1112 = vector.shape_cast %swap3A_1111 : vector<1x1x16xf32> to vector<16xf32>
        %swap3A_1113 = vector.shape_cast %mul3A_1106 : vector<16xf32> to vector<1x1x16xf32>
        tpu.vector_store %arg7[%swap3A_1108, %swap3A_1109, %swap3A_1110], %swap3A_1113 {strides = array<i32>} : memref<4x112x64xf32, #tpu.memory_space<vmem>>, vector<1x1x16xf32>,
        %mul3A_1114 = arith.constant 4 : i32
        %mul3A_1115 = arith.muli %mul3A_1114, %scan3A_846 : i32
        %add3A_1116 = arith.constant 3 : i32
        %add3A_1117 = arith.addi %mul3A_1115, %add3A_1116 : i32
        %get3A_1118 = arith.constant 1 : i32
        %get3A_1119 = arith.index_cast %get3A_1118 : i32 to index
        %get3A_1120 = arith.index_cast %add3A_1117 : i32 to index
        %get3A_1121 = arith.constant 0 : index
        %get3A_1122 = tpu.vector_load %arg7[%get3A_1119, %get3A_1120, %get3A_1121] {strides = array<i32>} : memref<4x112x64xf32, #tpu.memory_space<vmem>>, vector<1x1x16xf32>,
        %get3A_1123 = vector.shape_cast %get3A_1122 : vector<1x1x16xf32> to vector<16xf32>
        %slice3A_1124 = vector.extract_strided_slice %bitcast_convert_type3A_897 {offsets = [12], sizes = [1], strides = [1]} : vector<16xf32> to vector<1xf32>
        %squeeze3A_1125 = vector.extract %slice3A_1124[0] : f32 from vector<1xf32>
        %mul3A_1126 = vector.broadcast %squeeze3A_1125 : f32 to vector<16xf32>
        %mul3A_1127 = arith.mulf %get3A_1123, %mul3A_1126 : vector<16xf32>
        %swap3A_1128 = arith.constant 1 : i32
        %swap3A_1129 = arith.index_cast %swap3A_1128 : i32 to index
        %swap3A_1130 = arith.index_cast %add3A_1117 : i32 to index
        %swap3A_1131 = arith.constant 0 : index
        %swap3A_1132 = tpu.vector_load %arg7[%swap3A_1129, %swap3A_1130, %swap3A_1131] {strides = array<i32>} : memref<4x112x64xf32, #tpu.memory_space<vmem>>, vector<1x1x16xf32>,
        %swap3A_1133 = vector.shape_cast %swap3A_1132 : vector<1x1x16xf32> to vector<16xf32>
        %swap3A_1134 = vector.shape_cast %mul3A_1127 : vector<16xf32> to vector<1x1x16xf32>
        tpu.vector_store %arg7[%swap3A_1129, %swap3A_1130, %swap3A_1131], %swap3A_1134 {strides = array<i32>} : memref<4x112x64xf32, #tpu.memory_space<vmem>>, vector<1x1x16xf32>,
        %get3A_1135 = arith.constant 1 : i32
        %get3A_1136 = arith.index_cast %get3A_1135 : i32 to index
        %get3A_1137 = arith.index_cast %add3A_1117 : i32 to index
        %get3A_1138 = arith.constant 16 : index
        %get3A_1139 = tpu.vector_load %arg7[%get3A_1136, %get3A_1137, %get3A_1138] {strides = array<i32>} : memref<4x112x64xf32, #tpu.memory_space<vmem>>, vector<1x1x16xf32>,
        %get3A_1140 = vector.shape_cast %get3A_1139 : vector<1x1x16xf32> to vector<16xf32>
        %slice3A_1141 = vector.extract_strided_slice %bitcast_convert_type3A_897 {offsets = [13], sizes = [1], strides = [1]} : vector<16xf32> to vector<1xf32>
        %squeeze3A_1142 = vector.extract %slice3A_1141[0] : f32 from vector<1xf32>
        %mul3A_1143 = vector.broadcast %squeeze3A_1142 : f32 to vector<16xf32>
        %mul3A_1144 = arith.mulf %get3A_1140, %mul3A_1143 : vector<16xf32>
        %swap3A_1145 = arith.constant 1 : i32
        %swap3A_1146 = arith.index_cast %swap3A_1145 : i32 to index
        %swap3A_1147 = arith.index_cast %add3A_1117 : i32 to index
        %swap3A_1148 = arith.constant 16 : index
        %swap3A_1149 = tpu.vector_load %arg7[%swap3A_1146, %swap3A_1147, %swap3A_1148] {strides = array<i32>} : memref<4x112x64xf32, #tpu.memory_space<vmem>>, vector<1x1x16xf32>,
        %swap3A_1150 = vector.shape_cast %swap3A_1149 : vector<1x1x16xf32> to vector<16xf32>
        %swap3A_1151 = vector.shape_cast %mul3A_1144 : vector<16xf32> to vector<1x1x16xf32>
        tpu.vector_store %arg7[%swap3A_1146, %swap3A_1147, %swap3A_1148], %swap3A_1151 {strides = array<i32>} : memref<4x112x64xf32, #tpu.memory_space<vmem>>, vector<1x1x16xf32>,
        %get3A_1152 = arith.constant 1 : i32
        %get3A_1153 = arith.index_cast %get3A_1152 : i32 to index
        %get3A_1154 = arith.index_cast %add3A_1117 : i32 to index
        %get3A_1155 = arith.constant 32 : index
        %get3A_1156 = tpu.vector_load %arg7[%get3A_1153, %get3A_1154, %get3A_1155] {strides = array<i32>} : memref<4x112x64xf32, #tpu.memory_space<vmem>>, vector<1x1x16xf32>,
        %get3A_1157 = vector.shape_cast %get3A_1156 : vector<1x1x16xf32> to vector<16xf32>
        %slice3A_1158 = vector.extract_strided_slice %bitcast_convert_type3A_897 {offsets = [14], sizes = [1], strides = [1]} : vector<16xf32> to vector<1xf32>
        %squeeze3A_1159 = vector.extract %slice3A_1158[0] : f32 from vector<1xf32>
        %mul3A_1160 = vector.broadcast %squeeze3A_1159 : f32 to vector<16xf32>
        %mul3A_1161 = arith.mulf %get3A_1157, %mul3A_1160 : vector<16xf32>
        %swap3A_1162 = arith.constant 1 : i32
        %swap3A_1163 = arith.index_cast %swap3A_1162 : i32 to index
        %swap3A_1164 = arith.index_cast %add3A_1117 : i32 to index
        %swap3A_1165 = arith.constant 32 : index
        %swap3A_1166 = tpu.vector_load %arg7[%swap3A_1163, %swap3A_1164, %swap3A_1165] {strides = array<i32>} : memref<4x112x64xf32, #tpu.memory_space<vmem>>, vector<1x1x16xf32>,
        %swap3A_1167 = vector.shape_cast %swap3A_1166 : vector<1x1x16xf32> to vector<16xf32>
        %swap3A_1168 = vector.shape_cast %mul3A_1161 : vector<16xf32> to vector<1x1x16xf32>
        tpu.vector_store %arg7[%swap3A_1163, %swap3A_1164, %swap3A_1165], %swap3A_1168 {strides = array<i32>} : memref<4x112x64xf32, #tpu.memory_space<vmem>>, vector<1x1x16xf32>,
        %get3A_1169 = arith.constant 1 : i32
        %get3A_1170 = arith.index_cast %get3A_1169 : i32 to index
        %get3A_1171 = arith.index_cast %add3A_1117 : i32 to index
        %get3A_1172 = arith.constant 48 : index
        %get3A_1173 = tpu.vector_load %arg7[%get3A_1170, %get3A_1171, %get3A_1172] {strides = array<i32>} : memref<4x112x64xf32, #tpu.memory_space<vmem>>, vector<1x1x16xf32>,
        %get3A_1174 = vector.shape_cast %get3A_1173 : vector<1x1x16xf32> to vector<16xf32>
        %slice3A_1175 = vector.extract_strided_slice %bitcast_convert_type3A_897 {offsets = [15], sizes = [1], strides = [1]} : vector<16xf32> to vector<1xf32>
        %squeeze3A_1176 = vector.extract %slice3A_1175[0] : f32 from vector<1xf32>
        %mul3A_1177 = vector.broadcast %squeeze3A_1176 : f32 to vector<16xf32>
        %mul3A_1178 = arith.mulf %get3A_1174, %mul3A_1177 : vector<16xf32>
        %swap3A_1179 = arith.constant 1 : i32
        %swap3A_1180 = arith.index_cast %swap3A_1179 : i32 to index
        %swap3A_1181 = arith.index_cast %add3A_1117 : i32 to index
        %swap3A_1182 = arith.constant 48 : index
        %swap3A_1183 = tpu.vector_load %arg7[%swap3A_1180, %swap3A_1181, %swap3A_1182] {strides = array<i32>} : memref<4x112x64xf32, #tpu.memory_space<vmem>>, vector<1x1x16xf32>,
        %swap3A_1184 = vector.shape_cast %swap3A_1183 : vector<1x1x16xf32> to vector<16xf32>
        %swap3A_1185 = vector.shape_cast %mul3A_1178 : vector<16xf32> to vector<1x1x16xf32>
        tpu.vector_store %arg7[%swap3A_1180, %swap3A_1181, %swap3A_1182], %swap3A_1185 {strides = array<i32>} : memref<4x112x64xf32, #tpu.memory_space<vmem>>, vector<1x1x16xf32>,
      }
      %scan3A_352 = arith.constant 28 : i32
      %dma_start3A_353 = arith.constant 1 : i32
      %dma_start3A_354 = arith.constant 1 : i32
      %dma_start3A_355 = arith.constant 1 : i32
      %dma_start3A_356 = arith.constant 1 : i32
      %dma_start3A_357 = arith.constant 0 : i32
      %dma_start3A_358 = arith.constant 0 : i32
      %dma_start3A_359 = tpu.memref_slice %arg7[%dma_start3A_353, %dma_start3A_357, %dma_start3A_358] : memref<4x112x64xf32, #tpu.memory_space<vmem>> -> memref<1x112x64xf32, #tpu.memory_space<vmem>>
      %dma_start3A_360 = tpu.memref_squeeze %dma_start3A_359 : memref<1x112x64xf32, #tpu.memory_space<vmem>> -> memref<112x64xf32, #tpu.memory_space<vmem>>
      %dma_start3A_361 = arith.constant 0 : i32
      %dma_start3A_362 = tpu.memref_slice %arg6[%dma_start3A_354, %dma_start3A_355, %dma_start3A_361] : memref<4x6x112xi32, #tpu.memory_space<vmem>> -> memref<1x1x112xi32, #tpu.memory_space<vmem>>
      %dma_start3A_363 = tpu.memref_squeeze %dma_start3A_362 : memref<1x1x112xi32, #tpu.memory_space<vmem>> -> memref<112xi32, #tpu.memory_space<vmem>>
      %dma_start3A_364 = arith.constant 0 : i32
      %dma_start3A_365 = arith.constant 0 : i32
      %dma_start3A_366 = tpu.memref_slice %arg8[%scan3A_180, %dma_start3A_364, %dma_start3A_365] : memref<2x10000x64xf32, #tpu.memory_space<vmem_shared>> -> memref<1x10000x64xf32, #tpu.memory_space<vmem_shared>>
      %dma_start3A_367 = tpu.memref_squeeze %dma_start3A_366 : memref<1x10000x64xf32, #tpu.memory_space<vmem_shared>> -> memref<10000x64xf32, #tpu.memory_space<vmem_shared>>
      %dma_start3A_368 = arith.constant 0 : i32
      %dma_start3A_369 = arith.constant 0 : i32
      %dma_start3A_370 = tpu.memref_slice %dma_start3A_367[%dma_start3A_368, %dma_start3A_369] : memref<10000x64xf32, #tpu.memory_space<vmem_shared>> -> memref<10000x64xf32, #tpu.memory_space<vmem_shared>>
      %dma_start3A_371 = tpu.memref_slice %arg10[%dma_start3A_356] : memref<4x!tpu.dma_semaphore, #tpu.memory_space<semaphore_mem>> -> memref<1x!tpu.dma_semaphore, #tpu.memory_space<semaphore_mem>>
      %dma_start3A_372 = tpu.memref_squeeze %dma_start3A_371 : memref<1x!tpu.dma_semaphore, #tpu.memory_space<semaphore_mem>> -> memref<!tpu.dma_semaphore, #tpu.memory_space<semaphore_mem>>
      tpu.enqueue_indirect_dma source(%dma_start3A_360 : memref<112x64xf32, #tpu.memory_space<vmem>>) target(%dma_start3A_370 : memref<10000x64xf32, #tpu.memory_space<vmem_shared>>) offsets(%dma_start3A_363 : memref<112xi32, #tpu.memory_space<vmem>>) semaphore(%dma_start3A_372 : memref<!tpu.dma_semaphore, #tpu.memory_space<semaphore_mem>>) {add = true}
      %add3A_373 = arith.constant 2 : i32
      %add3A_374 = arith.addi %add3A_314, %add3A_373 : i32
      %lt3A_375 = arith.constant 180 : i32
      %lt3A_376 = arith.cmpi slt, %add3A_374, %lt3A_375 : i32
      %convert_element_type3A_377 = arith.extui %lt3A_376 : i1 to i32
      %cond3A_378 = arith.constant 0 : i32
      %cond3A_379 = arith.cmpi ne, %convert_element_type3A_377, %cond3A_378 : i32
      scf.if %cond3A_379 {
        %add3A_518 = arith.constant 2 : i32
        %add3A_519 = arith.addi %add3A_314, %add3A_518 : i32
        %add3A_520 = arith.addi %mul3A_12, %add3A_519 : i32
        %dma_wait3A_521 = arith.constant 3 : i32
        %dma_wait3A_522 = arith.constant 3 : i32
        %dma_wait3A_523 = arith.constant 0 : i32
        %dma_wait3A_524 = arith.constant 0 : i32
        %dma_wait3A_525 = tpu.memref_slice %arg6[%dma_wait3A_521, %dma_wait3A_523, %dma_wait3A_524] : memref<4x6x112xi32, #tpu.memory_space<vmem>> -> memref<1x6x112xi32, #tpu.memory_space<vmem>>
        %dma_wait3A_526 = tpu.memref_squeeze %dma_wait3A_525 : memref<1x6x112xi32, #tpu.memory_space<vmem>> -> memref<6x112xi32, #tpu.memory_space<vmem>>
        %dma_wait3A_527 = arith.constant 0 : i32
        %dma_wait3A_528 = arith.constant 0 : i32
        %dma_wait3A_529 = arith.constant 0 : i32
        %dma_wait3A_530 = tpu.memref_slice %arg3[%arg0, %dma_wait3A_527, %dma_wait3A_528, %dma_wait3A_529] : memref<2x2880x6x112xi32, #tpu.memory_space<hbm>> -> memref<1x2880x6x112xi32, #tpu.memory_space<hbm>>
        %dma_wait3A_531 = tpu.memref_squeeze %dma_wait3A_530 : memref<1x2880x6x112xi32, #tpu.memory_space<hbm>> -> memref<2880x6x112xi32, #tpu.memory_space<hbm>>
        %dma_wait3A_532 = arith.constant 0 : i32
        %dma_wait3A_533 = arith.constant 0 : i32
        %dma_wait3A_534 = tpu.memref_slice %dma_wait3A_531[%add3A_520, %dma_wait3A_532, %dma_wait3A_533] : memref<2880x6x112xi32, #tpu.memory_space<hbm>> -> memref<1x6x112xi32, #tpu.memory_space<hbm>>
        %dma_wait3A_535 = tpu.memref_squeeze %dma_wait3A_534 : memref<1x6x112xi32, #tpu.memory_space<hbm>> -> memref<6x112xi32, #tpu.memory_space<hbm>>
        %dma_wait3A_536 = tpu.memref_slice %arg11[%dma_wait3A_522] : memref<4x!tpu.dma_semaphore, #tpu.memory_space<semaphore_mem>> -> memref<1x!tpu.dma_semaphore, #tpu.memory_space<semaphore_mem>>
        %dma_wait3A_537 = tpu.memref_squeeze %dma_wait3A_536 : memref<1x!tpu.dma_semaphore, #tpu.memory_space<semaphore_mem>> -> memref<!tpu.dma_semaphore, #tpu.memory_space<semaphore_mem>>
        %dma_wait3A_538 = arith.constant 0 : i32
        %dma_wait3A_539 = arith.constant 0 : i32
        %dma_wait3A_540 = tpu.memref_slice %arg6[%dma_wait3A_521, %dma_wait3A_538, %dma_wait3A_539] : memref<4x6x112xi32, #tpu.memory_space<vmem>> -> memref<1x6x112xi32, #tpu.memory_space<vmem>>
        %dma_wait3A_541 = tpu.memref_squeeze %dma_wait3A_540 : memref<1x6x112xi32, #tpu.memory_space<vmem>> -> memref<6x112xi32, #tpu.memory_space<vmem>>
        %dma_wait3A_542 = arith.constant 0 : i32
        %dma_wait3A_543 = arith.constant 0 : i32
        %dma_wait3A_544 = arith.constant 0 : i32
        %dma_wait3A_545 = tpu.memref_slice %arg3[%arg0, %dma_wait3A_542, %dma_wait3A_543, %dma_wait3A_544] : memref<2x2880x6x112xi32, #tpu.memory_space<hbm>> -> memref<1x2880x6x112xi32, #tpu.memory_space<hbm>>
        %dma_wait3A_546 = tpu.memref_squeeze %dma_wait3A_545 : memref<1x2880x6x112xi32, #tpu.memory_space<hbm>> -> memref<2880x6x112xi32, #tpu.memory_space<hbm>>
        %dma_wait3A_547 = arith.constant 0 : i32
        %dma_wait3A_548 = arith.constant 0 : i32
        %dma_wait3A_549 = tpu.memref_slice %dma_wait3A_546[%add3A_520, %dma_wait3A_547, %dma_wait3A_548] : memref<2880x6x112xi32, #tpu.memory_space<hbm>> -> memref<1x6x112xi32, #tpu.memory_space<hbm>>
        %dma_wait3A_550 = tpu.memref_squeeze %dma_wait3A_549 : memref<1x6x112xi32, #tpu.memory_space<hbm>> -> memref<6x112xi32, #tpu.memory_space<hbm>>
        tpu.wait_dma2 semaphore(%dma_wait3A_537 : memref<!tpu.dma_semaphore, #tpu.memory_space<semaphore_mem>>) src(%dma_wait3A_550 : memref<6x112xi32, #tpu.memory_space<hbm>>) dst(%dma_wait3A_541 : memref<6x112xi32, #tpu.memory_space<vmem>>)
        %dma_start3A_551 = arith.constant 3 : i32
        %dma_start3A_552 = arith.constant 0 : i32
        %dma_start3A_553 = arith.constant 3 : i32
        %dma_start3A_554 = arith.constant 3 : i32
        %dma_start3A_555 = arith.constant 0 : i32
        %dma_start3A_556 = arith.constant 0 : i32
        %dma_start3A_557 = tpu.memref_slice %arg7[%dma_start3A_553, %dma_start3A_555, %dma_start3A_556] : memref<4x112x64xf32, #tpu.memory_space<vmem>> -> memref<1x112x64xf32, #tpu.memory_space<vmem>>
        %dma_start3A_558 = tpu.memref_squeeze %dma_start3A_557 : memref<1x112x64xf32, #tpu.memory_space<vmem>> -> memref<112x64xf32, #tpu.memory_space<vmem>>
        %dma_start3A_559 = arith.constant 0 : i32
        %dma_start3A_560 = tpu.memref_slice %arg6[%dma_start3A_551, %dma_start3A_552, %dma_start3A_559] : memref<4x6x112xi32, #tpu.memory_space<vmem>> -> memref<1x1x112xi32, #tpu.memory_space<vmem>>
        %dma_start3A_561 = tpu.memref_squeeze %dma_start3A_560 : memref<1x1x112xi32, #tpu.memory_space<vmem>> -> memref<112xi32, #tpu.memory_space<vmem>>
        %dma_start3A_562 = arith.constant 0 : i32
        %dma_start3A_563 = arith.constant 0 : i32
        %dma_start3A_564 = tpu.memref_slice %arg8[%scan3A_181, %dma_start3A_562, %dma_start3A_563] : memref<2x10000x64xf32, #tpu.memory_space<vmem_shared>> -> memref<1x10000x64xf32, #tpu.memory_space<vmem_shared>>
        %dma_start3A_565 = tpu.memref_squeeze %dma_start3A_564 : memref<1x10000x64xf32, #tpu.memory_space<vmem_shared>> -> memref<10000x64xf32, #tpu.memory_space<vmem_shared>>
        %dma_start3A_566 = arith.constant 0 : i32
        %dma_start3A_567 = arith.constant 0 : i32
        %dma_start3A_568 = tpu.memref_slice %dma_start3A_565[%dma_start3A_566, %dma_start3A_567] : memref<10000x64xf32, #tpu.memory_space<vmem_shared>> -> memref<10000x64xf32, #tpu.memory_space<vmem_shared>>
        %dma_start3A_569 = tpu.memref_slice %arg9[%dma_start3A_554] : memref<4x!tpu.dma_semaphore, #tpu.memory_space<semaphore_mem>> -> memref<1x!tpu.dma_semaphore, #tpu.memory_space<semaphore_mem>>
        %dma_start3A_570 = tpu.memref_squeeze %dma_start3A_569 : memref<1x!tpu.dma_semaphore, #tpu.memory_space<semaphore_mem>> -> memref<!tpu.dma_semaphore, #tpu.memory_space<semaphore_mem>>
        tpu.enqueue_indirect_dma source(%dma_start3A_568 : memref<10000x64xf32, #tpu.memory_space<vmem_shared>>) target(%dma_start3A_558 : memref<112x64xf32, #tpu.memory_space<vmem>>) offsets(%dma_start3A_561 : memref<112xi32, #tpu.memory_space<vmem>>) semaphore(%dma_start3A_570 : memref<!tpu.dma_semaphore, #tpu.memory_space<semaphore_mem>>)
      } else {
      }
      %mul3A_380 = arith.constant 4 : i32
      %mul3A_381 = arith.muli %mul3A_380, %scan3A_242 : i32
      %add3A_382 = arith.constant 2 : i32
      %add3A_383 = arith.addi %mul3A_381, %add3A_382 : i32
      %ge3A_384 = arith.constant 2 : i32
      %ge3A_385 = arith.cmpi sge, %add3A_383, %ge3A_384 : i32
      %convert_element_type3A_386 = arith.extui %ge3A_385 : i1 to i32
      %cond3A_387 = arith.constant 0 : i32
      %cond3A_388 = arith.cmpi ne, %convert_element_type3A_386, %cond3A_387 : i32
      scf.if %cond3A_388 {
        %dma_wait3A_518 = arith.constant 0 : i32
        %dma_wait3A_519 = arith.constant 0 : i32
        %dma_wait3A_520 = arith.constant 1 : i32
        %dma_wait3A_521 = arith.constant 0 : i32
        %dma_wait3A_522 = arith.constant 0 : i32
        %dma_wait3A_523 = arith.constant 0 : i32
        %dma_wait3A_524 = tpu.memref_slice %arg7[%dma_wait3A_518, %dma_wait3A_522, %dma_wait3A_523] : memref<4x112x64xf32, #tpu.memory_space<vmem>> -> memref<1x112x64xf32, #tpu.memory_space<vmem>>
        %dma_wait3A_525 = tpu.memref_squeeze %dma_wait3A_524 : memref<1x112x64xf32, #tpu.memory_space<vmem>> -> memref<112x64xf32, #tpu.memory_space<vmem>>
        %dma_wait3A_526 = arith.constant 0 : i32
        %dma_wait3A_527 = tpu.memref_slice %arg6[%dma_wait3A_519, %dma_wait3A_520, %dma_wait3A_526] : memref<4x6x112xi32, #tpu.memory_space<vmem>> -> memref<1x1x112xi32, #tpu.memory_space<vmem>>
        %dma_wait3A_528 = tpu.memref_squeeze %dma_wait3A_527 : memref<1x1x112xi32, #tpu.memory_space<vmem>> -> memref<112xi32, #tpu.memory_space<vmem>>
        %dma_wait3A_529 = arith.constant 0 : i32
        %dma_wait3A_530 = arith.constant 0 : i32
        %dma_wait3A_531 = tpu.memref_slice %arg8[%scan3A_180, %dma_wait3A_529, %dma_wait3A_530] : memref<2x10000x64xf32, #tpu.memory_space<vmem_shared>> -> memref<1x10000x64xf32, #tpu.memory_space<vmem_shared>>
        %dma_wait3A_532 = tpu.memref_squeeze %dma_wait3A_531 : memref<1x10000x64xf32, #tpu.memory_space<vmem_shared>> -> memref<10000x64xf32, #tpu.memory_space<vmem_shared>>
        %dma_wait3A_533 = arith.constant 0 : i32
        %dma_wait3A_534 = arith.constant 0 : i32
        %dma_wait3A_535 = tpu.memref_slice %dma_wait3A_532[%dma_wait3A_533, %dma_wait3A_534] : memref<10000x64xf32, #tpu.memory_space<vmem_shared>> -> memref<10000x64xf32, #tpu.memory_space<vmem_shared>>
        %dma_wait3A_536 = tpu.memref_slice %arg10[%dma_wait3A_521] : memref<4x!tpu.dma_semaphore, #tpu.memory_space<semaphore_mem>> -> memref<1x!tpu.dma_semaphore, #tpu.memory_space<semaphore_mem>>
        %dma_wait3A_537 = tpu.memref_squeeze %dma_wait3A_536 : memref<1x!tpu.dma_semaphore, #tpu.memory_space<semaphore_mem>> -> memref<!tpu.dma_semaphore, #tpu.memory_space<semaphore_mem>>
        tpu.wait_indirect_dma semaphore(%dma_wait3A_537 : memref<!tpu.dma_semaphore, #tpu.memory_space<semaphore_mem>>) src(%dma_wait3A_525 : memref<112x64xf32, #tpu.memory_space<vmem>>) dst(%dma_wait3A_535 : memref<10000x64xf32, #tpu.memory_space<vmem_shared>>)
      } else {
      }
      %add3A_389 = arith.constant 2 : i32
      %add3A_390 = arith.addi %add3A_383, %add3A_389 : i32
      %lt3A_391 = arith.constant 180 : i32
      %lt3A_392 = arith.cmpi slt, %add3A_390, %lt3A_391 : i32
      %convert_element_type3A_393 = arith.extui %lt3A_392 : i1 to i32
      %cond3A_394 = arith.constant 0 : i32
      %cond3A_395 = arith.cmpi ne, %convert_element_type3A_393, %cond3A_394 : i32
      scf.if %cond3A_395 {
        %add3A_518 = arith.constant 2 : i32
        %add3A_519 = arith.addi %add3A_383, %add3A_518 : i32
        %add3A_520 = arith.addi %mul3A_12, %add3A_519 : i32
        %dma_start3A_521 = arith.constant 0 : i32
        %dma_start3A_522 = arith.constant 0 : i32
        %dma_start3A_523 = arith.constant 0 : i32
        %dma_start3A_524 = arith.constant 0 : i32
        %dma_start3A_525 = tpu.memref_slice %arg6[%dma_start3A_521, %dma_start3A_523, %dma_start3A_524] : memref<4x6x112xi32, #tpu.memory_space<vmem>> -> memref<1x6x112xi32, #tpu.memory_space<vmem>>
        %dma_start3A_526 = tpu.memref_squeeze %dma_start3A_525 : memref<1x6x112xi32, #tpu.memory_space<vmem>> -> memref<6x112xi32, #tpu.memory_space<vmem>>
        %dma_start3A_527 = arith.constant 0 : i32
        %dma_start3A_528 = arith.constant 0 : i32
        %dma_start3A_529 = arith.constant 0 : i32
        %dma_start3A_530 = tpu.memref_slice %arg3[%arg0, %dma_start3A_527, %dma_start3A_528, %dma_start3A_529] : memref<2x2880x6x112xi32, #tpu.memory_space<hbm>> -> memref<1x2880x6x112xi32, #tpu.memory_space<hbm>>
        %dma_start3A_531 = tpu.memref_squeeze %dma_start3A_530 : memref<1x2880x6x112xi32, #tpu.memory_space<hbm>> -> memref<2880x6x112xi32, #tpu.memory_space<hbm>>
        %dma_start3A_532 = arith.constant 0 : i32
        %dma_start3A_533 = arith.constant 0 : i32
        %dma_start3A_534 = tpu.memref_slice %dma_start3A_531[%add3A_520, %dma_start3A_532, %dma_start3A_533] : memref<2880x6x112xi32, #tpu.memory_space<hbm>> -> memref<1x6x112xi32, #tpu.memory_space<hbm>>
        %dma_start3A_535 = tpu.memref_squeeze %dma_start3A_534 : memref<1x6x112xi32, #tpu.memory_space<hbm>> -> memref<6x112xi32, #tpu.memory_space<hbm>>
        %dma_start3A_536 = tpu.memref_slice %arg11[%dma_start3A_522] : memref<4x!tpu.dma_semaphore, #tpu.memory_space<semaphore_mem>> -> memref<1x!tpu.dma_semaphore, #tpu.memory_space<semaphore_mem>>
        %dma_start3A_537 = tpu.memref_squeeze %dma_start3A_536 : memref<1x!tpu.dma_semaphore, #tpu.memory_space<semaphore_mem>> -> memref<!tpu.dma_semaphore, #tpu.memory_space<semaphore_mem>>
        %dma_start3A_538 = arith.constant 0 : i32
        %dma_start3A_539 = arith.constant 0 : i32
        %dma_start3A_540 = tpu.memref_slice %arg6[%dma_start3A_521, %dma_start3A_538, %dma_start3A_539] : memref<4x6x112xi32, #tpu.memory_space<vmem>> -> memref<1x6x112xi32, #tpu.memory_space<vmem>>
        %dma_start3A_541 = tpu.memref_squeeze %dma_start3A_540 : memref<1x6x112xi32, #tpu.memory_space<vmem>> -> memref<6x112xi32, #tpu.memory_space<vmem>>
        %dma_start3A_542 = arith.constant 0 : i32
        %dma_start3A_543 = arith.constant 0 : i32
        %dma_start3A_544 = arith.constant 0 : i32
        %dma_start3A_545 = tpu.memref_slice %arg3[%arg0, %dma_start3A_542, %dma_start3A_543, %dma_start3A_544] : memref<2x2880x6x112xi32, #tpu.memory_space<hbm>> -> memref<1x2880x6x112xi32, #tpu.memory_space<hbm>>
        %dma_start3A_546 = tpu.memref_squeeze %dma_start3A_545 : memref<1x2880x6x112xi32, #tpu.memory_space<hbm>> -> memref<2880x6x112xi32, #tpu.memory_space<hbm>>
        %dma_start3A_547 = arith.constant 0 : i32
        %dma_start3A_548 = arith.constant 0 : i32
        %dma_start3A_549 = tpu.memref_slice %dma_start3A_546[%add3A_520, %dma_start3A_547, %dma_start3A_548] : memref<2880x6x112xi32, #tpu.memory_space<hbm>> -> memref<1x6x112xi32, #tpu.memory_space<hbm>>
        %dma_start3A_550 = tpu.memref_squeeze %dma_start3A_549 : memref<1x6x112xi32, #tpu.memory_space<hbm>> -> memref<6x112xi32, #tpu.memory_space<hbm>>
        tpu.enqueue_dma source(%dma_start3A_550 : memref<6x112xi32, #tpu.memory_space<hbm>>) target(%dma_start3A_541 : memref<6x112xi32, #tpu.memory_space<vmem>>) target_semaphore(%dma_start3A_537 : memref<!tpu.dma_semaphore, #tpu.memory_space<semaphore_mem>>)
      } else {
      }
      %dma_wait3A_396 = arith.constant 2 : i32
      %dma_wait3A_397 = arith.constant 0 : i32
      %dma_wait3A_398 = arith.constant 2 : i32
      %dma_wait3A_399 = arith.constant 2 : i32
      %dma_wait3A_400 = arith.constant 0 : i32
      %dma_wait3A_401 = arith.constant 0 : i32
      %dma_wait3A_402 = tpu.memref_slice %arg7[%dma_wait3A_398, %dma_wait3A_400, %dma_wait3A_401] : memref<4x112x64xf32, #tpu.memory_space<vmem>> -> memref<1x112x64xf32, #tpu.memory_space<vmem>>
      %dma_wait3A_403 = tpu.memref_squeeze %dma_wait3A_402 : memref<1x112x64xf32, #tpu.memory_space<vmem>> -> memref<112x64xf32, #tpu.memory_space<vmem>>
      %dma_wait3A_404 = arith.constant 0 : i32
      %dma_wait3A_405 = tpu.memref_slice %arg6[%dma_wait3A_396, %dma_wait3A_397, %dma_wait3A_404] : memref<4x6x112xi32, #tpu.memory_space<vmem>> -> memref<1x1x112xi32, #tpu.memory_space<vmem>>
      %dma_wait3A_406 = tpu.memref_squeeze %dma_wait3A_405 : memref<1x1x112xi32, #tpu.memory_space<vmem>> -> memref<112xi32, #tpu.memory_space<vmem>>
      %dma_wait3A_407 = arith.constant 0 : i32
      %dma_wait3A_408 = arith.constant 0 : i32
      %dma_wait3A_409 = tpu.memref_slice %arg8[%scan3A_181, %dma_wait3A_407, %dma_wait3A_408] : memref<2x10000x64xf32, #tpu.memory_space<vmem_shared>> -> memref<1x10000x64xf32, #tpu.memory_space<vmem_shared>>
      %dma_wait3A_410 = tpu.memref_squeeze %dma_wait3A_409 : memref<1x10000x64xf32, #tpu.memory_space<vmem_shared>> -> memref<10000x64xf32, #tpu.memory_space<vmem_shared>>
      %dma_wait3A_411 = arith.constant 0 : i32
      %dma_wait3A_412 = arith.constant 0 : i32
      %dma_wait3A_413 = tpu.memref_slice %dma_wait3A_410[%dma_wait3A_411, %dma_wait3A_412] : memref<10000x64xf32, #tpu.memory_space<vmem_shared>> -> memref<10000x64xf32, #tpu.memory_space<vmem_shared>>
      %dma_wait3A_414 = tpu.memref_slice %arg9[%dma_wait3A_399] : memref<4x!tpu.dma_semaphore, #tpu.memory_space<semaphore_mem>> -> memref<1x!tpu.dma_semaphore, #tpu.memory_space<semaphore_mem>>
      %dma_wait3A_415 = tpu.memref_squeeze %dma_wait3A_414 : memref<1x!tpu.dma_semaphore, #tpu.memory_space<semaphore_mem>> -> memref<!tpu.dma_semaphore, #tpu.memory_space<semaphore_mem>>
      tpu.wait_indirect_dma semaphore(%dma_wait3A_415 : memref<!tpu.dma_semaphore, #tpu.memory_space<semaphore_mem>>) src(%dma_wait3A_413 : memref<10000x64xf32, #tpu.memory_space<vmem_shared>>) dst(%dma_wait3A_403 : memref<112x64xf32, #tpu.memory_space<vmem>>)
      %scan3A_416 = arith.constant 0 : i32
      %scan3A_417 = arith.constant 0 : i32
      %scan3A_418 = arith.constant 28 : i32
      %scan3A_419 = arith.addi %scan3A_417, %scan3A_418 : i32
      %scan3A_420 = arith.constant 2 : i32
      scf.for %scan3A_518 = %scan3A_417 to %scan3A_419 step %scan3A_420  : i32 {
        %jit3A = arith.constant 7 : i32
        %div3A = arith.divsi %scan3A_518, %jit3A : i32
        %sign3A = arith.constant 0 : i32
        %sign3A_519 = arith.cmpi sgt, %scan3A_518, %sign3A : i32
        %sign3A_520 = arith.extui %sign3A_519 : i1 to i32
        %sign3A_521 = arith.constant 0 : i32
        %sign3A_522 = arith.cmpi slt, %scan3A_518, %sign3A_521 : i32
        %sign3A_523 = arith.extui %sign3A_522 : i1 to i32
        %sign3A_524 = arith.subi %sign3A_520, %sign3A_523 : i32
        %sign3A_525 = arith.constant 0 : i32
        %sign3A_526 = arith.cmpi sgt, %jit3A, %sign3A_525 : i32
        %sign3A_527 = arith.extui %sign3A_526 : i1 to i32
        %sign3A_528 = arith.constant 0 : i32
        %sign3A_529 = arith.cmpi slt, %jit3A, %sign3A_528 : i32
        %sign3A_530 = arith.extui %sign3A_529 : i1 to i32
        %sign3A_531 = arith.subi %sign3A_527, %sign3A_530 : i32
        %ne3A = arith.cmpi ne, %sign3A_524, %sign3A_531 : i32
        %rem3A = arith.remsi %scan3A_518, %jit3A : i32
        %ne3A_532 = arith.constant 0 : i32
        %ne3A_533 = arith.cmpi ne, %rem3A, %ne3A_532 : i32
        %and3A = arith.andi %ne3A, %ne3A_533 : i1
        %sub3A = arith.constant 1 : i32
        %sub3A_534 = arith.subi %div3A, %sub3A : i32
        %select_n3A = arith.select %and3A, %sub3A_534, %div3A : i32
        %add3A_535 = arith.constant 2 : i32
        %add3A_536 = arith.addi %add3A_535, %select_n3A : i32
        %jit3A_537 = arith.constant 7 : i32
        %eq3A_538 = arith.constant 0 : i32
        %eq3A_539 = arith.cmpi eq, %jit3A_537, %eq3A_538 : i32
        %jit3A_540 = arith.constant 1 : i32
        %select_n3A_541 = arith.select %eq3A_539, %jit3A_540, %jit3A_537 : i32
        %rem3A_542 = arith.remsi %scan3A_518, %select_n3A_541 : i32
        %ne3A_543 = arith.constant 0 : i32
        %ne3A_544 = arith.cmpi ne, %rem3A_542, %ne3A_543 : i32
        %lt3A_545 = arith.constant 0 : i32
        %lt3A_546 = arith.cmpi slt, %rem3A_542, %lt3A_545 : i32
        %lt3A_547 = arith.constant 0 : i32
        %lt3A_548 = arith.cmpi slt, %select_n3A_541, %lt3A_547 : i32
        %ne3A_549 = arith.xori %lt3A_546, %lt3A_548 : i1
        %and3A_550 = arith.andi %ne3A_549, %ne3A_544 : i1
        %add3A_551 = arith.addi %rem3A_542, %select_n3A_541 : i32
        %select_n3A_552 = arith.select %and3A_550, %add3A_551, %rem3A_542 : i32
        %mul3A_553 = arith.constant 16 : i32
        %mul3A_554 = arith.muli %mul3A_553, %select_n3A_552 : i32
        %get3A = arith.constant 2 : i32
        %get3A_555 = arith.index_cast %get3A : i32 to index
        %get3A_556 = arith.index_cast %add3A_536 : i32 to index
        %get3A_557 = arith.index_cast %mul3A_554 : i32 to index
        %get3A_558 = tpu.vector_load %arg6[%get3A_555, %get3A_556, %get3A_557] {strides = array<i32>} : memref<4x6x112xi32, #tpu.memory_space<vmem>>, vector<1x1x16xi32>,
        %get3A_559 = vector.shape_cast %get3A_558 : vector<1x1x16xi32> to vector<16xi32>
        %bitcast_convert_type3A = tpu.bitcast %get3A_559 : vector<16xi32> -> vector<16xf32>
        %mul3A_560 = arith.constant 4 : i32
        %mul3A_561 = arith.muli %mul3A_560, %scan3A_518 : i32
        %add3A_562 = arith.constant 0 : i32
        %add3A_563 = arith.addi %mul3A_561, %add3A_562 : i32
        %get3A_564 = arith.constant 2 : i32
        %get3A_565 = arith.index_cast %get3A_564 : i32 to index
        %get3A_566 = arith.index_cast %add3A_563 : i32 to index
        %get3A_567 = arith.constant 0 : index
        %get3A_568 = tpu.vector_load %arg7[%get3A_565, %get3A_566, %get3A_567] {strides = array<i32>} : memref<4x112x64xf32, #tpu.memory_space<vmem>>, vector<1x1x16xf32>,
        %get3A_569 = vector.shape_cast %get3A_568 : vector<1x1x16xf32> to vector<16xf32>
        %slice3A = vector.extract_strided_slice %bitcast_convert_type3A {offsets = [0], sizes = [1], strides = [1]} : vector<16xf32> to vector<1xf32>
        %squeeze3A = vector.extract %slice3A[0] : f32 from vector<1xf32>
        %mul3A_570 = vector.broadcast %squeeze3A : f32 to vector<16xf32>
        %mul3A_571 = arith.mulf %get3A_569, %mul3A_570 : vector<16xf32>
        %swap3A = arith.constant 2 : i32
        %swap3A_572 = arith.index_cast %swap3A : i32 to index
        %swap3A_573 = arith.index_cast %add3A_563 : i32 to index
        %swap3A_574 = arith.constant 0 : index
        %swap3A_575 = tpu.vector_load %arg7[%swap3A_572, %swap3A_573, %swap3A_574] {strides = array<i32>} : memref<4x112x64xf32, #tpu.memory_space<vmem>>, vector<1x1x16xf32>,
        %swap3A_576 = vector.shape_cast %swap3A_575 : vector<1x1x16xf32> to vector<16xf32>
        %swap3A_577 = vector.shape_cast %mul3A_571 : vector<16xf32> to vector<1x1x16xf32>
        tpu.vector_store %arg7[%swap3A_572, %swap3A_573, %swap3A_574], %swap3A_577 {strides = array<i32>} : memref<4x112x64xf32, #tpu.memory_space<vmem>>, vector<1x1x16xf32>,
        %get3A_578 = arith.constant 2 : i32
        %get3A_579 = arith.index_cast %get3A_578 : i32 to index
        %get3A_580 = arith.index_cast %add3A_563 : i32 to index
        %get3A_581 = arith.constant 16 : index
        %get3A_582 = tpu.vector_load %arg7[%get3A_579, %get3A_580, %get3A_581] {strides = array<i32>} : memref<4x112x64xf32, #tpu.memory_space<vmem>>, vector<1x1x16xf32>,
        %get3A_583 = vector.shape_cast %get3A_582 : vector<1x1x16xf32> to vector<16xf32>
        %slice3A_584 = vector.extract_strided_slice %bitcast_convert_type3A {offsets = [1], sizes = [1], strides = [1]} : vector<16xf32> to vector<1xf32>
        %squeeze3A_585 = vector.extract %slice3A_584[0] : f32 from vector<1xf32>
        %mul3A_586 = vector.broadcast %squeeze3A_585 : f32 to vector<16xf32>
        %mul3A_587 = arith.mulf %get3A_583, %mul3A_586 : vector<16xf32>
        %swap3A_588 = arith.constant 2 : i32
        %swap3A_589 = arith.index_cast %swap3A_588 : i32 to index
        %swap3A_590 = arith.index_cast %add3A_563 : i32 to index
        %swap3A_591 = arith.constant 16 : index
        %swap3A_592 = tpu.vector_load %arg7[%swap3A_589, %swap3A_590, %swap3A_591] {strides = array<i32>} : memref<4x112x64xf32, #tpu.memory_space<vmem>>, vector<1x1x16xf32>,
        %swap3A_593 = vector.shape_cast %swap3A_592 : vector<1x1x16xf32> to vector<16xf32>
        %swap3A_594 = vector.shape_cast %mul3A_587 : vector<16xf32> to vector<1x1x16xf32>
        tpu.vector_store %arg7[%swap3A_589, %swap3A_590, %swap3A_591], %swap3A_594 {strides = array<i32>} : memref<4x112x64xf32, #tpu.memory_space<vmem>>, vector<1x1x16xf32>,
        %get3A_595 = arith.constant 2 : i32
        %get3A_596 = arith.index_cast %get3A_595 : i32 to index
        %get3A_597 = arith.index_cast %add3A_563 : i32 to index
        %get3A_598 = arith.constant 32 : index
        %get3A_599 = tpu.vector_load %arg7[%get3A_596, %get3A_597, %get3A_598] {strides = array<i32>} : memref<4x112x64xf32, #tpu.memory_space<vmem>>, vector<1x1x16xf32>,
        %get3A_600 = vector.shape_cast %get3A_599 : vector<1x1x16xf32> to vector<16xf32>
        %slice3A_601 = vector.extract_strided_slice %bitcast_convert_type3A {offsets = [2], sizes = [1], strides = [1]} : vector<16xf32> to vector<1xf32>
        %squeeze3A_602 = vector.extract %slice3A_601[0] : f32 from vector<1xf32>
        %mul3A_603 = vector.broadcast %squeeze3A_602 : f32 to vector<16xf32>
        %mul3A_604 = arith.mulf %get3A_600, %mul3A_603 : vector<16xf32>
        %swap3A_605 = arith.constant 2 : i32
        %swap3A_606 = arith.index_cast %swap3A_605 : i32 to index
        %swap3A_607 = arith.index_cast %add3A_563 : i32 to index
        %swap3A_608 = arith.constant 32 : index
        %swap3A_609 = tpu.vector_load %arg7[%swap3A_606, %swap3A_607, %swap3A_608] {strides = array<i32>} : memref<4x112x64xf32, #tpu.memory_space<vmem>>, vector<1x1x16xf32>,
        %swap3A_610 = vector.shape_cast %swap3A_609 : vector<1x1x16xf32> to vector<16xf32>
        %swap3A_611 = vector.shape_cast %mul3A_604 : vector<16xf32> to vector<1x1x16xf32>
        tpu.vector_store %arg7[%swap3A_606, %swap3A_607, %swap3A_608], %swap3A_611 {strides = array<i32>} : memref<4x112x64xf32, #tpu.memory_space<vmem>>, vector<1x1x16xf32>,
        %get3A_612 = arith.constant 2 : i32
        %get3A_613 = arith.index_cast %get3A_612 : i32 to index
        %get3A_614 = arith.index_cast %add3A_563 : i32 to index
        %get3A_615 = arith.constant 48 : index
        %get3A_616 = tpu.vector_load %arg7[%get3A_613, %get3A_614, %get3A_615] {strides = array<i32>} : memref<4x112x64xf32, #tpu.memory_space<vmem>>, vector<1x1x16xf32>,
        %get3A_617 = vector.shape_cast %get3A_616 : vector<1x1x16xf32> to vector<16xf32>
        %slice3A_618 = vector.extract_strided_slice %bitcast_convert_type3A {offsets = [3], sizes = [1], strides = [1]} : vector<16xf32> to vector<1xf32>
        %squeeze3A_619 = vector.extract %slice3A_618[0] : f32 from vector<1xf32>
        %mul3A_620 = vector.broadcast %squeeze3A_619 : f32 to vector<16xf32>
        %mul3A_621 = arith.mulf %get3A_617, %mul3A_620 : vector<16xf32>
        %swap3A_622 = arith.constant 2 : i32
        %swap3A_623 = arith.index_cast %swap3A_622 : i32 to index
        %swap3A_624 = arith.index_cast %add3A_563 : i32 to index
        %swap3A_625 = arith.constant 48 : index
        %swap3A_626 = tpu.vector_load %arg7[%swap3A_623, %swap3A_624, %swap3A_625] {strides = array<i32>} : memref<4x112x64xf32, #tpu.memory_space<vmem>>, vector<1x1x16xf32>,
        %swap3A_627 = vector.shape_cast %swap3A_626 : vector<1x1x16xf32> to vector<16xf32>
        %swap3A_628 = vector.shape_cast %mul3A_621 : vector<16xf32> to vector<1x1x16xf32>
        tpu.vector_store %arg7[%swap3A_623, %swap3A_624, %swap3A_625], %swap3A_628 {strides = array<i32>} : memref<4x112x64xf32, #tpu.memory_space<vmem>>, vector<1x1x16xf32>,
        %mul3A_629 = arith.constant 4 : i32
        %mul3A_630 = arith.muli %mul3A_629, %scan3A_518 : i32
        %add3A_631 = arith.constant 1 : i32
        %add3A_632 = arith.addi %mul3A_630, %add3A_631 : i32
        %get3A_633 = arith.constant 2 : i32
        %get3A_634 = arith.index_cast %get3A_633 : i32 to index
        %get3A_635 = arith.index_cast %add3A_632 : i32 to index
        %get3A_636 = arith.constant 0 : index
        %get3A_637 = tpu.vector_load %arg7[%get3A_634, %get3A_635, %get3A_636] {strides = array<i32>} : memref<4x112x64xf32, #tpu.memory_space<vmem>>, vector<1x1x16xf32>,
        %get3A_638 = vector.shape_cast %get3A_637 : vector<1x1x16xf32> to vector<16xf32>
        %slice3A_639 = vector.extract_strided_slice %bitcast_convert_type3A {offsets = [4], sizes = [1], strides = [1]} : vector<16xf32> to vector<1xf32>
        %squeeze3A_640 = vector.extract %slice3A_639[0] : f32 from vector<1xf32>
        %mul3A_641 = vector.broadcast %squeeze3A_640 : f32 to vector<16xf32>
        %mul3A_642 = arith.mulf %get3A_638, %mul3A_641 : vector<16xf32>
        %swap3A_643 = arith.constant 2 : i32
        %swap3A_644 = arith.index_cast %swap3A_643 : i32 to index
        %swap3A_645 = arith.index_cast %add3A_632 : i32 to index
        %swap3A_646 = arith.constant 0 : index
        %swap3A_647 = tpu.vector_load %arg7[%swap3A_644, %swap3A_645, %swap3A_646] {strides = array<i32>} : memref<4x112x64xf32, #tpu.memory_space<vmem>>, vector<1x1x16xf32>,
        %swap3A_648 = vector.shape_cast %swap3A_647 : vector<1x1x16xf32> to vector<16xf32>
        %swap3A_649 = vector.shape_cast %mul3A_642 : vector<16xf32> to vector<1x1x16xf32>
        tpu.vector_store %arg7[%swap3A_644, %swap3A_645, %swap3A_646], %swap3A_649 {strides = array<i32>} : memref<4x112x64xf32, #tpu.memory_space<vmem>>, vector<1x1x16xf32>,
        %get3A_650 = arith.constant 2 : i32
        %get3A_651 = arith.index_cast %get3A_650 : i32 to index
        %get3A_652 = arith.index_cast %add3A_632 : i32 to index
        %get3A_653 = arith.constant 16 : index
        %get3A_654 = tpu.vector_load %arg7[%get3A_651, %get3A_652, %get3A_653] {strides = array<i32>} : memref<4x112x64xf32, #tpu.memory_space<vmem>>, vector<1x1x16xf32>,
        %get3A_655 = vector.shape_cast %get3A_654 : vector<1x1x16xf32> to vector<16xf32>
        %slice3A_656 = vector.extract_strided_slice %bitcast_convert_type3A {offsets = [5], sizes = [1], strides = [1]} : vector<16xf32> to vector<1xf32>
        %squeeze3A_657 = vector.extract %slice3A_656[0] : f32 from vector<1xf32>
        %mul3A_658 = vector.broadcast %squeeze3A_657 : f32 to vector<16xf32>
        %mul3A_659 = arith.mulf %get3A_655, %mul3A_658 : vector<16xf32>
        %swap3A_660 = arith.constant 2 : i32
        %swap3A_661 = arith.index_cast %swap3A_660 : i32 to index
        %swap3A_662 = arith.index_cast %add3A_632 : i32 to index
        %swap3A_663 = arith.constant 16 : index
        %swap3A_664 = tpu.vector_load %arg7[%swap3A_661, %swap3A_662, %swap3A_663] {strides = array<i32>} : memref<4x112x64xf32, #tpu.memory_space<vmem>>, vector<1x1x16xf32>,
        %swap3A_665 = vector.shape_cast %swap3A_664 : vector<1x1x16xf32> to vector<16xf32>
        %swap3A_666 = vector.shape_cast %mul3A_659 : vector<16xf32> to vector<1x1x16xf32>
        tpu.vector_store %arg7[%swap3A_661, %swap3A_662, %swap3A_663], %swap3A_666 {strides = array<i32>} : memref<4x112x64xf32, #tpu.memory_space<vmem>>, vector<1x1x16xf32>,
        %get3A_667 = arith.constant 2 : i32
        %get3A_668 = arith.index_cast %get3A_667 : i32 to index
        %get3A_669 = arith.index_cast %add3A_632 : i32 to index
        %get3A_670 = arith.constant 32 : index
        %get3A_671 = tpu.vector_load %arg7[%get3A_668, %get3A_669, %get3A_670] {strides = array<i32>} : memref<4x112x64xf32, #tpu.memory_space<vmem>>, vector<1x1x16xf32>,
        %get3A_672 = vector.shape_cast %get3A_671 : vector<1x1x16xf32> to vector<16xf32>
        %slice3A_673 = vector.extract_strided_slice %bitcast_convert_type3A {offsets = [6], sizes = [1], strides = [1]} : vector<16xf32> to vector<1xf32>
        %squeeze3A_674 = vector.extract %slice3A_673[0] : f32 from vector<1xf32>
        %mul3A_675 = vector.broadcast %squeeze3A_674 : f32 to vector<16xf32>
        %mul3A_676 = arith.mulf %get3A_672, %mul3A_675 : vector<16xf32>
        %swap3A_677 = arith.constant 2 : i32
        %swap3A_678 = arith.index_cast %swap3A_677 : i32 to index
        %swap3A_679 = arith.index_cast %add3A_632 : i32 to index
        %swap3A_680 = arith.constant 32 : index
        %swap3A_681 = tpu.vector_load %arg7[%swap3A_678, %swap3A_679, %swap3A_680] {strides = array<i32>} : memref<4x112x64xf32, #tpu.memory_space<vmem>>, vector<1x1x16xf32>,
        %swap3A_682 = vector.shape_cast %swap3A_681 : vector<1x1x16xf32> to vector<16xf32>
        %swap3A_683 = vector.shape_cast %mul3A_676 : vector<16xf32> to vector<1x1x16xf32>
        tpu.vector_store %arg7[%swap3A_678, %swap3A_679, %swap3A_680], %swap3A_683 {strides = array<i32>} : memref<4x112x64xf32, #tpu.memory_space<vmem>>, vector<1x1x16xf32>,
        %get3A_684 = arith.constant 2 : i32
        %get3A_685 = arith.index_cast %get3A_684 : i32 to index
        %get3A_686 = arith.index_cast %add3A_632 : i32 to index
        %get3A_687 = arith.constant 48 : index
        %get3A_688 = tpu.vector_load %arg7[%get3A_685, %get3A_686, %get3A_687] {strides = array<i32>} : memref<4x112x64xf32, #tpu.memory_space<vmem>>, vector<1x1x16xf32>,
        %get3A_689 = vector.shape_cast %get3A_688 : vector<1x1x16xf32> to vector<16xf32>
        %slice3A_690 = vector.extract_strided_slice %bitcast_convert_type3A {offsets = [7], sizes = [1], strides = [1]} : vector<16xf32> to vector<1xf32>
        %squeeze3A_691 = vector.extract %slice3A_690[0] : f32 from vector<1xf32>
        %mul3A_692 = vector.broadcast %squeeze3A_691 : f32 to vector<16xf32>
        %mul3A_693 = arith.mulf %get3A_689, %mul3A_692 : vector<16xf32>
        %swap3A_694 = arith.constant 2 : i32
        %swap3A_695 = arith.index_cast %swap3A_694 : i32 to index
        %swap3A_696 = arith.index_cast %add3A_632 : i32 to index
        %swap3A_697 = arith.constant 48 : index
        %swap3A_698 = tpu.vector_load %arg7[%swap3A_695, %swap3A_696, %swap3A_697] {strides = array<i32>} : memref<4x112x64xf32, #tpu.memory_space<vmem>>, vector<1x1x16xf32>,
        %swap3A_699 = vector.shape_cast %swap3A_698 : vector<1x1x16xf32> to vector<16xf32>
        %swap3A_700 = vector.shape_cast %mul3A_693 : vector<16xf32> to vector<1x1x16xf32>
        tpu.vector_store %arg7[%swap3A_695, %swap3A_696, %swap3A_697], %swap3A_700 {strides = array<i32>} : memref<4x112x64xf32, #tpu.memory_space<vmem>>, vector<1x1x16xf32>,
        %mul3A_701 = arith.constant 4 : i32
        %mul3A_702 = arith.muli %mul3A_701, %scan3A_518 : i32
        %add3A_703 = arith.constant 2 : i32
        %add3A_704 = arith.addi %mul3A_702, %add3A_703 : i32
        %get3A_705 = arith.constant 2 : i32
        %get3A_706 = arith.index_cast %get3A_705 : i32 to index
        %get3A_707 = arith.index_cast %add3A_704 : i32 to index
        %get3A_708 = arith.constant 0 : index
        %get3A_709 = tpu.vector_load %arg7[%get3A_706, %get3A_707, %get3A_708] {strides = array<i32>} : memref<4x112x64xf32, #tpu.memory_space<vmem>>, vector<1x1x16xf32>,
        %get3A_710 = vector.shape_cast %get3A_709 : vector<1x1x16xf32> to vector<16xf32>
        %slice3A_711 = vector.extract_strided_slice %bitcast_convert_type3A {offsets = [8], sizes = [1], strides = [1]} : vector<16xf32> to vector<1xf32>
        %squeeze3A_712 = vector.extract %slice3A_711[0] : f32 from vector<1xf32>
        %mul3A_713 = vector.broadcast %squeeze3A_712 : f32 to vector<16xf32>
        %mul3A_714 = arith.mulf %get3A_710, %mul3A_713 : vector<16xf32>
        %swap3A_715 = arith.constant 2 : i32
        %swap3A_716 = arith.index_cast %swap3A_715 : i32 to index
        %swap3A_717 = arith.index_cast %add3A_704 : i32 to index
        %swap3A_718 = arith.constant 0 : index
        %swap3A_719 = tpu.vector_load %arg7[%swap3A_716, %swap3A_717, %swap3A_718] {strides = array<i32>} : memref<4x112x64xf32, #tpu.memory_space<vmem>>, vector<1x1x16xf32>,
        %swap3A_720 = vector.shape_cast %swap3A_719 : vector<1x1x16xf32> to vector<16xf32>
        %swap3A_721 = vector.shape_cast %mul3A_714 : vector<16xf32> to vector<1x1x16xf32>
        tpu.vector_store %arg7[%swap3A_716, %swap3A_717, %swap3A_718], %swap3A_721 {strides = array<i32>} : memref<4x112x64xf32, #tpu.memory_space<vmem>>, vector<1x1x16xf32>,
        %get3A_722 = arith.constant 2 : i32
        %get3A_723 = arith.index_cast %get3A_722 : i32 to index
        %get3A_724 = arith.index_cast %add3A_704 : i32 to index
        %get3A_725 = arith.constant 16 : index
        %get3A_726 = tpu.vector_load %arg7[%get3A_723, %get3A_724, %get3A_725] {strides = array<i32>} : memref<4x112x64xf32, #tpu.memory_space<vmem>>, vector<1x1x16xf32>,
        %get3A_727 = vector.shape_cast %get3A_726 : vector<1x1x16xf32> to vector<16xf32>
        %slice3A_728 = vector.extract_strided_slice %bitcast_convert_type3A {offsets = [9], sizes = [1], strides = [1]} : vector<16xf32> to vector<1xf32>
        %squeeze3A_729 = vector.extract %slice3A_728[0] : f32 from vector<1xf32>
        %mul3A_730 = vector.broadcast %squeeze3A_729 : f32 to vector<16xf32>
        %mul3A_731 = arith.mulf %get3A_727, %mul3A_730 : vector<16xf32>
        %swap3A_732 = arith.constant 2 : i32
        %swap3A_733 = arith.index_cast %swap3A_732 : i32 to index
        %swap3A_734 = arith.index_cast %add3A_704 : i32 to index
        %swap3A_735 = arith.constant 16 : index
        %swap3A_736 = tpu.vector_load %arg7[%swap3A_733, %swap3A_734, %swap3A_735] {strides = array<i32>} : memref<4x112x64xf32, #tpu.memory_space<vmem>>, vector<1x1x16xf32>,
        %swap3A_737 = vector.shape_cast %swap3A_736 : vector<1x1x16xf32> to vector<16xf32>
        %swap3A_738 = vector.shape_cast %mul3A_731 : vector<16xf32> to vector<1x1x16xf32>
        tpu.vector_store %arg7[%swap3A_733, %swap3A_734, %swap3A_735], %swap3A_738 {strides = array<i32>} : memref<4x112x64xf32, #tpu.memory_space<vmem>>, vector<1x1x16xf32>,
        %get3A_739 = arith.constant 2 : i32
        %get3A_740 = arith.index_cast %get3A_739 : i32 to index
        %get3A_741 = arith.index_cast %add3A_704 : i32 to index
        %get3A_742 = arith.constant 32 : index
        %get3A_743 = tpu.vector_load %arg7[%get3A_740, %get3A_741, %get3A_742] {strides = array<i32>} : memref<4x112x64xf32, #tpu.memory_space<vmem>>, vector<1x1x16xf32>,
        %get3A_744 = vector.shape_cast %get3A_743 : vector<1x1x16xf32> to vector<16xf32>
        %slice3A_745 = vector.extract_strided_slice %bitcast_convert_type3A {offsets = [10], sizes = [1], strides = [1]} : vector<16xf32> to vector<1xf32>
        %squeeze3A_746 = vector.extract %slice3A_745[0] : f32 from vector<1xf32>
        %mul3A_747 = vector.broadcast %squeeze3A_746 : f32 to vector<16xf32>
        %mul3A_748 = arith.mulf %get3A_744, %mul3A_747 : vector<16xf32>
        %swap3A_749 = arith.constant 2 : i32
        %swap3A_750 = arith.index_cast %swap3A_749 : i32 to index
        %swap3A_751 = arith.index_cast %add3A_704 : i32 to index
        %swap3A_752 = arith.constant 32 : index
        %swap3A_753 = tpu.vector_load %arg7[%swap3A_750, %swap3A_751, %swap3A_752] {strides = array<i32>} : memref<4x112x64xf32, #tpu.memory_space<vmem>>, vector<1x1x16xf32>,
        %swap3A_754 = vector.shape_cast %swap3A_753 : vector<1x1x16xf32> to vector<16xf32>
        %swap3A_755 = vector.shape_cast %mul3A_748 : vector<16xf32> to vector<1x1x16xf32>
        tpu.vector_store %arg7[%swap3A_750, %swap3A_751, %swap3A_752], %swap3A_755 {strides = array<i32>} : memref<4x112x64xf32, #tpu.memory_space<vmem>>, vector<1x1x16xf32>,
        %get3A_756 = arith.constant 2 : i32
        %get3A_757 = arith.index_cast %get3A_756 : i32 to index
        %get3A_758 = arith.index_cast %add3A_704 : i32 to index
        %get3A_759 = arith.constant 48 : index
        %get3A_760 = tpu.vector_load %arg7[%get3A_757, %get3A_758, %get3A_759] {strides = array<i32>} : memref<4x112x64xf32, #tpu.memory_space<vmem>>, vector<1x1x16xf32>,
        %get3A_761 = vector.shape_cast %get3A_760 : vector<1x1x16xf32> to vector<16xf32>
        %slice3A_762 = vector.extract_strided_slice %bitcast_convert_type3A {offsets = [11], sizes = [1], strides = [1]} : vector<16xf32> to vector<1xf32>
        %squeeze3A_763 = vector.extract %slice3A_762[0] : f32 from vector<1xf32>
        %mul3A_764 = vector.broadcast %squeeze3A_763 : f32 to vector<16xf32>
        %mul3A_765 = arith.mulf %get3A_761, %mul3A_764 : vector<16xf32>
        %swap3A_766 = arith.constant 2 : i32
        %swap3A_767 = arith.index_cast %swap3A_766 : i32 to index
        %swap3A_768 = arith.index_cast %add3A_704 : i32 to index
        %swap3A_769 = arith.constant 48 : index
        %swap3A_770 = tpu.vector_load %arg7[%swap3A_767, %swap3A_768, %swap3A_769] {strides = array<i32>} : memref<4x112x64xf32, #tpu.memory_space<vmem>>, vector<1x1x16xf32>,
        %swap3A_771 = vector.shape_cast %swap3A_770 : vector<1x1x16xf32> to vector<16xf32>
        %swap3A_772 = vector.shape_cast %mul3A_765 : vector<16xf32> to vector<1x1x16xf32>
        tpu.vector_store %arg7[%swap3A_767, %swap3A_768, %swap3A_769], %swap3A_772 {strides = array<i32>} : memref<4x112x64xf32, #tpu.memory_space<vmem>>, vector<1x1x16xf32>,
        %mul3A_773 = arith.constant 4 : i32
        %mul3A_774 = arith.muli %mul3A_773, %scan3A_518 : i32
        %add3A_775 = arith.constant 3 : i32
        %add3A_776 = arith.addi %mul3A_774, %add3A_775 : i32
        %get3A_777 = arith.constant 2 : i32
        %get3A_778 = arith.index_cast %get3A_777 : i32 to index
        %get3A_779 = arith.index_cast %add3A_776 : i32 to index
        %get3A_780 = arith.constant 0 : index
        %get3A_781 = tpu.vector_load %arg7[%get3A_778, %get3A_779, %get3A_780] {strides = array<i32>} : memref<4x112x64xf32, #tpu.memory_space<vmem>>, vector<1x1x16xf32>,
        %get3A_782 = vector.shape_cast %get3A_781 : vector<1x1x16xf32> to vector<16xf32>
        %slice3A_783 = vector.extract_strided_slice %bitcast_convert_type3A {offsets = [12], sizes = [1], strides = [1]} : vector<16xf32> to vector<1xf32>
        %squeeze3A_784 = vector.extract %slice3A_783[0] : f32 from vector<1xf32>
        %mul3A_785 = vector.broadcast %squeeze3A_784 : f32 to vector<16xf32>
        %mul3A_786 = arith.mulf %get3A_782, %mul3A_785 : vector<16xf32>
        %swap3A_787 = arith.constant 2 : i32
        %swap3A_788 = arith.index_cast %swap3A_787 : i32 to index
        %swap3A_789 = arith.index_cast %add3A_776 : i32 to index
        %swap3A_790 = arith.constant 0 : index
        %swap3A_791 = tpu.vector_load %arg7[%swap3A_788, %swap3A_789, %swap3A_790] {strides = array<i32>} : memref<4x112x64xf32, #tpu.memory_space<vmem>>, vector<1x1x16xf32>,
        %swap3A_792 = vector.shape_cast %swap3A_791 : vector<1x1x16xf32> to vector<16xf32>
        %swap3A_793 = vector.shape_cast %mul3A_786 : vector<16xf32> to vector<1x1x16xf32>
        tpu.vector_store %arg7[%swap3A_788, %swap3A_789, %swap3A_790], %swap3A_793 {strides = array<i32>} : memref<4x112x64xf32, #tpu.memory_space<vmem>>, vector<1x1x16xf32>,
        %get3A_794 = arith.constant 2 : i32
        %get3A_795 = arith.index_cast %get3A_794 : i32 to index
        %get3A_796 = arith.index_cast %add3A_776 : i32 to index
        %get3A_797 = arith.constant 16 : index
        %get3A_798 = tpu.vector_load %arg7[%get3A_795, %get3A_796, %get3A_797] {strides = array<i32>} : memref<4x112x64xf32, #tpu.memory_space<vmem>>, vector<1x1x16xf32>,
        %get3A_799 = vector.shape_cast %get3A_798 : vector<1x1x16xf32> to vector<16xf32>
        %slice3A_800 = vector.extract_strided_slice %bitcast_convert_type3A {offsets = [13], sizes = [1], strides = [1]} : vector<16xf32> to vector<1xf32>
        %squeeze3A_801 = vector.extract %slice3A_800[0] : f32 from vector<1xf32>
        %mul3A_802 = vector.broadcast %squeeze3A_801 : f32 to vector<16xf32>
        %mul3A_803 = arith.mulf %get3A_799, %mul3A_802 : vector<16xf32>
        %swap3A_804 = arith.constant 2 : i32
        %swap3A_805 = arith.index_cast %swap3A_804 : i32 to index
        %swap3A_806 = arith.index_cast %add3A_776 : i32 to index
        %swap3A_807 = arith.constant 16 : index
        %swap3A_808 = tpu.vector_load %arg7[%swap3A_805, %swap3A_806, %swap3A_807] {strides = array<i32>} : memref<4x112x64xf32, #tpu.memory_space<vmem>>, vector<1x1x16xf32>,
        %swap3A_809 = vector.shape_cast %swap3A_808 : vector<1x1x16xf32> to vector<16xf32>
        %swap3A_810 = vector.shape_cast %mul3A_803 : vector<16xf32> to vector<1x1x16xf32>
        tpu.vector_store %arg7[%swap3A_805, %swap3A_806, %swap3A_807], %swap3A_810 {strides = array<i32>} : memref<4x112x64xf32, #tpu.memory_space<vmem>>, vector<1x1x16xf32>,
        %get3A_811 = arith.constant 2 : i32
        %get3A_812 = arith.index_cast %get3A_811 : i32 to index
        %get3A_813 = arith.index_cast %add3A_776 : i32 to index
        %get3A_814 = arith.constant 32 : index
        %get3A_815 = tpu.vector_load %arg7[%get3A_812, %get3A_813, %get3A_814] {strides = array<i32>} : memref<4x112x64xf32, #tpu.memory_space<vmem>>, vector<1x1x16xf32>,
        %get3A_816 = vector.shape_cast %get3A_815 : vector<1x1x16xf32> to vector<16xf32>
        %slice3A_817 = vector.extract_strided_slice %bitcast_convert_type3A {offsets = [14], sizes = [1], strides = [1]} : vector<16xf32> to vector<1xf32>
        %squeeze3A_818 = vector.extract %slice3A_817[0] : f32 from vector<1xf32>
        %mul3A_819 = vector.broadcast %squeeze3A_818 : f32 to vector<16xf32>
        %mul3A_820 = arith.mulf %get3A_816, %mul3A_819 : vector<16xf32>
        %swap3A_821 = arith.constant 2 : i32
        %swap3A_822 = arith.index_cast %swap3A_821 : i32 to index
        %swap3A_823 = arith.index_cast %add3A_776 : i32 to index
        %swap3A_824 = arith.constant 32 : index
        %swap3A_825 = tpu.vector_load %arg7[%swap3A_822, %swap3A_823, %swap3A_824] {strides = array<i32>} : memref<4x112x64xf32, #tpu.memory_space<vmem>>, vector<1x1x16xf32>,
        %swap3A_826 = vector.shape_cast %swap3A_825 : vector<1x1x16xf32> to vector<16xf32>
        %swap3A_827 = vector.shape_cast %mul3A_820 : vector<16xf32> to vector<1x1x16xf32>
        tpu.vector_store %arg7[%swap3A_822, %swap3A_823, %swap3A_824], %swap3A_827 {strides = array<i32>} : memref<4x112x64xf32, #tpu.memory_space<vmem>>, vector<1x1x16xf32>,
        %get3A_828 = arith.constant 2 : i32
        %get3A_829 = arith.index_cast %get3A_828 : i32 to index
        %get3A_830 = arith.index_cast %add3A_776 : i32 to index
        %get3A_831 = arith.constant 48 : index
        %get3A_832 = tpu.vector_load %arg7[%get3A_829, %get3A_830, %get3A_831] {strides = array<i32>} : memref<4x112x64xf32, #tpu.memory_space<vmem>>, vector<1x1x16xf32>,
        %get3A_833 = vector.shape_cast %get3A_832 : vector<1x1x16xf32> to vector<16xf32>
        %slice3A_834 = vector.extract_strided_slice %bitcast_convert_type3A {offsets = [15], sizes = [1], strides = [1]} : vector<16xf32> to vector<1xf32>
        %squeeze3A_835 = vector.extract %slice3A_834[0] : f32 from vector<1xf32>
        %mul3A_836 = vector.broadcast %squeeze3A_835 : f32 to vector<16xf32>
        %mul3A_837 = arith.mulf %get3A_833, %mul3A_836 : vector<16xf32>
        %swap3A_838 = arith.constant 2 : i32
        %swap3A_839 = arith.index_cast %swap3A_838 : i32 to index
        %swap3A_840 = arith.index_cast %add3A_776 : i32 to index
        %swap3A_841 = arith.constant 48 : index
        %swap3A_842 = tpu.vector_load %arg7[%swap3A_839, %swap3A_840, %swap3A_841] {strides = array<i32>} : memref<4x112x64xf32, #tpu.memory_space<vmem>>, vector<1x1x16xf32>,
        %swap3A_843 = vector.shape_cast %swap3A_842 : vector<1x1x16xf32> to vector<16xf32>
        %swap3A_844 = vector.shape_cast %mul3A_837 : vector<16xf32> to vector<1x1x16xf32>
        tpu.vector_store %arg7[%swap3A_839, %swap3A_840, %swap3A_841], %swap3A_844 {strides = array<i32>} : memref<4x112x64xf32, #tpu.memory_space<vmem>>, vector<1x1x16xf32>,
        %scan3A_845 = arith.constant 1 : i32
        %scan3A_846 = arith.addi %scan3A_518, %scan3A_845 : i32
        %jit3A_847 = arith.constant 7 : i32
        %div3A_848 = arith.divsi %scan3A_846, %jit3A_847 : i32
        %sign3A_849 = arith.constant 0 : i32
        %sign3A_850 = arith.cmpi sgt, %scan3A_846, %sign3A_849 : i32
        %sign3A_851 = arith.extui %sign3A_850 : i1 to i32
        %sign3A_852 = arith.constant 0 : i32
        %sign3A_853 = arith.cmpi slt, %scan3A_846, %sign3A_852 : i32
        %sign3A_854 = arith.extui %sign3A_853 : i1 to i32
        %sign3A_855 = arith.subi %sign3A_851, %sign3A_854 : i32
        %sign3A_856 = arith.constant 0 : i32
        %sign3A_857 = arith.cmpi sgt, %jit3A_847, %sign3A_856 : i32
        %sign3A_858 = arith.extui %sign3A_857 : i1 to i32
        %sign3A_859 = arith.constant 0 : i32
        %sign3A_860 = arith.cmpi slt, %jit3A_847, %sign3A_859 : i32
        %sign3A_861 = arith.extui %sign3A_860 : i1 to i32
        %sign3A_862 = arith.subi %sign3A_858, %sign3A_861 : i32
        %ne3A_863 = arith.cmpi ne, %sign3A_855, %sign3A_862 : i32
        %rem3A_864 = arith.remsi %scan3A_846, %jit3A_847 : i32
        %ne3A_865 = arith.constant 0 : i32
        %ne3A_866 = arith.cmpi ne, %rem3A_864, %ne3A_865 : i32
        %and3A_867 = arith.andi %ne3A_863, %ne3A_866 : i1
        %sub3A_868 = arith.constant 1 : i32
        %sub3A_869 = arith.subi %div3A_848, %sub3A_868 : i32
        %select_n3A_870 = arith.select %and3A_867, %sub3A_869, %div3A_848 : i32
        %add3A_871 = arith.constant 2 : i32
        %add3A_872 = arith.addi %add3A_871, %select_n3A_870 : i32
        %jit3A_873 = arith.constant 7 : i32
        %eq3A_874 = arith.constant 0 : i32
        %eq3A_875 = arith.cmpi eq, %jit3A_873, %eq3A_874 : i32
        %jit3A_876 = arith.constant 1 : i32
        %select_n3A_877 = arith.select %eq3A_875, %jit3A_876, %jit3A_873 : i32
        %rem3A_878 = arith.remsi %scan3A_846, %select_n3A_877 : i32
        %ne3A_879 = arith.constant 0 : i32
        %ne3A_880 = arith.cmpi ne, %rem3A_878, %ne3A_879 : i32
        %lt3A_881 = arith.constant 0 : i32
        %lt3A_882 = arith.cmpi slt, %rem3A_878, %lt3A_881 : i32
        %lt3A_883 = arith.constant 0 : i32
        %lt3A_884 = arith.cmpi slt, %select_n3A_877, %lt3A_883 : i32
        %ne3A_885 = arith.xori %lt3A_882, %lt3A_884 : i1
        %and3A_886 = arith.andi %ne3A_885, %ne3A_880 : i1
        %add3A_887 = arith.addi %rem3A_878, %select_n3A_877 : i32
        %select_n3A_888 = arith.select %and3A_886, %add3A_887, %rem3A_878 : i32
        %mul3A_889 = arith.constant 16 : i32
        %mul3A_890 = arith.muli %mul3A_889, %select_n3A_888 : i32
        %get3A_891 = arith.constant 2 : i32
        %get3A_892 = arith.index_cast %get3A_891 : i32 to index
        %get3A_893 = arith.index_cast %add3A_872 : i32 to index
        %get3A_894 = arith.index_cast %mul3A_890 : i32 to index
        %get3A_895 = tpu.vector_load %arg6[%get3A_892, %get3A_893, %get3A_894] {strides = array<i32>} : memref<4x6x112xi32, #tpu.memory_space<vmem>>, vector<1x1x16xi32>,
        %get3A_896 = vector.shape_cast %get3A_895 : vector<1x1x16xi32> to vector<16xi32>
        %bitcast_convert_type3A_897 = tpu.bitcast %get3A_896 : vector<16xi32> -> vector<16xf32>
        %mul3A_898 = arith.constant 4 : i32
        %mul3A_899 = arith.muli %mul3A_898, %scan3A_846 : i32
        %add3A_900 = arith.constant 0 : i32
        %add3A_901 = arith.addi %mul3A_899, %add3A_900 : i32
        %get3A_902 = arith.constant 2 : i32
        %get3A_903 = arith.index_cast %get3A_902 : i32 to index
        %get3A_904 = arith.index_cast %add3A_901 : i32 to index
        %get3A_905 = arith.constant 0 : index
        %get3A_906 = tpu.vector_load %arg7[%get3A_903, %get3A_904, %get3A_905] {strides = array<i32>} : memref<4x112x64xf32, #tpu.memory_space<vmem>>, vector<1x1x16xf32>,
        %get3A_907 = vector.shape_cast %get3A_906 : vector<1x1x16xf32> to vector<16xf32>
        %slice3A_908 = vector.extract_strided_slice %bitcast_convert_type3A_897 {offsets = [0], sizes = [1], strides = [1]} : vector<16xf32> to vector<1xf32>
        %squeeze3A_909 = vector.extract %slice3A_908[0] : f32 from vector<1xf32>
        %mul3A_910 = vector.broadcast %squeeze3A_909 : f32 to vector<16xf32>
        %mul3A_911 = arith.mulf %get3A_907, %mul3A_910 : vector<16xf32>
        %swap3A_912 = arith.constant 2 : i32
        %swap3A_913 = arith.index_cast %swap3A_912 : i32 to index
        %swap3A_914 = arith.index_cast %add3A_901 : i32 to index
        %swap3A_915 = arith.constant 0 : index
        %swap3A_916 = tpu.vector_load %arg7[%swap3A_913, %swap3A_914, %swap3A_915] {strides = array<i32>} : memref<4x112x64xf32, #tpu.memory_space<vmem>>, vector<1x1x16xf32>,
        %swap3A_917 = vector.shape_cast %swap3A_916 : vector<1x1x16xf32> to vector<16xf32>
        %swap3A_918 = vector.shape_cast %mul3A_911 : vector<16xf32> to vector<1x1x16xf32>
        tpu.vector_store %arg7[%swap3A_913, %swap3A_914, %swap3A_915], %swap3A_918 {strides = array<i32>} : memref<4x112x64xf32, #tpu.memory_space<vmem>>, vector<1x1x16xf32>,
        %get3A_919 = arith.constant 2 : i32
        %get3A_920 = arith.index_cast %get3A_919 : i32 to index
        %get3A_921 = arith.index_cast %add3A_901 : i32 to index
        %get3A_922 = arith.constant 16 : index
        %get3A_923 = tpu.vector_load %arg7[%get3A_920, %get3A_921, %get3A_922] {strides = array<i32>} : memref<4x112x64xf32, #tpu.memory_space<vmem>>, vector<1x1x16xf32>,
        %get3A_924 = vector.shape_cast %get3A_923 : vector<1x1x16xf32> to vector<16xf32>
        %slice3A_925 = vector.extract_strided_slice %bitcast_convert_type3A_897 {offsets = [1], sizes = [1], strides = [1]} : vector<16xf32> to vector<1xf32>
        %squeeze3A_926 = vector.extract %slice3A_925[0] : f32 from vector<1xf32>
        %mul3A_927 = vector.broadcast %squeeze3A_926 : f32 to vector<16xf32>
        %mul3A_928 = arith.mulf %get3A_924, %mul3A_927 : vector<16xf32>
        %swap3A_929 = arith.constant 2 : i32
        %swap3A_930 = arith.index_cast %swap3A_929 : i32 to index
        %swap3A_931 = arith.index_cast %add3A_901 : i32 to index
        %swap3A_932 = arith.constant 16 : index
        %swap3A_933 = tpu.vector_load %arg7[%swap3A_930, %swap3A_931, %swap3A_932] {strides = array<i32>} : memref<4x112x64xf32, #tpu.memory_space<vmem>>, vector<1x1x16xf32>,
        %swap3A_934 = vector.shape_cast %swap3A_933 : vector<1x1x16xf32> to vector<16xf32>
        %swap3A_935 = vector.shape_cast %mul3A_928 : vector<16xf32> to vector<1x1x16xf32>
        tpu.vector_store %arg7[%swap3A_930, %swap3A_931, %swap3A_932], %swap3A_935 {strides = array<i32>} : memref<4x112x64xf32, #tpu.memory_space<vmem>>, vector<1x1x16xf32>,
        %get3A_936 = arith.constant 2 : i32
        %get3A_937 = arith.index_cast %get3A_936 : i32 to index
        %get3A_938 = arith.index_cast %add3A_901 : i32 to index
        %get3A_939 = arith.constant 32 : index
        %get3A_940 = tpu.vector_load %arg7[%get3A_937, %get3A_938, %get3A_939] {strides = array<i32>} : memref<4x112x64xf32, #tpu.memory_space<vmem>>, vector<1x1x16xf32>,
        %get3A_941 = vector.shape_cast %get3A_940 : vector<1x1x16xf32> to vector<16xf32>
        %slice3A_942 = vector.extract_strided_slice %bitcast_convert_type3A_897 {offsets = [2], sizes = [1], strides = [1]} : vector<16xf32> to vector<1xf32>
        %squeeze3A_943 = vector.extract %slice3A_942[0] : f32 from vector<1xf32>
        %mul3A_944 = vector.broadcast %squeeze3A_943 : f32 to vector<16xf32>
        %mul3A_945 = arith.mulf %get3A_941, %mul3A_944 : vector<16xf32>
        %swap3A_946 = arith.constant 2 : i32
        %swap3A_947 = arith.index_cast %swap3A_946 : i32 to index
        %swap3A_948 = arith.index_cast %add3A_901 : i32 to index
        %swap3A_949 = arith.constant 32 : index
        %swap3A_950 = tpu.vector_load %arg7[%swap3A_947, %swap3A_948, %swap3A_949] {strides = array<i32>} : memref<4x112x64xf32, #tpu.memory_space<vmem>>, vector<1x1x16xf32>,
        %swap3A_951 = vector.shape_cast %swap3A_950 : vector<1x1x16xf32> to vector<16xf32>
        %swap3A_952 = vector.shape_cast %mul3A_945 : vector<16xf32> to vector<1x1x16xf32>
        tpu.vector_store %arg7[%swap3A_947, %swap3A_948, %swap3A_949], %swap3A_952 {strides = array<i32>} : memref<4x112x64xf32, #tpu.memory_space<vmem>>, vector<1x1x16xf32>,
        %get3A_953 = arith.constant 2 : i32
        %get3A_954 = arith.index_cast %get3A_953 : i32 to index
        %get3A_955 = arith.index_cast %add3A_901 : i32 to index
        %get3A_956 = arith.constant 48 : index
        %get3A_957 = tpu.vector_load %arg7[%get3A_954, %get3A_955, %get3A_956] {strides = array<i32>} : memref<4x112x64xf32, #tpu.memory_space<vmem>>, vector<1x1x16xf32>,
        %get3A_958 = vector.shape_cast %get3A_957 : vector<1x1x16xf32> to vector<16xf32>
        %slice3A_959 = vector.extract_strided_slice %bitcast_convert_type3A_897 {offsets = [3], sizes = [1], strides = [1]} : vector<16xf32> to vector<1xf32>
        %squeeze3A_960 = vector.extract %slice3A_959[0] : f32 from vector<1xf32>
        %mul3A_961 = vector.broadcast %squeeze3A_960 : f32 to vector<16xf32>
        %mul3A_962 = arith.mulf %get3A_958, %mul3A_961 : vector<16xf32>
        %swap3A_963 = arith.constant 2 : i32
        %swap3A_964 = arith.index_cast %swap3A_963 : i32 to index
        %swap3A_965 = arith.index_cast %add3A_901 : i32 to index
        %swap3A_966 = arith.constant 48 : index
        %swap3A_967 = tpu.vector_load %arg7[%swap3A_964, %swap3A_965, %swap3A_966] {strides = array<i32>} : memref<4x112x64xf32, #tpu.memory_space<vmem>>, vector<1x1x16xf32>,
        %swap3A_968 = vector.shape_cast %swap3A_967 : vector<1x1x16xf32> to vector<16xf32>
        %swap3A_969 = vector.shape_cast %mul3A_962 : vector<16xf32> to vector<1x1x16xf32>
        tpu.vector_store %arg7[%swap3A_964, %swap3A_965, %swap3A_966], %swap3A_969 {strides = array<i32>} : memref<4x112x64xf32, #tpu.memory_space<vmem>>, vector<1x1x16xf32>,
        %mul3A_970 = arith.constant 4 : i32
        %mul3A_971 = arith.muli %mul3A_970, %scan3A_846 : i32
        %add3A_972 = arith.constant 1 : i32
        %add3A_973 = arith.addi %mul3A_971, %add3A_972 : i32
        %get3A_974 = arith.constant 2 : i32
        %get3A_975 = arith.index_cast %get3A_974 : i32 to index
        %get3A_976 = arith.index_cast %add3A_973 : i32 to index
        %get3A_977 = arith.constant 0 : index
        %get3A_978 = tpu.vector_load %arg7[%get3A_975, %get3A_976, %get3A_977] {strides = array<i32>} : memref<4x112x64xf32, #tpu.memory_space<vmem>>, vector<1x1x16xf32>,
        %get3A_979 = vector.shape_cast %get3A_978 : vector<1x1x16xf32> to vector<16xf32>
        %slice3A_980 = vector.extract_strided_slice %bitcast_convert_type3A_897 {offsets = [4], sizes = [1], strides = [1]} : vector<16xf32> to vector<1xf32>
        %squeeze3A_981 = vector.extract %slice3A_980[0] : f32 from vector<1xf32>
        %mul3A_982 = vector.broadcast %squeeze3A_981 : f32 to vector<16xf32>
        %mul3A_983 = arith.mulf %get3A_979, %mul3A_982 : vector<16xf32>
        %swap3A_984 = arith.constant 2 : i32
        %swap3A_985 = arith.index_cast %swap3A_984 : i32 to index
        %swap3A_986 = arith.index_cast %add3A_973 : i32 to index
        %swap3A_987 = arith.constant 0 : index
        %swap3A_988 = tpu.vector_load %arg7[%swap3A_985, %swap3A_986, %swap3A_987] {strides = array<i32>} : memref<4x112x64xf32, #tpu.memory_space<vmem>>, vector<1x1x16xf32>,
        %swap3A_989 = vector.shape_cast %swap3A_988 : vector<1x1x16xf32> to vector<16xf32>
        %swap3A_990 = vector.shape_cast %mul3A_983 : vector<16xf32> to vector<1x1x16xf32>
        tpu.vector_store %arg7[%swap3A_985, %swap3A_986, %swap3A_987], %swap3A_990 {strides = array<i32>} : memref<4x112x64xf32, #tpu.memory_space<vmem>>, vector<1x1x16xf32>,
        %get3A_991 = arith.constant 2 : i32
        %get3A_992 = arith.index_cast %get3A_991 : i32 to index
        %get3A_993 = arith.index_cast %add3A_973 : i32 to index
        %get3A_994 = arith.constant 16 : index
        %get3A_995 = tpu.vector_load %arg7[%get3A_992, %get3A_993, %get3A_994] {strides = array<i32>} : memref<4x112x64xf32, #tpu.memory_space<vmem>>, vector<1x1x16xf32>,
        %get3A_996 = vector.shape_cast %get3A_995 : vector<1x1x16xf32> to vector<16xf32>
        %slice3A_997 = vector.extract_strided_slice %bitcast_convert_type3A_897 {offsets = [5], sizes = [1], strides = [1]} : vector<16xf32> to vector<1xf32>
        %squeeze3A_998 = vector.extract %slice3A_997[0] : f32 from vector<1xf32>
        %mul3A_999 = vector.broadcast %squeeze3A_998 : f32 to vector<16xf32>
        %mul3A_1000 = arith.mulf %get3A_996, %mul3A_999 : vector<16xf32>
        %swap3A_1001 = arith.constant 2 : i32
        %swap3A_1002 = arith.index_cast %swap3A_1001 : i32 to index
        %swap3A_1003 = arith.index_cast %add3A_973 : i32 to index
        %swap3A_1004 = arith.constant 16 : index
        %swap3A_1005 = tpu.vector_load %arg7[%swap3A_1002, %swap3A_1003, %swap3A_1004] {strides = array<i32>} : memref<4x112x64xf32, #tpu.memory_space<vmem>>, vector<1x1x16xf32>,
        %swap3A_1006 = vector.shape_cast %swap3A_1005 : vector<1x1x16xf32> to vector<16xf32>
        %swap3A_1007 = vector.shape_cast %mul3A_1000 : vector<16xf32> to vector<1x1x16xf32>
        tpu.vector_store %arg7[%swap3A_1002, %swap3A_1003, %swap3A_1004], %swap3A_1007 {strides = array<i32>} : memref<4x112x64xf32, #tpu.memory_space<vmem>>, vector<1x1x16xf32>,
        %get3A_1008 = arith.constant 2 : i32
        %get3A_1009 = arith.index_cast %get3A_1008 : i32 to index
        %get3A_1010 = arith.index_cast %add3A_973 : i32 to index
        %get3A_1011 = arith.constant 32 : index
        %get3A_1012 = tpu.vector_load %arg7[%get3A_1009, %get3A_1010, %get3A_1011] {strides = array<i32>} : memref<4x112x64xf32, #tpu.memory_space<vmem>>, vector<1x1x16xf32>,
        %get3A_1013 = vector.shape_cast %get3A_1012 : vector<1x1x16xf32> to vector<16xf32>
        %slice3A_1014 = vector.extract_strided_slice %bitcast_convert_type3A_897 {offsets = [6], sizes = [1], strides = [1]} : vector<16xf32> to vector<1xf32>
        %squeeze3A_1015 = vector.extract %slice3A_1014[0] : f32 from vector<1xf32>
        %mul3A_1016 = vector.broadcast %squeeze3A_1015 : f32 to vector<16xf32>
        %mul3A_1017 = arith.mulf %get3A_1013, %mul3A_1016 : vector<16xf32>
        %swap3A_1018 = arith.constant 2 : i32
        %swap3A_1019 = arith.index_cast %swap3A_1018 : i32 to index
        %swap3A_1020 = arith.index_cast %add3A_973 : i32 to index
        %swap3A_1021 = arith.constant 32 : index
        %swap3A_1022 = tpu.vector_load %arg7[%swap3A_1019, %swap3A_1020, %swap3A_1021] {strides = array<i32>} : memref<4x112x64xf32, #tpu.memory_space<vmem>>, vector<1x1x16xf32>,
        %swap3A_1023 = vector.shape_cast %swap3A_1022 : vector<1x1x16xf32> to vector<16xf32>
        %swap3A_1024 = vector.shape_cast %mul3A_1017 : vector<16xf32> to vector<1x1x16xf32>
        tpu.vector_store %arg7[%swap3A_1019, %swap3A_1020, %swap3A_1021], %swap3A_1024 {strides = array<i32>} : memref<4x112x64xf32, #tpu.memory_space<vmem>>, vector<1x1x16xf32>,
        %get3A_1025 = arith.constant 2 : i32
        %get3A_1026 = arith.index_cast %get3A_1025 : i32 to index
        %get3A_1027 = arith.index_cast %add3A_973 : i32 to index
        %get3A_1028 = arith.constant 48 : index
        %get3A_1029 = tpu.vector_load %arg7[%get3A_1026, %get3A_1027, %get3A_1028] {strides = array<i32>} : memref<4x112x64xf32, #tpu.memory_space<vmem>>, vector<1x1x16xf32>,
        %get3A_1030 = vector.shape_cast %get3A_1029 : vector<1x1x16xf32> to vector<16xf32>
        %slice3A_1031 = vector.extract_strided_slice %bitcast_convert_type3A_897 {offsets = [7], sizes = [1], strides = [1]} : vector<16xf32> to vector<1xf32>
        %squeeze3A_1032 = vector.extract %slice3A_1031[0] : f32 from vector<1xf32>
        %mul3A_1033 = vector.broadcast %squeeze3A_1032 : f32 to vector<16xf32>
        %mul3A_1034 = arith.mulf %get3A_1030, %mul3A_1033 : vector<16xf32>
        %swap3A_1035 = arith.constant 2 : i32
        %swap3A_1036 = arith.index_cast %swap3A_1035 : i32 to index
        %swap3A_1037 = arith.index_cast %add3A_973 : i32 to index
        %swap3A_1038 = arith.constant 48 : index
        %swap3A_1039 = tpu.vector_load %arg7[%swap3A_1036, %swap3A_1037, %swap3A_1038] {strides = array<i32>} : memref<4x112x64xf32, #tpu.memory_space<vmem>>, vector<1x1x16xf32>,
        %swap3A_1040 = vector.shape_cast %swap3A_1039 : vector<1x1x16xf32> to vector<16xf32>
        %swap3A_1041 = vector.shape_cast %mul3A_1034 : vector<16xf32> to vector<1x1x16xf32>
        tpu.vector_store %arg7[%swap3A_1036, %swap3A_1037, %swap3A_1038], %swap3A_1041 {strides = array<i32>} : memref<4x112x64xf32, #tpu.memory_space<vmem>>, vector<1x1x16xf32>,
        %mul3A_1042 = arith.constant 4 : i32
        %mul3A_1043 = arith.muli %mul3A_1042, %scan3A_846 : i32
        %add3A_1044 = arith.constant 2 : i32
        %add3A_1045 = arith.addi %mul3A_1043, %add3A_1044 : i32
        %get3A_1046 = arith.constant 2 : i32
        %get3A_1047 = arith.index_cast %get3A_1046 : i32 to index
        %get3A_1048 = arith.index_cast %add3A_1045 : i32 to index
        %get3A_1049 = arith.constant 0 : index
        %get3A_1050 = tpu.vector_load %arg7[%get3A_1047, %get3A_1048, %get3A_1049] {strides = array<i32>} : memref<4x112x64xf32, #tpu.memory_space<vmem>>, vector<1x1x16xf32>,
        %get3A_1051 = vector.shape_cast %get3A_1050 : vector<1x1x16xf32> to vector<16xf32>
        %slice3A_1052 = vector.extract_strided_slice %bitcast_convert_type3A_897 {offsets = [8], sizes = [1], strides = [1]} : vector<16xf32> to vector<1xf32>
        %squeeze3A_1053 = vector.extract %slice3A_1052[0] : f32 from vector<1xf32>
        %mul3A_1054 = vector.broadcast %squeeze3A_1053 : f32 to vector<16xf32>
        %mul3A_1055 = arith.mulf %get3A_1051, %mul3A_1054 : vector<16xf32>
        %swap3A_1056 = arith.constant 2 : i32
        %swap3A_1057 = arith.index_cast %swap3A_1056 : i32 to index
        %swap3A_1058 = arith.index_cast %add3A_1045 : i32 to index
        %swap3A_1059 = arith.constant 0 : index
        %swap3A_1060 = tpu.vector_load %arg7[%swap3A_1057, %swap3A_1058, %swap3A_1059] {strides = array<i32>} : memref<4x112x64xf32, #tpu.memory_space<vmem>>, vector<1x1x16xf32>,
        %swap3A_1061 = vector.shape_cast %swap3A_1060 : vector<1x1x16xf32> to vector<16xf32>
        %swap3A_1062 = vector.shape_cast %mul3A_1055 : vector<16xf32> to vector<1x1x16xf32>
        tpu.vector_store %arg7[%swap3A_1057, %swap3A_1058, %swap3A_1059], %swap3A_1062 {strides = array<i32>} : memref<4x112x64xf32, #tpu.memory_space<vmem>>, vector<1x1x16xf32>,
        %get3A_1063 = arith.constant 2 : i32
        %get3A_1064 = arith.index_cast %get3A_1063 : i32 to index
        %get3A_1065 = arith.index_cast %add3A_1045 : i32 to index
        %get3A_1066 = arith.constant 16 : index
        %get3A_1067 = tpu.vector_load %arg7[%get3A_1064, %get3A_1065, %get3A_1066] {strides = array<i32>} : memref<4x112x64xf32, #tpu.memory_space<vmem>>, vector<1x1x16xf32>,
        %get3A_1068 = vector.shape_cast %get3A_1067 : vector<1x1x16xf32> to vector<16xf32>
        %slice3A_1069 = vector.extract_strided_slice %bitcast_convert_type3A_897 {offsets = [9], sizes = [1], strides = [1]} : vector<16xf32> to vector<1xf32>
        %squeeze3A_1070 = vector.extract %slice3A_1069[0] : f32 from vector<1xf32>
        %mul3A_1071 = vector.broadcast %squeeze3A_1070 : f32 to vector<16xf32>
        %mul3A_1072 = arith.mulf %get3A_1068, %mul3A_1071 : vector<16xf32>
        %swap3A_1073 = arith.constant 2 : i32
        %swap3A_1074 = arith.index_cast %swap3A_1073 : i32 to index
        %swap3A_1075 = arith.index_cast %add3A_1045 : i32 to index
        %swap3A_1076 = arith.constant 16 : index
        %swap3A_1077 = tpu.vector_load %arg7[%swap3A_1074, %swap3A_1075, %swap3A_1076] {strides = array<i32>} : memref<4x112x64xf32, #tpu.memory_space<vmem>>, vector<1x1x16xf32>,
        %swap3A_1078 = vector.shape_cast %swap3A_1077 : vector<1x1x16xf32> to vector<16xf32>
        %swap3A_1079 = vector.shape_cast %mul3A_1072 : vector<16xf32> to vector<1x1x16xf32>
        tpu.vector_store %arg7[%swap3A_1074, %swap3A_1075, %swap3A_1076], %swap3A_1079 {strides = array<i32>} : memref<4x112x64xf32, #tpu.memory_space<vmem>>, vector<1x1x16xf32>,
        %get3A_1080 = arith.constant 2 : i32
        %get3A_1081 = arith.index_cast %get3A_1080 : i32 to index
        %get3A_1082 = arith.index_cast %add3A_1045 : i32 to index
        %get3A_1083 = arith.constant 32 : index
        %get3A_1084 = tpu.vector_load %arg7[%get3A_1081, %get3A_1082, %get3A_1083] {strides = array<i32>} : memref<4x112x64xf32, #tpu.memory_space<vmem>>, vector<1x1x16xf32>,
        %get3A_1085 = vector.shape_cast %get3A_1084 : vector<1x1x16xf32> to vector<16xf32>
        %slice3A_1086 = vector.extract_strided_slice %bitcast_convert_type3A_897 {offsets = [10], sizes = [1], strides = [1]} : vector<16xf32> to vector<1xf32>
        %squeeze3A_1087 = vector.extract %slice3A_1086[0] : f32 from vector<1xf32>
        %mul3A_1088 = vector.broadcast %squeeze3A_1087 : f32 to vector<16xf32>
        %mul3A_1089 = arith.mulf %get3A_1085, %mul3A_1088 : vector<16xf32>
        %swap3A_1090 = arith.constant 2 : i32
        %swap3A_1091 = arith.index_cast %swap3A_1090 : i32 to index
        %swap3A_1092 = arith.index_cast %add3A_1045 : i32 to index
        %swap3A_1093 = arith.constant 32 : index
        %swap3A_1094 = tpu.vector_load %arg7[%swap3A_1091, %swap3A_1092, %swap3A_1093] {strides = array<i32>} : memref<4x112x64xf32, #tpu.memory_space<vmem>>, vector<1x1x16xf32>,
        %swap3A_1095 = vector.shape_cast %swap3A_1094 : vector<1x1x16xf32> to vector<16xf32>
        %swap3A_1096 = vector.shape_cast %mul3A_1089 : vector<16xf32> to vector<1x1x16xf32>
        tpu.vector_store %arg7[%swap3A_1091, %swap3A_1092, %swap3A_1093], %swap3A_1096 {strides = array<i32>} : memref<4x112x64xf32, #tpu.memory_space<vmem>>, vector<1x1x16xf32>,
        %get3A_1097 = arith.constant 2 : i32
        %get3A_1098 = arith.index_cast %get3A_1097 : i32 to index
        %get3A_1099 = arith.index_cast %add3A_1045 : i32 to index
        %get3A_1100 = arith.constant 48 : index
        %get3A_1101 = tpu.vector_load %arg7[%get3A_1098, %get3A_1099, %get3A_1100] {strides = array<i32>} : memref<4x112x64xf32, #tpu.memory_space<vmem>>, vector<1x1x16xf32>,
        %get3A_1102 = vector.shape_cast %get3A_1101 : vector<1x1x16xf32> to vector<16xf32>
        %slice3A_1103 = vector.extract_strided_slice %bitcast_convert_type3A_897 {offsets = [11], sizes = [1], strides = [1]} : vector<16xf32> to vector<1xf32>
        %squeeze3A_1104 = vector.extract %slice3A_1103[0] : f32 from vector<1xf32>
        %mul3A_1105 = vector.broadcast %squeeze3A_1104 : f32 to vector<16xf32>
        %mul3A_1106 = arith.mulf %get3A_1102, %mul3A_1105 : vector<16xf32>
        %swap3A_1107 = arith.constant 2 : i32
        %swap3A_1108 = arith.index_cast %swap3A_1107 : i32 to index
        %swap3A_1109 = arith.index_cast %add3A_1045 : i32 to index
        %swap3A_1110 = arith.constant 48 : index
        %swap3A_1111 = tpu.vector_load %arg7[%swap3A_1108, %swap3A_1109, %swap3A_1110] {strides = array<i32>} : memref<4x112x64xf32, #tpu.memory_space<vmem>>, vector<1x1x16xf32>,
        %swap3A_1112 = vector.shape_cast %swap3A_1111 : vector<1x1x16xf32> to vector<16xf32>
        %swap3A_1113 = vector.shape_cast %mul3A_1106 : vector<16xf32> to vector<1x1x16xf32>
        tpu.vector_store %arg7[%swap3A_1108, %swap3A_1109, %swap3A_1110], %swap3A_1113 {strides = array<i32>} : memref<4x112x64xf32, #tpu.memory_space<vmem>>, vector<1x1x16xf32>,
        %mul3A_1114 = arith.constant 4 : i32
        %mul3A_1115 = arith.muli %mul3A_1114, %scan3A_846 : i32
        %add3A_1116 = arith.constant 3 : i32
        %add3A_1117 = arith.addi %mul3A_1115, %add3A_1116 : i32
        %get3A_1118 = arith.constant 2 : i32
        %get3A_1119 = arith.index_cast %get3A_1118 : i32 to index
        %get3A_1120 = arith.index_cast %add3A_1117 : i32 to index
        %get3A_1121 = arith.constant 0 : index
        %get3A_1122 = tpu.vector_load %arg7[%get3A_1119, %get3A_1120, %get3A_1121] {strides = array<i32>} : memref<4x112x64xf32, #tpu.memory_space<vmem>>, vector<1x1x16xf32>,
        %get3A_1123 = vector.shape_cast %get3A_1122 : vector<1x1x16xf32> to vector<16xf32>
        %slice3A_1124 = vector.extract_strided_slice %bitcast_convert_type3A_897 {offsets = [12], sizes = [1], strides = [1]} : vector<16xf32> to vector<1xf32>
        %squeeze3A_1125 = vector.extract %slice3A_1124[0] : f32 from vector<1xf32>
        %mul3A_1126 = vector.broadcast %squeeze3A_1125 : f32 to vector<16xf32>
        %mul3A_1127 = arith.mulf %get3A_1123, %mul3A_1126 : vector<16xf32>
        %swap3A_1128 = arith.constant 2 : i32
        %swap3A_1129 = arith.index_cast %swap3A_1128 : i32 to index
        %swap3A_1130 = arith.index_cast %add3A_1117 : i32 to index
        %swap3A_1131 = arith.constant 0 : index
        %swap3A_1132 = tpu.vector_load %arg7[%swap3A_1129, %swap3A_1130, %swap3A_1131] {strides = array<i32>} : memref<4x112x64xf32, #tpu.memory_space<vmem>>, vector<1x1x16xf32>,
        %swap3A_1133 = vector.shape_cast %swap3A_1132 : vector<1x1x16xf32> to vector<16xf32>
        %swap3A_1134 = vector.shape_cast %mul3A_1127 : vector<16xf32> to vector<1x1x16xf32>
        tpu.vector_store %arg7[%swap3A_1129, %swap3A_1130, %swap3A_1131], %swap3A_1134 {strides = array<i32>} : memref<4x112x64xf32, #tpu.memory_space<vmem>>, vector<1x1x16xf32>,
        %get3A_1135 = arith.constant 2 : i32
        %get3A_1136 = arith.index_cast %get3A_1135 : i32 to index
        %get3A_1137 = arith.index_cast %add3A_1117 : i32 to index
        %get3A_1138 = arith.constant 16 : index
        %get3A_1139 = tpu.vector_load %arg7[%get3A_1136, %get3A_1137, %get3A_1138] {strides = array<i32>} : memref<4x112x64xf32, #tpu.memory_space<vmem>>, vector<1x1x16xf32>,
        %get3A_1140 = vector.shape_cast %get3A_1139 : vector<1x1x16xf32> to vector<16xf32>
        %slice3A_1141 = vector.extract_strided_slice %bitcast_convert_type3A_897 {offsets = [13], sizes = [1], strides = [1]} : vector<16xf32> to vector<1xf32>
        %squeeze3A_1142 = vector.extract %slice3A_1141[0] : f32 from vector<1xf32>
        %mul3A_1143 = vector.broadcast %squeeze3A_1142 : f32 to vector<16xf32>
        %mul3A_1144 = arith.mulf %get3A_1140, %mul3A_1143 : vector<16xf32>
        %swap3A_1145 = arith.constant 2 : i32
        %swap3A_1146 = arith.index_cast %swap3A_1145 : i32 to index
        %swap3A_1147 = arith.index_cast %add3A_1117 : i32 to index
        %swap3A_1148 = arith.constant 16 : index
        %swap3A_1149 = tpu.vector_load %arg7[%swap3A_1146, %swap3A_1147, %swap3A_1148] {strides = array<i32>} : memref<4x112x64xf32, #tpu.memory_space<vmem>>, vector<1x1x16xf32>,
        %swap3A_1150 = vector.shape_cast %swap3A_1149 : vector<1x1x16xf32> to vector<16xf32>
        %swap3A_1151 = vector.shape_cast %mul3A_1144 : vector<16xf32> to vector<1x1x16xf32>
        tpu.vector_store %arg7[%swap3A_1146, %swap3A_1147, %swap3A_1148], %swap3A_1151 {strides = array<i32>} : memref<4x112x64xf32, #tpu.memory_space<vmem>>, vector<1x1x16xf32>,
        %get3A_1152 = arith.constant 2 : i32
        %get3A_1153 = arith.index_cast %get3A_1152 : i32 to index
        %get3A_1154 = arith.index_cast %add3A_1117 : i32 to index
        %get3A_1155 = arith.constant 32 : index
        %get3A_1156 = tpu.vector_load %arg7[%get3A_1153, %get3A_1154, %get3A_1155] {strides = array<i32>} : memref<4x112x64xf32, #tpu.memory_space<vmem>>, vector<1x1x16xf32>,
        %get3A_1157 = vector.shape_cast %get3A_1156 : vector<1x1x16xf32> to vector<16xf32>
        %slice3A_1158 = vector.extract_strided_slice %bitcast_convert_type3A_897 {offsets = [14], sizes = [1], strides = [1]} : vector<16xf32> to vector<1xf32>
        %squeeze3A_1159 = vector.extract %slice3A_1158[0] : f32 from vector<1xf32>
        %mul3A_1160 = vector.broadcast %squeeze3A_1159 : f32 to vector<16xf32>
        %mul3A_1161 = arith.mulf %get3A_1157, %mul3A_1160 : vector<16xf32>
        %swap3A_1162 = arith.constant 2 : i32
        %swap3A_1163 = arith.index_cast %swap3A_1162 : i32 to index
        %swap3A_1164 = arith.index_cast %add3A_1117 : i32 to index
        %swap3A_1165 = arith.constant 32 : index
        %swap3A_1166 = tpu.vector_load %arg7[%swap3A_1163, %swap3A_1164, %swap3A_1165] {strides = array<i32>} : memref<4x112x64xf32, #tpu.memory_space<vmem>>, vector<1x1x16xf32>,
        %swap3A_1167 = vector.shape_cast %swap3A_1166 : vector<1x1x16xf32> to vector<16xf32>
        %swap3A_1168 = vector.shape_cast %mul3A_1161 : vector<16xf32> to vector<1x1x16xf32>
        tpu.vector_store %arg7[%swap3A_1163, %swap3A_1164, %swap3A_1165], %swap3A_1168 {strides = array<i32>} : memref<4x112x64xf32, #tpu.memory_space<vmem>>, vector<1x1x16xf32>,
        %get3A_1169 = arith.constant 2 : i32
        %get3A_1170 = arith.index_cast %get3A_1169 : i32 to index
        %get3A_1171 = arith.index_cast %add3A_1117 : i32 to index
        %get3A_1172 = arith.constant 48 : index
        %get3A_1173 = tpu.vector_load %arg7[%get3A_1170, %get3A_1171, %get3A_1172] {strides = array<i32>} : memref<4x112x64xf32, #tpu.memory_space<vmem>>, vector<1x1x16xf32>,
        %get3A_1174 = vector.shape_cast %get3A_1173 : vector<1x1x16xf32> to vector<16xf32>
        %slice3A_1175 = vector.extract_strided_slice %bitcast_convert_type3A_897 {offsets = [15], sizes = [1], strides = [1]} : vector<16xf32> to vector<1xf32>
        %squeeze3A_1176 = vector.extract %slice3A_1175[0] : f32 from vector<1xf32>
        %mul3A_1177 = vector.broadcast %squeeze3A_1176 : f32 to vector<16xf32>
        %mul3A_1178 = arith.mulf %get3A_1174, %mul3A_1177 : vector<16xf32>
        %swap3A_1179 = arith.constant 2 : i32
        %swap3A_1180 = arith.index_cast %swap3A_1179 : i32 to index
        %swap3A_1181 = arith.index_cast %add3A_1117 : i32 to index
        %swap3A_1182 = arith.constant 48 : index
        %swap3A_1183 = tpu.vector_load %arg7[%swap3A_1180, %swap3A_1181, %swap3A_1182] {strides = array<i32>} : memref<4x112x64xf32, #tpu.memory_space<vmem>>, vector<1x1x16xf32>,
        %swap3A_1184 = vector.shape_cast %swap3A_1183 : vector<1x1x16xf32> to vector<16xf32>
        %swap3A_1185 = vector.shape_cast %mul3A_1178 : vector<16xf32> to vector<1x1x16xf32>
        tpu.vector_store %arg7[%swap3A_1180, %swap3A_1181, %swap3A_1182], %swap3A_1185 {strides = array<i32>} : memref<4x112x64xf32, #tpu.memory_space<vmem>>, vector<1x1x16xf32>,
      }
      %scan3A_421 = arith.constant 28 : i32
      %dma_start3A_422 = arith.constant 2 : i32
      %dma_start3A_423 = arith.constant 2 : i32
      %dma_start3A_424 = arith.constant 1 : i32
      %dma_start3A_425 = arith.constant 2 : i32
      %dma_start3A_426 = arith.constant 0 : i32
      %dma_start3A_427 = arith.constant 0 : i32
      %dma_start3A_428 = tpu.memref_slice %arg7[%dma_start3A_422, %dma_start3A_426, %dma_start3A_427] : memref<4x112x64xf32, #tpu.memory_space<vmem>> -> memref<1x112x64xf32, #tpu.memory_space<vmem>>
      %dma_start3A_429 = tpu.memref_squeeze %dma_start3A_428 : memref<1x112x64xf32, #tpu.memory_space<vmem>> -> memref<112x64xf32, #tpu.memory_space<vmem>>
      %dma_start3A_430 = arith.constant 0 : i32
      %dma_start3A_431 = tpu.memref_slice %arg6[%dma_start3A_423, %dma_start3A_424, %dma_start3A_430] : memref<4x6x112xi32, #tpu.memory_space<vmem>> -> memref<1x1x112xi32, #tpu.memory_space<vmem>>
      %dma_start3A_432 = tpu.memref_squeeze %dma_start3A_431 : memref<1x1x112xi32, #tpu.memory_space<vmem>> -> memref<112xi32, #tpu.memory_space<vmem>>
      %dma_start3A_433 = arith.constant 0 : i32
      %dma_start3A_434 = arith.constant 0 : i32
      %dma_start3A_435 = tpu.memref_slice %arg8[%scan3A_180, %dma_start3A_433, %dma_start3A_434] : memref<2x10000x64xf32, #tpu.memory_space<vmem_shared>> -> memref<1x10000x64xf32, #tpu.memory_space<vmem_shared>>
      %dma_start3A_436 = tpu.memref_squeeze %dma_start3A_435 : memref<1x10000x64xf32, #tpu.memory_space<vmem_shared>> -> memref<10000x64xf32, #tpu.memory_space<vmem_shared>>
      %dma_start3A_437 = arith.constant 0 : i32
      %dma_start3A_438 = arith.constant 0 : i32
      %dma_start3A_439 = tpu.memref_slice %dma_start3A_436[%dma_start3A_437, %dma_start3A_438] : memref<10000x64xf32, #tpu.memory_space<vmem_shared>> -> memref<10000x64xf32, #tpu.memory_space<vmem_shared>>
      %dma_start3A_440 = tpu.memref_slice %arg10[%dma_start3A_425] : memref<4x!tpu.dma_semaphore, #tpu.memory_space<semaphore_mem>> -> memref<1x!tpu.dma_semaphore, #tpu.memory_space<semaphore_mem>>
      %dma_start3A_441 = tpu.memref_squeeze %dma_start3A_440 : memref<1x!tpu.dma_semaphore, #tpu.memory_space<semaphore_mem>> -> memref<!tpu.dma_semaphore, #tpu.memory_space<semaphore_mem>>
      tpu.enqueue_indirect_dma source(%dma_start3A_429 : memref<112x64xf32, #tpu.memory_space<vmem>>) target(%dma_start3A_439 : memref<10000x64xf32, #tpu.memory_space<vmem_shared>>) offsets(%dma_start3A_432 : memref<112xi32, #tpu.memory_space<vmem>>) semaphore(%dma_start3A_441 : memref<!tpu.dma_semaphore, #tpu.memory_space<semaphore_mem>>) {add = true}
      %add3A_442 = arith.constant 2 : i32
      %add3A_443 = arith.addi %add3A_383, %add3A_442 : i32
      %lt3A_444 = arith.constant 180 : i32
      %lt3A_445 = arith.cmpi slt, %add3A_443, %lt3A_444 : i32
      %convert_element_type3A_446 = arith.extui %lt3A_445 : i1 to i32
      %cond3A_447 = arith.constant 0 : i32
      %cond3A_448 = arith.cmpi ne, %convert_element_type3A_446, %cond3A_447 : i32
      scf.if %cond3A_448 {
        %add3A_518 = arith.constant 2 : i32
        %add3A_519 = arith.addi %add3A_383, %add3A_518 : i32
        %add3A_520 = arith.addi %mul3A_12, %add3A_519 : i32
        %dma_wait3A_521 = arith.constant 0 : i32
        %dma_wait3A_522 = arith.constant 0 : i32
        %dma_wait3A_523 = arith.constant 0 : i32
        %dma_wait3A_524 = arith.constant 0 : i32
        %dma_wait3A_525 = tpu.memref_slice %arg6[%dma_wait3A_521, %dma_wait3A_523, %dma_wait3A_524] : memref<4x6x112xi32, #tpu.memory_space<vmem>> -> memref<1x6x112xi32, #tpu.memory_space<vmem>>
        %dma_wait3A_526 = tpu.memref_squeeze %dma_wait3A_525 : memref<1x6x112xi32, #tpu.memory_space<vmem>> -> memref<6x112xi32, #tpu.memory_space<vmem>>
        %dma_wait3A_527 = arith.constant 0 : i32
        %dma_wait3A_528 = arith.constant 0 : i32
        %dma_wait3A_529 = arith.constant 0 : i32
        %dma_wait3A_530 = tpu.memref_slice %arg3[%arg0, %dma_wait3A_527, %dma_wait3A_528, %dma_wait3A_529] : memref<2x2880x6x112xi32, #tpu.memory_space<hbm>> -> memref<1x2880x6x112xi32, #tpu.memory_space<hbm>>
        %dma_wait3A_531 = tpu.memref_squeeze %dma_wait3A_530 : memref<1x2880x6x112xi32, #tpu.memory_space<hbm>> -> memref<2880x6x112xi32, #tpu.memory_space<hbm>>
        %dma_wait3A_532 = arith.constant 0 : i32
        %dma_wait3A_533 = arith.constant 0 : i32
        %dma_wait3A_534 = tpu.memref_slice %dma_wait3A_531[%add3A_520, %dma_wait3A_532, %dma_wait3A_533] : memref<2880x6x112xi32, #tpu.memory_space<hbm>> -> memref<1x6x112xi32, #tpu.memory_space<hbm>>
        %dma_wait3A_535 = tpu.memref_squeeze %dma_wait3A_534 : memref<1x6x112xi32, #tpu.memory_space<hbm>> -> memref<6x112xi32, #tpu.memory_space<hbm>>
        %dma_wait3A_536 = tpu.memref_slice %arg11[%dma_wait3A_522] : memref<4x!tpu.dma_semaphore, #tpu.memory_space<semaphore_mem>> -> memref<1x!tpu.dma_semaphore, #tpu.memory_space<semaphore_mem>>
        %dma_wait3A_537 = tpu.memref_squeeze %dma_wait3A_536 : memref<1x!tpu.dma_semaphore, #tpu.memory_space<semaphore_mem>> -> memref<!tpu.dma_semaphore, #tpu.memory_space<semaphore_mem>>
        %dma_wait3A_538 = arith.constant 0 : i32
        %dma_wait3A_539 = arith.constant 0 : i32
        %dma_wait3A_540 = tpu.memref_slice %arg6[%dma_wait3A_521, %dma_wait3A_538, %dma_wait3A_539] : memref<4x6x112xi32, #tpu.memory_space<vmem>> -> memref<1x6x112xi32, #tpu.memory_space<vmem>>
        %dma_wait3A_541 = tpu.memref_squeeze %dma_wait3A_540 : memref<1x6x112xi32, #tpu.memory_space<vmem>> -> memref<6x112xi32, #tpu.memory_space<vmem>>
        %dma_wait3A_542 = arith.constant 0 : i32
        %dma_wait3A_543 = arith.constant 0 : i32
        %dma_wait3A_544 = arith.constant 0 : i32
        %dma_wait3A_545 = tpu.memref_slice %arg3[%arg0, %dma_wait3A_542, %dma_wait3A_543, %dma_wait3A_544] : memref<2x2880x6x112xi32, #tpu.memory_space<hbm>> -> memref<1x2880x6x112xi32, #tpu.memory_space<hbm>>
        %dma_wait3A_546 = tpu.memref_squeeze %dma_wait3A_545 : memref<1x2880x6x112xi32, #tpu.memory_space<hbm>> -> memref<2880x6x112xi32, #tpu.memory_space<hbm>>
        %dma_wait3A_547 = arith.constant 0 : i32
        %dma_wait3A_548 = arith.constant 0 : i32
        %dma_wait3A_549 = tpu.memref_slice %dma_wait3A_546[%add3A_520, %dma_wait3A_547, %dma_wait3A_548] : memref<2880x6x112xi32, #tpu.memory_space<hbm>> -> memref<1x6x112xi32, #tpu.memory_space<hbm>>
        %dma_wait3A_550 = tpu.memref_squeeze %dma_wait3A_549 : memref<1x6x112xi32, #tpu.memory_space<hbm>> -> memref<6x112xi32, #tpu.memory_space<hbm>>
        tpu.wait_dma2 semaphore(%dma_wait3A_537 : memref<!tpu.dma_semaphore, #tpu.memory_space<semaphore_mem>>) src(%dma_wait3A_550 : memref<6x112xi32, #tpu.memory_space<hbm>>) dst(%dma_wait3A_541 : memref<6x112xi32, #tpu.memory_space<vmem>>)
        %dma_start3A_551 = arith.constant 0 : i32
        %dma_start3A_552 = arith.constant 0 : i32
        %dma_start3A_553 = arith.constant 0 : i32
        %dma_start3A_554 = arith.constant 0 : i32
        %dma_start3A_555 = arith.constant 0 : i32
        %dma_start3A_556 = arith.constant 0 : i32
        %dma_start3A_557 = tpu.memref_slice %arg7[%dma_start3A_553, %dma_start3A_555, %dma_start3A_556] : memref<4x112x64xf32, #tpu.memory_space<vmem>> -> memref<1x112x64xf32, #tpu.memory_space<vmem>>
        %dma_start3A_558 = tpu.memref_squeeze %dma_start3A_557 : memref<1x112x64xf32, #tpu.memory_space<vmem>> -> memref<112x64xf32, #tpu.memory_space<vmem>>
        %dma_start3A_559 = arith.constant 0 : i32
        %dma_start3A_560 = tpu.memref_slice %arg6[%dma_start3A_551, %dma_start3A_552, %dma_start3A_559] : memref<4x6x112xi32, #tpu.memory_space<vmem>> -> memref<1x1x112xi32, #tpu.memory_space<vmem>>
        %dma_start3A_561 = tpu.memref_squeeze %dma_start3A_560 : memref<1x1x112xi32, #tpu.memory_space<vmem>> -> memref<112xi32, #tpu.memory_space<vmem>>
        %dma_start3A_562 = arith.constant 0 : i32
        %dma_start3A_563 = arith.constant 0 : i32
        %dma_start3A_564 = tpu.memref_slice %arg8[%scan3A_181, %dma_start3A_562, %dma_start3A_563] : memref<2x10000x64xf32, #tpu.memory_space<vmem_shared>> -> memref<1x10000x64xf32, #tpu.memory_space<vmem_shared>>
        %dma_start3A_565 = tpu.memref_squeeze %dma_start3A_564 : memref<1x10000x64xf32, #tpu.memory_space<vmem_shared>> -> memref<10000x64xf32, #tpu.memory_space<vmem_shared>>
        %dma_start3A_566 = arith.constant 0 : i32
        %dma_start3A_567 = arith.constant 0 : i32
        %dma_start3A_568 = tpu.memref_slice %dma_start3A_565[%dma_start3A_566, %dma_start3A_567] : memref<10000x64xf32, #tpu.memory_space<vmem_shared>> -> memref<10000x64xf32, #tpu.memory_space<vmem_shared>>
        %dma_start3A_569 = tpu.memref_slice %arg9[%dma_start3A_554] : memref<4x!tpu.dma_semaphore, #tpu.memory_space<semaphore_mem>> -> memref<1x!tpu.dma_semaphore, #tpu.memory_space<semaphore_mem>>
        %dma_start3A_570 = tpu.memref_squeeze %dma_start3A_569 : memref<1x!tpu.dma_semaphore, #tpu.memory_space<semaphore_mem>> -> memref<!tpu.dma_semaphore, #tpu.memory_space<semaphore_mem>>
        tpu.enqueue_indirect_dma source(%dma_start3A_568 : memref<10000x64xf32, #tpu.memory_space<vmem_shared>>) target(%dma_start3A_558 : memref<112x64xf32, #tpu.memory_space<vmem>>) offsets(%dma_start3A_561 : memref<112xi32, #tpu.memory_space<vmem>>) semaphore(%dma_start3A_570 : memref<!tpu.dma_semaphore, #tpu.memory_space<semaphore_mem>>)
      } else {
      }
      %mul3A_449 = arith.constant 4 : i32
      %mul3A_450 = arith.muli %mul3A_449, %scan3A_242 : i32
      %add3A_451 = arith.constant 3 : i32
      %add3A_452 = arith.addi %mul3A_450, %add3A_451 : i32
      %ge3A_453 = arith.constant 2 : i32
      %ge3A_454 = arith.cmpi sge, %add3A_452, %ge3A_453 : i32
      %convert_element_type3A_455 = arith.extui %ge3A_454 : i1 to i32
      %cond3A_456 = arith.constant 0 : i32
      %cond3A_457 = arith.cmpi ne, %convert_element_type3A_455, %cond3A_456 : i32
      scf.if %cond3A_457 {
        %dma_wait3A_518 = arith.constant 1 : i32
        %dma_wait3A_519 = arith.constant 1 : i32
        %dma_wait3A_520 = arith.constant 1 : i32
        %dma_wait3A_521 = arith.constant 1 : i32
        %dma_wait3A_522 = arith.constant 0 : i32
        %dma_wait3A_523 = arith.constant 0 : i32
        %dma_wait3A_524 = tpu.memref_slice %arg7[%dma_wait3A_518, %dma_wait3A_522, %dma_wait3A_523] : memref<4x112x64xf32, #tpu.memory_space<vmem>> -> memref<1x112x64xf32, #tpu.memory_space<vmem>>
        %dma_wait3A_525 = tpu.memref_squeeze %dma_wait3A_524 : memref<1x112x64xf32, #tpu.memory_space<vmem>> -> memref<112x64xf32, #tpu.memory_space<vmem>>
        %dma_wait3A_526 = arith.constant 0 : i32
        %dma_wait3A_527 = tpu.memref_slice %arg6[%dma_wait3A_519, %dma_wait3A_520, %dma_wait3A_526] : memref<4x6x112xi32, #tpu.memory_space<vmem>> -> memref<1x1x112xi32, #tpu.memory_space<vmem>>
        %dma_wait3A_528 = tpu.memref_squeeze %dma_wait3A_527 : memref<1x1x112xi32, #tpu.memory_space<vmem>> -> memref<112xi32, #tpu.memory_space<vmem>>
        %dma_wait3A_529 = arith.constant 0 : i32
        %dma_wait3A_530 = arith.constant 0 : i32
        %dma_wait3A_531 = tpu.memref_slice %arg8[%scan3A_180, %dma_wait3A_529, %dma_wait3A_530] : memref<2x10000x64xf32, #tpu.memory_space<vmem_shared>> -> memref<1x10000x64xf32, #tpu.memory_space<vmem_shared>>
        %dma_wait3A_532 = tpu.memref_squeeze %dma_wait3A_531 : memref<1x10000x64xf32, #tpu.memory_space<vmem_shared>> -> memref<10000x64xf32, #tpu.memory_space<vmem_shared>>
        %dma_wait3A_533 = arith.constant 0 : i32
        %dma_wait3A_534 = arith.constant 0 : i32
        %dma_wait3A_535 = tpu.memref_slice %dma_wait3A_532[%dma_wait3A_533, %dma_wait3A_534] : memref<10000x64xf32, #tpu.memory_space<vmem_shared>> -> memref<10000x64xf32, #tpu.memory_space<vmem_shared>>
        %dma_wait3A_536 = tpu.memref_slice %arg10[%dma_wait3A_521] : memref<4x!tpu.dma_semaphore, #tpu.memory_space<semaphore_mem>> -> memref<1x!tpu.dma_semaphore, #tpu.memory_space<semaphore_mem>>
        %dma_wait3A_537 = tpu.memref_squeeze %dma_wait3A_536 : memref<1x!tpu.dma_semaphore, #tpu.memory_space<semaphore_mem>> -> memref<!tpu.dma_semaphore, #tpu.memory_space<semaphore_mem>>
        tpu.wait_indirect_dma semaphore(%dma_wait3A_537 : memref<!tpu.dma_semaphore, #tpu.memory_space<semaphore_mem>>) src(%dma_wait3A_525 : memref<112x64xf32, #tpu.memory_space<vmem>>) dst(%dma_wait3A_535 : memref<10000x64xf32, #tpu.memory_space<vmem_shared>>)
      } else {
      }
      %add3A_458 = arith.constant 2 : i32
      %add3A_459 = arith.addi %add3A_452, %add3A_458 : i32
      %lt3A_460 = arith.constant 180 : i32
      %lt3A_461 = arith.cmpi slt, %add3A_459, %lt3A_460 : i32
      %convert_element_type3A_462 = arith.extui %lt3A_461 : i1 to i32
      %cond3A_463 = arith.constant 0 : i32
      %cond3A_464 = arith.cmpi ne, %convert_element_type3A_462, %cond3A_463 : i32
      scf.if %cond3A_464 {
        %add3A_518 = arith.constant 2 : i32
        %add3A_519 = arith.addi %add3A_452, %add3A_518 : i32
        %add3A_520 = arith.addi %mul3A_12, %add3A_519 : i32
        %dma_start3A_521 = arith.constant 1 : i32
        %dma_start3A_522 = arith.constant 1 : i32
        %dma_start3A_523 = arith.constant 0 : i32
        %dma_start3A_524 = arith.constant 0 : i32
        %dma_start3A_525 = tpu.memref_slice %arg6[%dma_start3A_521, %dma_start3A_523, %dma_start3A_524] : memref<4x6x112xi32, #tpu.memory_space<vmem>> -> memref<1x6x112xi32, #tpu.memory_space<vmem>>
        %dma_start3A_526 = tpu.memref_squeeze %dma_start3A_525 : memref<1x6x112xi32, #tpu.memory_space<vmem>> -> memref<6x112xi32, #tpu.memory_space<vmem>>
        %dma_start3A_527 = arith.constant 0 : i32
        %dma_start3A_528 = arith.constant 0 : i32
        %dma_start3A_529 = arith.constant 0 : i32
        %dma_start3A_530 = tpu.memref_slice %arg3[%arg0, %dma_start3A_527, %dma_start3A_528, %dma_start3A_529] : memref<2x2880x6x112xi32, #tpu.memory_space<hbm>> -> memref<1x2880x6x112xi32, #tpu.memory_space<hbm>>
        %dma_start3A_531 = tpu.memref_squeeze %dma_start3A_530 : memref<1x2880x6x112xi32, #tpu.memory_space<hbm>> -> memref<2880x6x112xi32, #tpu.memory_space<hbm>>
        %dma_start3A_532 = arith.constant 0 : i32
        %dma_start3A_533 = arith.constant 0 : i32
        %dma_start3A_534 = tpu.memref_slice %dma_start3A_531[%add3A_520, %dma_start3A_532, %dma_start3A_533] : memref<2880x6x112xi32, #tpu.memory_space<hbm>> -> memref<1x6x112xi32, #tpu.memory_space<hbm>>
        %dma_start3A_535 = tpu.memref_squeeze %dma_start3A_534 : memref<1x6x112xi32, #tpu.memory_space<hbm>> -> memref<6x112xi32, #tpu.memory_space<hbm>>
        %dma_start3A_536 = tpu.memref_slice %arg11[%dma_start3A_522] : memref<4x!tpu.dma_semaphore, #tpu.memory_space<semaphore_mem>> -> memref<1x!tpu.dma_semaphore, #tpu.memory_space<semaphore_mem>>
        %dma_start3A_537 = tpu.memref_squeeze %dma_start3A_536 : memref<1x!tpu.dma_semaphore, #tpu.memory_space<semaphore_mem>> -> memref<!tpu.dma_semaphore, #tpu.memory_space<semaphore_mem>>
        %dma_start3A_538 = arith.constant 0 : i32
        %dma_start3A_539 = arith.constant 0 : i32
        %dma_start3A_540 = tpu.memref_slice %arg6[%dma_start3A_521, %dma_start3A_538, %dma_start3A_539] : memref<4x6x112xi32, #tpu.memory_space<vmem>> -> memref<1x6x112xi32, #tpu.memory_space<vmem>>
        %dma_start3A_541 = tpu.memref_squeeze %dma_start3A_540 : memref<1x6x112xi32, #tpu.memory_space<vmem>> -> memref<6x112xi32, #tpu.memory_space<vmem>>
        %dma_start3A_542 = arith.constant 0 : i32
        %dma_start3A_543 = arith.constant 0 : i32
        %dma_start3A_544 = arith.constant 0 : i32
        %dma_start3A_545 = tpu.memref_slice %arg3[%arg0, %dma_start3A_542, %dma_start3A_543, %dma_start3A_544] : memref<2x2880x6x112xi32, #tpu.memory_space<hbm>> -> memref<1x2880x6x112xi32, #tpu.memory_space<hbm>>
        %dma_start3A_546 = tpu.memref_squeeze %dma_start3A_545 : memref<1x2880x6x112xi32, #tpu.memory_space<hbm>> -> memref<2880x6x112xi32, #tpu.memory_space<hbm>>
        %dma_start3A_547 = arith.constant 0 : i32
        %dma_start3A_548 = arith.constant 0 : i32
        %dma_start3A_549 = tpu.memref_slice %dma_start3A_546[%add3A_520, %dma_start3A_547, %dma_start3A_548] : memref<2880x6x112xi32, #tpu.memory_space<hbm>> -> memref<1x6x112xi32, #tpu.memory_space<hbm>>
        %dma_start3A_550 = tpu.memref_squeeze %dma_start3A_549 : memref<1x6x112xi32, #tpu.memory_space<hbm>> -> memref<6x112xi32, #tpu.memory_space<hbm>>
        tpu.enqueue_dma source(%dma_start3A_550 : memref<6x112xi32, #tpu.memory_space<hbm>>) target(%dma_start3A_541 : memref<6x112xi32, #tpu.memory_space<vmem>>) target_semaphore(%dma_start3A_537 : memref<!tpu.dma_semaphore, #tpu.memory_space<semaphore_mem>>)
      } else {
      }
      %dma_wait3A_465 = arith.constant 3 : i32
      %dma_wait3A_466 = arith.constant 0 : i32
      %dma_wait3A_467 = arith.constant 3 : i32
      %dma_wait3A_468 = arith.constant 3 : i32
      %dma_wait3A_469 = arith.constant 0 : i32
      %dma_wait3A_470 = arith.constant 0 : i32
      %dma_wait3A_471 = tpu.memref_slice %arg7[%dma_wait3A_467, %dma_wait3A_469, %dma_wait3A_470] : memref<4x112x64xf32, #tpu.memory_space<vmem>> -> memref<1x112x64xf32, #tpu.memory_space<vmem>>
      %dma_wait3A_472 = tpu.memref_squeeze %dma_wait3A_471 : memref<1x112x64xf32, #tpu.memory_space<vmem>> -> memref<112x64xf32, #tpu.memory_space<vmem>>
      %dma_wait3A_473 = arith.constant 0 : i32
      %dma_wait3A_474 = tpu.memref_slice %arg6[%dma_wait3A_465, %dma_wait3A_466, %dma_wait3A_473] : memref<4x6x112xi32, #tpu.memory_space<vmem>> -> memref<1x1x112xi32, #tpu.memory_space<vmem>>
      %dma_wait3A_475 = tpu.memref_squeeze %dma_wait3A_474 : memref<1x1x112xi32, #tpu.memory_space<vmem>> -> memref<112xi32, #tpu.memory_space<vmem>>
      %dma_wait3A_476 = arith.constant 0 : i32
      %dma_wait3A_477 = arith.constant 0 : i32
      %dma_wait3A_478 = tpu.memref_slice %arg8[%scan3A_181, %dma_wait3A_476, %dma_wait3A_477] : memref<2x10000x64xf32, #tpu.memory_space<vmem_shared>> -> memref<1x10000x64xf32, #tpu.memory_space<vmem_shared>>
      %dma_wait3A_479 = tpu.memref_squeeze %dma_wait3A_478 : memref<1x10000x64xf32, #tpu.memory_space<vmem_shared>> -> memref<10000x64xf32, #tpu.memory_space<vmem_shared>>
      %dma_wait3A_480 = arith.constant 0 : i32
      %dma_wait3A_481 = arith.constant 0 : i32
      %dma_wait3A_482 = tpu.memref_slice %dma_wait3A_479[%dma_wait3A_480, %dma_wait3A_481] : memref<10000x64xf32, #tpu.memory_space<vmem_shared>> -> memref<10000x64xf32, #tpu.memory_space<vmem_shared>>
      %dma_wait3A_483 = tpu.memref_slice %arg9[%dma_wait3A_468] : memref<4x!tpu.dma_semaphore, #tpu.memory_space<semaphore_mem>> -> memref<1x!tpu.dma_semaphore, #tpu.memory_space<semaphore_mem>>
      %dma_wait3A_484 = tpu.memref_squeeze %dma_wait3A_483 : memref<1x!tpu.dma_semaphore, #tpu.memory_space<semaphore_mem>> -> memref<!tpu.dma_semaphore, #tpu.memory_space<semaphore_mem>>
      tpu.wait_indirect_dma semaphore(%dma_wait3A_484 : memref<!tpu.dma_semaphore, #tpu.memory_space<semaphore_mem>>) src(%dma_wait3A_482 : memref<10000x64xf32, #tpu.memory_space<vmem_shared>>) dst(%dma_wait3A_472 : memref<112x64xf32, #tpu.memory_space<vmem>>)
      %scan3A_485 = arith.constant 0 : i32
      %scan3A_486 = arith.constant 0 : i32
      %scan3A_487 = arith.constant 28 : i32
      %scan3A_488 = arith.addi %scan3A_486, %scan3A_487 : i32
      %scan3A_489 = arith.constant 2 : i32
      scf.for %scan3A_518 = %scan3A_486 to %scan3A_488 step %scan3A_489  : i32 {
        %jit3A = arith.constant 7 : i32
        %div3A = arith.divsi %scan3A_518, %jit3A : i32
        %sign3A = arith.constant 0 : i32
        %sign3A_519 = arith.cmpi sgt, %scan3A_518, %sign3A : i32
        %sign3A_520 = arith.extui %sign3A_519 : i1 to i32
        %sign3A_521 = arith.constant 0 : i32
        %sign3A_522 = arith.cmpi slt, %scan3A_518, %sign3A_521 : i32
        %sign3A_523 = arith.extui %sign3A_522 : i1 to i32
        %sign3A_524 = arith.subi %sign3A_520, %sign3A_523 : i32
        %sign3A_525 = arith.constant 0 : i32
        %sign3A_526 = arith.cmpi sgt, %jit3A, %sign3A_525 : i32
        %sign3A_527 = arith.extui %sign3A_526 : i1 to i32
        %sign3A_528 = arith.constant 0 : i32
        %sign3A_529 = arith.cmpi slt, %jit3A, %sign3A_528 : i32
        %sign3A_530 = arith.extui %sign3A_529 : i1 to i32
        %sign3A_531 = arith.subi %sign3A_527, %sign3A_530 : i32
        %ne3A = arith.cmpi ne, %sign3A_524, %sign3A_531 : i32
        %rem3A = arith.remsi %scan3A_518, %jit3A : i32
        %ne3A_532 = arith.constant 0 : i32
        %ne3A_533 = arith.cmpi ne, %rem3A, %ne3A_532 : i32
        %and3A = arith.andi %ne3A, %ne3A_533 : i1
        %sub3A = arith.constant 1 : i32
        %sub3A_534 = arith.subi %div3A, %sub3A : i32
        %select_n3A = arith.select %and3A, %sub3A_534, %div3A : i32
        %add3A_535 = arith.constant 2 : i32
        %add3A_536 = arith.addi %add3A_535, %select_n3A : i32
        %jit3A_537 = arith.constant 7 : i32
        %eq3A_538 = arith.constant 0 : i32
        %eq3A_539 = arith.cmpi eq, %jit3A_537, %eq3A_538 : i32
        %jit3A_540 = arith.constant 1 : i32
        %select_n3A_541 = arith.select %eq3A_539, %jit3A_540, %jit3A_537 : i32
        %rem3A_542 = arith.remsi %scan3A_518, %select_n3A_541 : i32
        %ne3A_543 = arith.constant 0 : i32
        %ne3A_544 = arith.cmpi ne, %rem3A_542, %ne3A_543 : i32
        %lt3A_545 = arith.constant 0 : i32
        %lt3A_546 = arith.cmpi slt, %rem3A_542, %lt3A_545 : i32
        %lt3A_547 = arith.constant 0 : i32
        %lt3A_548 = arith.cmpi slt, %select_n3A_541, %lt3A_547 : i32
        %ne3A_549 = arith.xori %lt3A_546, %lt3A_548 : i1
        %and3A_550 = arith.andi %ne3A_549, %ne3A_544 : i1
        %add3A_551 = arith.addi %rem3A_542, %select_n3A_541 : i32
        %select_n3A_552 = arith.select %and3A_550, %add3A_551, %rem3A_542 : i32
        %mul3A_553 = arith.constant 16 : i32
        %mul3A_554 = arith.muli %mul3A_553, %select_n3A_552 : i32
        %get3A = arith.constant 3 : i32
        %get3A_555 = arith.index_cast %get3A : i32 to index
        %get3A_556 = arith.index_cast %add3A_536 : i32 to index
        %get3A_557 = arith.index_cast %mul3A_554 : i32 to index
        %get3A_558 = tpu.vector_load %arg6[%get3A_555, %get3A_556, %get3A_557] {strides = array<i32>} : memref<4x6x112xi32, #tpu.memory_space<vmem>>, vector<1x1x16xi32>,
        %get3A_559 = vector.shape_cast %get3A_558 : vector<1x1x16xi32> to vector<16xi32>
        %bitcast_convert_type3A = tpu.bitcast %get3A_559 : vector<16xi32> -> vector<16xf32>
        %mul3A_560 = arith.constant 4 : i32
        %mul3A_561 = arith.muli %mul3A_560, %scan3A_518 : i32
        %add3A_562 = arith.constant 0 : i32
        %add3A_563 = arith.addi %mul3A_561, %add3A_562 : i32
        %get3A_564 = arith.constant 3 : i32
        %get3A_565 = arith.index_cast %get3A_564 : i32 to index
        %get3A_566 = arith.index_cast %add3A_563 : i32 to index
        %get3A_567 = arith.constant 0 : index
        %get3A_568 = tpu.vector_load %arg7[%get3A_565, %get3A_566, %get3A_567] {strides = array<i32>} : memref<4x112x64xf32, #tpu.memory_space<vmem>>, vector<1x1x16xf32>,
        %get3A_569 = vector.shape_cast %get3A_568 : vector<1x1x16xf32> to vector<16xf32>
        %slice3A = vector.extract_strided_slice %bitcast_convert_type3A {offsets = [0], sizes = [1], strides = [1]} : vector<16xf32> to vector<1xf32>
        %squeeze3A = vector.extract %slice3A[0] : f32 from vector<1xf32>
        %mul3A_570 = vector.broadcast %squeeze3A : f32 to vector<16xf32>
        %mul3A_571 = arith.mulf %get3A_569, %mul3A_570 : vector<16xf32>
        %swap3A = arith.constant 3 : i32
        %swap3A_572 = arith.index_cast %swap3A : i32 to index
        %swap3A_573 = arith.index_cast %add3A_563 : i32 to index
        %swap3A_574 = arith.constant 0 : index
        %swap3A_575 = tpu.vector_load %arg7[%swap3A_572, %swap3A_573, %swap3A_574] {strides = array<i32>} : memref<4x112x64xf32, #tpu.memory_space<vmem>>, vector<1x1x16xf32>,
        %swap3A_576 = vector.shape_cast %swap3A_575 : vector<1x1x16xf32> to vector<16xf32>
        %swap3A_577 = vector.shape_cast %mul3A_571 : vector<16xf32> to vector<1x1x16xf32>
        tpu.vector_store %arg7[%swap3A_572, %swap3A_573, %swap3A_574], %swap3A_577 {strides = array<i32>} : memref<4x112x64xf32, #tpu.memory_space<vmem>>, vector<1x1x16xf32>,
        %get3A_578 = arith.constant 3 : i32
        %get3A_579 = arith.index_cast %get3A_578 : i32 to index
        %get3A_580 = arith.index_cast %add3A_563 : i32 to index
        %get3A_581 = arith.constant 16 : index
        %get3A_582 = tpu.vector_load %arg7[%get3A_579, %get3A_580, %get3A_581] {strides = array<i32>} : memref<4x112x64xf32, #tpu.memory_space<vmem>>, vector<1x1x16xf32>,
        %get3A_583 = vector.shape_cast %get3A_582 : vector<1x1x16xf32> to vector<16xf32>
        %slice3A_584 = vector.extract_strided_slice %bitcast_convert_type3A {offsets = [1], sizes = [1], strides = [1]} : vector<16xf32> to vector<1xf32>
        %squeeze3A_585 = vector.extract %slice3A_584[0] : f32 from vector<1xf32>
        %mul3A_586 = vector.broadcast %squeeze3A_585 : f32 to vector<16xf32>
        %mul3A_587 = arith.mulf %get3A_583, %mul3A_586 : vector<16xf32>
        %swap3A_588 = arith.constant 3 : i32
        %swap3A_589 = arith.index_cast %swap3A_588 : i32 to index
        %swap3A_590 = arith.index_cast %add3A_563 : i32 to index
        %swap3A_591 = arith.constant 16 : index
        %swap3A_592 = tpu.vector_load %arg7[%swap3A_589, %swap3A_590, %swap3A_591] {strides = array<i32>} : memref<4x112x64xf32, #tpu.memory_space<vmem>>, vector<1x1x16xf32>,
        %swap3A_593 = vector.shape_cast %swap3A_592 : vector<1x1x16xf32> to vector<16xf32>
        %swap3A_594 = vector.shape_cast %mul3A_587 : vector<16xf32> to vector<1x1x16xf32>
        tpu.vector_store %arg7[%swap3A_589, %swap3A_590, %swap3A_591], %swap3A_594 {strides = array<i32>} : memref<4x112x64xf32, #tpu.memory_space<vmem>>, vector<1x1x16xf32>,
        %get3A_595 = arith.constant 3 : i32
        %get3A_596 = arith.index_cast %get3A_595 : i32 to index
        %get3A_597 = arith.index_cast %add3A_563 : i32 to index
        %get3A_598 = arith.constant 32 : index
        %get3A_599 = tpu.vector_load %arg7[%get3A_596, %get3A_597, %get3A_598] {strides = array<i32>} : memref<4x112x64xf32, #tpu.memory_space<vmem>>, vector<1x1x16xf32>,
        %get3A_600 = vector.shape_cast %get3A_599 : vector<1x1x16xf32> to vector<16xf32>
        %slice3A_601 = vector.extract_strided_slice %bitcast_convert_type3A {offsets = [2], sizes = [1], strides = [1]} : vector<16xf32> to vector<1xf32>
        %squeeze3A_602 = vector.extract %slice3A_601[0] : f32 from vector<1xf32>
        %mul3A_603 = vector.broadcast %squeeze3A_602 : f32 to vector<16xf32>
        %mul3A_604 = arith.mulf %get3A_600, %mul3A_603 : vector<16xf32>
        %swap3A_605 = arith.constant 3 : i32
        %swap3A_606 = arith.index_cast %swap3A_605 : i32 to index
        %swap3A_607 = arith.index_cast %add3A_563 : i32 to index
        %swap3A_608 = arith.constant 32 : index
        %swap3A_609 = tpu.vector_load %arg7[%swap3A_606, %swap3A_607, %swap3A_608] {strides = array<i32>} : memref<4x112x64xf32, #tpu.memory_space<vmem>>, vector<1x1x16xf32>,
        %swap3A_610 = vector.shape_cast %swap3A_609 : vector<1x1x16xf32> to vector<16xf32>
        %swap3A_611 = vector.shape_cast %mul3A_604 : vector<16xf32> to vector<1x1x16xf32>
        tpu.vector_store %arg7[%swap3A_606, %swap3A_607, %swap3A_608], %swap3A_611 {strides = array<i32>} : memref<4x112x64xf32, #tpu.memory_space<vmem>>, vector<1x1x16xf32>,
        %get3A_612 = arith.constant 3 : i32
        %get3A_613 = arith.index_cast %get3A_612 : i32 to index
        %get3A_614 = arith.index_cast %add3A_563 : i32 to index
        %get3A_615 = arith.constant 48 : index
        %get3A_616 = tpu.vector_load %arg7[%get3A_613, %get3A_614, %get3A_615] {strides = array<i32>} : memref<4x112x64xf32, #tpu.memory_space<vmem>>, vector<1x1x16xf32>,
        %get3A_617 = vector.shape_cast %get3A_616 : vector<1x1x16xf32> to vector<16xf32>
        %slice3A_618 = vector.extract_strided_slice %bitcast_convert_type3A {offsets = [3], sizes = [1], strides = [1]} : vector<16xf32> to vector<1xf32>
        %squeeze3A_619 = vector.extract %slice3A_618[0] : f32 from vector<1xf32>
        %mul3A_620 = vector.broadcast %squeeze3A_619 : f32 to vector<16xf32>
        %mul3A_621 = arith.mulf %get3A_617, %mul3A_620 : vector<16xf32>
        %swap3A_622 = arith.constant 3 : i32
        %swap3A_623 = arith.index_cast %swap3A_622 : i32 to index
        %swap3A_624 = arith.index_cast %add3A_563 : i32 to index
        %swap3A_625 = arith.constant 48 : index
        %swap3A_626 = tpu.vector_load %arg7[%swap3A_623, %swap3A_624, %swap3A_625] {strides = array<i32>} : memref<4x112x64xf32, #tpu.memory_space<vmem>>, vector<1x1x16xf32>,
        %swap3A_627 = vector.shape_cast %swap3A_626 : vector<1x1x16xf32> to vector<16xf32>
        %swap3A_628 = vector.shape_cast %mul3A_621 : vector<16xf32> to vector<1x1x16xf32>
        tpu.vector_store %arg7[%swap3A_623, %swap3A_624, %swap3A_625], %swap3A_628 {strides = array<i32>} : memref<4x112x64xf32, #tpu.memory_space<vmem>>, vector<1x1x16xf32>,
        %mul3A_629 = arith.constant 4 : i32
        %mul3A_630 = arith.muli %mul3A_629, %scan3A_518 : i32
        %add3A_631 = arith.constant 1 : i32
        %add3A_632 = arith.addi %mul3A_630, %add3A_631 : i32
        %get3A_633 = arith.constant 3 : i32
        %get3A_634 = arith.index_cast %get3A_633 : i32 to index
        %get3A_635 = arith.index_cast %add3A_632 : i32 to index
        %get3A_636 = arith.constant 0 : index
        %get3A_637 = tpu.vector_load %arg7[%get3A_634, %get3A_635, %get3A_636] {strides = array<i32>} : memref<4x112x64xf32, #tpu.memory_space<vmem>>, vector<1x1x16xf32>,
        %get3A_638 = vector.shape_cast %get3A_637 : vector<1x1x16xf32> to vector<16xf32>
        %slice3A_639 = vector.extract_strided_slice %bitcast_convert_type3A {offsets = [4], sizes = [1], strides = [1]} : vector<16xf32> to vector<1xf32>
        %squeeze3A_640 = vector.extract %slice3A_639[0] : f32 from vector<1xf32>
        %mul3A_641 = vector.broadcast %squeeze3A_640 : f32 to vector<16xf32>
        %mul3A_642 = arith.mulf %get3A_638, %mul3A_641 : vector<16xf32>
        %swap3A_643 = arith.constant 3 : i32
        %swap3A_644 = arith.index_cast %swap3A_643 : i32 to index
        %swap3A_645 = arith.index_cast %add3A_632 : i32 to index
        %swap3A_646 = arith.constant 0 : index
        %swap3A_647 = tpu.vector_load %arg7[%swap3A_644, %swap3A_645, %swap3A_646] {strides = array<i32>} : memref<4x112x64xf32, #tpu.memory_space<vmem>>, vector<1x1x16xf32>,
        %swap3A_648 = vector.shape_cast %swap3A_647 : vector<1x1x16xf32> to vector<16xf32>
        %swap3A_649 = vector.shape_cast %mul3A_642 : vector<16xf32> to vector<1x1x16xf32>
        tpu.vector_store %arg7[%swap3A_644, %swap3A_645, %swap3A_646], %swap3A_649 {strides = array<i32>} : memref<4x112x64xf32, #tpu.memory_space<vmem>>, vector<1x1x16xf32>,
        %get3A_650 = arith.constant 3 : i32
        %get3A_651 = arith.index_cast %get3A_650 : i32 to index
        %get3A_652 = arith.index_cast %add3A_632 : i32 to index
        %get3A_653 = arith.constant 16 : index
        %get3A_654 = tpu.vector_load %arg7[%get3A_651, %get3A_652, %get3A_653] {strides = array<i32>} : memref<4x112x64xf32, #tpu.memory_space<vmem>>, vector<1x1x16xf32>,
        %get3A_655 = vector.shape_cast %get3A_654 : vector<1x1x16xf32> to vector<16xf32>
        %slice3A_656 = vector.extract_strided_slice %bitcast_convert_type3A {offsets = [5], sizes = [1], strides = [1]} : vector<16xf32> to vector<1xf32>
        %squeeze3A_657 = vector.extract %slice3A_656[0] : f32 from vector<1xf32>
        %mul3A_658 = vector.broadcast %squeeze3A_657 : f32 to vector<16xf32>
        %mul3A_659 = arith.mulf %get3A_655, %mul3A_658 : vector<16xf32>
        %swap3A_660 = arith.constant 3 : i32
        %swap3A_661 = arith.index_cast %swap3A_660 : i32 to index
        %swap3A_662 = arith.index_cast %add3A_632 : i32 to index
        %swap3A_663 = arith.constant 16 : index
        %swap3A_664 = tpu.vector_load %arg7[%swap3A_661, %swap3A_662, %swap3A_663] {strides = array<i32>} : memref<4x112x64xf32, #tpu.memory_space<vmem>>, vector<1x1x16xf32>,
        %swap3A_665 = vector.shape_cast %swap3A_664 : vector<1x1x16xf32> to vector<16xf32>
        %swap3A_666 = vector.shape_cast %mul3A_659 : vector<16xf32> to vector<1x1x16xf32>
        tpu.vector_store %arg7[%swap3A_661, %swap3A_662, %swap3A_663], %swap3A_666 {strides = array<i32>} : memref<4x112x64xf32, #tpu.memory_space<vmem>>, vector<1x1x16xf32>,
        %get3A_667 = arith.constant 3 : i32
        %get3A_668 = arith.index_cast %get3A_667 : i32 to index
        %get3A_669 = arith.index_cast %add3A_632 : i32 to index
        %get3A_670 = arith.constant 32 : index
        %get3A_671 = tpu.vector_load %arg7[%get3A_668, %get3A_669, %get3A_670] {strides = array<i32>} : memref<4x112x64xf32, #tpu.memory_space<vmem>>, vector<1x1x16xf32>,
        %get3A_672 = vector.shape_cast %get3A_671 : vector<1x1x16xf32> to vector<16xf32>
        %slice3A_673 = vector.extract_strided_slice %bitcast_convert_type3A {offsets = [6], sizes = [1], strides = [1]} : vector<16xf32> to vector<1xf32>
        %squeeze3A_674 = vector.extract %slice3A_673[0] : f32 from vector<1xf32>
        %mul3A_675 = vector.broadcast %squeeze3A_674 : f32 to vector<16xf32>
        %mul3A_676 = arith.mulf %get3A_672, %mul3A_675 : vector<16xf32>
        %swap3A_677 = arith.constant 3 : i32
        %swap3A_678 = arith.index_cast %swap3A_677 : i32 to index
        %swap3A_679 = arith.index_cast %add3A_632 : i32 to index
        %swap3A_680 = arith.constant 32 : index
        %swap3A_681 = tpu.vector_load %arg7[%swap3A_678, %swap3A_679, %swap3A_680] {strides = array<i32>} : memref<4x112x64xf32, #tpu.memory_space<vmem>>, vector<1x1x16xf32>,
        %swap3A_682 = vector.shape_cast %swap3A_681 : vector<1x1x16xf32> to vector<16xf32>
        %swap3A_683 = vector.shape_cast %mul3A_676 : vector<16xf32> to vector<1x1x16xf32>
        tpu.vector_store %arg7[%swap3A_678, %swap3A_679, %swap3A_680], %swap3A_683 {strides = array<i32>} : memref<4x112x64xf32, #tpu.memory_space<vmem>>, vector<1x1x16xf32>,
        %get3A_684 = arith.constant 3 : i32
        %get3A_685 = arith.index_cast %get3A_684 : i32 to index
        %get3A_686 = arith.index_cast %add3A_632 : i32 to index
        %get3A_687 = arith.constant 48 : index
        %get3A_688 = tpu.vector_load %arg7[%get3A_685, %get3A_686, %get3A_687] {strides = array<i32>} : memref<4x112x64xf32, #tpu.memory_space<vmem>>, vector<1x1x16xf32>,
        %get3A_689 = vector.shape_cast %get3A_688 : vector<1x1x16xf32> to vector<16xf32>
        %slice3A_690 = vector.extract_strided_slice %bitcast_convert_type3A {offsets = [7], sizes = [1], strides = [1]} : vector<16xf32> to vector<1xf32>
        %squeeze3A_691 = vector.extract %slice3A_690[0] : f32 from vector<1xf32>
        %mul3A_692 = vector.broadcast %squeeze3A_691 : f32 to vector<16xf32>
        %mul3A_693 = arith.mulf %get3A_689, %mul3A_692 : vector<16xf32>
        %swap3A_694 = arith.constant 3 : i32
        %swap3A_695 = arith.index_cast %swap3A_694 : i32 to index
        %swap3A_696 = arith.index_cast %add3A_632 : i32 to index
        %swap3A_697 = arith.constant 48 : index
        %swap3A_698 = tpu.vector_load %arg7[%swap3A_695, %swap3A_696, %swap3A_697] {strides = array<i32>} : memref<4x112x64xf32, #tpu.memory_space<vmem>>, vector<1x1x16xf32>,
        %swap3A_699 = vector.shape_cast %swap3A_698 : vector<1x1x16xf32> to vector<16xf32>
        %swap3A_700 = vector.shape_cast %mul3A_693 : vector<16xf32> to vector<1x1x16xf32>
        tpu.vector_store %arg7[%swap3A_695, %swap3A_696, %swap3A_697], %swap3A_700 {strides = array<i32>} : memref<4x112x64xf32, #tpu.memory_space<vmem>>, vector<1x1x16xf32>,
        %mul3A_701 = arith.constant 4 : i32
        %mul3A_702 = arith.muli %mul3A_701, %scan3A_518 : i32
        %add3A_703 = arith.constant 2 : i32
        %add3A_704 = arith.addi %mul3A_702, %add3A_703 : i32
        %get3A_705 = arith.constant 3 : i32
        %get3A_706 = arith.index_cast %get3A_705 : i32 to index
        %get3A_707 = arith.index_cast %add3A_704 : i32 to index
        %get3A_708 = arith.constant 0 : index
        %get3A_709 = tpu.vector_load %arg7[%get3A_706, %get3A_707, %get3A_708] {strides = array<i32>} : memref<4x112x64xf32, #tpu.memory_space<vmem>>, vector<1x1x16xf32>,
        %get3A_710 = vector.shape_cast %get3A_709 : vector<1x1x16xf32> to vector<16xf32>
        %slice3A_711 = vector.extract_strided_slice %bitcast_convert_type3A {offsets = [8], sizes = [1], strides = [1]} : vector<16xf32> to vector<1xf32>
        %squeeze3A_712 = vector.extract %slice3A_711[0] : f32 from vector<1xf32>
        %mul3A_713 = vector.broadcast %squeeze3A_712 : f32 to vector<16xf32>
        %mul3A_714 = arith.mulf %get3A_710, %mul3A_713 : vector<16xf32>
        %swap3A_715 = arith.constant 3 : i32
        %swap3A_716 = arith.index_cast %swap3A_715 : i32 to index
        %swap3A_717 = arith.index_cast %add3A_704 : i32 to index
        %swap3A_718 = arith.constant 0 : index
        %swap3A_719 = tpu.vector_load %arg7[%swap3A_716, %swap3A_717, %swap3A_718] {strides = array<i32>} : memref<4x112x64xf32, #tpu.memory_space<vmem>>, vector<1x1x16xf32>,
        %swap3A_720 = vector.shape_cast %swap3A_719 : vector<1x1x16xf32> to vector<16xf32>
        %swap3A_721 = vector.shape_cast %mul3A_714 : vector<16xf32> to vector<1x1x16xf32>
        tpu.vector_store %arg7[%swap3A_716, %swap3A_717, %swap3A_718], %swap3A_721 {strides = array<i32>} : memref<4x112x64xf32, #tpu.memory_space<vmem>>, vector<1x1x16xf32>,
        %get3A_722 = arith.constant 3 : i32
        %get3A_723 = arith.index_cast %get3A_722 : i32 to index
        %get3A_724 = arith.index_cast %add3A_704 : i32 to index
        %get3A_725 = arith.constant 16 : index
        %get3A_726 = tpu.vector_load %arg7[%get3A_723, %get3A_724, %get3A_725] {strides = array<i32>} : memref<4x112x64xf32, #tpu.memory_space<vmem>>, vector<1x1x16xf32>,
        %get3A_727 = vector.shape_cast %get3A_726 : vector<1x1x16xf32> to vector<16xf32>
        %slice3A_728 = vector.extract_strided_slice %bitcast_convert_type3A {offsets = [9], sizes = [1], strides = [1]} : vector<16xf32> to vector<1xf32>
        %squeeze3A_729 = vector.extract %slice3A_728[0] : f32 from vector<1xf32>
        %mul3A_730 = vector.broadcast %squeeze3A_729 : f32 to vector<16xf32>
        %mul3A_731 = arith.mulf %get3A_727, %mul3A_730 : vector<16xf32>
        %swap3A_732 = arith.constant 3 : i32
        %swap3A_733 = arith.index_cast %swap3A_732 : i32 to index
        %swap3A_734 = arith.index_cast %add3A_704 : i32 to index
        %swap3A_735 = arith.constant 16 : index
        %swap3A_736 = tpu.vector_load %arg7[%swap3A_733, %swap3A_734, %swap3A_735] {strides = array<i32>} : memref<4x112x64xf32, #tpu.memory_space<vmem>>, vector<1x1x16xf32>,
        %swap3A_737 = vector.shape_cast %swap3A_736 : vector<1x1x16xf32> to vector<16xf32>
        %swap3A_738 = vector.shape_cast %mul3A_731 : vector<16xf32> to vector<1x1x16xf32>
        tpu.vector_store %arg7[%swap3A_733, %swap3A_734, %swap3A_735], %swap3A_738 {strides = array<i32>} : memref<4x112x64xf32, #tpu.memory_space<vmem>>, vector<1x1x16xf32>,
        %get3A_739 = arith.constant 3 : i32
        %get3A_740 = arith.index_cast %get3A_739 : i32 to index
        %get3A_741 = arith.index_cast %add3A_704 : i32 to index
        %get3A_742 = arith.constant 32 : index
        %get3A_743 = tpu.vector_load %arg7[%get3A_740, %get3A_741, %get3A_742] {strides = array<i32>} : memref<4x112x64xf32, #tpu.memory_space<vmem>>, vector<1x1x16xf32>,
        %get3A_744 = vector.shape_cast %get3A_743 : vector<1x1x16xf32> to vector<16xf32>
        %slice3A_745 = vector.extract_strided_slice %bitcast_convert_type3A {offsets = [10], sizes = [1], strides = [1]} : vector<16xf32> to vector<1xf32>
        %squeeze3A_746 = vector.extract %slice3A_745[0] : f32 from vector<1xf32>
        %mul3A_747 = vector.broadcast %squeeze3A_746 : f32 to vector<16xf32>
        %mul3A_748 = arith.mulf %get3A_744, %mul3A_747 : vector<16xf32>
        %swap3A_749 = arith.constant 3 : i32
        %swap3A_750 = arith.index_cast %swap3A_749 : i32 to index
        %swap3A_751 = arith.index_cast %add3A_704 : i32 to index
        %swap3A_752 = arith.constant 32 : index
        %swap3A_753 = tpu.vector_load %arg7[%swap3A_750, %swap3A_751, %swap3A_752] {strides = array<i32>} : memref<4x112x64xf32, #tpu.memory_space<vmem>>, vector<1x1x16xf32>,
        %swap3A_754 = vector.shape_cast %swap3A_753 : vector<1x1x16xf32> to vector<16xf32>
        %swap3A_755 = vector.shape_cast %mul3A_748 : vector<16xf32> to vector<1x1x16xf32>
        tpu.vector_store %arg7[%swap3A_750, %swap3A_751, %swap3A_752], %swap3A_755 {strides = array<i32>} : memref<4x112x64xf32, #tpu.memory_space<vmem>>, vector<1x1x16xf32>,
        %get3A_756 = arith.constant 3 : i32
        %get3A_757 = arith.index_cast %get3A_756 : i32 to index
        %get3A_758 = arith.index_cast %add3A_704 : i32 to index
        %get3A_759 = arith.constant 48 : index
        %get3A_760 = tpu.vector_load %arg7[%get3A_757, %get3A_758, %get3A_759] {strides = array<i32>} : memref<4x112x64xf32, #tpu.memory_space<vmem>>, vector<1x1x16xf32>,
        %get3A_761 = vector.shape_cast %get3A_760 : vector<1x1x16xf32> to vector<16xf32>
        %slice3A_762 = vector.extract_strided_slice %bitcast_convert_type3A {offsets = [11], sizes = [1], strides = [1]} : vector<16xf32> to vector<1xf32>
        %squeeze3A_763 = vector.extract %slice3A_762[0] : f32 from vector<1xf32>
        %mul3A_764 = vector.broadcast %squeeze3A_763 : f32 to vector<16xf32>
        %mul3A_765 = arith.mulf %get3A_761, %mul3A_764 : vector<16xf32>
        %swap3A_766 = arith.constant 3 : i32
        %swap3A_767 = arith.index_cast %swap3A_766 : i32 to index
        %swap3A_768 = arith.index_cast %add3A_704 : i32 to index
        %swap3A_769 = arith.constant 48 : index
        %swap3A_770 = tpu.vector_load %arg7[%swap3A_767, %swap3A_768, %swap3A_769] {strides = array<i32>} : memref<4x112x64xf32, #tpu.memory_space<vmem>>, vector<1x1x16xf32>,
        %swap3A_771 = vector.shape_cast %swap3A_770 : vector<1x1x16xf32> to vector<16xf32>
        %swap3A_772 = vector.shape_cast %mul3A_765 : vector<16xf32> to vector<1x1x16xf32>
        tpu.vector_store %arg7[%swap3A_767, %swap3A_768, %swap3A_769], %swap3A_772 {strides = array<i32>} : memref<4x112x64xf32, #tpu.memory_space<vmem>>, vector<1x1x16xf32>,
        %mul3A_773 = arith.constant 4 : i32
        %mul3A_774 = arith.muli %mul3A_773, %scan3A_518 : i32
        %add3A_775 = arith.constant 3 : i32
        %add3A_776 = arith.addi %mul3A_774, %add3A_775 : i32
        %get3A_777 = arith.constant 3 : i32
        %get3A_778 = arith.index_cast %get3A_777 : i32 to index
        %get3A_779 = arith.index_cast %add3A_776 : i32 to index
        %get3A_780 = arith.constant 0 : index
        %get3A_781 = tpu.vector_load %arg7[%get3A_778, %get3A_779, %get3A_780] {strides = array<i32>} : memref<4x112x64xf32, #tpu.memory_space<vmem>>, vector<1x1x16xf32>,
        %get3A_782 = vector.shape_cast %get3A_781 : vector<1x1x16xf32> to vector<16xf32>
        %slice3A_783 = vector.extract_strided_slice %bitcast_convert_type3A {offsets = [12], sizes = [1], strides = [1]} : vector<16xf32> to vector<1xf32>
        %squeeze3A_784 = vector.extract %slice3A_783[0] : f32 from vector<1xf32>
        %mul3A_785 = vector.broadcast %squeeze3A_784 : f32 to vector<16xf32>
        %mul3A_786 = arith.mulf %get3A_782, %mul3A_785 : vector<16xf32>
        %swap3A_787 = arith.constant 3 : i32
        %swap3A_788 = arith.index_cast %swap3A_787 : i32 to index
        %swap3A_789 = arith.index_cast %add3A_776 : i32 to index
        %swap3A_790 = arith.constant 0 : index
        %swap3A_791 = tpu.vector_load %arg7[%swap3A_788, %swap3A_789, %swap3A_790] {strides = array<i32>} : memref<4x112x64xf32, #tpu.memory_space<vmem>>, vector<1x1x16xf32>,
        %swap3A_792 = vector.shape_cast %swap3A_791 : vector<1x1x16xf32> to vector<16xf32>
        %swap3A_793 = vector.shape_cast %mul3A_786 : vector<16xf32> to vector<1x1x16xf32>
        tpu.vector_store %arg7[%swap3A_788, %swap3A_789, %swap3A_790], %swap3A_793 {strides = array<i32>} : memref<4x112x64xf32, #tpu.memory_space<vmem>>, vector<1x1x16xf32>,
        %get3A_794 = arith.constant 3 : i32
        %get3A_795 = arith.index_cast %get3A_794 : i32 to index
        %get3A_796 = arith.index_cast %add3A_776 : i32 to index
        %get3A_797 = arith.constant 16 : index
        %get3A_798 = tpu.vector_load %arg7[%get3A_795, %get3A_796, %get3A_797] {strides = array<i32>} : memref<4x112x64xf32, #tpu.memory_space<vmem>>, vector<1x1x16xf32>,
        %get3A_799 = vector.shape_cast %get3A_798 : vector<1x1x16xf32> to vector<16xf32>
        %slice3A_800 = vector.extract_strided_slice %bitcast_convert_type3A {offsets = [13], sizes = [1], strides = [1]} : vector<16xf32> to vector<1xf32>
        %squeeze3A_801 = vector.extract %slice3A_800[0] : f32 from vector<1xf32>
        %mul3A_802 = vector.broadcast %squeeze3A_801 : f32 to vector<16xf32>
        %mul3A_803 = arith.mulf %get3A_799, %mul3A_802 : vector<16xf32>
        %swap3A_804 = arith.constant 3 : i32
        %swap3A_805 = arith.index_cast %swap3A_804 : i32 to index
        %swap3A_806 = arith.index_cast %add3A_776 : i32 to index
        %swap3A_807 = arith.constant 16 : index
        %swap3A_808 = tpu.vector_load %arg7[%swap3A_805, %swap3A_806, %swap3A_807] {strides = array<i32>} : memref<4x112x64xf32, #tpu.memory_space<vmem>>, vector<1x1x16xf32>,
        %swap3A_809 = vector.shape_cast %swap3A_808 : vector<1x1x16xf32> to vector<16xf32>
        %swap3A_810 = vector.shape_cast %mul3A_803 : vector<16xf32> to vector<1x1x16xf32>
        tpu.vector_store %arg7[%swap3A_805, %swap3A_806, %swap3A_807], %swap3A_810 {strides = array<i32>} : memref<4x112x64xf32, #tpu.memory_space<vmem>>, vector<1x1x16xf32>,
        %get3A_811 = arith.constant 3 : i32
        %get3A_812 = arith.index_cast %get3A_811 : i32 to index
        %get3A_813 = arith.index_cast %add3A_776 : i32 to index
        %get3A_814 = arith.constant 32 : index
        %get3A_815 = tpu.vector_load %arg7[%get3A_812, %get3A_813, %get3A_814] {strides = array<i32>} : memref<4x112x64xf32, #tpu.memory_space<vmem>>, vector<1x1x16xf32>,
        %get3A_816 = vector.shape_cast %get3A_815 : vector<1x1x16xf32> to vector<16xf32>
        %slice3A_817 = vector.extract_strided_slice %bitcast_convert_type3A {offsets = [14], sizes = [1], strides = [1]} : vector<16xf32> to vector<1xf32>
        %squeeze3A_818 = vector.extract %slice3A_817[0] : f32 from vector<1xf32>
        %mul3A_819 = vector.broadcast %squeeze3A_818 : f32 to vector<16xf32>
        %mul3A_820 = arith.mulf %get3A_816, %mul3A_819 : vector<16xf32>
        %swap3A_821 = arith.constant 3 : i32
        %swap3A_822 = arith.index_cast %swap3A_821 : i32 to index
        %swap3A_823 = arith.index_cast %add3A_776 : i32 to index
        %swap3A_824 = arith.constant 32 : index
        %swap3A_825 = tpu.vector_load %arg7[%swap3A_822, %swap3A_823, %swap3A_824] {strides = array<i32>} : memref<4x112x64xf32, #tpu.memory_space<vmem>>, vector<1x1x16xf32>,
        %swap3A_826 = vector.shape_cast %swap3A_825 : vector<1x1x16xf32> to vector<16xf32>
        %swap3A_827 = vector.shape_cast %mul3A_820 : vector<16xf32> to vector<1x1x16xf32>
        tpu.vector_store %arg7[%swap3A_822, %swap3A_823, %swap3A_824], %swap3A_827 {strides = array<i32>} : memref<4x112x64xf32, #tpu.memory_space<vmem>>, vector<1x1x16xf32>,
        %get3A_828 = arith.constant 3 : i32
        %get3A_829 = arith.index_cast %get3A_828 : i32 to index
        %get3A_830 = arith.index_cast %add3A_776 : i32 to index
        %get3A_831 = arith.constant 48 : index
        %get3A_832 = tpu.vector_load %arg7[%get3A_829, %get3A_830, %get3A_831] {strides = array<i32>} : memref<4x112x64xf32, #tpu.memory_space<vmem>>, vector<1x1x16xf32>,
        %get3A_833 = vector.shape_cast %get3A_832 : vector<1x1x16xf32> to vector<16xf32>
        %slice3A_834 = vector.extract_strided_slice %bitcast_convert_type3A {offsets = [15], sizes = [1], strides = [1]} : vector<16xf32> to vector<1xf32>
        %squeeze3A_835 = vector.extract %slice3A_834[0] : f32 from vector<1xf32>
        %mul3A_836 = vector.broadcast %squeeze3A_835 : f32 to vector<16xf32>
        %mul3A_837 = arith.mulf %get3A_833, %mul3A_836 : vector<16xf32>
        %swap3A_838 = arith.constant 3 : i32
        %swap3A_839 = arith.index_cast %swap3A_838 : i32 to index
        %swap3A_840 = arith.index_cast %add3A_776 : i32 to index
        %swap3A_841 = arith.constant 48 : index
        %swap3A_842 = tpu.vector_load %arg7[%swap3A_839, %swap3A_840, %swap3A_841] {strides = array<i32>} : memref<4x112x64xf32, #tpu.memory_space<vmem>>, vector<1x1x16xf32>,
        %swap3A_843 = vector.shape_cast %swap3A_842 : vector<1x1x16xf32> to vector<16xf32>
        %swap3A_844 = vector.shape_cast %mul3A_837 : vector<16xf32> to vector<1x1x16xf32>
        tpu.vector_store %arg7[%swap3A_839, %swap3A_840, %swap3A_841], %swap3A_844 {strides = array<i32>} : memref<4x112x64xf32, #tpu.memory_space<vmem>>, vector<1x1x16xf32>,
        %scan3A_845 = arith.constant 1 : i32
        %scan3A_846 = arith.addi %scan3A_518, %scan3A_845 : i32
        %jit3A_847 = arith.constant 7 : i32
        %div3A_848 = arith.divsi %scan3A_846, %jit3A_847 : i32
        %sign3A_849 = arith.constant 0 : i32
        %sign3A_850 = arith.cmpi sgt, %scan3A_846, %sign3A_849 : i32
        %sign3A_851 = arith.extui %sign3A_850 : i1 to i32
        %sign3A_852 = arith.constant 0 : i32
        %sign3A_853 = arith.cmpi slt, %scan3A_846, %sign3A_852 : i32
        %sign3A_854 = arith.extui %sign3A_853 : i1 to i32
        %sign3A_855 = arith.subi %sign3A_851, %sign3A_854 : i32
        %sign3A_856 = arith.constant 0 : i32
        %sign3A_857 = arith.cmpi sgt, %jit3A_847, %sign3A_856 : i32
        %sign3A_858 = arith.extui %sign3A_857 : i1 to i32
        %sign3A_859 = arith.constant 0 : i32
        %sign3A_860 = arith.cmpi slt, %jit3A_847, %sign3A_859 : i32
        %sign3A_861 = arith.extui %sign3A_860 : i1 to i32
        %sign3A_862 = arith.subi %sign3A_858, %sign3A_861 : i32
        %ne3A_863 = arith.cmpi ne, %sign3A_855, %sign3A_862 : i32
        %rem3A_864 = arith.remsi %scan3A_846, %jit3A_847 : i32
        %ne3A_865 = arith.constant 0 : i32
        %ne3A_866 = arith.cmpi ne, %rem3A_864, %ne3A_865 : i32
        %and3A_867 = arith.andi %ne3A_863, %ne3A_866 : i1
        %sub3A_868 = arith.constant 1 : i32
        %sub3A_869 = arith.subi %div3A_848, %sub3A_868 : i32
        %select_n3A_870 = arith.select %and3A_867, %sub3A_869, %div3A_848 : i32
        %add3A_871 = arith.constant 2 : i32
        %add3A_872 = arith.addi %add3A_871, %select_n3A_870 : i32
        %jit3A_873 = arith.constant 7 : i32
        %eq3A_874 = arith.constant 0 : i32
        %eq3A_875 = arith.cmpi eq, %jit3A_873, %eq3A_874 : i32
        %jit3A_876 = arith.constant 1 : i32
        %select_n3A_877 = arith.select %eq3A_875, %jit3A_876, %jit3A_873 : i32
        %rem3A_878 = arith.remsi %scan3A_846, %select_n3A_877 : i32
        %ne3A_879 = arith.constant 0 : i32
        %ne3A_880 = arith.cmpi ne, %rem3A_878, %ne3A_879 : i32
        %lt3A_881 = arith.constant 0 : i32
        %lt3A_882 = arith.cmpi slt, %rem3A_878, %lt3A_881 : i32
        %lt3A_883 = arith.constant 0 : i32
        %lt3A_884 = arith.cmpi slt, %select_n3A_877, %lt3A_883 : i32
        %ne3A_885 = arith.xori %lt3A_882, %lt3A_884 : i1
        %and3A_886 = arith.andi %ne3A_885, %ne3A_880 : i1
        %add3A_887 = arith.addi %rem3A_878, %select_n3A_877 : i32
        %select_n3A_888 = arith.select %and3A_886, %add3A_887, %rem3A_878 : i32
        %mul3A_889 = arith.constant 16 : i32
        %mul3A_890 = arith.muli %mul3A_889, %select_n3A_888 : i32
        %get3A_891 = arith.constant 3 : i32
        %get3A_892 = arith.index_cast %get3A_891 : i32 to index
        %get3A_893 = arith.index_cast %add3A_872 : i32 to index
        %get3A_894 = arith.index_cast %mul3A_890 : i32 to index
        %get3A_895 = tpu.vector_load %arg6[%get3A_892, %get3A_893, %get3A_894] {strides = array<i32>} : memref<4x6x112xi32, #tpu.memory_space<vmem>>, vector<1x1x16xi32>,
        %get3A_896 = vector.shape_cast %get3A_895 : vector<1x1x16xi32> to vector<16xi32>
        %bitcast_convert_type3A_897 = tpu.bitcast %get3A_896 : vector<16xi32> -> vector<16xf32>
        %mul3A_898 = arith.constant 4 : i32
        %mul3A_899 = arith.muli %mul3A_898, %scan3A_846 : i32
        %add3A_900 = arith.constant 0 : i32
        %add3A_901 = arith.addi %mul3A_899, %add3A_900 : i32
        %get3A_902 = arith.constant 3 : i32
        %get3A_903 = arith.index_cast %get3A_902 : i32 to index
        %get3A_904 = arith.index_cast %add3A_901 : i32 to index
        %get3A_905 = arith.constant 0 : index
        %get3A_906 = tpu.vector_load %arg7[%get3A_903, %get3A_904, %get3A_905] {strides = array<i32>} : memref<4x112x64xf32, #tpu.memory_space<vmem>>, vector<1x1x16xf32>,
        %get3A_907 = vector.shape_cast %get3A_906 : vector<1x1x16xf32> to vector<16xf32>
        %slice3A_908 = vector.extract_strided_slice %bitcast_convert_type3A_897 {offsets = [0], sizes = [1], strides = [1]} : vector<16xf32> to vector<1xf32>
        %squeeze3A_909 = vector.extract %slice3A_908[0] : f32 from vector<1xf32>
        %mul3A_910 = vector.broadcast %squeeze3A_909 : f32 to vector<16xf32>
        %mul3A_911 = arith.mulf %get3A_907, %mul3A_910 : vector<16xf32>
        %swap3A_912 = arith.constant 3 : i32
        %swap3A_913 = arith.index_cast %swap3A_912 : i32 to index
        %swap3A_914 = arith.index_cast %add3A_901 : i32 to index
        %swap3A_915 = arith.constant 0 : index
        %swap3A_916 = tpu.vector_load %arg7[%swap3A_913, %swap3A_914, %swap3A_915] {strides = array<i32>} : memref<4x112x64xf32, #tpu.memory_space<vmem>>, vector<1x1x16xf32>,
        %swap3A_917 = vector.shape_cast %swap3A_916 : vector<1x1x16xf32> to vector<16xf32>
        %swap3A_918 = vector.shape_cast %mul3A_911 : vector<16xf32> to vector<1x1x16xf32>
        tpu.vector_store %arg7[%swap3A_913, %swap3A_914, %swap3A_915], %swap3A_918 {strides = array<i32>} : memref<4x112x64xf32, #tpu.memory_space<vmem>>, vector<1x1x16xf32>,
        %get3A_919 = arith.constant 3 : i32
        %get3A_920 = arith.index_cast %get3A_919 : i32 to index
        %get3A_921 = arith.index_cast %add3A_901 : i32 to index
        %get3A_922 = arith.constant 16 : index
        %get3A_923 = tpu.vector_load %arg7[%get3A_920, %get3A_921, %get3A_922] {strides = array<i32>} : memref<4x112x64xf32, #tpu.memory_space<vmem>>, vector<1x1x16xf32>,
        %get3A_924 = vector.shape_cast %get3A_923 : vector<1x1x16xf32> to vector<16xf32>
        %slice3A_925 = vector.extract_strided_slice %bitcast_convert_type3A_897 {offsets = [1], sizes = [1], strides = [1]} : vector<16xf32> to vector<1xf32>
        %squeeze3A_926 = vector.extract %slice3A_925[0] : f32 from vector<1xf32>
        %mul3A_927 = vector.broadcast %squeeze3A_926 : f32 to vector<16xf32>
        %mul3A_928 = arith.mulf %get3A_924, %mul3A_927 : vector<16xf32>
        %swap3A_929 = arith.constant 3 : i32
        %swap3A_930 = arith.index_cast %swap3A_929 : i32 to index
        %swap3A_931 = arith.index_cast %add3A_901 : i32 to index
        %swap3A_932 = arith.constant 16 : index
        %swap3A_933 = tpu.vector_load %arg7[%swap3A_930, %swap3A_931, %swap3A_932] {strides = array<i32>} : memref<4x112x64xf32, #tpu.memory_space<vmem>>, vector<1x1x16xf32>,
        %swap3A_934 = vector.shape_cast %swap3A_933 : vector<1x1x16xf32> to vector<16xf32>
        %swap3A_935 = vector.shape_cast %mul3A_928 : vector<16xf32> to vector<1x1x16xf32>
        tpu.vector_store %arg7[%swap3A_930, %swap3A_931, %swap3A_932], %swap3A_935 {strides = array<i32>} : memref<4x112x64xf32, #tpu.memory_space<vmem>>, vector<1x1x16xf32>,
        %get3A_936 = arith.constant 3 : i32
        %get3A_937 = arith.index_cast %get3A_936 : i32 to index
        %get3A_938 = arith.index_cast %add3A_901 : i32 to index
        %get3A_939 = arith.constant 32 : index
        %get3A_940 = tpu.vector_load %arg7[%get3A_937, %get3A_938, %get3A_939] {strides = array<i32>} : memref<4x112x64xf32, #tpu.memory_space<vmem>>, vector<1x1x16xf32>,
        %get3A_941 = vector.shape_cast %get3A_940 : vector<1x1x16xf32> to vector<16xf32>
        %slice3A_942 = vector.extract_strided_slice %bitcast_convert_type3A_897 {offsets = [2], sizes = [1], strides = [1]} : vector<16xf32> to vector<1xf32>
        %squeeze3A_943 = vector.extract %slice3A_942[0] : f32 from vector<1xf32>
        %mul3A_944 = vector.broadcast %squeeze3A_943 : f32 to vector<16xf32>
        %mul3A_945 = arith.mulf %get3A_941, %mul3A_944 : vector<16xf32>
        %swap3A_946 = arith.constant 3 : i32
        %swap3A_947 = arith.index_cast %swap3A_946 : i32 to index
        %swap3A_948 = arith.index_cast %add3A_901 : i32 to index
        %swap3A_949 = arith.constant 32 : index
        %swap3A_950 = tpu.vector_load %arg7[%swap3A_947, %swap3A_948, %swap3A_949] {strides = array<i32>} : memref<4x112x64xf32, #tpu.memory_space<vmem>>, vector<1x1x16xf32>,
        %swap3A_951 = vector.shape_cast %swap3A_950 : vector<1x1x16xf32> to vector<16xf32>
        %swap3A_952 = vector.shape_cast %mul3A_945 : vector<16xf32> to vector<1x1x16xf32>
        tpu.vector_store %arg7[%swap3A_947, %swap3A_948, %swap3A_949], %swap3A_952 {strides = array<i32>} : memref<4x112x64xf32, #tpu.memory_space<vmem>>, vector<1x1x16xf32>,
        %get3A_953 = arith.constant 3 : i32
        %get3A_954 = arith.index_cast %get3A_953 : i32 to index
        %get3A_955 = arith.index_cast %add3A_901 : i32 to index
        %get3A_956 = arith.constant 48 : index
        %get3A_957 = tpu.vector_load %arg7[%get3A_954, %get3A_955, %get3A_956] {strides = array<i32>} : memref<4x112x64xf32, #tpu.memory_space<vmem>>, vector<1x1x16xf32>,
        %get3A_958 = vector.shape_cast %get3A_957 : vector<1x1x16xf32> to vector<16xf32>
        %slice3A_959 = vector.extract_strided_slice %bitcast_convert_type3A_897 {offsets = [3], sizes = [1], strides = [1]} : vector<16xf32> to vector<1xf32>
        %squeeze3A_960 = vector.extract %slice3A_959[0] : f32 from vector<1xf32>
        %mul3A_961 = vector.broadcast %squeeze3A_960 : f32 to vector<16xf32>
        %mul3A_962 = arith.mulf %get3A_958, %mul3A_961 : vector<16xf32>
        %swap3A_963 = arith.constant 3 : i32
        %swap3A_964 = arith.index_cast %swap3A_963 : i32 to index
        %swap3A_965 = arith.index_cast %add3A_901 : i32 to index
        %swap3A_966 = arith.constant 48 : index
        %swap3A_967 = tpu.vector_load %arg7[%swap3A_964, %swap3A_965, %swap3A_966] {strides = array<i32>} : memref<4x112x64xf32, #tpu.memory_space<vmem>>, vector<1x1x16xf32>,
        %swap3A_968 = vector.shape_cast %swap3A_967 : vector<1x1x16xf32> to vector<16xf32>
        %swap3A_969 = vector.shape_cast %mul3A_962 : vector<16xf32> to vector<1x1x16xf32>
        tpu.vector_store %arg7[%swap3A_964, %swap3A_965, %swap3A_966], %swap3A_969 {strides = array<i32>} : memref<4x112x64xf32, #tpu.memory_space<vmem>>, vector<1x1x16xf32>,
        %mul3A_970 = arith.constant 4 : i32
        %mul3A_971 = arith.muli %mul3A_970, %scan3A_846 : i32
        %add3A_972 = arith.constant 1 : i32
        %add3A_973 = arith.addi %mul3A_971, %add3A_972 : i32
        %get3A_974 = arith.constant 3 : i32
        %get3A_975 = arith.index_cast %get3A_974 : i32 to index
        %get3A_976 = arith.index_cast %add3A_973 : i32 to index
        %get3A_977 = arith.constant 0 : index
        %get3A_978 = tpu.vector_load %arg7[%get3A_975, %get3A_976, %get3A_977] {strides = array<i32>} : memref<4x112x64xf32, #tpu.memory_space<vmem>>, vector<1x1x16xf32>,
        %get3A_979 = vector.shape_cast %get3A_978 : vector<1x1x16xf32> to vector<16xf32>
        %slice3A_980 = vector.extract_strided_slice %bitcast_convert_type3A_897 {offsets = [4], sizes = [1], strides = [1]} : vector<16xf32> to vector<1xf32>
        %squeeze3A_981 = vector.extract %slice3A_980[0] : f32 from vector<1xf32>
        %mul3A_982 = vector.broadcast %squeeze3A_981 : f32 to vector<16xf32>
        %mul3A_983 = arith.mulf %get3A_979, %mul3A_982 : vector<16xf32>
        %swap3A_984 = arith.constant 3 : i32
        %swap3A_985 = arith.index_cast %swap3A_984 : i32 to index
        %swap3A_986 = arith.index_cast %add3A_973 : i32 to index
        %swap3A_987 = arith.constant 0 : index
        %swap3A_988 = tpu.vector_load %arg7[%swap3A_985, %swap3A_986, %swap3A_987] {strides = array<i32>} : memref<4x112x64xf32, #tpu.memory_space<vmem>>, vector<1x1x16xf32>,
        %swap3A_989 = vector.shape_cast %swap3A_988 : vector<1x1x16xf32> to vector<16xf32>
        %swap3A_990 = vector.shape_cast %mul3A_983 : vector<16xf32> to vector<1x1x16xf32>
        tpu.vector_store %arg7[%swap3A_985, %swap3A_986, %swap3A_987], %swap3A_990 {strides = array<i32>} : memref<4x112x64xf32, #tpu.memory_space<vmem>>, vector<1x1x16xf32>,
        %get3A_991 = arith.constant 3 : i32
        %get3A_992 = arith.index_cast %get3A_991 : i32 to index
        %get3A_993 = arith.index_cast %add3A_973 : i32 to index
        %get3A_994 = arith.constant 16 : index
        %get3A_995 = tpu.vector_load %arg7[%get3A_992, %get3A_993, %get3A_994] {strides = array<i32>} : memref<4x112x64xf32, #tpu.memory_space<vmem>>, vector<1x1x16xf32>,
        %get3A_996 = vector.shape_cast %get3A_995 : vector<1x1x16xf32> to vector<16xf32>
        %slice3A_997 = vector.extract_strided_slice %bitcast_convert_type3A_897 {offsets = [5], sizes = [1], strides = [1]} : vector<16xf32> to vector<1xf32>
        %squeeze3A_998 = vector.extract %slice3A_997[0] : f32 from vector<1xf32>
        %mul3A_999 = vector.broadcast %squeeze3A_998 : f32 to vector<16xf32>
        %mul3A_1000 = arith.mulf %get3A_996, %mul3A_999 : vector<16xf32>
        %swap3A_1001 = arith.constant 3 : i32
        %swap3A_1002 = arith.index_cast %swap3A_1001 : i32 to index
        %swap3A_1003 = arith.index_cast %add3A_973 : i32 to index
        %swap3A_1004 = arith.constant 16 : index
        %swap3A_1005 = tpu.vector_load %arg7[%swap3A_1002, %swap3A_1003, %swap3A_1004] {strides = array<i32>} : memref<4x112x64xf32, #tpu.memory_space<vmem>>, vector<1x1x16xf32>,
        %swap3A_1006 = vector.shape_cast %swap3A_1005 : vector<1x1x16xf32> to vector<16xf32>
        %swap3A_1007 = vector.shape_cast %mul3A_1000 : vector<16xf32> to vector<1x1x16xf32>
        tpu.vector_store %arg7[%swap3A_1002, %swap3A_1003, %swap3A_1004], %swap3A_1007 {strides = array<i32>} : memref<4x112x64xf32, #tpu.memory_space<vmem>>, vector<1x1x16xf32>,
        %get3A_1008 = arith.constant 3 : i32
        %get3A_1009 = arith.index_cast %get3A_1008 : i32 to index
        %get3A_1010 = arith.index_cast %add3A_973 : i32 to index
        %get3A_1011 = arith.constant 32 : index
        %get3A_1012 = tpu.vector_load %arg7[%get3A_1009, %get3A_1010, %get3A_1011] {strides = array<i32>} : memref<4x112x64xf32, #tpu.memory_space<vmem>>, vector<1x1x16xf32>,
        %get3A_1013 = vector.shape_cast %get3A_1012 : vector<1x1x16xf32> to vector<16xf32>
        %slice3A_1014 = vector.extract_strided_slice %bitcast_convert_type3A_897 {offsets = [6], sizes = [1], strides = [1]} : vector<16xf32> to vector<1xf32>
        %squeeze3A_1015 = vector.extract %slice3A_1014[0] : f32 from vector<1xf32>
        %mul3A_1016 = vector.broadcast %squeeze3A_1015 : f32 to vector<16xf32>
        %mul3A_1017 = arith.mulf %get3A_1013, %mul3A_1016 : vector<16xf32>
        %swap3A_1018 = arith.constant 3 : i32
        %swap3A_1019 = arith.index_cast %swap3A_1018 : i32 to index
        %swap3A_1020 = arith.index_cast %add3A_973 : i32 to index
        %swap3A_1021 = arith.constant 32 : index
        %swap3A_1022 = tpu.vector_load %arg7[%swap3A_1019, %swap3A_1020, %swap3A_1021] {strides = array<i32>} : memref<4x112x64xf32, #tpu.memory_space<vmem>>, vector<1x1x16xf32>,
        %swap3A_1023 = vector.shape_cast %swap3A_1022 : vector<1x1x16xf32> to vector<16xf32>
        %swap3A_1024 = vector.shape_cast %mul3A_1017 : vector<16xf32> to vector<1x1x16xf32>
        tpu.vector_store %arg7[%swap3A_1019, %swap3A_1020, %swap3A_1021], %swap3A_1024 {strides = array<i32>} : memref<4x112x64xf32, #tpu.memory_space<vmem>>, vector<1x1x16xf32>,
        %get3A_1025 = arith.constant 3 : i32
        %get3A_1026 = arith.index_cast %get3A_1025 : i32 to index
        %get3A_1027 = arith.index_cast %add3A_973 : i32 to index
        %get3A_1028 = arith.constant 48 : index
        %get3A_1029 = tpu.vector_load %arg7[%get3A_1026, %get3A_1027, %get3A_1028] {strides = array<i32>} : memref<4x112x64xf32, #tpu.memory_space<vmem>>, vector<1x1x16xf32>,
        %get3A_1030 = vector.shape_cast %get3A_1029 : vector<1x1x16xf32> to vector<16xf32>
        %slice3A_1031 = vector.extract_strided_slice %bitcast_convert_type3A_897 {offsets = [7], sizes = [1], strides = [1]} : vector<16xf32> to vector<1xf32>
        %squeeze3A_1032 = vector.extract %slice3A_1031[0] : f32 from vector<1xf32>
        %mul3A_1033 = vector.broadcast %squeeze3A_1032 : f32 to vector<16xf32>
        %mul3A_1034 = arith.mulf %get3A_1030, %mul3A_1033 : vector<16xf32>
        %swap3A_1035 = arith.constant 3 : i32
        %swap3A_1036 = arith.index_cast %swap3A_1035 : i32 to index
        %swap3A_1037 = arith.index_cast %add3A_973 : i32 to index
        %swap3A_1038 = arith.constant 48 : index
        %swap3A_1039 = tpu.vector_load %arg7[%swap3A_1036, %swap3A_1037, %swap3A_1038] {strides = array<i32>} : memref<4x112x64xf32, #tpu.memory_space<vmem>>, vector<1x1x16xf32>,
        %swap3A_1040 = vector.shape_cast %swap3A_1039 : vector<1x1x16xf32> to vector<16xf32>
        %swap3A_1041 = vector.shape_cast %mul3A_1034 : vector<16xf32> to vector<1x1x16xf32>
        tpu.vector_store %arg7[%swap3A_1036, %swap3A_1037, %swap3A_1038], %swap3A_1041 {strides = array<i32>} : memref<4x112x64xf32, #tpu.memory_space<vmem>>, vector<1x1x16xf32>,
        %mul3A_1042 = arith.constant 4 : i32
        %mul3A_1043 = arith.muli %mul3A_1042, %scan3A_846 : i32
        %add3A_1044 = arith.constant 2 : i32
        %add3A_1045 = arith.addi %mul3A_1043, %add3A_1044 : i32
        %get3A_1046 = arith.constant 3 : i32
        %get3A_1047 = arith.index_cast %get3A_1046 : i32 to index
        %get3A_1048 = arith.index_cast %add3A_1045 : i32 to index
        %get3A_1049 = arith.constant 0 : index
        %get3A_1050 = tpu.vector_load %arg7[%get3A_1047, %get3A_1048, %get3A_1049] {strides = array<i32>} : memref<4x112x64xf32, #tpu.memory_space<vmem>>, vector<1x1x16xf32>,
        %get3A_1051 = vector.shape_cast %get3A_1050 : vector<1x1x16xf32> to vector<16xf32>
        %slice3A_1052 = vector.extract_strided_slice %bitcast_convert_type3A_897 {offsets = [8], sizes = [1], strides = [1]} : vector<16xf32> to vector<1xf32>
        %squeeze3A_1053 = vector.extract %slice3A_1052[0] : f32 from vector<1xf32>
        %mul3A_1054 = vector.broadcast %squeeze3A_1053 : f32 to vector<16xf32>
        %mul3A_1055 = arith.mulf %get3A_1051, %mul3A_1054 : vector<16xf32>
        %swap3A_1056 = arith.constant 3 : i32
        %swap3A_1057 = arith.index_cast %swap3A_1056 : i32 to index
        %swap3A_1058 = arith.index_cast %add3A_1045 : i32 to index
        %swap3A_1059 = arith.constant 0 : index
        %swap3A_1060 = tpu.vector_load %arg7[%swap3A_1057, %swap3A_1058, %swap3A_1059] {strides = array<i32>} : memref<4x112x64xf32, #tpu.memory_space<vmem>>, vector<1x1x16xf32>,
        %swap3A_1061 = vector.shape_cast %swap3A_1060 : vector<1x1x16xf32> to vector<16xf32>
        %swap3A_1062 = vector.shape_cast %mul3A_1055 : vector<16xf32> to vector<1x1x16xf32>
        tpu.vector_store %arg7[%swap3A_1057, %swap3A_1058, %swap3A_1059], %swap3A_1062 {strides = array<i32>} : memref<4x112x64xf32, #tpu.memory_space<vmem>>, vector<1x1x16xf32>,
        %get3A_1063 = arith.constant 3 : i32
        %get3A_1064 = arith.index_cast %get3A_1063 : i32 to index
        %get3A_1065 = arith.index_cast %add3A_1045 : i32 to index
        %get3A_1066 = arith.constant 16 : index
        %get3A_1067 = tpu.vector_load %arg7[%get3A_1064, %get3A_1065, %get3A_1066] {strides = array<i32>} : memref<4x112x64xf32, #tpu.memory_space<vmem>>, vector<1x1x16xf32>,
        %get3A_1068 = vector.shape_cast %get3A_1067 : vector<1x1x16xf32> to vector<16xf32>
        %slice3A_1069 = vector.extract_strided_slice %bitcast_convert_type3A_897 {offsets = [9], sizes = [1], strides = [1]} : vector<16xf32> to vector<1xf32>
        %squeeze3A_1070 = vector.extract %slice3A_1069[0] : f32 from vector<1xf32>
        %mul3A_1071 = vector.broadcast %squeeze3A_1070 : f32 to vector<16xf32>
        %mul3A_1072 = arith.mulf %get3A_1068, %mul3A_1071 : vector<16xf32>
        %swap3A_1073 = arith.constant 3 : i32
        %swap3A_1074 = arith.index_cast %swap3A_1073 : i32 to index
        %swap3A_1075 = arith.index_cast %add3A_1045 : i32 to index
        %swap3A_1076 = arith.constant 16 : index
        %swap3A_1077 = tpu.vector_load %arg7[%swap3A_1074, %swap3A_1075, %swap3A_1076] {strides = array<i32>} : memref<4x112x64xf32, #tpu.memory_space<vmem>>, vector<1x1x16xf32>,
        %swap3A_1078 = vector.shape_cast %swap3A_1077 : vector<1x1x16xf32> to vector<16xf32>
        %swap3A_1079 = vector.shape_cast %mul3A_1072 : vector<16xf32> to vector<1x1x16xf32>
        tpu.vector_store %arg7[%swap3A_1074, %swap3A_1075, %swap3A_1076], %swap3A_1079 {strides = array<i32>} : memref<4x112x64xf32, #tpu.memory_space<vmem>>, vector<1x1x16xf32>,
        %get3A_1080 = arith.constant 3 : i32
        %get3A_1081 = arith.index_cast %get3A_1080 : i32 to index
        %get3A_1082 = arith.index_cast %add3A_1045 : i32 to index
        %get3A_1083 = arith.constant 32 : index
        %get3A_1084 = tpu.vector_load %arg7[%get3A_1081, %get3A_1082, %get3A_1083] {strides = array<i32>} : memref<4x112x64xf32, #tpu.memory_space<vmem>>, vector<1x1x16xf32>,
        %get3A_1085 = vector.shape_cast %get3A_1084 : vector<1x1x16xf32> to vector<16xf32>
        %slice3A_1086 = vector.extract_strided_slice %bitcast_convert_type3A_897 {offsets = [10], sizes = [1], strides = [1]} : vector<16xf32> to vector<1xf32>
        %squeeze3A_1087 = vector.extract %slice3A_1086[0] : f32 from vector<1xf32>
        %mul3A_1088 = vector.broadcast %squeeze3A_1087 : f32 to vector<16xf32>
        %mul3A_1089 = arith.mulf %get3A_1085, %mul3A_1088 : vector<16xf32>
        %swap3A_1090 = arith.constant 3 : i32
        %swap3A_1091 = arith.index_cast %swap3A_1090 : i32 to index
        %swap3A_1092 = arith.index_cast %add3A_1045 : i32 to index
        %swap3A_1093 = arith.constant 32 : index
        %swap3A_1094 = tpu.vector_load %arg7[%swap3A_1091, %swap3A_1092, %swap3A_1093] {strides = array<i32>} : memref<4x112x64xf32, #tpu.memory_space<vmem>>, vector<1x1x16xf32>,
        %swap3A_1095 = vector.shape_cast %swap3A_1094 : vector<1x1x16xf32> to vector<16xf32>
        %swap3A_1096 = vector.shape_cast %mul3A_1089 : vector<16xf32> to vector<1x1x16xf32>
        tpu.vector_store %arg7[%swap3A_1091, %swap3A_1092, %swap3A_1093], %swap3A_1096 {strides = array<i32>} : memref<4x112x64xf32, #tpu.memory_space<vmem>>, vector<1x1x16xf32>,
        %get3A_1097 = arith.constant 3 : i32
        %get3A_1098 = arith.index_cast %get3A_1097 : i32 to index
        %get3A_1099 = arith.index_cast %add3A_1045 : i32 to index
        %get3A_1100 = arith.constant 48 : index
        %get3A_1101 = tpu.vector_load %arg7[%get3A_1098, %get3A_1099, %get3A_1100] {strides = array<i32>} : memref<4x112x64xf32, #tpu.memory_space<vmem>>, vector<1x1x16xf32>,
        %get3A_1102 = vector.shape_cast %get3A_1101 : vector<1x1x16xf32> to vector<16xf32>
        %slice3A_1103 = vector.extract_strided_slice %bitcast_convert_type3A_897 {offsets = [11], sizes = [1], strides = [1]} : vector<16xf32> to vector<1xf32>
        %squeeze3A_1104 = vector.extract %slice3A_1103[0] : f32 from vector<1xf32>
        %mul3A_1105 = vector.broadcast %squeeze3A_1104 : f32 to vector<16xf32>
        %mul3A_1106 = arith.mulf %get3A_1102, %mul3A_1105 : vector<16xf32>
        %swap3A_1107 = arith.constant 3 : i32
        %swap3A_1108 = arith.index_cast %swap3A_1107 : i32 to index
        %swap3A_1109 = arith.index_cast %add3A_1045 : i32 to index
        %swap3A_1110 = arith.constant 48 : index
        %swap3A_1111 = tpu.vector_load %arg7[%swap3A_1108, %swap3A_1109, %swap3A_1110] {strides = array<i32>} : memref<4x112x64xf32, #tpu.memory_space<vmem>>, vector<1x1x16xf32>,
        %swap3A_1112 = vector.shape_cast %swap3A_1111 : vector<1x1x16xf32> to vector<16xf32>
        %swap3A_1113 = vector.shape_cast %mul3A_1106 : vector<16xf32> to vector<1x1x16xf32>
        tpu.vector_store %arg7[%swap3A_1108, %swap3A_1109, %swap3A_1110], %swap3A_1113 {strides = array<i32>} : memref<4x112x64xf32, #tpu.memory_space<vmem>>, vector<1x1x16xf32>,
        %mul3A_1114 = arith.constant 4 : i32
        %mul3A_1115 = arith.muli %mul3A_1114, %scan3A_846 : i32
        %add3A_1116 = arith.constant 3 : i32
        %add3A_1117 = arith.addi %mul3A_1115, %add3A_1116 : i32
        %get3A_1118 = arith.constant 3 : i32
        %get3A_1119 = arith.index_cast %get3A_1118 : i32 to index
        %get3A_1120 = arith.index_cast %add3A_1117 : i32 to index
        %get3A_1121 = arith.constant 0 : index
        %get3A_1122 = tpu.vector_load %arg7[%get3A_1119, %get3A_1120, %get3A_1121] {strides = array<i32>} : memref<4x112x64xf32, #tpu.memory_space<vmem>>, vector<1x1x16xf32>,
        %get3A_1123 = vector.shape_cast %get3A_1122 : vector<1x1x16xf32> to vector<16xf32>
        %slice3A_1124 = vector.extract_strided_slice %bitcast_convert_type3A_897 {offsets = [12], sizes = [1], strides = [1]} : vector<16xf32> to vector<1xf32>
        %squeeze3A_1125 = vector.extract %slice3A_1124[0] : f32 from vector<1xf32>
        %mul3A_1126 = vector.broadcast %squeeze3A_1125 : f32 to vector<16xf32>
        %mul3A_1127 = arith.mulf %get3A_1123, %mul3A_1126 : vector<16xf32>
        %swap3A_1128 = arith.constant 3 : i32
        %swap3A_1129 = arith.index_cast %swap3A_1128 : i32 to index
        %swap3A_1130 = arith.index_cast %add3A_1117 : i32 to index
        %swap3A_1131 = arith.constant 0 : index
        %swap3A_1132 = tpu.vector_load %arg7[%swap3A_1129, %swap3A_1130, %swap3A_1131] {strides = array<i32>} : memref<4x112x64xf32, #tpu.memory_space<vmem>>, vector<1x1x16xf32>,
        %swap3A_1133 = vector.shape_cast %swap3A_1132 : vector<1x1x16xf32> to vector<16xf32>
        %swap3A_1134 = vector.shape_cast %mul3A_1127 : vector<16xf32> to vector<1x1x16xf32>
        tpu.vector_store %arg7[%swap3A_1129, %swap3A_1130, %swap3A_1131], %swap3A_1134 {strides = array<i32>} : memref<4x112x64xf32, #tpu.memory_space<vmem>>, vector<1x1x16xf32>,
        %get3A_1135 = arith.constant 3 : i32
        %get3A_1136 = arith.index_cast %get3A_1135 : i32 to index
        %get3A_1137 = arith.index_cast %add3A_1117 : i32 to index
        %get3A_1138 = arith.constant 16 : index
        %get3A_1139 = tpu.vector_load %arg7[%get3A_1136, %get3A_1137, %get3A_1138] {strides = array<i32>} : memref<4x112x64xf32, #tpu.memory_space<vmem>>, vector<1x1x16xf32>,
        %get3A_1140 = vector.shape_cast %get3A_1139 : vector<1x1x16xf32> to vector<16xf32>
        %slice3A_1141 = vector.extract_strided_slice %bitcast_convert_type3A_897 {offsets = [13], sizes = [1], strides = [1]} : vector<16xf32> to vector<1xf32>
        %squeeze3A_1142 = vector.extract %slice3A_1141[0] : f32 from vector<1xf32>
        %mul3A_1143 = vector.broadcast %squeeze3A_1142 : f32 to vector<16xf32>
        %mul3A_1144 = arith.mulf %get3A_1140, %mul3A_1143 : vector<16xf32>
        %swap3A_1145 = arith.constant 3 : i32
        %swap3A_1146 = arith.index_cast %swap3A_1145 : i32 to index
        %swap3A_1147 = arith.index_cast %add3A_1117 : i32 to index
        %swap3A_1148 = arith.constant 16 : index
        %swap3A_1149 = tpu.vector_load %arg7[%swap3A_1146, %swap3A_1147, %swap3A_1148] {strides = array<i32>} : memref<4x112x64xf32, #tpu.memory_space<vmem>>, vector<1x1x16xf32>,
        %swap3A_1150 = vector.shape_cast %swap3A_1149 : vector<1x1x16xf32> to vector<16xf32>
        %swap3A_1151 = vector.shape_cast %mul3A_1144 : vector<16xf32> to vector<1x1x16xf32>
        tpu.vector_store %arg7[%swap3A_1146, %swap3A_1147, %swap3A_1148], %swap3A_1151 {strides = array<i32>} : memref<4x112x64xf32, #tpu.memory_space<vmem>>, vector<1x1x16xf32>,
        %get3A_1152 = arith.constant 3 : i32
        %get3A_1153 = arith.index_cast %get3A_1152 : i32 to index
        %get3A_1154 = arith.index_cast %add3A_1117 : i32 to index
        %get3A_1155 = arith.constant 32 : index
        %get3A_1156 = tpu.vector_load %arg7[%get3A_1153, %get3A_1154, %get3A_1155] {strides = array<i32>} : memref<4x112x64xf32, #tpu.memory_space<vmem>>, vector<1x1x16xf32>,
        %get3A_1157 = vector.shape_cast %get3A_1156 : vector<1x1x16xf32> to vector<16xf32>
        %slice3A_1158 = vector.extract_strided_slice %bitcast_convert_type3A_897 {offsets = [14], sizes = [1], strides = [1]} : vector<16xf32> to vector<1xf32>
        %squeeze3A_1159 = vector.extract %slice3A_1158[0] : f32 from vector<1xf32>
        %mul3A_1160 = vector.broadcast %squeeze3A_1159 : f32 to vector<16xf32>
        %mul3A_1161 = arith.mulf %get3A_1157, %mul3A_1160 : vector<16xf32>
        %swap3A_1162 = arith.constant 3 : i32
        %swap3A_1163 = arith.index_cast %swap3A_1162 : i32 to index
        %swap3A_1164 = arith.index_cast %add3A_1117 : i32 to index
        %swap3A_1165 = arith.constant 32 : index
        %swap3A_1166 = tpu.vector_load %arg7[%swap3A_1163, %swap3A_1164, %swap3A_1165] {strides = array<i32>} : memref<4x112x64xf32, #tpu.memory_space<vmem>>, vector<1x1x16xf32>,
        %swap3A_1167 = vector.shape_cast %swap3A_1166 : vector<1x1x16xf32> to vector<16xf32>
        %swap3A_1168 = vector.shape_cast %mul3A_1161 : vector<16xf32> to vector<1x1x16xf32>
        tpu.vector_store %arg7[%swap3A_1163, %swap3A_1164, %swap3A_1165], %swap3A_1168 {strides = array<i32>} : memref<4x112x64xf32, #tpu.memory_space<vmem>>, vector<1x1x16xf32>,
        %get3A_1169 = arith.constant 3 : i32
        %get3A_1170 = arith.index_cast %get3A_1169 : i32 to index
        %get3A_1171 = arith.index_cast %add3A_1117 : i32 to index
        %get3A_1172 = arith.constant 48 : index
        %get3A_1173 = tpu.vector_load %arg7[%get3A_1170, %get3A_1171, %get3A_1172] {strides = array<i32>} : memref<4x112x64xf32, #tpu.memory_space<vmem>>, vector<1x1x16xf32>,
        %get3A_1174 = vector.shape_cast %get3A_1173 : vector<1x1x16xf32> to vector<16xf32>
        %slice3A_1175 = vector.extract_strided_slice %bitcast_convert_type3A_897 {offsets = [15], sizes = [1], strides = [1]} : vector<16xf32> to vector<1xf32>
        %squeeze3A_1176 = vector.extract %slice3A_1175[0] : f32 from vector<1xf32>
        %mul3A_1177 = vector.broadcast %squeeze3A_1176 : f32 to vector<16xf32>
        %mul3A_1178 = arith.mulf %get3A_1174, %mul3A_1177 : vector<16xf32>
        %swap3A_1179 = arith.constant 3 : i32
        %swap3A_1180 = arith.index_cast %swap3A_1179 : i32 to index
        %swap3A_1181 = arith.index_cast %add3A_1117 : i32 to index
        %swap3A_1182 = arith.constant 48 : index
        %swap3A_1183 = tpu.vector_load %arg7[%swap3A_1180, %swap3A_1181, %swap3A_1182] {strides = array<i32>} : memref<4x112x64xf32, #tpu.memory_space<vmem>>, vector<1x1x16xf32>,
        %swap3A_1184 = vector.shape_cast %swap3A_1183 : vector<1x1x16xf32> to vector<16xf32>
        %swap3A_1185 = vector.shape_cast %mul3A_1178 : vector<16xf32> to vector<1x1x16xf32>
        tpu.vector_store %arg7[%swap3A_1180, %swap3A_1181, %swap3A_1182], %swap3A_1185 {strides = array<i32>} : memref<4x112x64xf32, #tpu.memory_space<vmem>>, vector<1x1x16xf32>,
      }
      %scan3A_490 = arith.constant 28 : i32
      %dma_start3A_491 = arith.constant 3 : i32
      %dma_start3A_492 = arith.constant 3 : i32
      %dma_start3A_493 = arith.constant 1 : i32
      %dma_start3A_494 = arith.constant 3 : i32
      %dma_start3A_495 = arith.constant 0 : i32
      %dma_start3A_496 = arith.constant 0 : i32
      %dma_start3A_497 = tpu.memref_slice %arg7[%dma_start3A_491, %dma_start3A_495, %dma_start3A_496] : memref<4x112x64xf32, #tpu.memory_space<vmem>> -> memref<1x112x64xf32, #tpu.memory_space<vmem>>
      %dma_start3A_498 = tpu.memref_squeeze %dma_start3A_497 : memref<1x112x64xf32, #tpu.memory_space<vmem>> -> memref<112x64xf32, #tpu.memory_space<vmem>>
      %dma_start3A_499 = arith.constant 0 : i32
      %dma_start3A_500 = tpu.memref_slice %arg6[%dma_start3A_492, %dma_start3A_493, %dma_start3A_499] : memref<4x6x112xi32, #tpu.memory_space<vmem>> -> memref<1x1x112xi32, #tpu.memory_space<vmem>>
      %dma_start3A_501 = tpu.memref_squeeze %dma_start3A_500 : memref<1x1x112xi32, #tpu.memory_space<vmem>> -> memref<112xi32, #tpu.memory_space<vmem>>
      %dma_start3A_502 = arith.constant 0 : i32
      %dma_start3A_503 = arith.constant 0 : i32
      %dma_start3A_504 = tpu.memref_slice %arg8[%scan3A_180, %dma_start3A_502, %dma_start3A_503] : memref<2x10000x64xf32, #tpu.memory_space<vmem_shared>> -> memref<1x10000x64xf32, #tpu.memory_space<vmem_shared>>
      %dma_start3A_505 = tpu.memref_squeeze %dma_start3A_504 : memref<1x10000x64xf32, #tpu.memory_space<vmem_shared>> -> memref<10000x64xf32, #tpu.memory_space<vmem_shared>>
      %dma_start3A_506 = arith.constant 0 : i32
      %dma_start3A_507 = arith.constant 0 : i32
      %dma_start3A_508 = tpu.memref_slice %dma_start3A_505[%dma_start3A_506, %dma_start3A_507] : memref<10000x64xf32, #tpu.memory_space<vmem_shared>> -> memref<10000x64xf32, #tpu.memory_space<vmem_shared>>
      %dma_start3A_509 = tpu.memref_slice %arg10[%dma_start3A_494] : memref<4x!tpu.dma_semaphore, #tpu.memory_space<semaphore_mem>> -> memref<1x!tpu.dma_semaphore, #tpu.memory_space<semaphore_mem>>
      %dma_start3A_510 = tpu.memref_squeeze %dma_start3A_509 : memref<1x!tpu.dma_semaphore, #tpu.memory_space<semaphore_mem>> -> memref<!tpu.dma_semaphore, #tpu.memory_space<semaphore_mem>>
      tpu.enqueue_indirect_dma source(%dma_start3A_498 : memref<112x64xf32, #tpu.memory_space<vmem>>) target(%dma_start3A_508 : memref<10000x64xf32, #tpu.memory_space<vmem_shared>>) offsets(%dma_start3A_501 : memref<112xi32, #tpu.memory_space<vmem>>) semaphore(%dma_start3A_510 : memref<!tpu.dma_semaphore, #tpu.memory_space<semaphore_mem>>) {add = true}
      %add3A_511 = arith.constant 2 : i32
      %add3A_512 = arith.addi %add3A_452, %add3A_511 : i32
      %lt3A_513 = arith.constant 180 : i32
      %lt3A_514 = arith.cmpi slt, %add3A_512, %lt3A_513 : i32
      %convert_element_type3A_515 = arith.extui %lt3A_514 : i1 to i32
      %cond3A_516 = arith.constant 0 : i32
      %cond3A_517 = arith.cmpi ne, %convert_element_type3A_515, %cond3A_516 : i32
      scf.if %cond3A_517 {
        %add3A_518 = arith.constant 2 : i32
        %add3A_519 = arith.addi %add3A_452, %add3A_518 : i32
        %add3A_520 = arith.addi %mul3A_12, %add3A_519 : i32
        %dma_wait3A_521 = arith.constant 1 : i32
        %dma_wait3A_522 = arith.constant 1 : i32
        %dma_wait3A_523 = arith.constant 0 : i32
        %dma_wait3A_524 = arith.constant 0 : i32
        %dma_wait3A_525 = tpu.memref_slice %arg6[%dma_wait3A_521, %dma_wait3A_523, %dma_wait3A_524] : memref<4x6x112xi32, #tpu.memory_space<vmem>> -> memref<1x6x112xi32, #tpu.memory_space<vmem>>
        %dma_wait3A_526 = tpu.memref_squeeze %dma_wait3A_525 : memref<1x6x112xi32, #tpu.memory_space<vmem>> -> memref<6x112xi32, #tpu.memory_space<vmem>>
        %dma_wait3A_527 = arith.constant 0 : i32
        %dma_wait3A_528 = arith.constant 0 : i32
        %dma_wait3A_529 = arith.constant 0 : i32
        %dma_wait3A_530 = tpu.memref_slice %arg3[%arg0, %dma_wait3A_527, %dma_wait3A_528, %dma_wait3A_529] : memref<2x2880x6x112xi32, #tpu.memory_space<hbm>> -> memref<1x2880x6x112xi32, #tpu.memory_space<hbm>>
        %dma_wait3A_531 = tpu.memref_squeeze %dma_wait3A_530 : memref<1x2880x6x112xi32, #tpu.memory_space<hbm>> -> memref<2880x6x112xi32, #tpu.memory_space<hbm>>
        %dma_wait3A_532 = arith.constant 0 : i32
        %dma_wait3A_533 = arith.constant 0 : i32
        %dma_wait3A_534 = tpu.memref_slice %dma_wait3A_531[%add3A_520, %dma_wait3A_532, %dma_wait3A_533] : memref<2880x6x112xi32, #tpu.memory_space<hbm>> -> memref<1x6x112xi32, #tpu.memory_space<hbm>>
        %dma_wait3A_535 = tpu.memref_squeeze %dma_wait3A_534 : memref<1x6x112xi32, #tpu.memory_space<hbm>> -> memref<6x112xi32, #tpu.memory_space<hbm>>
        %dma_wait3A_536 = tpu.memref_slice %arg11[%dma_wait3A_522] : memref<4x!tpu.dma_semaphore, #tpu.memory_space<semaphore_mem>> -> memref<1x!tpu.dma_semaphore, #tpu.memory_space<semaphore_mem>>
        %dma_wait3A_537 = tpu.memref_squeeze %dma_wait3A_536 : memref<1x!tpu.dma_semaphore, #tpu.memory_space<semaphore_mem>> -> memref<!tpu.dma_semaphore, #tpu.memory_space<semaphore_mem>>
        %dma_wait3A_538 = arith.constant 0 : i32
        %dma_wait3A_539 = arith.constant 0 : i32
        %dma_wait3A_540 = tpu.memref_slice %arg6[%dma_wait3A_521, %dma_wait3A_538, %dma_wait3A_539] : memref<4x6x112xi32, #tpu.memory_space<vmem>> -> memref<1x6x112xi32, #tpu.memory_space<vmem>>
        %dma_wait3A_541 = tpu.memref_squeeze %dma_wait3A_540 : memref<1x6x112xi32, #tpu.memory_space<vmem>> -> memref<6x112xi32, #tpu.memory_space<vmem>>
        %dma_wait3A_542 = arith.constant 0 : i32
        %dma_wait3A_543 = arith.constant 0 : i32
        %dma_wait3A_544 = arith.constant 0 : i32
        %dma_wait3A_545 = tpu.memref_slice %arg3[%arg0, %dma_wait3A_542, %dma_wait3A_543, %dma_wait3A_544] : memref<2x2880x6x112xi32, #tpu.memory_space<hbm>> -> memref<1x2880x6x112xi32, #tpu.memory_space<hbm>>
        %dma_wait3A_546 = tpu.memref_squeeze %dma_wait3A_545 : memref<1x2880x6x112xi32, #tpu.memory_space<hbm>> -> memref<2880x6x112xi32, #tpu.memory_space<hbm>>
        %dma_wait3A_547 = arith.constant 0 : i32
        %dma_wait3A_548 = arith.constant 0 : i32
        %dma_wait3A_549 = tpu.memref_slice %dma_wait3A_546[%add3A_520, %dma_wait3A_547, %dma_wait3A_548] : memref<2880x6x112xi32, #tpu.memory_space<hbm>> -> memref<1x6x112xi32, #tpu.memory_space<hbm>>
        %dma_wait3A_550 = tpu.memref_squeeze %dma_wait3A_549 : memref<1x6x112xi32, #tpu.memory_space<hbm>> -> memref<6x112xi32, #tpu.memory_space<hbm>>
        tpu.wait_dma2 semaphore(%dma_wait3A_537 : memref<!tpu.dma_semaphore, #tpu.memory_space<semaphore_mem>>) src(%dma_wait3A_550 : memref<6x112xi32, #tpu.memory_space<hbm>>) dst(%dma_wait3A_541 : memref<6x112xi32, #tpu.memory_space<vmem>>)
        %dma_start3A_551 = arith.constant 1 : i32
        %dma_start3A_552 = arith.constant 0 : i32
        %dma_start3A_553 = arith.constant 1 : i32
        %dma_start3A_554 = arith.constant 1 : i32
        %dma_start3A_555 = arith.constant 0 : i32
        %dma_start3A_556 = arith.constant 0 : i32
        %dma_start3A_557 = tpu.memref_slice %arg7[%dma_start3A_553, %dma_start3A_555, %dma_start3A_556] : memref<4x112x64xf32, #tpu.memory_space<vmem>> -> memref<1x112x64xf32, #tpu.memory_space<vmem>>
        %dma_start3A_558 = tpu.memref_squeeze %dma_start3A_557 : memref<1x112x64xf32, #tpu.memory_space<vmem>> -> memref<112x64xf32, #tpu.memory_space<vmem>>
        %dma_start3A_559 = arith.constant 0 : i32
        %dma_start3A_560 = tpu.memref_slice %arg6[%dma_start3A_551, %dma_start3A_552, %dma_start3A_559] : memref<4x6x112xi32, #tpu.memory_space<vmem>> -> memref<1x1x112xi32, #tpu.memory_space<vmem>>
        %dma_start3A_561 = tpu.memref_squeeze %dma_start3A_560 : memref<1x1x112xi32, #tpu.memory_space<vmem>> -> memref<112xi32, #tpu.memory_space<vmem>>
        %dma_start3A_562 = arith.constant 0 : i32
        %dma_start3A_563 = arith.constant 0 : i32
        %dma_start3A_564 = tpu.memref_slice %arg8[%scan3A_181, %dma_start3A_562, %dma_start3A_563] : memref<2x10000x64xf32, #tpu.memory_space<vmem_shared>> -> memref<1x10000x64xf32, #tpu.memory_space<vmem_shared>>
        %dma_start3A_565 = tpu.memref_squeeze %dma_start3A_564 : memref<1x10000x64xf32, #tpu.memory_space<vmem_shared>> -> memref<10000x64xf32, #tpu.memory_space<vmem_shared>>
        %dma_start3A_566 = arith.constant 0 : i32
        %dma_start3A_567 = arith.constant 0 : i32
        %dma_start3A_568 = tpu.memref_slice %dma_start3A_565[%dma_start3A_566, %dma_start3A_567] : memref<10000x64xf32, #tpu.memory_space<vmem_shared>> -> memref<10000x64xf32, #tpu.memory_space<vmem_shared>>
        %dma_start3A_569 = tpu.memref_slice %arg9[%dma_start3A_554] : memref<4x!tpu.dma_semaphore, #tpu.memory_space<semaphore_mem>> -> memref<1x!tpu.dma_semaphore, #tpu.memory_space<semaphore_mem>>
        %dma_start3A_570 = tpu.memref_squeeze %dma_start3A_569 : memref<1x!tpu.dma_semaphore, #tpu.memory_space<semaphore_mem>> -> memref<!tpu.dma_semaphore, #tpu.memory_space<semaphore_mem>>
        tpu.enqueue_indirect_dma source(%dma_start3A_568 : memref<10000x64xf32, #tpu.memory_space<vmem_shared>>) target(%dma_start3A_558 : memref<112x64xf32, #tpu.memory_space<vmem>>) offsets(%dma_start3A_561 : memref<112xi32, #tpu.memory_space<vmem>>) semaphore(%dma_start3A_570 : memref<!tpu.dma_semaphore, #tpu.memory_space<semaphore_mem>>)
      } else {
      }
    }
    %scan3A_186 = arith.constant 45 : i32
    %dma_wait3A_187 = arith.constant 2 : i32
    %dma_wait3A_188 = arith.constant 1 : i32
    %dma_wait3A_189 = arith.constant 2 : i32
    %dma_wait3A_190 = arith.constant 1 : i32
    %dma_wait3A_191 = arith.constant 2 : i32
    %dma_wait3A_192 = arith.constant 0 : i32
    %dma_wait3A_193 = arith.constant 0 : i32
    %dma_wait3A_194 = tpu.memref_slice %arg7[%dma_wait3A_187, %dma_wait3A_192, %dma_wait3A_193] : memref<4x112x64xf32, #tpu.memory_space<vmem>> -> memref<1x112x64xf32, #tpu.memory_space<vmem>>
    %dma_wait3A_195 = tpu.memref_squeeze %dma_wait3A_194 : memref<1x112x64xf32, #tpu.memory_space<vmem>> -> memref<112x64xf32, #tpu.memory_space<vmem>>
    %dma_wait3A_196 = arith.constant 0 : i32
    %dma_wait3A_197 = tpu.memref_slice %arg6[%dma_wait3A_189, %dma_wait3A_190, %dma_wait3A_196] : memref<4x6x112xi32, #tpu.memory_space<vmem>> -> memref<1x1x112xi32, #tpu.memory_space<vmem>>
    %dma_wait3A_198 = tpu.memref_squeeze %dma_wait3A_197 : memref<1x1x112xi32, #tpu.memory_space<vmem>> -> memref<112xi32, #tpu.memory_space<vmem>>
    %dma_wait3A_199 = arith.constant 0 : i32
    %dma_wait3A_200 = arith.constant 0 : i32
    %dma_wait3A_201 = tpu.memref_slice %arg8[%dma_wait3A_188, %dma_wait3A_199, %dma_wait3A_200] : memref<2x10000x64xf32, #tpu.memory_space<vmem_shared>> -> memref<1x10000x64xf32, #tpu.memory_space<vmem_shared>>
    %dma_wait3A_202 = tpu.memref_squeeze %dma_wait3A_201 : memref<1x10000x64xf32, #tpu.memory_space<vmem_shared>> -> memref<10000x64xf32, #tpu.memory_space<vmem_shared>>
    %dma_wait3A_203 = arith.constant 0 : i32
    %dma_wait3A_204 = arith.constant 0 : i32
    %dma_wait3A_205 = tpu.memref_slice %dma_wait3A_202[%dma_wait3A_203, %dma_wait3A_204] : memref<10000x64xf32, #tpu.memory_space<vmem_shared>> -> memref<10000x64xf32, #tpu.memory_space<vmem_shared>>
    %dma_wait3A_206 = tpu.memref_slice %arg10[%dma_wait3A_191] : memref<4x!tpu.dma_semaphore, #tpu.memory_space<semaphore_mem>> -> memref<1x!tpu.dma_semaphore, #tpu.memory_space<semaphore_mem>>
    %dma_wait3A_207 = tpu.memref_squeeze %dma_wait3A_206 : memref<1x!tpu.dma_semaphore, #tpu.memory_space<semaphore_mem>> -> memref<!tpu.dma_semaphore, #tpu.memory_space<semaphore_mem>>
    tpu.wait_indirect_dma semaphore(%dma_wait3A_207 : memref<!tpu.dma_semaphore, #tpu.memory_space<semaphore_mem>>) src(%dma_wait3A_195 : memref<112x64xf32, #tpu.memory_space<vmem>>) dst(%dma_wait3A_205 : memref<10000x64xf32, #tpu.memory_space<vmem_shared>>)
    %dma_wait3A_208 = arith.constant 3 : i32
    %dma_wait3A_209 = arith.constant 1 : i32
    %dma_wait3A_210 = arith.constant 3 : i32
    %dma_wait3A_211 = arith.constant 1 : i32
    %dma_wait3A_212 = arith.constant 3 : i32
    %dma_wait3A_213 = arith.constant 0 : i32
    %dma_wait3A_214 = arith.constant 0 : i32
    %dma_wait3A_215 = tpu.memref_slice %arg7[%dma_wait3A_208, %dma_wait3A_213, %dma_wait3A_214] : memref<4x112x64xf32, #tpu.memory_space<vmem>> -> memref<1x112x64xf32, #tpu.memory_space<vmem>>
    %dma_wait3A_216 = tpu.memref_squeeze %dma_wait3A_215 : memref<1x112x64xf32, #tpu.memory_space<vmem>> -> memref<112x64xf32, #tpu.memory_space<vmem>>
    %dma_wait3A_217 = arith.constant 0 : i32
    %dma_wait3A_218 = tpu.memref_slice %arg6[%dma_wait3A_210, %dma_wait3A_211, %dma_wait3A_217] : memref<4x6x112xi32, #tpu.memory_space<vmem>> -> memref<1x1x112xi32, #tpu.memory_space<vmem>>
    %dma_wait3A_219 = tpu.memref_squeeze %dma_wait3A_218 : memref<1x1x112xi32, #tpu.memory_space<vmem>> -> memref<112xi32, #tpu.memory_space<vmem>>
    %dma_wait3A_220 = arith.constant 0 : i32
    %dma_wait3A_221 = arith.constant 0 : i32
    %dma_wait3A_222 = tpu.memref_slice %arg8[%dma_wait3A_209, %dma_wait3A_220, %dma_wait3A_221] : memref<2x10000x64xf32, #tpu.memory_space<vmem_shared>> -> memref<1x10000x64xf32, #tpu.memory_space<vmem_shared>>
    %dma_wait3A_223 = tpu.memref_squeeze %dma_wait3A_222 : memref<1x10000x64xf32, #tpu.memory_space<vmem_shared>> -> memref<10000x64xf32, #tpu.memory_space<vmem_shared>>
    %dma_wait3A_224 = arith.constant 0 : i32
    %dma_wait3A_225 = arith.constant 0 : i32
    %dma_wait3A_226 = tpu.memref_slice %dma_wait3A_223[%dma_wait3A_224, %dma_wait3A_225] : memref<10000x64xf32, #tpu.memory_space<vmem_shared>> -> memref<10000x64xf32, #tpu.memory_space<vmem_shared>>
    %dma_wait3A_227 = tpu.memref_slice %arg10[%dma_wait3A_212] : memref<4x!tpu.dma_semaphore, #tpu.memory_space<semaphore_mem>> -> memref<1x!tpu.dma_semaphore, #tpu.memory_space<semaphore_mem>>
    %dma_wait3A_228 = tpu.memref_squeeze %dma_wait3A_227 : memref<1x!tpu.dma_semaphore, #tpu.memory_space<semaphore_mem>> -> memref<!tpu.dma_semaphore, #tpu.memory_space<semaphore_mem>>
    tpu.wait_indirect_dma semaphore(%dma_wait3A_228 : memref<!tpu.dma_semaphore, #tpu.memory_space<semaphore_mem>>) src(%dma_wait3A_216 : memref<112x64xf32, #tpu.memory_space<vmem>>) dst(%dma_wait3A_226 : memref<10000x64xf32, #tpu.memory_space<vmem_shared>>)
    %barrier3A_229 = arith.constant 0 : index
    tpu.barrier barrier_id(%barrier3A_229)
    %lt3A_230 = arith.constant 15 : i32
    %lt3A_231 = arith.cmpi slt, %arg1, %lt3A_230 : i32
    %convert_element_type3A_232 = arith.extui %lt3A_231 : i1 to i32
    %cond3A_233 = arith.constant 1 : i32
    %cond3A_234 = arith.constant 0 : i32
    %cond3A_235 = arith.cmpi ne, %convert_element_type3A_232, %cond3A_234 : i32
    scf.if %cond3A_235 {
      "tpu.region"() ({
        %run_scoped3A = tpu.sem_alloc : memref<!tpu.dma_semaphore, #tpu.memory_space<semaphore_mem>>
        %dma_start3A_242 = arith.constant 0 : i32
        %dma_start3A_243 = arith.constant 0 : i32
        %dma_start3A_244 = tpu.memref_slice %arg5[%arg0, %dma_start3A_242, %dma_start3A_243] : memref<2x10000x64xf32, #tpu.memory_space<hbm>> -> memref<1x10000x64xf32, #tpu.memory_space<hbm>>
        %dma_start3A_245 = tpu.memref_squeeze %dma_start3A_244 : memref<1x10000x64xf32, #tpu.memory_space<hbm>> -> memref<10000x64xf32, #tpu.memory_space<hbm>>
        %dma_start3A_246 = arith.constant 0 : i32
        %dma_start3A_247 = tpu.memref_slice %dma_start3A_245[%multiple_of3A, %dma_start3A_246] : memref<10000x64xf32, #tpu.memory_space<hbm>> -> memref<632x64xf32, #tpu.memory_space<hbm>>
        %dma_start3A_248 = arith.constant 0 : i32
        %dma_start3A_249 = arith.constant 0 : i32
        %dma_start3A_250 = tpu.memref_slice %arg8[%cond3A_233, %dma_start3A_248, %dma_start3A_249] : memref<2x10000x64xf32, #tpu.memory_space<vmem_shared>> -> memref<1x10000x64xf32, #tpu.memory_space<vmem_shared>>
        %dma_start3A_251 = tpu.memref_squeeze %dma_start3A_250 : memref<1x10000x64xf32, #tpu.memory_space<vmem_shared>> -> memref<10000x64xf32, #tpu.memory_space<vmem_shared>>
        %dma_start3A_252 = arith.constant 0 : i32
        %dma_start3A_253 = tpu.memref_slice %dma_start3A_251[%multiple_of3A, %dma_start3A_252] : memref<10000x64xf32, #tpu.memory_space<vmem_shared>> -> memref<632x64xf32, #tpu.memory_space<vmem_shared>>
        tpu.enqueue_dma source(%dma_start3A_253 : memref<632x64xf32, #tpu.memory_space<vmem_shared>>) target(%dma_start3A_247 : memref<632x64xf32, #tpu.memory_space<hbm>>) target_semaphore(%run_scoped3A : memref<!tpu.dma_semaphore, #tpu.memory_space<semaphore_mem>>)
        %dma_wait3A_254 = arith.constant 0 : i32
        %dma_wait3A_255 = arith.constant 0 : i32
        %dma_wait3A_256 = tpu.memref_slice %arg5[%arg0, %dma_wait3A_254, %dma_wait3A_255] : memref<2x10000x64xf32, #tpu.memory_space<hbm>> -> memref<1x10000x64xf32, #tpu.memory_space<hbm>>
        %dma_wait3A_257 = tpu.memref_squeeze %dma_wait3A_256 : memref<1x10000x64xf32, #tpu.memory_space<hbm>> -> memref<10000x64xf32, #tpu.memory_space<hbm>>
        %dma_wait3A_258 = arith.constant 0 : i32
        %dma_wait3A_259 = tpu.memref_slice %dma_wait3A_257[%multiple_of3A, %dma_wait3A_258] : memref<10000x64xf32, #tpu.memory_space<hbm>> -> memref<632x64xf32, #tpu.memory_space<hbm>>
        %dma_wait3A_260 = arith.constant 0 : i32
        %dma_wait3A_261 = arith.constant 0 : i32
        %dma_wait3A_262 = tpu.memref_slice %arg8[%cond3A_233, %dma_wait3A_260, %dma_wait3A_261] : memref<2x10000x64xf32, #tpu.memory_space<vmem_shared>> -> memref<1x10000x64xf32, #tpu.memory_space<vmem_shared>>
        %dma_wait3A_263 = tpu.memref_squeeze %dma_wait3A_262 : memref<1x10000x64xf32, #tpu.memory_space<vmem_shared>> -> memref<10000x64xf32, #tpu.memory_space<vmem_shared>>
        %dma_wait3A_264 = arith.constant 0 : i32
        %dma_wait3A_265 = tpu.memref_slice %dma_wait3A_263[%multiple_of3A, %dma_wait3A_264] : memref<10000x64xf32, #tpu.memory_space<vmem_shared>> -> memref<632x64xf32, #tpu.memory_space<vmem_shared>>
        tpu.wait_dma2 semaphore(%run_scoped3A : memref<!tpu.dma_semaphore, #tpu.memory_space<semaphore_mem>>) src(%dma_wait3A_265 : memref<632x64xf32, #tpu.memory_space<vmem_shared>>) dst(%dma_wait3A_259 : memref<632x64xf32, #tpu.memory_space<hbm>>)
        tpu.yield
      }) : () -> ()
    } else {
    }
    %eq3A_236 = arith.constant 15 : i32
    %eq3A_237 = arith.cmpi eq, %arg1, %eq3A_236 : i32
    %convert_element_type3A_238 = arith.extui %eq3A_237 : i1 to i32
    %cond3A_239 = arith.constant 1 : i32
    %cond3A_240 = arith.constant 0 : i32
    %cond3A_241 = arith.cmpi ne, %convert_element_type3A_238, %cond3A_240 : i32
    scf.if %cond3A_241 {
      "tpu.region"() ({
        %run_scoped3A = tpu.sem_alloc : memref<!tpu.dma_semaphore, #tpu.memory_space<semaphore_mem>>
        %dma_start3A_242 = arith.constant 0 : i32
        %dma_start3A_243 = arith.constant 0 : i32
        %dma_start3A_244 = tpu.memref_slice %arg5[%arg0, %dma_start3A_242, %dma_start3A_243] : memref<2x10000x64xf32, #tpu.memory_space<hbm>> -> memref<1x10000x64xf32, #tpu.memory_space<hbm>>
        %dma_start3A_245 = tpu.memref_squeeze %dma_start3A_244 : memref<1x10000x64xf32, #tpu.memory_space<hbm>> -> memref<10000x64xf32, #tpu.memory_space<hbm>>
        %dma_start3A_246 = arith.constant 9480 : i32
        %dma_start3A_247 = arith.constant 0 : i32
        %dma_start3A_248 = tpu.memref_slice %dma_start3A_245[%dma_start3A_246, %dma_start3A_247] : memref<10000x64xf32, #tpu.memory_space<hbm>> -> memref<520x64xf32, #tpu.memory_space<hbm>>
        %dma_start3A_249 = arith.constant 0 : i32
        %dma_start3A_250 = arith.constant 0 : i32
        %dma_start3A_251 = tpu.memref_slice %arg8[%cond3A_239, %dma_start3A_249, %dma_start3A_250] : memref<2x10000x64xf32, #tpu.memory_space<vmem_shared>> -> memref<1x10000x64xf32, #tpu.memory_space<vmem_shared>>
        %dma_start3A_252 = tpu.memref_squeeze %dma_start3A_251 : memref<1x10000x64xf32, #tpu.memory_space<vmem_shared>> -> memref<10000x64xf32, #tpu.memory_space<vmem_shared>>
        %dma_start3A_253 = arith.constant 9480 : i32
        %dma_start3A_254 = arith.constant 0 : i32
        %dma_start3A_255 = tpu.memref_slice %dma_start3A_252[%dma_start3A_253, %dma_start3A_254] : memref<10000x64xf32, #tpu.memory_space<vmem_shared>> -> memref<520x64xf32, #tpu.memory_space<vmem_shared>>
        tpu.enqueue_dma source(%dma_start3A_255 : memref<520x64xf32, #tpu.memory_space<vmem_shared>>) target(%dma_start3A_248 : memref<520x64xf32, #tpu.memory_space<hbm>>) target_semaphore(%run_scoped3A : memref<!tpu.dma_semaphore, #tpu.memory_space<semaphore_mem>>)
        %dma_wait3A_256 = arith.constant 0 : i32
        %dma_wait3A_257 = arith.constant 0 : i32
        %dma_wait3A_258 = tpu.memref_slice %arg5[%arg0, %dma_wait3A_256, %dma_wait3A_257] : memref<2x10000x64xf32, #tpu.memory_space<hbm>> -> memref<1x10000x64xf32, #tpu.memory_space<hbm>>
        %dma_wait3A_259 = tpu.memref_squeeze %dma_wait3A_258 : memref<1x10000x64xf32, #tpu.memory_space<hbm>> -> memref<10000x64xf32, #tpu.memory_space<hbm>>
        %dma_wait3A_260 = arith.constant 9480 : i32
        %dma_wait3A_261 = arith.constant 0 : i32
        %dma_wait3A_262 = tpu.memref_slice %dma_wait3A_259[%dma_wait3A_260, %dma_wait3A_261] : memref<10000x64xf32, #tpu.memory_space<hbm>> -> memref<520x64xf32, #tpu.memory_space<hbm>>
        %dma_wait3A_263 = arith.constant 0 : i32
        %dma_wait3A_264 = arith.constant 0 : i32
        %dma_wait3A_265 = tpu.memref_slice %arg8[%cond3A_239, %dma_wait3A_263, %dma_wait3A_264] : memref<2x10000x64xf32, #tpu.memory_space<vmem_shared>> -> memref<1x10000x64xf32, #tpu.memory_space<vmem_shared>>
        %dma_wait3A_266 = tpu.memref_squeeze %dma_wait3A_265 : memref<1x10000x64xf32, #tpu.memory_space<vmem_shared>> -> memref<10000x64xf32, #tpu.memory_space<vmem_shared>>
        %dma_wait3A_267 = arith.constant 9480 : i32
        %dma_wait3A_268 = arith.constant 0 : i32
        %dma_wait3A_269 = tpu.memref_slice %dma_wait3A_266[%dma_wait3A_267, %dma_wait3A_268] : memref<10000x64xf32, #tpu.memory_space<vmem_shared>> -> memref<520x64xf32, #tpu.memory_space<vmem_shared>>
        tpu.wait_dma2 semaphore(%run_scoped3A : memref<!tpu.dma_semaphore, #tpu.memory_space<semaphore_mem>>) src(%dma_wait3A_269 : memref<520x64xf32, #tpu.memory_space<vmem_shared>>) dst(%dma_wait3A_262 : memref<520x64xf32, #tpu.memory_space<hbm>>)
        tpu.yield
      }) : () -> ()
    } else {
    }
    return
  }
}

</mosaic_0001>

<sc_bundles>
// kernel: _sc_scatter.3.cloned.1.call-start
scs
__scs_entry_jumppad:
0x0: {  	(pc) =	sbr.rel $0x88, $3  }
0x1: {  	(tag) =	ssettag $0x0;
	lr =	simm.s32 $0x1  }
0x2: {  	[smem:$0x3F9E] =	sst lr;
	_ =	strace $0xD0000000  }
0x3: {  	_ = 	snop  }
0x4: {  	_ = 	snop  }
0x5: {  	_ = 	snop  }
0x6: {  	_ = 	snop  }
0x7: {  	_ = 	snop  }
__scs_overlays_trampoline_lowered:
0x8: {  	[smem:$0x3FAD] =	sst s0  }
0x9: {  	[smem:$0x3FAE] =	sst s1  }
0xa: {  	[smem:$0x3FAF] =	sst s2  }
0xb: {  	[smem:$0x3FB0] =	sst s3  }
0xc: {  	[smem:$0x3FB1] =	sst s4  }
0xd: {  	[smem:$0x3FB2] =	sst s5  }
0xe: {  	[smem:$0x3FB3] =	sst s6  }
0xf: {  	[smem:$0x3FB4] =	sst s7  }
0x10: {  	[smem:$0x3FB5] =	sst s8  }
0x11: {  	[smem:$0x3FB6] =	sst s9;
	s0 =	simm.s32 @!p0 $0x0  }
0x12: {  	s1 =	sld [smem:$0x3F9C];
	s0 =	simm.s32 @p0 $0x1  }
0x13: {  	[smem:$0x3FB7] =	sst s0;
	s0 =	simm.s32 @!p1 $0x0  }
0x14: {  	s2 =	sld [smem:$0x3F9B];
	s0 =	simm.s32 @p1 $0x1  }
0x15: {  	[smem:$0x3FB8] =	sst s0;
	s0 =	simm.s32 @!p2 $0x0  }
0x16: {  	s3 =	sld [smem:$0x3FDB];
	s0 =	simm.s32 @p2 $0x1  }
0x17: {  	s4 =	simm.s32 $0x1BF5;
	[smem:$0x3FBA] =	sst s0  }
0x18: {  	s0 =	sld [smem:$0x3F9D];
	_ =	swait.ge [sflag:s4], $0x0  }
0x19: {  	s7 =	sld [smem:$0x3F9E]  }
0x1a: {  	s8 =	sadd.s32 $0xFFFFE003, lr  }
0x1b: {  	s9 =	sadd.s32 $0xFFFFFEF7, lr;
	s5 =	simm.s32 $0xFFFFFFFF;
	p2 =	slt.u32 s8, $0xFFFFF086  }
0x1c: {  	p1 =	slt.u32 s9, $0xF7A;
	s5 =	simm.s32 @!p2 $0x0  }
0x1d: {  	s5 =	simm.s32 @p1 $0x1;
	p0 =	seq.s32 s7, s2  }
0x1e: {  	s7 =	smul.u32 @!p0 $0xF7A, s2;
	p2 =	seq.s32 @!p0 s5, $0x0  }
0x1f: {  	s9 =	smul.u32 $0xF7A, s1;
	s8 =	simm.s32 @!p0 $0x1BF5;
	p2 =	por !p2, p0  }
0x20: {  	[sflag:s8] =	ssyncset.s32 @!p0 $0xFFFFF086;
	s6 =	sadd.s32 @!p0 s3, s7;
	s7 =	simm.s32 @!p0 $0x108  }
0x21: {  	s3 =	sadd.s32 s3, s9;
	s6 =	sadd.s32 @!p0 $0x88, s6;
	s7 =	simm.s32 @p2 $0x1082  }
0x22: {  	[simem:s7], [sflag:s8] =	dma.local @!p0 [hbm:s6], $0xF7A  }
0x23: {  	s9 =	sor.u32 $0xD0000000, s2;
	s6 =	simm.s32 $0x108;
	_ =	swait.ge @!p0 [sflag:s8], $0x0  }
0x24: {  	s3 =	sadd.s32 $0x88, s3;
	s6 =	simm.s32 @!p1 $0x1082;
	[sflag:s4] =	ssyncset.s32 $0xFFFFF086  }
0x25: {  	[simem:s6], [sflag:s4] =	dma.local [hbm:s3], $0xF7A  }
0x26: {  	[smem:$0x3F9E] =	sst s1;
	(tag) =	ssettag s2;
	_ =	strace s9  }
0x27: {  	s1 =	sld [smem:$0x3FAE]  }
0x28: {  	s2 =	sld [smem:$0x3FAF]  }
0x29: {  	s4 =	sld [smem:$0x3FB1]  }
0x2a: {  	p0 =	seq.s32 s5, $0x0;
	s5 =	sld [smem:$0x3FB2]  }
0x2b: {  	s6 =	sld [smem:$0x3FB3]  }
0x2c: {  	s7 =	sld [smem:$0x3FB4]  }
0x2d: {  	s3 =	simm.s32 $0x108;
	s8 =	sld [smem:$0x3FB5]  }
0x2e: {  	s3 =	simm.s32 @!p0 $0x1082;
	s9 =	sld [smem:$0x3FB6]  }
0x2f: {  	lr =	sadd.s32 s0, s3;
	s0 =	sld [smem:$0x3FAD]  }
0x30: {  	s3 =	sld [smem:$0x3FB0]  }
0x31: {  	[smem:$0x3FB9] =	sst s10  }
0x32: {  	s10 =	sld [smem:$0x3FB7];
	_ =	sdelay $0x3  }
0x33: {  	p0 =	seq.s32 s10, $0x1;
	s10 =	sld [smem:$0x3FB9];
	_ =	sdelay $0x3  }
0x34: {  	[smem:$0x3FB9] =	sst s10  }
0x35: {  	s10 =	sld [smem:$0x3FB8];
	_ =	sdelay $0x3  }
0x36: {  	p1 =	seq.s32 s10, $0x1;
	s10 =	sld [smem:$0x3FB9];
	_ =	sdelay $0x3  }
0x37: {  	[smem:$0x3FB9] =	sst s10  }
0x38: {  	s10 =	sld [smem:$0x3FBA]  }
0x39: {  	_ = 	snop;
	(pc) =	sbr.ind lr, $3  }
0x3a: {  	_ = 	snop  }
0x3b: {  	_ = 	snop  }
0x3c: {  	p2 =	seq.s32 s10, $0x1;
	s10 =	sld [smem:$0x3FB9]  }
0x3d: {  	_ =	shalt  }
0x3e: {  	_ =	shalt  }
0x3f: {  	_ =	shalt  }
0x40: {  	_ =	shalt  }
0x41: {  	_ =	shalt  }
0x42: {  	_ =	shalt  }
0x43: {  	_ =	shalt  }
0x44: {  	_ =	shalt  }
0x45: {  	_ =	shalt  }
0x46: {  	_ =	shalt  }
0x47: {  	_ =	shalt  }
0x48: {  	_ =	shalt  }
0x49: {  	_ =	shalt  }
0x4a: {  	_ =	shalt  }
0x4b: {  	_ =	shalt  }
0x4c: {  	_ =	shalt  }
0x4d: {  	_ =	shalt  }
0x4e: {  	_ =	shalt  }
0x4f: {  	_ =	shalt  }
0x50: {  	_ =	shalt  }
0x51: {  	_ =	shalt  }
0x52: {  	_ =	shalt  }
0x53: {  	_ =	shalt  }
0x54: {  	_ =	shalt  }
0x55: {  	_ =	shalt  }
0x56: {  	_ =	shalt  }
0x57: {  	_ =	shalt  }
0x58: {  	_ =	shalt  }
0x59: {  	_ =	shalt  }
0x5a: {  	_ =	shalt  }
0x5b: {  	_ =	shalt  }
0x5c: {  	_ =	shalt  }
0x5d: {  	_ =	shalt  }
0x5e: {  	_ =	shalt  }
0x5f: {  	_ =	shalt  }
0x60: {  	_ =	shalt  }
0x61: {  	_ =	shalt  }
0x62: {  	_ =	shalt  }
0x63: {  	_ =	shalt  }
0x64: {  	_ =	shalt  }
0x65: {  	_ =	shalt  }
0x66: {  	_ =	shalt  }
0x67: {  	_ =	shalt  }
0x68: {  	_ =	shalt  }
0x69: {  	_ =	shalt  }
0x6a: {  	_ =	shalt  }
0x6b: {  	_ =	shalt  }
0x6c: {  	_ =	shalt  }
0x6d: {  	_ =	shalt  }
0x6e: {  	_ =	shalt  }
0x6f: {  	_ =	shalt  }
0x70: {  	_ =	shalt  }
0x71: {  	_ =	shalt  }
0x72: {  	_ =	shalt  }
0x73: {  	_ =	shalt  }
0x74: {  	_ =	shalt  }
0x75: {  	_ =	shalt  }
0x76: {  	_ =	shalt  }
0x77: {  	_ =	shalt  }
0x78: {  	_ =	shalt  }
0x79: {  	_ =	shalt  }
0x7a: {  	_ =	shalt  }
0x7b: {  	_ =	shalt  }
0x7c: {  	_ =	shalt  }
0x7d: {  	_ =	shalt  }
0x7e: {  	_ =	shalt  }
0x7f: {  	_ =	shalt  }
0x80: {  	_ =	shalt  }
0x81: {  	_ =	shalt  }
0x82: {  	_ =	shalt  }
0x83: {  	_ =	shalt  }
0x84: {  	_ =	shalt  }
0x85: {  	_ =	shalt  }
0x86: {  	_ =	shalt  }
0x87: {  	_ =	shalt  }
.Lfunc_end0:
.L_simem_size_0:
called_computation_lowered:
.L_overlay_start_0:
0x88: {  	s2 =	sld [smem:$0x3FD9]  }
0x89: {  	s3 =	sld [smem:$0x3FFE];
	_ =	sdelay $0x1  }
0x8a: {  	s1 =	srdreg.scid  }
0x8b: {  	s0 =	sand.u32 $0x1, s1  }
0x8c: {  	s17 =	sshll.u32 s0, $0xA;
	s2 =	sadd.s32 s3, s2  }
0x8d: {  	s2 =	sadd.s32 s2, s17  }
0x8e: {  	[smem:$0x3FC5] =	sst s2  }
0x8f: {  	_ = 	snop  }
0x90: {  	s2 =	sld [smem:$0x3FD0];
	(tm) =	ssettm $0x1  }
0x91: {  	s18 =	sld [smem:$0x3FFB];
	_ =	sdelay $0x3  }
0x92: {  	_ =	strace s18  }
0x93: {  	s3 =	sld [smem:$0x3FFC];
	_ =	sdelay $0x3  }
0x94: {  	_ =	strace s3  }
0x95: {  	s3 =	sld [smem:$0x3FFD];
	_ =	sdelay $0x3  }
0x96: {  	_ =	strace s3  }
0x97: {  	_ =	strace $0x8FFFFFFF  }
0x98: {  	s19 =	sld [smem:$0x3FDB];
	_ =	sdelay $0x1  }
0x99: {  	s4 =	simm.s32 $_scs_section_size  }
0x9a: {  	s5 =	simm.s32 $_size__tile_overlayer_lowered;
	s6 =	simm.s32 $_tile_overlayer_lowered  }
0x9b: {  	s22 =	simm.s32 $0x1BFF;
	s21 =	sshll.u32 s6, $0x1;
	s3 =	sadd.s32 s4, s19  }
0x9c: {  	s7 =	simm.s32 $0x0;
	s20 =	sshll.u32 s5, $0x1;
	s5 =	sadd.s32 s21, s3  }
0x9d: {  	[timem:s7], [sflag:s22] =	dma.local [hbm:s5], s20  }
0x9e: {  	_ =	swait.ge [sflag:s22], s20  }
0x9f: {  	s4 =	ssub.s32 $0x0, s20;
	[sflag:s22] =	ssyncset.done $0x0  }
0xa0: {  	[sflag:s22] =	ssyncadd.s32 s4;
	_ =	sdelay $0x1  }
0xa1: {  	s23 =	simm.s32 $0x1B8B  }
0xa2: {  	_ =	swait.ge [sflag:s23], $0x1  }
0xa3: {  	[sflag:s23] =	ssyncset.done $0x0  }
0xa4: {  	s25 =	simm.s32 $0x1B8E;
	s24 =	sld [smem:$0x3FFE];
	[sflag:s23] =	ssyncadd.s32 $0xFFFFFFFF  }
0xa5: {  	s26 =	simm.s32 $execute0_lowered;
	[smem:$0x3FD2] =	sst s25  }
0xa6: {  	s5 =	sshll.u32 s26, $0x1;
	_ =	strace $0x80000046;
	[dreg:$0x1] =	wrdreg $0xFFFFFFFF  }
0xa7: {  	s28 =	simm.s32 $_size_execute0_lowered;
	s3 =	sadd.s32 s3, s5;
	[dreg:$0x0] =	wrdreg $0x0  }
0xa8: {  	s5 =	sshll.u32 s28, $0x1;
	[dreg:$0x2] =	wrdreg s3  }
0xa9: {  	[dreg:$0x3] =	wrdreg s5  }
0xaa: {  	[dreg:$0x4] =	wrdreg $0xC0  }
0xab: {  	_ =	task [dreg:s7], $0x5FFFF  }
0xac: {  	[dreg:$0x1] =	wrdreg $0xFFFFFFFF  }
0xad: {  	[dreg:$0x0] =	wrdreg $0x60  }
0xae: {  	[dreg:$0x2] =	wrdreg s2  }
0xaf: {  	[dreg:$0x3] =	wrdreg s24  }
0xb0: {  	[dreg:$0x4] =	wrdreg $0x7A800  }
0xb1: {  	[dreg:$0x5] =	wrdreg $0x9  }
0xb2: {  	_ =	task.clear_ibuf [dreg:s7], $0x6FFFF;
	_ =	strace $0x90000046  }
0xb3: {  	s29 =	simm.s32 $0x9;
	_ =	strace $0x80000048  }
0xb4: {  	_ =	swait.ge [sflag:s29], $0x1  }
0xb5: {  	[sflag:s29] =	ssyncadd.s32 $0xFFFFFFFF  }
0xb6: {  	_ =	strace $0x90000048  }
0xb7: {  	_ =	sfence  }
0xb8: {  	s30 =	sld [smem:$0x0];
	_ =	sdelay $0x2  }
0xb9: {  	s31 =	sshll.u32 s1, $0xD;
	s1 =	sshrl.u32 s1, $0x2  }
0xba: {  	s3 =	sand.u32 $0x4000, s31;
	s1 =	sadd.s32 s1, s30  }
0xbb: {  	s0 =	sor.u32 s3, s0;
	s1 =	sshll.u32 s1, $0x11  }
0xbc: {  	s0 =	sor.u32 s1, s0  }
0xbd: {  	s0 =	sadd.s32 $0x8F2B, s0  }
0xbe: {  	[sflag:s0] =	ssyncadd.remote.s32 $0x1  }
0xbf: {  	_ =	sfence.sel $0xFFFF  }
0xc0: {  	[dreg:$0x0] =	wrdreg $0xFFFFFFFF;
	(pc) =	sbr.abs _section_cstart, $3  }
0xc1: {  	[dreg:$0x1] =	wrdreg $0xFFFFFFFF  }
0xc2: {  	_ =	task.clear_ibuf [dreg:s7], $0x2FFFF;
	_ =	strace $0x9FFFFFFF  }
0xc3: {  	(tm) =	ssettm $0x7FFFFFFF  }
tec
execute0_lowered:
.L_overlay_start_1:
0x0: {  	(tag) =	ssettag $0x1  }
0x1: {  	s0 =	rddreg [dreg:$0x0]  }
0x2: {  	s2 =	rddreg [dreg:$0x1]  }
0x3: {  	s1 =	rddreg [dreg:$0x2];
	s10 =	stileid.u32  }
0x4: {  	s3 =	srdreg.scid;
	s6 =	smul.u32 $0x9E00, s10  }
0x5: {  	s28 =	simm.s32 $0xA;
	s29 =	simm.s32 $0x2680;
	s18 =	smul.u32 $0x1D880, s10  }
0x6: {  	s30 =	simm.s32 $0x540;
	s31 =	simm.s32 $0x1;
	s13 =	smul.u32 $0xB4, s10  }
0x7: {  	s4 =	sand.u32 $0x1, s3;
	s3 =	simm.s32 $0x0;
	s20 =	smul.u32 $0x3B10, s10  }
0x8: {  	p0 =	seq.s32 s10, $0xF;
	s10 =	simm.s32 $0x0;
	s5 =	smul.u32 $0x3B100, s4  }
0x9: {  	[smem:$0x7FF] =	sst s3;
	s7 =	smul.u32 $0x13880, s4;
	s4 =	ssub.s32 $0x2, s4  }
0xa: {  	_ =	strace $0x80000047;
	s11 =	sshrl.u32 s6, $0x3;
	s16 =	sshrl.u32 s4, $0x1  }
0xb: {  	s15 =	sadd.s32 s6, s1;
	s19 =	sshrl.u32 s18, $0x3;
	s21 =	sor.u32 $0x2, s13  }
0xc: {  	s22 =	sor.u32 $0x3, s13;
	s12 =	sadd.s32 $0x4, s13;
	s13 =	sadd.s32 $0x5, s13  }
0xd: {  	s18 =	simm.s32 $0x3;
	s8 =	sadd.s32 s5, s2;
	s9 =	sadd.s32 s11, s2  }
0xe: {  	s14 =	sadd.s32 s7, s2;
	s4 =	ssub.s32 s4, s16;
	[dreg:$0x8] =	wrdreg s21  }
0xf: {  	s0 =	sadd.s32 s0, s7;
	s5 =	sadd.s32 $0x9C400, s1;
	[dreg:$0x9] =	wrdreg s22  }
0x10: {  	s7 =	sadd.s32 $0x94200, s1;
	s2 =	sadd.s32 $0x89240, s2;
	[dreg:$0x4] =	wrdreg s11  }
0x11: {  	s16 =	sadd.s32 $0x130600, s1;
	s6 =	sadd.s32 s6, s5;
	[dreg:$0x7] =	wrdreg s2  }
0x12: {  	s21 =	simm.s32 $0x4;
	s17 =	sadd.s32 $0x76A00, s9;
	[dreg:$0x5] =	wrdreg s6  }
0x13: {  	s9 =	sadd.s32 $0x800, s8;
	s23 =	sadd.s32 $0x8A400, s14;
	[dreg:$0x6] =	wrdreg s17  }
0x14: {  	s2 =	sadd.s32 $0x54, s19;
	s4 =	smax.u32 s4, $0x1;
	[dreg:$0xa] =	wrdreg s23  }
0x15: {  	s24 =	sadd.s32 s11, s0;
	s0 =	sadd.s32 $0x12840, s0;
	[dreg:$0xb] =	wrdreg s4  }
0x16: {  	s11 =	sshrl.u32 @p0 s16, $0x3;
	s16 =	simm.s32 $0x5E80;
	[dreg:$0xc] =	wrdreg s24  }
0x17: {  	[dreg:$0xd] =	wrdreg s0;
	s0 =	sshrl.u32 @p0 s7, $0x3;
	s25 =	sadd.s32 s20, s9  }
.Ltmp0:
0x18: {  	s26 =	sadd.s32 s2, s9;
	[dreg:$0xf] =	wrdreg s11;
	(pc) =	sbr.rel .LBB2_1-.Ltmp0, $4  }
0x19: {  	s2 =	simm.s32 $0x4280;
	s6 =	simm.s32 $0x7E0;
	[dreg:$0xe] =	wrdreg s0  }
0x1a: {  	s7 =	simm.s32 $0x2;
	s17 =	simm.s32 $0x5;
	[dreg:$0x11] =	wrdreg s25  }
0x1b: {  	s0 =	sshrl.u32 @!p0 s15, $0x3;
	[dreg:$0x12] =	wrdreg s26;
	s25 =	simm.s32 $0x70  }
0x1c: {  	s15 =	simm.s32 $0xC;
	[dreg:$0x10] =	wrdreg s0;
	s0 =	simm.s32 $0xB  }
.LBB2_12:
0x1d: {  	s4 =	simm.s32 $0x7  }
0x1e: {  	_ =	swait.ge [sflag:s4], $0x1C00  }
0x1f: {  	[sflag:s4] =	ssyncset.done $0x0  }
0x20: {  	s23 =	simm.s32 $0x8;
	[sflag:s4] =	ssyncadd.s32 $0xFFFFE400  }
0x21: {  	_ =	swait.ge [sflag:s23], $0x1C00  }
0x22: {  	[sflag:s23] =	ssyncset.done $0x0  }
0x23: {  	[sflag:s23] =	ssyncadd.s32 $0xFFFFE400  }
0x24: {  	[bflag:$0x0] =	sbarrier.arrive $0xFFFF  }
0x25: {  	s10 =	rddreg [dreg:$0xa]  }
0x26: {  	s8 =	simm.s32 @p0 $0x1FCD;
	s11 =	rddreg [dreg:$0xf];
	s4 =	sadd.s32 @p0 $0x12840, s10  }
0x27: {  	[hbm:s4], [sflag:s8] =	dma.local @p0 [spmem:s11], $0x1040  }
0x28: {  	s4 =	simm.s32 @p0 $0xD  }
0x29: {  	_ =	swait.ge @p0 [sflag:s4], $0x1040  }
0x2a: {  	[sflag:s4] =	ssyncset.done @p0 $0x0;
	s8 =	rddreg [dreg:$0x14]  }
0x2b: {  	[sflag:s4] =	ssyncadd.s32 @p0 $0xFFFFEFC0;
	s4 =	rddreg [dreg:$0x4]  }
0x2c: {  	s4 =	sadd.s32 @!p0 s4, s10;
	s10 =	rddreg [dreg:$0x15]  }
0x2d: {  	[hbm:s4], [sflag:s8] =	dma.local @!p0 [spmem:s10], $0x13C0  }
0x2e: {  	s4 =	simm.s32 @!p0 $0xD  }
0x2f: {  	_ =	swait.ge @!p0 [sflag:s4], $0x13C0  }
0x30: {  	s24 =	rddreg [dreg:$0x13]  }
0x31: {  	s26 =	rddreg [dreg:$0xb];
	s10 =	sadd.s32 $0x1, s24  }
0x32: {  	p1 =	sne.s32 s10, s26  }
.Ltmp1:
0x33: {  	_ = 	snop;
	(pc) =	sbr.rel @!p1 .LBB2_13-.Ltmp1, $3  }
0x34: {  	_ =	sdelay $0x1  }
0x35: {  	[sflag:s4] =	ssyncset.done @!p0 $0x0  }
0x36: {  	[sflag:s4] =	ssyncadd.s32 @!p0 $0xFFFFEC40  }
.LBB2_1:
0x37: {  	[dreg:$0x13] =	wrdreg s10  }
0x38: {  	s8 =	rddreg [dreg:$0xd]  }
0x39: {  	s4 =	simm.s32 @p0 $0x1FCD;
	s10 =	rddreg [dreg:$0xe]  }
0x3a: {  	[spmem:s10], [sflag:s4] =	dma.local @p0 [hbm:s8], $0x1040  }
0x3b: {  	s8 =	simm.s32 @p0 $0xD  }
0x3c: {  	_ =	swait.ge @p0 [sflag:s8], $0x1040  }
0x3d: {  	[sflag:s8] =	ssyncset.done @p0 $0x0  }
0x3e: {  	s10 =	rddreg [dreg:$0x7];
	[sflag:s8] =	ssyncadd.s32 @p0 $0xFFFFEFC0  }
0x3f: {  	[spmem:s11], [sflag:s4] =	dma.local @p0 [hbm:s10], $0x1040  }
0x40: {  	s4 =	stileid.u32  }
0x41: {  	_ =	swait.ge @p0 [sflag:s8], $0x1040;
	s4 =	sshll.u32 @!p0 s4, $0x6  }
0x42: {  	[sflag:s8] =	ssyncset.done @p0 $0x0;
	s10 =	sor.u32 @!p0 $0x1C0D, s4;
	s4 =	rddreg [dreg:$0xc]  }
0x43: {  	[sflag:s8] =	ssyncadd.s32 @p0 $0xFFFFEFC0;
	s8 =	rddreg [dreg:$0x10]  }
0x44: {  	[spmem:s8], [sflag:s10] =	dma.local @!p0 [hbm:s4], $0x13C0  }
0x45: {  	s4 =	simm.s32 @!p0 $0xD  }
0x46: {  	_ =	swait.ge @!p0 [sflag:s4], $0x13C0;
	[dreg:$0x14] =	wrdreg s10  }
0x47: {  	s8 =	rddreg [dreg:$0x5]  }
0x48: {  	[sflag:s4] =	ssyncset.done @!p0 $0x0;
	s11 =	sshrl.u32 @!p0 s8, $0x3;
	s8 =	rddreg [dreg:$0x6]  }
0x49: {  	[sflag:s4] =	ssyncadd.s32 @!p0 $0xFFFFEC40;
	[dreg:$0x15] =	wrdreg s11  }
0x4a: {  	[spmem:s11], [sflag:s10] =	dma.local @!p0 [hbm:s8], $0x13C0  }
0x4b: {  	_ =	swait.ge @!p0 [sflag:s4], $0x13C0  }
0x4c: {  	[sflag:s4] =	ssyncset.done @!p0 $0x0  }
0x4d: {  	[sflag:s4] =	ssyncadd.s32 @!p0 $0xFFFFEC40  }
0x4e: {  	[bflag:$0x0] =	sbarrier.arrive $0xFFFF  }
0x4f: {  	s20 =	rddreg [dreg:$0x11]  }
0x50: {  	[tilespmem:s3], [sflag:$0x9] =	stream.linear.gather [hbm4b:s20+s3], $0x2A0, $0x38;
	[tilespmem:$0x1B300] =	vst v63  }
0x51: {  	s23 =	simm.s32 $0x2A0;
	s24 =	simm.s32 $0x9;
	s22 =	rddreg [dreg:$0x12]  }
0x52: {  	[tilespmem:s23], [sflag:$0xA] =	stream.linear.gather [hbm4b:s22+s3], $0x2A0, $0x38;
	[tilespmem:$0x1B300] =	vst v63  }
0x53: {  	_ =	swait.ge [sflag:s24], $0x2A0  }
0x54: {  	[sflag:s24] =	ssyncset.done $0x0  }
0x55: {  	s26 =	simm.s32 $0xA80;
	[sflag:s24] =	ssyncadd.s32 $0xFFFFFD60  }
0x56: {  	[tilespmem:s26], [sflag:$0x1] =	stream.indirect.gather [spmem:s1], $0x40, s3, s25, $0xb8;
	[tilespmem:$0x1B300] =	vst v63  }
0x57: {  	_ =	swait.ge [sflag:s28], $0x2A0  }
0x58: {  	[sflag:s28] =	ssyncset.done $0x0  }
0x59: {  	s19 =	simm.s32 $0x0;
	[sflag:s28] =	ssyncadd.s32 $0xFFFFFD60  }
0x5a: {  	[tilespmem:s29], [sflag:$0x2] =	stream.indirect.gather [spmem:s1], $0x40, s23, s25, $0xb8;
	[tilespmem:$0x1B300] =	vst v63  }
.LBB2_2:
0x5b: {  	s4 =	simm.s32 $0xFFFFFFFE  }
0x5c: {  	s4 =	smul.u32 $0x25, s4;
	_ =	sdelay $0x1  }
0x5d: {  	s8 =	sadd.s32 $0x4A, s4  }
0x5e: {  	s8 =	sshrl.u32 s8, $0x8  }
0x5f: {  	s14 =	ssub.s32 $0x0, s8  }
0x60: {  	p1 =	seq.s32 s19, $0x0;
	s20 =	sand.u32 $0xFE, s14  }
0x61: {  	s10 =	rddreg [dreg:$0x8];
	s14 =	sshll.u32 s19, $0x2;
	s20 =	sshrl.u32 s20, $0x1  }
0x62: {  	s22 =	simm.s32 @!p1 $0x7;
	s23 =	sadd.s32 s14, s10;
	s8 =	sadd.s32 s8, s20  }
0x63: {  	_ =	swait.ge @!p1 [sflag:s22], $0x1C00;
	s26 =	smul.u32 $0x54, s23;
	s8 =	sand.u32 $0xFC, s8  }
0x64: {  	[sflag:s22] =	ssyncset.done @!p1 $0x0;
	s8 =	sshrl.u32 s8, $0x2  }
0x65: {  	[sflag:s22] =	ssyncadd.s32 @!p1 $0xFFFFE400;
	s20 =	sadd.s32 s9, s26;
	s10 =	smul.u32 $0x7, s8  }
0x66: {  	[tilespmem:s30], [sflag:$0xB] =	stream.linear.gather [hbm4b:s20+s3], $0x2A0, $0x38;
	[tilespmem:$0x1B300] =	vst v63  }
0x67: {  	s8 =	smul.u32 $0x1C0, s8;
	s11 =	ssub.s32 $0x0, s10  }
0x68: {  	_ =	swait.ge [sflag:s31], $0x1C00;
	s20 =	sand.u32 $0xFF, s11  }
0x69: {  	[sflag:s31] =	ssyncset.done $0x0;
	s8 =	sshrl.u32 s8, $0x2;
	s20 =	sshll.u32 s20, $0x4  }
0x6a: {  	[sflag:s31] =	ssyncadd.s32 $0xFFFFE400;
	s8 =	sadd.s32 s20, s8  }
0x6b: {  	s24 =	simm.s32 $0xB80;
	v0 =	vld [tilespmem:s8+$0xE0]  }
0x6c: {  	v1 =	vld [tilespmem:s24+$0xFFFFFF60]  }
0x6d: {  	v2 =	vld [tilespmem:s24+$0xFFFFFF20]  }
0x6e: {  	v3 =	vld [tilespmem:s24+$0xFFFFFFE0]  }
0x6f: {  	v4 =	vld [tilespmem:s24+$0xFFFFFFB0]  }
0x70: {  	s4 =	sadd.s32 $0x6F, s4;
	v5 =	vld [tilespmem:s24+$0xFFFFFFA0];
	v6 =	vbroadcast v0, $0x2;
	v8 =	vbroadcast v0, $0x4  }
0x71: {  	s4 =	sshrl.u32 s4, $0x8;
	v7 =	vld [tilespmem:s24+$0xFFFFFF10];
	v10 =	vbroadcast v0, $0xE;
	v11 =	vbroadcast v0, $0x0  }
0x72: {  	v9 =	vld [tilespmem:s24+$0xFFFFFF40];
	s20 =	ssub.s32 $0x1, s4;
	v12 =	vbroadcast v0, $0xA;
	v2 =	vmul.f32 v2, v6  }
0x73: {  	v13 =	vld [tilespmem:s24+$0xFFFFFF00];
	s8 =	sand.u32 $0xFE, s20;
	v14 =	vbroadcast v0, $0xB;
	v3 =	vmul.f32 v3, v10  }
0x74: {  	s8 =	sshrl.u32 s8, $0x1;
	v6 =	vld [tilespmem:s24+$0xFFFFFF30];
	v10 =	vbroadcast v0, $0x6;
	[tilespmem:s24+$0xFFFFFF20] =	vst v2;
	v2 =	vbroadcast v0, $0x1  }
0x75: {  	v15 =	vld [tilespmem:s24+$0xFFFFFF50];
	s4 =	sadd.s32 s4, s8;
	v5 =	vmul.f32 v5, v12;
	v4 =	vmul.f32 v4, v14  }
0x76: {  	v62 =	vld [tilespmem:s24+$0xFFFFFF80];
	s4 =	sand.u32 $0xFC, s4;
	[tilespmem:s24+$0xFFFFFFE0] =	vst v3;
	v1 =	vmul.f32 v1, v10;
	v63 =	vmul.f32 v7, v2  }
0x77: {  	v16 =	vld [tilespmem:s24+$0xFFFFFF90];
	s22 =	sshrl.u32 s4, $0x2;
	[tilespmem:s24+$0xFFFFFFB0] =	vst v4;
	v2 =	vbroadcast v0, $0x3;
	v7 =	vmul.f32 v9, v8  }
0x78: {  	s4 =	smul.u32 $0x7, s22;
	v3 =	vld [tilespmem:s24+$0xFFFFFF70];
	[tilespmem:s24+$0xFFFFFFA0] =	vst v5;
	v10 =	vbroadcast v0, $0x9;
	v9 =	vbroadcast v0, $0x5  }
0x79: {  	v4 =	vld [tilespmem:s24+$0xFFFFFFC0];
	v2 =	vmul.f32 v6, v2;
	[tilespmem:s24+$0xFFFFFF40] =	vst v7;
	v7 =	vbroadcast v0, $0x8  }
0x7a: {  	s23 =	ssub.s32 $0x1, s4;
	v5 =	vld [tilespmem:s24+$0xFFFFFFD0];
	v8 =	vmul.f32 v11, v13;
	[tilespmem:s24+$0xFFFFFF60] =	vst v1;
	v6 =	vbroadcast v0, $0x7  }
0x7b: {  	s8 =	simm.s32 $0xB80;
	s26 =	sand.u32 $0xFF, s23;
	[tilespmem:s24+$0xFFFFFF30] =	vst v2;
	v2 =	vmul.f32 v15, v9;
	v1 =	vmul.f32 v62, v7;
	v7 =	vld [tilespmem:s24+$0xFFFFFFF0]  }
0x7c: {  	s20 =	smul.u32 $0x1C0, s22;
	s4 =	simm.s32 $0x0;
	s22 =	sshll.u32 s26, $0x4;
	[tilespmem:s24+$0xFFFFFF10] =	vst v63;
	v9 =	vmul.f32 v16, v10;
	v10 =	vbroadcast v0, $0xC  }
.LBB2_3:
0x7d: {  	[tilespmem:s24+$0xFFFFFF00] =	vst v8;
	v3 =	vmul.f32 v3, v6;
	v6 =	vbroadcast v0, $0xD;
	s8 =	sadd.s32 $0x200, s8;
	s23 =	smov.u32 s4;
	s4 =	sadd.s32 $0x2, s4  }
0x7e: {  	v0 =	vbroadcast v0, $0xF;
	p2 =	slt.u32 s4, $0x1A;
	[tilespmem:s24+$0xFFFFFF90] =	vst v9;
	v4 =	vmul.f32 v4, v10  }
0x7f: {  	[tilespmem:s24+$0xFFFFFF70] =	vst v3;
	v3 =	vmul.f32 v5, v6  }
0x80: {  	[tilespmem:s24+$0xFFFFFFC0] =	vst v4;
	v0 =	vmul.f32 v7, v0  }
0x81: {  	[tilespmem:s24+$0xFFFFFFD0] =	vst v3  }
0x82: {  	[tilespmem:s24+$0xFFFFFFF0] =	vst v0;
	_ =	sdelay $0x1  }
0x83: {  	s20 =	sshrl.u32 s20, $0x2;
	[tilespmem:s24+$0xFFFFFF50] =	vst v2  }
0x84: {  	s20 =	sadd.s32 s22, s20;
	[tilespmem:s24+$0xFFFFFF80] =	vst v1  }
0x85: {  	v0 =	vld [tilespmem:s20+$0xE0]  }
0x86: {  	v1 =	vld [tilespmem:s24+$0x80]  }
0x87: {  	v2 =	vld [tilespmem:s24+$0x0]  }
0x88: {  	v3 =	vld [tilespmem:s24+$0x20]  }
0x89: {  	v4 =	vld [tilespmem:s24+$0xF0]  }
0x8a: {  	v5 =	vbroadcast v0, $0x0;
	v6 =	vld [tilespmem:s24+$0xC0];
	v7 =	vbroadcast v0, $0xF  }
0x8b: {  	v8 =	vbroadcast v0, $0x2;
	v10 =	vbroadcast v0, $0xC;
	v9 =	vld [tilespmem:s24+$0xB0]  }
0x8c: {  	v2 =	vmul.f32 v5, v2;
	v5 =	vbroadcast v0, $0x8;
	v11 =	vld [tilespmem:s24+$0x90]  }
0x8d: {  	v12 =	vld [tilespmem:s24+$0x10];
	v3 =	vmul.f32 v3, v8;
	v8 =	vbroadcast v0, $0xB  }
0x8e: {  	[tilespmem:s24+$0x0] =	vst v2;
	v1 =	vmul.f32 v1, v5;
	v2 =	vbroadcast v0, $0xA  }
0x8f: {  	s20 =	smul.u32 $0x25, s23;
	[tilespmem:s24+$0x20] =	vst v3;
	v3 =	vbroadcast v0, $0x9;
	v5 =	vld [tilespmem:s24+$0xA0];
	v6 =	vmul.f32 v6, v10  }
0x90: {  	v13 =	vbroadcast v0, $0xE;
	v10 =	vbroadcast v0, $0x1;
	[tilespmem:s24+$0x80] =	vst v1;
	v1 =	vld [tilespmem:s24+$0xE0]  }
0x91: {  	s22 =	sadd.s32 $0x4A, s20;
	s20 =	sadd.s32 $0x6F, s20;
	v8 =	vmul.f32 v9, v8;
	v14 =	vld [tilespmem:s24+$0x40];
	v3 =	vmul.f32 v11, v3;
	[tilespmem:s24+$0xC0] =	vst v6  }
0x92: {  	s26 =	sshrl.u32 s22, $0x8;
	s22 =	sadd.s32 $0x3, s23;
	s20 =	sshrl.u32 s20, $0x8;
	v4 =	vmul.f32 v4, v7;
	v6 =	vmul.f32 v12, v10;
	v9 =	vld [tilespmem:s24+$0x60]  }
0x93: {  	s23 =	ssub.s32 s4, s26;
	s10 =	ssub.s32 s22, s20;
	v7 =	vbroadcast v0, $0x3;
	v10 =	vbroadcast v0, $0x6;
	v11 =	vld [tilespmem:s24+$0xD0]  }
0x94: {  	s23 =	sand.u32 $0xFE, s23;
	s10 =	sand.u32 $0xFE, s10;
	v12 =	vbroadcast v0, $0x5;
	[tilespmem:s24+$0x10] =	vst v6;
	v6 =	vbroadcast v0, $0x4;
	v15 =	vld [tilespmem:s24+$0x70]  }
0x95: {  	s23 =	sshrl.u32 s23, $0x1;
	s10 =	sshrl.u32 s10, $0x1;
	v16 =	vld [tilespmem:s24+$0x30];
	[tilespmem:s24+$0xB0] =	vst v8;
	v8 =	vbroadcast v0, $0xD;
	v1 =	vmul.f32 v1, v13  }
0x96: {  	s23 =	sadd.s32 s26, s23;
	s10 =	sadd.s32 s20, s10;
	v2 =	vmul.f32 v5, v2;
	v6 =	vmul.f32 v14, v6;
	v13 =	vld [tilespmem:s24+$0x50];
	[tilespmem:s24+$0xF0] =	vst v4  }
0x97: {  	s20 =	sand.u32 $0xFC, s23;
	s10 =	sand.u32 $0xFC, s10;
	v0 =	vbroadcast v0, $0x7;
	v4 =	vmul.f32 v9, v10;
	[tilespmem:s24+$0xE0] =	vst v1  }
0x98: {  	s20 =	sshrl.u32 s20, $0x2;
	s10 =	sshrl.u32 s10, $0x2;
	[tilespmem:s24+$0xA0] =	vst v2;
	v1 =	vmul.f32 v11, v8  }
0x99: {  	s23 =	smul.u32 $0x7, s20;
	v0 =	vmul.f32 v15, v0;
	[tilespmem:s24+$0x90] =	vst v3  }
0x9a: {  	s26 =	smul.u32 $0x1C0, s20;
	v2 =	vmul.f32 v16, v7;
	[tilespmem:s24+$0x40] =	vst v6  }
0x9b: {  	s20 =	ssub.s32 s4, s23;
	s23 =	smul.u32 $0x7, s10;
	v3 =	vmul.f32 v13, v12;
	[tilespmem:s24+$0x60] =	vst v4  }
0x9c: {  	s11 =	sand.u32 $0xFF, s20;
	s20 =	smul.u32 $0x1C0, s10;
	[tilespmem:s24+$0x70] =	vst v0  }
0x9d: {  	s10 =	sshrl.u32 s26, $0x2;
	s11 =	sshll.u32 s11, $0x4;
	s22 =	ssub.s32 s22, s23;
	[tilespmem:s24+$0x50] =	vst v3  }
0x9e: {  	s10 =	sadd.s32 s11, s10;
	s11 =	sand.u32 $0xFF, s22;
	[tilespmem:s24+$0xD0] =	vst v1  }
0x9f: {  	s22 =	sshll.u32 s11, $0x4;
	[tilespmem:s24+$0x30] =	vst v2;
	s24 =	smov.u32 s8  }
0xa0: {  	v0 =	vld [tilespmem:s10+$0xE0]  }
0xa1: {  	v1 =	vld [tilespmem:s8+$0xFFFFFF60]  }
0xa2: {  	v2 =	vld [tilespmem:s8+$0xFFFFFF20]  }
0xa3: {  	v3 =	vld [tilespmem:s8+$0xFFFFFFE0]  }
0xa4: {  	v4 =	vld [tilespmem:s8+$0xFFFFFFB0]  }
0xa5: {  	v5 =	vbroadcast v0, $0x2;
	v6 =	vbroadcast v0, $0x4;
	v7 =	vld [tilespmem:s8+$0xFFFFFFA0]  }
0xa6: {  	v8 =	vbroadcast v0, $0x0;
	v10 =	vbroadcast v0, $0xE;
	v9 =	vld [tilespmem:s8+$0xFFFFFF10]  }
0xa7: {  	v11 =	vbroadcast v0, $0xA;
	v2 =	vmul.f32 v2, v5;
	v5 =	vld [tilespmem:s8+$0xFFFFFF40]  }
0xa8: {  	v13 =	vbroadcast v0, $0xB;
	v12 =	vld [tilespmem:s8+$0xFFFFFF30];
	v3 =	vmul.f32 v3, v10  }
0xa9: {  	v14 =	vbroadcast v0, $0x1;
	v15 =	vbroadcast v0, $0x6;
	v10 =	vld [tilespmem:s8+$0xFFFFFF00]  }
0xaa: {  	v4 =	vmul.f32 v4, v13;
	[tilespmem:s8+$0xFFFFFF20] =	vst v2;
	v2 =	vld [tilespmem:s8+$0xFFFFFF50];
	v7 =	vmul.f32 v7, v11  }
0xab: {  	v11 =	vbroadcast v0, $0x3;
	v9 =	vmul.f32 v9, v14;
	v13 =	vld [tilespmem:s8+$0xFFFFFF80];
	[tilespmem:s8+$0xFFFFFFE0] =	vst v3  }
0xac: {  	v1 =	vmul.f32 v1, v15;
	v5 =	vmul.f32 v5, v6;
	v14 =	vld [tilespmem:s8+$0xFFFFFF90];
	[tilespmem:s8+$0xFFFFFFB0] =	vst v4  }
.Ltmp2:
0xad: {  	v11 =	vmul.f32 v12, v11;
	v12 =	vbroadcast v0, $0x5;
	v3 =	vld [tilespmem:s8+$0xFFFFFF70];
	[tilespmem:s8+$0xFFFFFFA0] =	vst v7;
	(pc) =	sbr.rel @p2 .LBB2_3-.Ltmp2, $4  }
0xae: {  	v6 =	vbroadcast v0, $0x7;
	v7 =	vbroadcast v0, $0x8;
	[tilespmem:s8+$0xFFFFFF40] =	vst v5;
	v4 =	vld [tilespmem:s8+$0xFFFFFFC0]  }
0xaf: {  	v8 =	vmul.f32 v8, v10;
	v10 =	vbroadcast v0, $0x9;
	[tilespmem:s8+$0xFFFFFF60] =	vst v1;
	v5 =	vld [tilespmem:s8+$0xFFFFFFD0]  }
0xb0: {  	v2 =	vmul.f32 v2, v12;
	[tilespmem:s8+$0xFFFFFF30] =	vst v11;
	v1 =	vmul.f32 v13, v7;
	v7 =	vld [tilespmem:s8+$0xFFFFFFF0]  }
0xb1: {  	[tilespmem:s8+$0xFFFFFF10] =	vst v9;
	v9 =	vmul.f32 v14, v10;
	v10 =	vbroadcast v0, $0xC  }
0xb2: {  	[tilespmem:s24+$0xFFFFFF00] =	vst v8  }
0xb3: {  	[tilespmem:s24+$0xFFFFFF50] =	vst v2  }
0xb4: {  	v3 =	vmul.f32 v3, v6;
	v6 =	vbroadcast v0, $0xD;
	[tilespmem:s24+$0xFFFFFF80] =	vst v1  }
0xb5: {  	v0 =	vbroadcast v0, $0xF;
	[tilespmem:s24+$0xFFFFFF90] =	vst v9;
	v4 =	vmul.f32 v4, v10  }
0xb6: {  	[tilespmem:s24+$0xFFFFFF70] =	vst v3;
	v3 =	vmul.f32 v5, v6  }
0xb7: {  	[tilespmem:s24+$0xFFFFFFC0] =	vst v4;
	v0 =	vmul.f32 v7, v0  }
0xb8: {  	s4 =	sshrl.u32 s20, $0x2;
	[tilespmem:s24+$0xFFFFFFD0] =	vst v3  }
0xb9: {  	s4 =	sadd.s32 s22, s4;
	[tilespmem:s24+$0xFFFFFFF0] =	vst v0  }
0xba: {  	v0 =	vld [tilespmem:s4+$0xE0];
	_ =	sdelay $0x1  }
0xbb: {  	v2 =	vld [tilespmem:s24+$0x0]  }
0xbc: {  	v3 =	vld [tilespmem:s24+$0x20]  }
0xbd: {  	v6 =	vld [tilespmem:s24+$0xC0]  }
0xbe: {  	v1 =	vld [tilespmem:s24+$0x80];
	v5 =	vbroadcast v0, $0x0  }
0xbf: {  	v9 =	vld [tilespmem:s24+$0xB0];
	v7 =	vbroadcast v0, $0x2  }
0xc0: {  	v4 =	vld [tilespmem:s24+$0xF0];
	v10 =	vbroadcast v0, $0xC;
	v2 =	vmul.f32 v5, v2  }
0xc1: {  	v8 =	vld [tilespmem:s24+$0x10];
	v5 =	vbroadcast v0, $0x8;
	v3 =	vmul.f32 v3, v7  }
0xc2: {  	v11 =	vld [tilespmem:s24+$0x90];
	v7 =	vbroadcast v0, $0xB;
	v6 =	vmul.f32 v6, v10  }
0xc3: {  	v10 =	vbroadcast v0, $0xF;
	[tilespmem:s24+$0x0] =	vst v2;
	v1 =	vmul.f32 v1, v5;
	v5 =	vld [tilespmem:s24+$0xE0]  }
0xc4: {  	v2 =	vbroadcast v0, $0x1;
	[tilespmem:s24+$0x20] =	vst v3;
	v3 =	vld [tilespmem:s24+$0xA0]  }
0xc5: {  	v7 =	vmul.f32 v9, v7;
	[tilespmem:s24+$0xC0] =	vst v6;
	v6 =	vld [tilespmem:s24+$0x60];
	v4 =	vmul.f32 v4, v10  }
0xc6: {  	[tilespmem:s24+$0x80] =	vst v1;
	v1 =	vld [tilespmem:s24+$0x40];
	v2 =	vmul.f32 v8, v2;
	v8 =	vbroadcast v0, $0xE  }
0xc7: {  	v9 =	vbroadcast v0, $0xA;
	[tilespmem:s24+$0xF0] =	vst v4;
	v4 =	vbroadcast v0, $0x6  }
0xc8: {  	v12 =	vld [tilespmem:s24+$0x70];
	[tilespmem:s24+$0x10] =	vst v2;
	v2 =	vbroadcast v0, $0x9;
	v5 =	vmul.f32 v5, v8  }
0xc9: {  	[tilespmem:s24+$0xB0] =	vst v7;
	v7 =	vbroadcast v0, $0x4;
	v8 =	vld [tilespmem:s24+$0x50];
	v3 =	vmul.f32 v3, v9  }
0xca: {  	s22 =	simm.s32 $0xFFFFFFFE;
	v10 =	vld [tilespmem:s24+$0xD0];
	v4 =	vmul.f32 v6, v4;
	v2 =	vmul.f32 v11, v2;
	[tilespmem:s24+$0xE0] =	vst v5  }
0xcb: {  	s4 =	smul.u32 $0x25, s22;
	v5 =	vld [tilespmem:s24+$0x30];
	v1 =	vmul.f32 v1, v7;
	v7 =	vbroadcast v0, $0x7;
	[tilespmem:s24+$0xA0] =	vst v3  }
0xcc: {  	v3 =	vbroadcast v0, $0x5;
	[tilespmem:s24+$0x60] =	vst v4  }
0xcd: {  	s8 =	sadd.s32 $0x4A, s4;
	[tilespmem:s24+$0x90] =	vst v2;
	v2 =	vbroadcast v0, $0xD;
	v6 =	vmul.f32 v12, v7  }
0xce: {  	s8 =	sshrl.u32 s8, $0x8;
	v0 =	vbroadcast v0, $0x3;
	[tilespmem:s24+$0x40] =	vst v1;
	v1 =	vmul.f32 v8, v3  }
0xcf: {  	s10 =	ssub.s32 $0x0, s8;
	v2 =	vmul.f32 v10, v2;
	[tilespmem:s24+$0x70] =	vst v6  }
0xd0: {  	s10 =	sand.u32 $0xFE, s10;
	v0 =	vmul.f32 v5, v0;
	[tilespmem:s24+$0x50] =	vst v1  }
0xd1: {  	s10 =	sshrl.u32 s10, $0x1;
	[tilespmem:s24+$0xD0] =	vst v2  }
0xd2: {  	s20 =	simm.s32 $0xA80;
	s8 =	sadd.s32 s8, s10;
	[tilespmem:s24+$0x30] =	vst v0  }
0xd3: {  	[spmem:s5] =	stream.indirect.scatter.add.f32 [tilespmem:s20], [sflag:$0x5], $0x40, s25, s25, $0xb8;
	[tilespmem:$0x1B300] =	vst v63  }
0xd4: {  	s11 =	simm.s32 @!p1 $0x8;
	s8 =	sand.u32 $0xFC, s8;
	_ =	swait.ge [sflag:s0], $0x2A0  }
0xd5: {  	s8 =	sshrl.u32 s8, $0x2;
	[sflag:s0] =	ssyncset.done $0x0;
	s23 =	rddreg [dreg:$0x9]  }
0xd6: {  	s26 =	smul.u32 $0x7, s8;
	[sflag:s0] =	ssyncadd.s32 $0xFFFFFD60;
	s20 =	sadd.s32 s14, s23  }
0xd7: {  	[tilespmem:s2], [sflag:$0x3] =	stream.indirect.gather [spmem:s1], $0x40, s30, s25, $0xb8;
	[tilespmem:$0x1B300] =	vst v63  }
0xd8: {  	s24 =	smul.u32 $0x54, s20;
	_ =	swait.ge @!p1 [sflag:s11], $0x1C00  }
0xd9: {  	s8 =	smul.u32 $0x1C0, s8;
	[sflag:s11] =	ssyncset.done @!p1 $0x0  }
0xda: {  	s20 =	ssub.s32 $0x0, s26;
	s10 =	sadd.s32 s9, s24;
	[sflag:s11] =	ssyncadd.s32 @!p1 $0xFFFFE400  }
0xdb: {  	[tilespmem:s6], [sflag:$0xC] =	stream.linear.gather [hbm4b:s10+s3], $0x2A0, $0x38;
	[tilespmem:$0x1B300] =	vst v63  }
0xdc: {  	s10 =	sand.u32 $0xFF, s20;
	_ =	swait.ge [sflag:s7], $0x1C00  }
0xdd: {  	s8 =	sshrl.u32 s8, $0x2;
	s10 =	sshll.u32 s10, $0x4;
	[sflag:s7] =	ssyncset.done $0x0  }
0xde: {  	s8 =	sadd.s32 s10, s8;
	[sflag:s7] =	ssyncadd.s32 $0xFFFFE400  }
0xdf: {  	s24 =	simm.s32 $0x2870;
	v0 =	vld [tilespmem:s8+$0x380]  }
0xe0: {  	v1 =	vld [tilespmem:s24+$0xFFFFFE70]  }
0xe1: {  	v2 =	vld [tilespmem:s24+$0xFFFFFE30]  }
0xe2: {  	v3 =	vld [tilespmem:s24+$0xFFFFFEF0]  }
0xe3: {  	v4 =	vld [tilespmem:s24+$0xFFFFFEC0]  }
0xe4: {  	s4 =	sadd.s32 $0x6F, s4;
	v5 =	vld [tilespmem:s24+$0xFFFFFEB0];
	v6 =	vbroadcast v0, $0x2;
	v8 =	vbroadcast v0, $0x4  }
0xe5: {  	s4 =	sshrl.u32 s4, $0x8;
	v7 =	vld [tilespmem:s24+$0xFFFFFE20];
	v10 =	vbroadcast v0, $0xE;
	v11 =	vbroadcast v0, $0x0  }
0xe6: {  	s22 =	ssub.s32 $0x1, s4;
	v9 =	vld [tilespmem:s24+$0xFFFFFE50];
	v61 =	vbroadcast v0, $0xA;
	v2 =	vmul.f32 v2, v6  }
0xe7: {  	v13 =	vld [tilespmem:s24+$0xFFFFFE10];
	s8 =	sand.u32 $0xFE, s22;
	v14 =	vbroadcast v0, $0xB;
	v3 =	vmul.f32 v3, v10  }
0xe8: {  	s8 =	sshrl.u32 s8, $0x1;
	v6 =	vld [tilespmem:s24+$0xFFFFFE40];
	v10 =	vbroadcast v0, $0x6;
	[tilespmem:s24+$0xFFFFFE30] =	vst v2;
	v2 =	vbroadcast v0, $0x1  }
0xe9: {  	v15 =	vld [tilespmem:s24+$0xFFFFFE60];
	s4 =	sadd.s32 s4, s8;
	v5 =	vmul.f32 v5, v61;
	v4 =	vmul.f32 v4, v14  }
0xea: {  	v62 =	vld [tilespmem:s24+$0xFFFFFE90];
	s4 =	sand.u32 $0xFC, s4;
	[tilespmem:s24+$0xFFFFFEF0] =	vst v3;
	v1 =	vmul.f32 v1, v10;
	v63 =	vmul.f32 v7, v2  }
0xeb: {  	v16 =	vld [tilespmem:s24+$0xFFFFFEA0];
	s23 =	sshrl.u32 s4, $0x2;
	[tilespmem:s24+$0xFFFFFEC0] =	vst v4;
	v2 =	vbroadcast v0, $0x3;
	v7 =	vmul.f32 v9, v8  }
0xec: {  	s4 =	smul.u32 $0x7, s23;
	v3 =	vld [tilespmem:s24+$0xFFFFFE80];
	[tilespmem:s24+$0xFFFFFEB0] =	vst v5;
	v10 =	vbroadcast v0, $0x9;
	v9 =	vbroadcast v0, $0x5  }
0xed: {  	v4 =	vld [tilespmem:s24+$0xFFFFFED0];
	v2 =	vmul.f32 v6, v2;
	[tilespmem:s24+$0xFFFFFE50] =	vst v7;
	v7 =	vbroadcast v0, $0x8  }
0xee: {  	s26 =	ssub.s32 $0x1, s4;
	v5 =	vld [tilespmem:s24+$0xFFFFFEE0];
	v8 =	vmul.f32 v11, v13;
	[tilespmem:s24+$0xFFFFFE70] =	vst v1;
	v6 =	vbroadcast v0, $0x7  }
0xef: {  	s8 =	simm.s32 $0x2870;
	s10 =	sand.u32 $0xFF, s26;
	[tilespmem:s24+$0xFFFFFE40] =	vst v2;
	v2 =	vmul.f32 v15, v9;
	v1 =	vmul.f32 v62, v7;
	v7 =	vld [tilespmem:s24+$0xFFFFFF00]  }
0xf0: {  	s20 =	smul.u32 $0x1C0, s23;
	s4 =	simm.s32 $0x0;
	s22 =	sshll.u32 s10, $0x4;
	[tilespmem:s24+$0xFFFFFE20] =	vst v63;
	v9 =	vmul.f32 v16, v10;
	v10 =	vbroadcast v0, $0xC  }
.LBB2_5:
0xf1: {  	[tilespmem:s24+$0xFFFFFE10] =	vst v8;
	v3 =	vmul.f32 v3, v6;
	v6 =	vbroadcast v0, $0xD;
	s8 =	sadd.s32 $0x200, s8;
	s23 =	smov.u32 s4;
	s4 =	sadd.s32 $0x2, s4  }
0xf2: {  	v0 =	vbroadcast v0, $0xF;
	p1 =	slt.u32 s4, $0x1A;
	[tilespmem:s24+$0xFFFFFEA0] =	vst v9;
	v4 =	vmul.f32 v4, v10  }
0xf3: {  	[tilespmem:s24+$0xFFFFFE80] =	vst v3;
	v3 =	vmul.f32 v5, v6  }
0xf4: {  	[tilespmem:s24+$0xFFFFFED0] =	vst v4;
	v0 =	vmul.f32 v7, v0  }
0xf5: {  	[tilespmem:s24+$0xFFFFFEE0] =	vst v3  }
0xf6: {  	[tilespmem:s24+$0xFFFFFF00] =	vst v0;
	_ =	sdelay $0x1  }
0xf7: {  	s10 =	sshrl.u32 s20, $0x2;
	[tilespmem:s24+$0xFFFFFE60] =	vst v2  }
0xf8: {  	s10 =	sadd.s32 s22, s10;
	[tilespmem:s24+$0xFFFFFE90] =	vst v1  }
0xf9: {  	v0 =	vld [tilespmem:s10+$0x380]  }
0xfa: {  	v1 =	vld [tilespmem:s24+$0xFFFFFF90]  }
0xfb: {  	v2 =	vld [tilespmem:s24+$0xFFFFFF10]  }
0xfc: {  	v3 =	vld [tilespmem:s24+$0xFFFFFF30]  }
0xfd: {  	v4 =	vld [tilespmem:s24+$0x0]  }
0xfe: {  	v5 =	vbroadcast v0, $0x0;
	v6 =	vld [tilespmem:s24+$0xFFFFFFD0];
	v7 =	vbroadcast v0, $0xF  }
0xff: {  	v8 =	vbroadcast v0, $0x2;
	v10 =	vbroadcast v0, $0xC;
	v9 =	vld [tilespmem:s24+$0xFFFFFFC0]  }
0x100: {  	v2 =	vmul.f32 v5, v2;
	v5 =	vbroadcast v0, $0x8;
	v11 =	vld [tilespmem:s24+$0xFFFFFFA0]  }
0x101: {  	v12 =	vld [tilespmem:s24+$0xFFFFFF20];
	v3 =	vmul.f32 v3, v8;
	v8 =	vbroadcast v0, $0xB  }
0x102: {  	[tilespmem:s24+$0xFFFFFF10] =	vst v2;
	v1 =	vmul.f32 v1, v5;
	v2 =	vbroadcast v0, $0xA  }
0x103: {  	s10 =	smul.u32 $0x25, s23;
	[tilespmem:s24+$0xFFFFFF30] =	vst v3;
	v3 =	vbroadcast v0, $0x9;
	v5 =	vmul.f32 v6, v10;
	v6 =	vld [tilespmem:s24+$0xFFFFFFF0]  }
0x104: {  	v13 =	vbroadcast v0, $0xE;
	v10 =	vbroadcast v0, $0x1;
	[tilespmem:s24+$0xFFFFFF90] =	vst v1;
	v1 =	vld [tilespmem:s24+$0xFFFFFFB0]  }
0x105: {  	s11 =	sadd.s32 $0x4A, s10;
	s10 =	sadd.s32 $0x6F, s10;
	v8 =	vmul.f32 v9, v8;
	v14 =	vld [tilespmem:s24+$0xFFFFFF50];
	v3 =	vmul.f32 v11, v3;
	[tilespmem:s24+$0xFFFFFFD0] =	vst v5  }
0x106: {  	s22 =	sadd.s32 $0x3, s23;
	s11 =	sshrl.u32 s11, $0x8;
	s10 =	sshrl.u32 s10, $0x8;
	v4 =	vmul.f32 v4, v7;
	v5 =	vmul.f32 v12, v10;
	v9 =	vld [tilespmem:s24+$0xFFFFFF70]  }
0x107: {  	s20 =	ssub.s32 s4, s11;
	s23 =	ssub.s32 s22, s10;
	v7 =	vbroadcast v0, $0x3;
	v10 =	vbroadcast v0, $0x6;
	v11 =	vld [tilespmem:s24+$0xFFFFFFE0]  }
0x108: {  	s20 =	sand.u32 $0xFE, s20;
	s23 =	sand.u32 $0xFE, s23;
	v12 =	vbroadcast v0, $0x5;
	[tilespmem:s24+$0xFFFFFF20] =	vst v5;
	v5 =	vbroadcast v0, $0x4;
	v15 =	vld [tilespmem:s24+$0xFFFFFF80]  }
0x109: {  	s20 =	sshrl.u32 s20, $0x1;
	s23 =	sshrl.u32 s23, $0x1;
	v6 =	vmul.f32 v6, v13;
	v16 =	vld [tilespmem:s24+$0xFFFFFF40];
	[tilespmem:s24+$0xFFFFFFC0] =	vst v8;
	v8 =	vbroadcast v0, $0xD  }
0x10a: {  	s11 =	sadd.s32 s11, s20;
	s10 =	sadd.s32 s10, s23;
	v1 =	vmul.f32 v1, v2;
	v5 =	vmul.f32 v14, v5;
	v13 =	vld [tilespmem:s24+$0xFFFFFF60];
	[tilespmem:s24+$0x0] =	vst v4  }
0x10b: {  	s11 =	sand.u32 $0xFC, s11;
	s10 =	sand.u32 $0xFC, s10;
	v0 =	vbroadcast v0, $0x7;
	v2 =	vmul.f32 v9, v10;
	[tilespmem:s24+$0xFFFFFFF0] =	vst v6  }
0x10c: {  	s11 =	sshrl.u32 s11, $0x2;
	s10 =	sshrl.u32 s10, $0x2;
	[tilespmem:s24+$0xFFFFFFB0] =	vst v1;
	v1 =	vmul.f32 v11, v8  }
0x10d: {  	s20 =	smul.u32 $0x7, s11;
	v0 =	vmul.f32 v15, v0;
	[tilespmem:s24+$0xFFFFFFA0] =	vst v3  }
0x10e: {  	s11 =	smul.u32 $0x1C0, s11;
	v3 =	vmul.f32 v16, v7;
	[tilespmem:s24+$0xFFFFFF50] =	vst v5  }
0x10f: {  	s23 =	smul.u32 $0x7, s10;
	s20 =	ssub.s32 s4, s20;
	v4 =	vmul.f32 v13, v12;
	[tilespmem:s24+$0xFFFFFF70] =	vst v2  }
0x110: {  	s26 =	sand.u32 $0xFF, s20;
	s20 =	smul.u32 $0x1C0, s10;
	[tilespmem:s24+$0xFFFFFF80] =	vst v0  }
0x111: {  	s22 =	ssub.s32 s22, s23;
	s10 =	sshrl.u32 s11, $0x2;
	s11 =	sshll.u32 s26, $0x4;
	[tilespmem:s24+$0xFFFFFF60] =	vst v4  }
0x112: {  	s10 =	sadd.s32 s11, s10;
	s11 =	sand.u32 $0xFF, s22;
	[tilespmem:s24+$0xFFFFFFE0] =	vst v1  }
0x113: {  	s22 =	sshll.u32 s11, $0x4;
	[tilespmem:s24+$0xFFFFFF40] =	vst v3;
	s24 =	smov.u32 s8  }
0x114: {  	v0 =	vld [tilespmem:s10+$0x380]  }
0x115: {  	v1 =	vld [tilespmem:s8+$0xFFFFFE70]  }
0x116: {  	v2 =	vld [tilespmem:s8+$0xFFFFFE30]  }
0x117: {  	v3 =	vld [tilespmem:s8+$0xFFFFFEF0]  }
0x118: {  	v4 =	vld [tilespmem:s8+$0xFFFFFEC0]  }
0x119: {  	v5 =	vbroadcast v0, $0x2;
	v6 =	vbroadcast v0, $0x4;
	v7 =	vld [tilespmem:s8+$0xFFFFFEB0]  }
0x11a: {  	v8 =	vbroadcast v0, $0x0;
	v10 =	vbroadcast v0, $0xE;
	v9 =	vld [tilespmem:s8+$0xFFFFFE20]  }
0x11b: {  	v11 =	vbroadcast v0, $0xA;
	v2 =	vmul.f32 v2, v5;
	v5 =	vld [tilespmem:s8+$0xFFFFFE50]  }
0x11c: {  	v13 =	vbroadcast v0, $0xB;
	v12 =	vld [tilespmem:s8+$0xFFFFFE40];
	v3 =	vmul.f32 v3, v10  }
0x11d: {  	v14 =	vbroadcast v0, $0x1;
	v15 =	vbroadcast v0, $0x6;
	v10 =	vld [tilespmem:s8+$0xFFFFFE10]  }
0x11e: {  	v4 =	vmul.f32 v4, v13;
	[tilespmem:s8+$0xFFFFFE30] =	vst v2;
	v2 =	vld [tilespmem:s8+$0xFFFFFE60];
	v7 =	vmul.f32 v7, v11  }
0x11f: {  	v11 =	vbroadcast v0, $0x3;
	v9 =	vmul.f32 v9, v14;
	v13 =	vld [tilespmem:s8+$0xFFFFFE90];
	[tilespmem:s8+$0xFFFFFEF0] =	vst v3  }
0x120: {  	v1 =	vmul.f32 v1, v15;
	v5 =	vmul.f32 v5, v6;
	v14 =	vld [tilespmem:s8+$0xFFFFFEA0];
	[tilespmem:s8+$0xFFFFFEC0] =	vst v4  }
.Ltmp3:
0x121: {  	v11 =	vmul.f32 v12, v11;
	v12 =	vbroadcast v0, $0x5;
	v3 =	vld [tilespmem:s8+$0xFFFFFE80];
	[tilespmem:s8+$0xFFFFFEB0] =	vst v7;
	(pc) =	sbr.rel @p1 .LBB2_5-.Ltmp3, $4  }
0x122: {  	v6 =	vbroadcast v0, $0x7;
	v7 =	vbroadcast v0, $0x8;
	[tilespmem:s8+$0xFFFFFE50] =	vst v5;
	v4 =	vld [tilespmem:s8+$0xFFFFFED0]  }
0x123: {  	v8 =	vmul.f32 v8, v10;
	v10 =	vbroadcast v0, $0x9;
	[tilespmem:s8+$0xFFFFFE70] =	vst v1;
	v5 =	vld [tilespmem:s8+$0xFFFFFEE0]  }
0x124: {  	v2 =	vmul.f32 v2, v12;
	[tilespmem:s8+$0xFFFFFE40] =	vst v11;
	v1 =	vmul.f32 v13, v7;
	v7 =	vld [tilespmem:s8+$0xFFFFFF00]  }
0x125: {  	[tilespmem:s8+$0xFFFFFE20] =	vst v9;
	v9 =	vmul.f32 v14, v10;
	v10 =	vbroadcast v0, $0xC  }
0x126: {  	[tilespmem:s24+$0xFFFFFE10] =	vst v8  }
0x127: {  	[tilespmem:s24+$0xFFFFFE60] =	vst v2  }
0x128: {  	v3 =	vmul.f32 v3, v6;
	v6 =	vbroadcast v0, $0xD;
	[tilespmem:s24+$0xFFFFFE90] =	vst v1  }
0x129: {  	v0 =	vbroadcast v0, $0xF;
	[tilespmem:s24+$0xFFFFFEA0] =	vst v9;
	v4 =	vmul.f32 v4, v10  }
0x12a: {  	[tilespmem:s24+$0xFFFFFE80] =	vst v3;
	v3 =	vmul.f32 v5, v6  }
0x12b: {  	[tilespmem:s24+$0xFFFFFED0] =	vst v4;
	v0 =	vmul.f32 v7, v0  }
0x12c: {  	s4 =	sshrl.u32 s20, $0x2;
	[tilespmem:s24+$0xFFFFFEE0] =	vst v3  }
0x12d: {  	s4 =	sadd.s32 s22, s4;
	[tilespmem:s24+$0xFFFFFF00] =	vst v0  }
0x12e: {  	v0 =	vld [tilespmem:s4+$0x380];
	_ =	sdelay $0x1  }
0x12f: {  	v1 =	vld [tilespmem:s24+$0xFFFFFF10]  }
0x130: {  	v2 =	vld [tilespmem:s24+$0xFFFFFF90]  }
0x131: {  	v3 =	vld [tilespmem:s24+$0xFFFFFF30]  }
0x132: {  	v11 =	vld [tilespmem:s24+$0xFFFFFF50];
	v5 =	vbroadcast v0, $0x0  }
0x133: {  	v6 =	vld [tilespmem:s24+$0xFFFFFFD0];
	v7 =	vbroadcast v0, $0x8  }
0x134: {  	v9 =	vld [tilespmem:s24+$0xFFFFFFC0];
	v8 =	vbroadcast v0, $0x2;
	v1 =	vmul.f32 v5, v1  }
0x135: {  	v5 =	vld [tilespmem:s24+$0xFFFFFF20];
	v2 =	vmul.f32 v2, v7  }
0x136: {  	v4 =	vld [tilespmem:s24+$0x0];
	v7 =	vbroadcast v0, $0xC;
	v3 =	vmul.f32 v3, v8;
	[tilespmem:s24+$0xFFFFFF10] =	vst v1  }
0x137: {  	v8 =	vbroadcast v0, $0x1;
	v1 =	vld [tilespmem:s24+$0xFFFFFFF0];
	[tilespmem:s24+$0xFFFFFF90] =	vst v2;
	v2 =	vbroadcast v0, $0xB  }
0x138: {  	[tilespmem:s24+$0xFFFFFF30] =	vst v3;
	v3 =	vmul.f32 v6, v7;
	v6 =	vld [tilespmem:s24+$0xFFFFFFB0];
	v7 =	vbroadcast v0, $0xF  }
0x139: {  	v10 =	vld [tilespmem:s24+$0xFFFFFFA0];
	v2 =	vmul.f32 v9, v2;
	v9 =	vbroadcast v0, $0xA  }
0x13a: {  	[tilespmem:s24+$0xFFFFFFD0] =	vst v3;
	v5 =	vmul.f32 v5, v8;
	v8 =	vbroadcast v0, $0xE  }
0x13b: {  	v3 =	vld [tilespmem:s24+$0xFFFFFF70];
	v4 =	vmul.f32 v4, v7;
	[tilespmem:s24+$0xFFFFFFC0] =	vst v2;
	v2 =	vbroadcast v0, $0x4  }
0x13c: {  	v12 =	vld [tilespmem:s24+$0xFFFFFF80];
	[tilespmem:s24+$0xFFFFFF20] =	vst v5;
	v5 =	vbroadcast v0, $0x9;
	v1 =	vmul.f32 v1, v8  }
0x13d: {  	[tilespmem:s24+$0x0] =	vst v4;
	v8 =	vld [tilespmem:s24+$0xFFFFFF60];
	v6 =	vmul.f32 v6, v9;
	v2 =	vmul.f32 v11, v2  }
0x13e: {  	v7 =	vld [tilespmem:s24+$0xFFFFFFE0];
	v4 =	vmul.f32 v10, v5;
	v5 =	vbroadcast v0, $0x6;
	[tilespmem:s24+$0xFFFFFFF0] =	vst v1  }
0x13f: {  	v9 =	vbroadcast v0, $0x7;
	v1 =	vld [tilespmem:s24+$0xFFFFFF40];
	[tilespmem:s24+$0xFFFFFFB0] =	vst v6  }
0x140: {  	v6 =	vbroadcast v0, $0x5;
	[tilespmem:s24+$0xFFFFFF50] =	vst v2;
	v3 =	vmul.f32 v3, v5  }
0x141: {  	[tilespmem:s24+$0xFFFFFFA0] =	vst v4;
	v4 =	vbroadcast v0, $0xD;
	v5 =	vmul.f32 v12, v9  }
0x142: {  	v0 =	vbroadcast v0, $0x3;
	v2 =	vmul.f32 v8, v6;
	[tilespmem:s24+$0xFFFFFF70] =	vst v3  }
0x143: {  	v3 =	vmul.f32 v7, v4;
	[tilespmem:s24+$0xFFFFFF80] =	vst v5  }
0x144: {  	v0 =	vmul.f32 v1, v0;
	[tilespmem:s24+$0xFFFFFF60] =	vst v2  }
0x145: {  	[tilespmem:s24+$0xFFFFFFE0] =	vst v3  }
0x146: {  	s23 =	simm.s32 $0x310;
	[tilespmem:s24+$0xFFFFFF40] =	vst v0;
	s24 =	simm.s32 $0xFFFFFFFE  }
0x147: {  	[spmem:s5] =	stream.indirect.scatter.add.f32 [tilespmem:s29], [sflag:$0x6], $0x40, s23, s25, $0xb8;
	[tilespmem:$0x1B300] =	vst v63  }
0x148: {  	s4 =	smul.u32 $0x25, s24  }
0x149: {  	_ =	swait.ge [sflag:s15], $0x2A0  }
0x14a: {  	[sflag:s15] =	ssyncset.done $0x0;
	s8 =	sadd.s32 $0x4A, s4  }
0x14b: {  	[sflag:s15] =	ssyncadd.s32 $0xFFFFFD60;
	s8 =	sshrl.u32 s8, $0x8  }
0x14c: {  	[tilespmem:s16], [sflag:$0x4] =	stream.indirect.gather [spmem:s1], $0x40, s6, s25, $0xb8;
	[tilespmem:$0x1B300] =	vst v63  }
0x14d: {  	s10 =	ssub.s32 $0x0, s8  }
0x14e: {  	s10 =	sand.u32 $0xFE, s10  }
0x14f: {  	p1 =	seq.s32 s19, $0x2C;
	s10 =	sshrl.u32 s10, $0x1  }
0x150: {  	s11 =	sadd.s32 @!p1 s14, s12;
	_ =	swait.ge [sflag:s17], $0x1C00;
	s8 =	sadd.s32 s8, s10  }
0x151: {  	[sflag:s17] =	ssyncset.done $0x0;
	s10 =	smul.u32 @!p1 $0x54, s11;
	s8 =	sand.u32 $0xFC, s8  }
0x152: {  	[sflag:s17] =	ssyncadd.s32 $0xFFFFE400;
	s8 =	sshrl.u32 s8, $0x2  }
0x153: {  	s11 =	simm.s32 @!p1 $0x0;
	s10 =	sadd.s32 @!p1 s9, s10;
	s26 =	smul.u32 $0x7, s8  }
0x154: {  	[tilespmem:s11], [sflag:$0x9] =	stream.linear.gather @!p1 [hbm4b:s10+s11], $0x2A0, $0x38;
	[tilespmem:$0x1B300] =	vst v63  }
0x155: {  	s8 =	smul.u32 $0x1C0, s8;
	s20 =	ssub.s32 $0x0, s26  }
0x156: {  	_ =	swait.ge [sflag:s18], $0x1C00;
	s10 =	sand.u32 $0xFF, s20  }
0x157: {  	[sflag:s18] =	ssyncset.done $0x0;
	s8 =	sshrl.u32 s8, $0x2;
	s10 =	sshll.u32 s10, $0x4  }
0x158: {  	[sflag:s18] =	ssyncadd.s32 $0xFFFFE400;
	s8 =	sadd.s32 s10, s8  }
0x159: {  	s24 =	simm.s32 $0x4470;
	v0 =	vld [tilespmem:s8+$0x620]  }
0x15a: {  	v1 =	vld [tilespmem:s24+$0xFFFFFE70]  }
0x15b: {  	v2 =	vld [tilespmem:s24+$0xFFFFFE30]  }
0x15c: {  	v3 =	vld [tilespmem:s24+$0xFFFFFEF0]  }
0x15d: {  	v4 =	vld [tilespmem:s24+$0xFFFFFEC0]  }
0x15e: {  	s4 =	sadd.s32 $0x6F, s4;
	v5 =	vld [tilespmem:s24+$0xFFFFFEB0];
	v6 =	vbroadcast v0, $0x2;
	v8 =	vbroadcast v0, $0x4  }
0x15f: {  	s4 =	sshrl.u32 s4, $0x8;
	v7 =	vld [tilespmem:s24+$0xFFFFFE20];
	v10 =	vbroadcast v0, $0xE;
	v11 =	vbroadcast v0, $0x0  }
0x160: {  	s22 =	ssub.s32 $0x1, s4;
	v9 =	vld [tilespmem:s24+$0xFFFFFE50];
	v61 =	vbroadcast v0, $0xA;
	v2 =	vmul.f32 v2, v6  }
0x161: {  	v13 =	vld [tilespmem:s24+$0xFFFFFE10];
	s8 =	sand.u32 $0xFE, s22;
	v14 =	vbroadcast v0, $0xB;
	v3 =	vmul.f32 v3, v10  }
0x162: {  	s8 =	sshrl.u32 s8, $0x1;
	v6 =	vld [tilespmem:s24+$0xFFFFFE40];
	v10 =	vbroadcast v0, $0x6;
	[tilespmem:s24+$0xFFFFFE30] =	vst v2;
	v2 =	vbroadcast v0, $0x1  }
0x163: {  	v15 =	vld [tilespmem:s24+$0xFFFFFE60];
	s4 =	sadd.s32 s4, s8;
	v5 =	vmul.f32 v5, v61;
	v4 =	vmul.f32 v4, v14  }
0x164: {  	v62 =	vld [tilespmem:s24+$0xFFFFFE90];
	s4 =	sand.u32 $0xFC, s4;
	[tilespmem:s24+$0xFFFFFEF0] =	vst v3;
	v1 =	vmul.f32 v1, v10;
	v63 =	vmul.f32 v7, v2  }
0x165: {  	v16 =	vld [tilespmem:s24+$0xFFFFFEA0];
	s23 =	sshrl.u32 s4, $0x2;
	[tilespmem:s24+$0xFFFFFEC0] =	vst v4;
	v2 =	vbroadcast v0, $0x3;
	v7 =	vmul.f32 v9, v8  }
0x166: {  	s4 =	smul.u32 $0x7, s23;
	v3 =	vld [tilespmem:s24+$0xFFFFFE80];
	[tilespmem:s24+$0xFFFFFEB0] =	vst v5;
	v10 =	vbroadcast v0, $0x9;
	v9 =	vbroadcast v0, $0x5  }
0x167: {  	v4 =	vld [tilespmem:s24+$0xFFFFFED0];
	v2 =	vmul.f32 v6, v2;
	[tilespmem:s24+$0xFFFFFE50] =	vst v7;
	v7 =	vbroadcast v0, $0x8  }
0x168: {  	s26 =	ssub.s32 $0x1, s4;
	v5 =	vld [tilespmem:s24+$0xFFFFFEE0];
	v8 =	vmul.f32 v11, v13;
	[tilespmem:s24+$0xFFFFFE70] =	vst v1;
	v6 =	vbroadcast v0, $0x7  }
0x169: {  	s8 =	simm.s32 $0x4470;
	s10 =	sand.u32 $0xFF, s26;
	[tilespmem:s24+$0xFFFFFE40] =	vst v2;
	v2 =	vmul.f32 v15, v9;
	v1 =	vmul.f32 v62, v7;
	v7 =	vld [tilespmem:s24+$0xFFFFFF00]  }
0x16a: {  	s20 =	smul.u32 $0x1C0, s23;
	s4 =	simm.s32 $0x0;
	s22 =	sshll.u32 s10, $0x4;
	[tilespmem:s24+$0xFFFFFE20] =	vst v63;
	v9 =	vmul.f32 v16, v10;
	v10 =	vbroadcast v0, $0xC  }
.LBB2_7:
0x16b: {  	[tilespmem:s24+$0xFFFFFE10] =	vst v8;
	v3 =	vmul.f32 v3, v6;
	v6 =	vbroadcast v0, $0xD;
	s8 =	sadd.s32 $0x200, s8;
	s23 =	smov.u32 s4;
	s4 =	sadd.s32 $0x2, s4  }
0x16c: {  	v0 =	vbroadcast v0, $0xF;
	p2 =	slt.u32 s4, $0x1A;
	[tilespmem:s24+$0xFFFFFEA0] =	vst v9;
	v4 =	vmul.f32 v4, v10  }
0x16d: {  	[tilespmem:s24+$0xFFFFFE80] =	vst v3;
	v3 =	vmul.f32 v5, v6  }
0x16e: {  	[tilespmem:s24+$0xFFFFFED0] =	vst v4;
	v0 =	vmul.f32 v7, v0  }
0x16f: {  	[tilespmem:s24+$0xFFFFFEE0] =	vst v3  }
0x170: {  	[tilespmem:s24+$0xFFFFFF00] =	vst v0;
	_ =	sdelay $0x1  }
0x171: {  	s10 =	sshrl.u32 s20, $0x2;
	[tilespmem:s24+$0xFFFFFE60] =	vst v2  }
0x172: {  	s10 =	sadd.s32 s22, s10;
	[tilespmem:s24+$0xFFFFFE90] =	vst v1  }
0x173: {  	v0 =	vld [tilespmem:s10+$0x620]  }
0x174: {  	v1 =	vld [tilespmem:s24+$0xFFFFFF90]  }
0x175: {  	v2 =	vld [tilespmem:s24+$0xFFFFFF10]  }
0x176: {  	v3 =	vld [tilespmem:s24+$0xFFFFFF30]  }
0x177: {  	v4 =	vld [tilespmem:s24+$0x0]  }
0x178: {  	v5 =	vbroadcast v0, $0x0;
	v6 =	vld [tilespmem:s24+$0xFFFFFFD0];
	v7 =	vbroadcast v0, $0xF  }
0x179: {  	v8 =	vbroadcast v0, $0x2;
	v10 =	vbroadcast v0, $0xC;
	v9 =	vld [tilespmem:s24+$0xFFFFFFC0]  }
0x17a: {  	v2 =	vmul.f32 v5, v2;
	v5 =	vbroadcast v0, $0x8;
	v11 =	vld [tilespmem:s24+$0xFFFFFFA0]  }
0x17b: {  	v12 =	vld [tilespmem:s24+$0xFFFFFF20];
	v3 =	vmul.f32 v3, v8;
	v8 =	vbroadcast v0, $0xB  }
0x17c: {  	[tilespmem:s24+$0xFFFFFF10] =	vst v2;
	v1 =	vmul.f32 v1, v5;
	v2 =	vbroadcast v0, $0xA  }
0x17d: {  	s10 =	smul.u32 $0x25, s23;
	[tilespmem:s24+$0xFFFFFF30] =	vst v3;
	v3 =	vbroadcast v0, $0x9;
	v5 =	vmul.f32 v6, v10;
	v6 =	vld [tilespmem:s24+$0xFFFFFFF0]  }
0x17e: {  	v13 =	vbroadcast v0, $0xE;
	v10 =	vbroadcast v0, $0x1;
	[tilespmem:s24+$0xFFFFFF90] =	vst v1;
	v1 =	vld [tilespmem:s24+$0xFFFFFFB0]  }
0x17f: {  	s11 =	sadd.s32 $0x4A, s10;
	s10 =	sadd.s32 $0x6F, s10;
	v8 =	vmul.f32 v9, v8;
	v14 =	vld [tilespmem:s24+$0xFFFFFF50];
	v3 =	vmul.f32 v11, v3;
	[tilespmem:s24+$0xFFFFFFD0] =	vst v5  }
0x180: {  	s22 =	sadd.s32 $0x3, s23;
	s11 =	sshrl.u32 s11, $0x8;
	s10 =	sshrl.u32 s10, $0x8;
	v4 =	vmul.f32 v4, v7;
	v5 =	vmul.f32 v12, v10;
	v9 =	vld [tilespmem:s24+$0xFFFFFF70]  }
0x181: {  	s20 =	ssub.s32 s4, s11;
	s23 =	ssub.s32 s22, s10;
	v7 =	vbroadcast v0, $0x3;
	v10 =	vbroadcast v0, $0x6;
	v11 =	vld [tilespmem:s24+$0xFFFFFFE0]  }
0x182: {  	s20 =	sand.u32 $0xFE, s20;
	s23 =	sand.u32 $0xFE, s23;
	v12 =	vbroadcast v0, $0x5;
	[tilespmem:s24+$0xFFFFFF20] =	vst v5;
	v5 =	vbroadcast v0, $0x4;
	v15 =	vld [tilespmem:s24+$0xFFFFFF80]  }
0x183: {  	s20 =	sshrl.u32 s20, $0x1;
	s23 =	sshrl.u32 s23, $0x1;
	v6 =	vmul.f32 v6, v13;
	v16 =	vld [tilespmem:s24+$0xFFFFFF40];
	[tilespmem:s24+$0xFFFFFFC0] =	vst v8;
	v8 =	vbroadcast v0, $0xD  }
0x184: {  	s11 =	sadd.s32 s11, s20;
	s10 =	sadd.s32 s10, s23;
	v1 =	vmul.f32 v1, v2;
	v5 =	vmul.f32 v14, v5;
	v13 =	vld [tilespmem:s24+$0xFFFFFF60];
	[tilespmem:s24+$0x0] =	vst v4  }
0x185: {  	s11 =	sand.u32 $0xFC, s11;
	s10 =	sand.u32 $0xFC, s10;
	v0 =	vbroadcast v0, $0x7;
	v2 =	vmul.f32 v9, v10;
	[tilespmem:s24+$0xFFFFFFF0] =	vst v6  }
0x186: {  	s11 =	sshrl.u32 s11, $0x2;
	s10 =	sshrl.u32 s10, $0x2;
	[tilespmem:s24+$0xFFFFFFB0] =	vst v1;
	v1 =	vmul.f32 v11, v8  }
0x187: {  	s20 =	smul.u32 $0x7, s11;
	v0 =	vmul.f32 v15, v0;
	[tilespmem:s24+$0xFFFFFFA0] =	vst v3  }
0x188: {  	s11 =	smul.u32 $0x1C0, s11;
	v3 =	vmul.f32 v16, v7;
	[tilespmem:s24+$0xFFFFFF50] =	vst v5  }
0x189: {  	s23 =	smul.u32 $0x7, s10;
	s20 =	ssub.s32 s4, s20;
	v4 =	vmul.f32 v13, v12;
	[tilespmem:s24+$0xFFFFFF70] =	vst v2  }
0x18a: {  	s26 =	sand.u32 $0xFF, s20;
	s20 =	smul.u32 $0x1C0, s10;
	[tilespmem:s24+$0xFFFFFF80] =	vst v0  }
0x18b: {  	s22 =	ssub.s32 s22, s23;
	s10 =	sshrl.u32 s11, $0x2;
	s11 =	sshll.u32 s26, $0x4;
	[tilespmem:s24+$0xFFFFFF60] =	vst v4  }
0x18c: {  	s10 =	sadd.s32 s11, s10;
	s11 =	sand.u32 $0xFF, s22;
	[tilespmem:s24+$0xFFFFFFE0] =	vst v1  }
0x18d: {  	s22 =	sshll.u32 s11, $0x4;
	[tilespmem:s24+$0xFFFFFF40] =	vst v3;
	s24 =	smov.u32 s8  }
0x18e: {  	v0 =	vld [tilespmem:s10+$0x620]  }
0x18f: {  	v1 =	vld [tilespmem:s8+$0xFFFFFE70]  }
0x190: {  	v2 =	vld [tilespmem:s8+$0xFFFFFE30]  }
0x191: {  	v3 =	vld [tilespmem:s8+$0xFFFFFEF0]  }
0x192: {  	v4 =	vld [tilespmem:s8+$0xFFFFFEC0]  }
0x193: {  	v5 =	vbroadcast v0, $0x2;
	v6 =	vbroadcast v0, $0x4;
	v7 =	vld [tilespmem:s8+$0xFFFFFEB0]  }
0x194: {  	v8 =	vbroadcast v0, $0x0;
	v10 =	vbroadcast v0, $0xE;
	v9 =	vld [tilespmem:s8+$0xFFFFFE20]  }
0x195: {  	v11 =	vbroadcast v0, $0xA;
	v2 =	vmul.f32 v2, v5;
	v5 =	vld [tilespmem:s8+$0xFFFFFE50]  }
0x196: {  	v13 =	vbroadcast v0, $0xB;
	v12 =	vld [tilespmem:s8+$0xFFFFFE40];
	v3 =	vmul.f32 v3, v10  }
0x197: {  	v14 =	vbroadcast v0, $0x1;
	v15 =	vbroadcast v0, $0x6;
	v10 =	vld [tilespmem:s8+$0xFFFFFE10]  }
0x198: {  	v4 =	vmul.f32 v4, v13;
	[tilespmem:s8+$0xFFFFFE30] =	vst v2;
	v2 =	vld [tilespmem:s8+$0xFFFFFE60];
	v7 =	vmul.f32 v7, v11  }
0x199: {  	v11 =	vbroadcast v0, $0x3;
	v9 =	vmul.f32 v9, v14;
	v13 =	vld [tilespmem:s8+$0xFFFFFE90];
	[tilespmem:s8+$0xFFFFFEF0] =	vst v3  }
0x19a: {  	v1 =	vmul.f32 v1, v15;
	v5 =	vmul.f32 v5, v6;
	v14 =	vld [tilespmem:s8+$0xFFFFFEA0];
	[tilespmem:s8+$0xFFFFFEC0] =	vst v4  }
.Ltmp4:
0x19b: {  	v11 =	vmul.f32 v12, v11;
	v12 =	vbroadcast v0, $0x5;
	v3 =	vld [tilespmem:s8+$0xFFFFFE80];
	[tilespmem:s8+$0xFFFFFEB0] =	vst v7;
	(pc) =	sbr.rel @p2 .LBB2_7-.Ltmp4, $4  }
0x19c: {  	v6 =	vbroadcast v0, $0x7;
	v7 =	vbroadcast v0, $0x8;
	[tilespmem:s8+$0xFFFFFE50] =	vst v5;
	v4 =	vld [tilespmem:s8+$0xFFFFFED0]  }
0x19d: {  	v8 =	vmul.f32 v8, v10;
	v10 =	vbroadcast v0, $0x9;
	[tilespmem:s8+$0xFFFFFE70] =	vst v1;
	v5 =	vld [tilespmem:s8+$0xFFFFFEE0]  }
0x19e: {  	v2 =	vmul.f32 v2, v12;
	[tilespmem:s8+$0xFFFFFE40] =	vst v11;
	v1 =	vmul.f32 v13, v7;
	v7 =	vld [tilespmem:s8+$0xFFFFFF00]  }
0x19f: {  	[tilespmem:s8+$0xFFFFFE20] =	vst v9;
	v9 =	vmul.f32 v14, v10;
	v10 =	vbroadcast v0, $0xC  }
0x1a0: {  	[tilespmem:s24+$0xFFFFFE10] =	vst v8  }
0x1a1: {  	[tilespmem:s24+$0xFFFFFE60] =	vst v2  }
0x1a2: {  	v3 =	vmul.f32 v3, v6;
	v6 =	vbroadcast v0, $0xD;
	[tilespmem:s24+$0xFFFFFE90] =	vst v1  }
0x1a3: {  	v0 =	vbroadcast v0, $0xF;
	[tilespmem:s24+$0xFFFFFEA0] =	vst v9;
	v4 =	vmul.f32 v4, v10  }
0x1a4: {  	[tilespmem:s24+$0xFFFFFE80] =	vst v3;
	v3 =	vmul.f32 v5, v6  }
0x1a5: {  	[tilespmem:s24+$0xFFFFFED0] =	vst v4;
	v0 =	vmul.f32 v7, v0  }
0x1a6: {  	s4 =	sshrl.u32 s20, $0x2;
	[tilespmem:s24+$0xFFFFFEE0] =	vst v3  }
0x1a7: {  	s4 =	sadd.s32 s22, s4;
	[tilespmem:s24+$0xFFFFFF00] =	vst v0  }
0x1a8: {  	v0 =	vld [tilespmem:s4+$0x620];
	_ =	sdelay $0x1  }
0x1a9: {  	v1 =	vld [tilespmem:s24+$0xFFFFFF10]  }
0x1aa: {  	v2 =	vld [tilespmem:s24+$0xFFFFFF90]  }
0x1ab: {  	v3 =	vld [tilespmem:s24+$0xFFFFFF30]  }
0x1ac: {  	v11 =	vld [tilespmem:s24+$0xFFFFFF50];
	v5 =	vbroadcast v0, $0x0  }
0x1ad: {  	v6 =	vld [tilespmem:s24+$0xFFFFFFD0];
	v7 =	vbroadcast v0, $0x8  }
0x1ae: {  	v9 =	vld [tilespmem:s24+$0xFFFFFFC0];
	v8 =	vbroadcast v0, $0x2;
	v1 =	vmul.f32 v5, v1  }
0x1af: {  	v5 =	vld [tilespmem:s24+$0xFFFFFF20];
	v2 =	vmul.f32 v2, v7  }
0x1b0: {  	v4 =	vld [tilespmem:s24+$0x0];
	v7 =	vbroadcast v0, $0xC;
	v3 =	vmul.f32 v3, v8;
	[tilespmem:s24+$0xFFFFFF10] =	vst v1  }
0x1b1: {  	v8 =	vbroadcast v0, $0x1;
	v1 =	vld [tilespmem:s24+$0xFFFFFFF0];
	[tilespmem:s24+$0xFFFFFF90] =	vst v2;
	v2 =	vbroadcast v0, $0xB  }
0x1b2: {  	[tilespmem:s24+$0xFFFFFF30] =	vst v3;
	v3 =	vmul.f32 v6, v7;
	v6 =	vld [tilespmem:s24+$0xFFFFFFB0];
	v7 =	vbroadcast v0, $0xF  }
0x1b3: {  	v10 =	vld [tilespmem:s24+$0xFFFFFFA0];
	v2 =	vmul.f32 v9, v2;
	v9 =	vbroadcast v0, $0xA  }
0x1b4: {  	[tilespmem:s24+$0xFFFFFFD0] =	vst v3;
	v5 =	vmul.f32 v5, v8;
	v8 =	vbroadcast v0, $0xE  }
0x1b5: {  	v3 =	vld [tilespmem:s24+$0xFFFFFF70];
	v4 =	vmul.f32 v4, v7;
	[tilespmem:s24+$0xFFFFFFC0] =	vst v2;
	v2 =	vbroadcast v0, $0x4  }
0x1b6: {  	v12 =	vld [tilespmem:s24+$0xFFFFFF80];
	[tilespmem:s24+$0xFFFFFF20] =	vst v5;
	v5 =	vbroadcast v0, $0x9;
	v1 =	vmul.f32 v1, v8  }
0x1b7: {  	[tilespmem:s24+$0x0] =	vst v4;
	v8 =	vld [tilespmem:s24+$0xFFFFFF60];
	v6 =	vmul.f32 v6, v9;
	v2 =	vmul.f32 v11, v2  }
0x1b8: {  	v7 =	vld [tilespmem:s24+$0xFFFFFFE0];
	v4 =	vmul.f32 v10, v5;
	v5 =	vbroadcast v0, $0x6;
	[tilespmem:s24+$0xFFFFFFF0] =	vst v1  }
0x1b9: {  	v9 =	vbroadcast v0, $0x7;
	v1 =	vld [tilespmem:s24+$0xFFFFFF40];
	[tilespmem:s24+$0xFFFFFFB0] =	vst v6  }
0x1ba: {  	v6 =	vbroadcast v0, $0x5;
	[tilespmem:s24+$0xFFFFFF50] =	vst v2;
	v3 =	vmul.f32 v3, v5  }
0x1bb: {  	[tilespmem:s24+$0xFFFFFFA0] =	vst v4;
	v4 =	vbroadcast v0, $0xD;
	v5 =	vmul.f32 v12, v9  }
0x1bc: {  	v0 =	vbroadcast v0, $0x3;
	v2 =	vmul.f32 v8, v6;
	[tilespmem:s24+$0xFFFFFF70] =	vst v3  }
0x1bd: {  	v3 =	vmul.f32 v7, v4;
	[tilespmem:s24+$0xFFFFFF80] =	vst v5  }
0x1be: {  	v0 =	vmul.f32 v1, v0;
	[tilespmem:s24+$0xFFFFFF60] =	vst v2  }
0x1bf: {  	p2 =	sne.s32 s19, $0x2C;
	[tilespmem:s24+$0xFFFFFFE0] =	vst v3  }
0x1c0: {  	s4 =	simm.s32 @p2 $0x9;
	[tilespmem:s24+$0xFFFFFF40] =	vst v0;
	s24 =	simm.s32 $0x5B0  }
0x1c1: {  	[spmem:s5] =	stream.indirect.scatter.add.f32 [tilespmem:s2], [sflag:$0x7], $0x40, s24, s25, $0xb8;
	[tilespmem:$0x1B300] =	vst v63  }
0x1c2: {  	_ =	swait.ge @p2 [sflag:s4], $0x2A0  }
0x1c3: {  	s8 =	simm.s32 @p2 $0x0;
	[sflag:s4] =	ssyncset.done @p2 $0x0  }
0x1c4: {  	s10 =	simm.s32 @p2 $0xA80;
	[sflag:s4] =	ssyncadd.s32 @p2 $0xFFFFFD60;
	s4 =	simm.s32 @p2 $0x70  }
0x1c5: {  	[tilespmem:s10], [sflag:$0x1] =	stream.indirect.gather @p2 [spmem:s1], $0x40, s8, s4, $0xb8;
	[tilespmem:$0x1B300] =	vst v63  }
0x1c6: {  	s4 =	simm.s32 @p2 $0x6;
	s10 =	sadd.s32 @p2 s14, s13  }
0x1c7: {  	_ =	swait.ge @p2 [sflag:s4], $0x1C00;
	s10 =	smul.u32 @p2 $0x54, s10  }
0x1c8: {  	s26 =	simm.s32 $0xFFFFFFFE;
	s11 =	simm.s32 @p2 $0x2A0;
	[sflag:s4] =	ssyncset.done @p2 $0x0  }
0x1c9: {  	[sflag:s4] =	ssyncadd.s32 @p2 $0xFFFFE400;
	s10 =	sadd.s32 @p2 s9, s10;
	s4 =	smul.u32 $0x25, s26  }
0x1ca: {  	[tilespmem:s11], [sflag:$0xA] =	stream.linear.gather @p2 [hbm4b:s10+s8], $0x2A0, $0x38;
	[tilespmem:$0x1B300] =	vst v63  }
0x1cb: {  	s11 =	sadd.s32 $0x4A, s4  }
0x1cc: {  	s8 =	sshrl.u32 s11, $0x8  }
0x1cd: {  	s14 =	ssub.s32 $0x0, s8  }
0x1ce: {  	s10 =	sand.u32 $0xFE, s14  }
0x1cf: {  	s10 =	sshrl.u32 s10, $0x1  }
0x1d0: {  	s8 =	sadd.s32 s8, s10  }
0x1d1: {  	s8 =	sand.u32 $0xFC, s8  }
0x1d2: {  	s10 =	simm.s32 @!p2 $0x6;
	s8 =	sshrl.u32 s8, $0x2  }
0x1d3: {  	_ =	swait.ge @!p2 [sflag:s10], $0x1C00;
	s20 =	smul.u32 $0x7, s8  }
0x1d4: {  	[sflag:s10] =	ssyncset.done @!p2 $0x0  }
0x1d5: {  	[sflag:s10] =	ssyncadd.s32 @!p2 $0xFFFFE400;
	s8 =	smul.u32 $0x1C0, s8;
	s22 =	ssub.s32 $0x0, s20  }
0x1d6: {  	_ =	swait.ge [sflag:s21], $0x1C00;
	s10 =	sand.u32 $0xFF, s22  }
0x1d7: {  	[sflag:s21] =	ssyncset.done $0x0;
	s8 =	sshrl.u32 s8, $0x2;
	s10 =	sshll.u32 s10, $0x4  }
0x1d8: {  	[sflag:s21] =	ssyncadd.s32 $0xFFFFE400;
	s8 =	sadd.s32 s10, s8  }
0x1d9: {  	s14 =	simm.s32 $0x6070;
	v0 =	vld [tilespmem:s8+$0x8C0]  }
0x1da: {  	v1 =	vld [tilespmem:s14+$0xFFFFFE70]  }
0x1db: {  	v2 =	vld [tilespmem:s14+$0xFFFFFE30]  }
0x1dc: {  	v3 =	vld [tilespmem:s14+$0xFFFFFEF0]  }
0x1dd: {  	v4 =	vld [tilespmem:s14+$0xFFFFFEC0]  }
0x1de: {  	s4 =	sadd.s32 $0x6F, s4;
	v5 =	vld [tilespmem:s14+$0xFFFFFEB0];
	v6 =	vbroadcast v0, $0x2;
	v8 =	vbroadcast v0, $0x4  }
0x1df: {  	s4 =	sshrl.u32 s4, $0x8;
	v7 =	vld [tilespmem:s14+$0xFFFFFE20];
	v10 =	vbroadcast v0, $0xE;
	v11 =	vbroadcast v0, $0x0  }
0x1e0: {  	s23 =	ssub.s32 $0x1, s4;
	v9 =	vld [tilespmem:s14+$0xFFFFFE50];
	v61 =	vbroadcast v0, $0xA;
	v2 =	vmul.f32 v2, v6  }
0x1e1: {  	v13 =	vld [tilespmem:s14+$0xFFFFFE10];
	s8 =	sand.u32 $0xFE, s23;
	v14 =	vbroadcast v0, $0xB;
	v3 =	vmul.f32 v3, v10  }
0x1e2: {  	s8 =	sshrl.u32 s8, $0x1;
	v6 =	vld [tilespmem:s14+$0xFFFFFE40];
	v10 =	vbroadcast v0, $0x6;
	[tilespmem:s14+$0xFFFFFE30] =	vst v2;
	v2 =	vbroadcast v0, $0x1  }
0x1e3: {  	v15 =	vld [tilespmem:s14+$0xFFFFFE60];
	s4 =	sadd.s32 s4, s8;
	v5 =	vmul.f32 v5, v61;
	v4 =	vmul.f32 v4, v14  }
0x1e4: {  	v62 =	vld [tilespmem:s14+$0xFFFFFE90];
	s4 =	sand.u32 $0xFC, s4;
	[tilespmem:s14+$0xFFFFFEF0] =	vst v3;
	v1 =	vmul.f32 v1, v10;
	v63 =	vmul.f32 v7, v2  }
0x1e5: {  	v16 =	vld [tilespmem:s14+$0xFFFFFEA0];
	s24 =	sshrl.u32 s4, $0x2;
	[tilespmem:s14+$0xFFFFFEC0] =	vst v4;
	v2 =	vbroadcast v0, $0x3;
	v7 =	vmul.f32 v9, v8  }
0x1e6: {  	s4 =	smul.u32 $0x7, s24;
	v3 =	vld [tilespmem:s14+$0xFFFFFE80];
	[tilespmem:s14+$0xFFFFFEB0] =	vst v5;
	v10 =	vbroadcast v0, $0x9;
	v9 =	vbroadcast v0, $0x5  }
0x1e7: {  	v4 =	vld [tilespmem:s14+$0xFFFFFED0];
	v2 =	vmul.f32 v6, v2;
	[tilespmem:s14+$0xFFFFFE50] =	vst v7;
	v7 =	vbroadcast v0, $0x8  }
0x1e8: {  	s26 =	ssub.s32 $0x1, s4;
	v5 =	vld [tilespmem:s14+$0xFFFFFEE0];
	v8 =	vmul.f32 v11, v13;
	[tilespmem:s14+$0xFFFFFE70] =	vst v1;
	v6 =	vbroadcast v0, $0x7  }
0x1e9: {  	s8 =	simm.s32 $0x6070;
	s10 =	sand.u32 $0xFF, s26;
	[tilespmem:s14+$0xFFFFFE40] =	vst v2;
	v2 =	vmul.f32 v15, v9;
	v1 =	vmul.f32 v62, v7;
	v7 =	vld [tilespmem:s14+$0xFFFFFF00]  }
0x1ea: {  	s20 =	smul.u32 $0x1C0, s24;
	s4 =	simm.s32 $0x0;
	s22 =	sshll.u32 s10, $0x4;
	[tilespmem:s14+$0xFFFFFE20] =	vst v63;
	v9 =	vmul.f32 v16, v10;
	v10 =	vbroadcast v0, $0xC  }
.LBB2_9:
0x1eb: {  	[tilespmem:s14+$0xFFFFFE10] =	vst v8;
	v3 =	vmul.f32 v3, v6;
	v6 =	vbroadcast v0, $0xD;
	s8 =	sadd.s32 $0x200, s8;
	s23 =	smov.u32 s4;
	s4 =	sadd.s32 $0x2, s4  }
0x1ec: {  	v0 =	vbroadcast v0, $0xF;
	p2 =	slt.u32 s4, $0x1A;
	[tilespmem:s14+$0xFFFFFEA0] =	vst v9;
	v4 =	vmul.f32 v4, v10  }
0x1ed: {  	[tilespmem:s14+$0xFFFFFE80] =	vst v3;
	v3 =	vmul.f32 v5, v6  }
0x1ee: {  	[tilespmem:s14+$0xFFFFFED0] =	vst v4;
	v0 =	vmul.f32 v7, v0  }
0x1ef: {  	[tilespmem:s14+$0xFFFFFEE0] =	vst v3  }
0x1f0: {  	[tilespmem:s14+$0xFFFFFF00] =	vst v0;
	_ =	sdelay $0x1  }
0x1f1: {  	s10 =	sshrl.u32 s20, $0x2;
	[tilespmem:s14+$0xFFFFFE60] =	vst v2  }
0x1f2: {  	s10 =	sadd.s32 s22, s10;
	[tilespmem:s14+$0xFFFFFE90] =	vst v1  }
0x1f3: {  	v0 =	vld [tilespmem:s10+$0x8C0]  }
0x1f4: {  	v1 =	vld [tilespmem:s14+$0xFFFFFF90]  }
0x1f5: {  	v2 =	vld [tilespmem:s14+$0xFFFFFF10]  }
0x1f6: {  	v3 =	vld [tilespmem:s14+$0xFFFFFF30]  }
0x1f7: {  	v4 =	vld [tilespmem:s14+$0x0]  }
0x1f8: {  	v5 =	vbroadcast v0, $0x0;
	v6 =	vld [tilespmem:s14+$0xFFFFFFD0];
	v7 =	vbroadcast v0, $0xF  }
0x1f9: {  	v8 =	vbroadcast v0, $0x2;
	v10 =	vbroadcast v0, $0xC;
	v9 =	vld [tilespmem:s14+$0xFFFFFFC0]  }
0x1fa: {  	v2 =	vmul.f32 v5, v2;
	v5 =	vbroadcast v0, $0x8;
	v11 =	vld [tilespmem:s14+$0xFFFFFFA0]  }
0x1fb: {  	v12 =	vld [tilespmem:s14+$0xFFFFFF20];
	v3 =	vmul.f32 v3, v8;
	v8 =	vbroadcast v0, $0xB  }
0x1fc: {  	[tilespmem:s14+$0xFFFFFF10] =	vst v2;
	v1 =	vmul.f32 v1, v5;
	v2 =	vbroadcast v0, $0xA  }
0x1fd: {  	s10 =	smul.u32 $0x25, s23;
	[tilespmem:s14+$0xFFFFFF30] =	vst v3;
	v3 =	vbroadcast v0, $0x9;
	v5 =	vmul.f32 v6, v10;
	v6 =	vld [tilespmem:s14+$0xFFFFFFF0]  }
0x1fe: {  	v13 =	vbroadcast v0, $0xE;
	v10 =	vbroadcast v0, $0x1;
	[tilespmem:s14+$0xFFFFFF90] =	vst v1;
	v1 =	vld [tilespmem:s14+$0xFFFFFFB0]  }
0x1ff: {  	s11 =	sadd.s32 $0x4A, s10;
	s10 =	sadd.s32 $0x6F, s10;
	v8 =	vmul.f32 v9, v8;
	v14 =	vld [tilespmem:s14+$0xFFFFFF50];
	v3 =	vmul.f32 v11, v3;
	[tilespmem:s14+$0xFFFFFFD0] =	vst v5  }
0x200: {  	s22 =	sadd.s32 $0x3, s23;
	s11 =	sshrl.u32 s11, $0x8;
	s10 =	sshrl.u32 s10, $0x8;
	v4 =	vmul.f32 v4, v7;
	v5 =	vmul.f32 v12, v10;
	v9 =	vld [tilespmem:s14+$0xFFFFFF70]  }
0x201: {  	s20 =	ssub.s32 s4, s11;
	s23 =	ssub.s32 s22, s10;
	v7 =	vbroadcast v0, $0x3;
	v10 =	vbroadcast v0, $0x6;
	v11 =	vld [tilespmem:s14+$0xFFFFFFE0]  }
0x202: {  	s20 =	sand.u32 $0xFE, s20;
	s23 =	sand.u32 $0xFE, s23;
	v12 =	vbroadcast v0, $0x5;
	[tilespmem:s14+$0xFFFFFF20] =	vst v5;
	v5 =	vbroadcast v0, $0x4;
	v15 =	vld [tilespmem:s14+$0xFFFFFF80]  }
0x203: {  	s20 =	sshrl.u32 s20, $0x1;
	s23 =	sshrl.u32 s23, $0x1;
	v6 =	vmul.f32 v6, v13;
	v16 =	vld [tilespmem:s14+$0xFFFFFF40];
	[tilespmem:s14+$0xFFFFFFC0] =	vst v8;
	v8 =	vbroadcast v0, $0xD  }
0x204: {  	s11 =	sadd.s32 s11, s20;
	s10 =	sadd.s32 s10, s23;
	v1 =	vmul.f32 v1, v2;
	v5 =	vmul.f32 v14, v5;
	v13 =	vld [tilespmem:s14+$0xFFFFFF60];
	[tilespmem:s14+$0x0] =	vst v4  }
0x205: {  	s11 =	sand.u32 $0xFC, s11;
	s10 =	sand.u32 $0xFC, s10;
	v0 =	vbroadcast v0, $0x7;
	v2 =	vmul.f32 v9, v10;
	[tilespmem:s14+$0xFFFFFFF0] =	vst v6  }
0x206: {  	s11 =	sshrl.u32 s11, $0x2;
	s10 =	sshrl.u32 s10, $0x2;
	[tilespmem:s14+$0xFFFFFFB0] =	vst v1;
	v1 =	vmul.f32 v11, v8  }
0x207: {  	s20 =	smul.u32 $0x7, s11;
	v0 =	vmul.f32 v15, v0;
	[tilespmem:s14+$0xFFFFFFA0] =	vst v3  }
0x208: {  	s11 =	smul.u32 $0x1C0, s11;
	v3 =	vmul.f32 v16, v7;
	[tilespmem:s14+$0xFFFFFF50] =	vst v5  }
0x209: {  	s23 =	smul.u32 $0x7, s10;
	s20 =	ssub.s32 s4, s20;
	v4 =	vmul.f32 v13, v12;
	[tilespmem:s14+$0xFFFFFF70] =	vst v2  }
0x20a: {  	s24 =	sand.u32 $0xFF, s20;
	s20 =	smul.u32 $0x1C0, s10;
	[tilespmem:s14+$0xFFFFFF80] =	vst v0  }
0x20b: {  	s22 =	ssub.s32 s22, s23;
	s10 =	sshrl.u32 s11, $0x2;
	s11 =	sshll.u32 s24, $0x4;
	[tilespmem:s14+$0xFFFFFF60] =	vst v4  }
0x20c: {  	s10 =	sadd.s32 s11, s10;
	s11 =	sand.u32 $0xFF, s22;
	[tilespmem:s14+$0xFFFFFFE0] =	vst v1  }
0x20d: {  	s22 =	sshll.u32 s11, $0x4;
	[tilespmem:s14+$0xFFFFFF40] =	vst v3;
	s14 =	smov.u32 s8  }
0x20e: {  	v0 =	vld [tilespmem:s10+$0x8C0]  }
0x20f: {  	v1 =	vld [tilespmem:s8+$0xFFFFFE70]  }
0x210: {  	v2 =	vld [tilespmem:s8+$0xFFFFFE30]  }
0x211: {  	v3 =	vld [tilespmem:s8+$0xFFFFFEF0]  }
0x212: {  	v4 =	vld [tilespmem:s8+$0xFFFFFEC0]  }
0x213: {  	v5 =	vbroadcast v0, $0x2;
	v6 =	vbroadcast v0, $0x4;
	v7 =	vld [tilespmem:s8+$0xFFFFFEB0]  }
0x214: {  	v8 =	vbroadcast v0, $0x0;
	v10 =	vbroadcast v0, $0xE;
	v9 =	vld [tilespmem:s8+$0xFFFFFE20]  }
0x215: {  	v11 =	vbroadcast v0, $0xA;
	v2 =	vmul.f32 v2, v5;
	v5 =	vld [tilespmem:s8+$0xFFFFFE50]  }
0x216: {  	v13 =	vbroadcast v0, $0xB;
	v12 =	vld [tilespmem:s8+$0xFFFFFE40];
	v3 =	vmul.f32 v3, v10  }
0x217: {  	v14 =	vbroadcast v0, $0x1;
	v15 =	vbroadcast v0, $0x6;
	v10 =	vld [tilespmem:s8+$0xFFFFFE10]  }
0x218: {  	v4 =	vmul.f32 v4, v13;
	[tilespmem:s8+$0xFFFFFE30] =	vst v2;
	v2 =	vld [tilespmem:s8+$0xFFFFFE60];
	v7 =	vmul.f32 v7, v11  }
0x219: {  	v11 =	vbroadcast v0, $0x3;
	v9 =	vmul.f32 v9, v14;
	v13 =	vld [tilespmem:s8+$0xFFFFFE90];
	[tilespmem:s8+$0xFFFFFEF0] =	vst v3  }
0x21a: {  	v1 =	vmul.f32 v1, v15;
	v5 =	vmul.f32 v5, v6;
	v14 =	vld [tilespmem:s8+$0xFFFFFEA0];
	[tilespmem:s8+$0xFFFFFEC0] =	vst v4  }
.Ltmp5:
0x21b: {  	v11 =	vmul.f32 v12, v11;
	v12 =	vbroadcast v0, $0x5;
	v3 =	vld [tilespmem:s8+$0xFFFFFE80];
	[tilespmem:s8+$0xFFFFFEB0] =	vst v7;
	(pc) =	sbr.rel @p2 .LBB2_9-.Ltmp5, $4  }
0x21c: {  	v6 =	vbroadcast v0, $0x7;
	v7 =	vbroadcast v0, $0x8;
	[tilespmem:s8+$0xFFFFFE50] =	vst v5;
	v4 =	vld [tilespmem:s8+$0xFFFFFED0]  }
0x21d: {  	v8 =	vmul.f32 v8, v10;
	v10 =	vbroadcast v0, $0x9;
	[tilespmem:s8+$0xFFFFFE70] =	vst v1;
	v5 =	vld [tilespmem:s8+$0xFFFFFEE0]  }
0x21e: {  	v2 =	vmul.f32 v2, v12;
	[tilespmem:s8+$0xFFFFFE40] =	vst v11;
	v1 =	vmul.f32 v13, v7;
	v7 =	vld [tilespmem:s8+$0xFFFFFF00]  }
0x21f: {  	[tilespmem:s8+$0xFFFFFE20] =	vst v9;
	v9 =	vmul.f32 v14, v10;
	v10 =	vbroadcast v0, $0xC  }
0x220: {  	[tilespmem:s14+$0xFFFFFE10] =	vst v8  }
0x221: {  	[tilespmem:s14+$0xFFFFFE60] =	vst v2  }
0x222: {  	v3 =	vmul.f32 v3, v6;
	v27 =	vbroadcast v0, $0xD;
	[tilespmem:s14+$0xFFFFFE90] =	vst v1  }
0x223: {  	v28 =	vbroadcast v0, $0xF;
	[tilespmem:s14+$0xFFFFFEA0] =	vst v9;
	v4 =	vmul.f32 v4, v10  }
0x224: {  	[tilespmem:s14+$0xFFFFFE80] =	vst v3;
	v29 =	vmul.f32 v5, v27  }
0x225: {  	[tilespmem:s14+$0xFFFFFED0] =	vst v4;
	v0 =	vmul.f32 v7, v28  }
0x226: {  	s4 =	sshrl.u32 s20, $0x2;
	[tilespmem:s14+$0xFFFFFEE0] =	vst v29  }
0x227: {  	s4 =	sadd.s32 s22, s4;
	[tilespmem:s14+$0xFFFFFF00] =	vst v0  }
0x228: {  	v0 =	vld [tilespmem:s4+$0x8C0];
	_ =	sdelay $0x2  }
0x229: {  	v30 =	vld [tilespmem:s14+$0xFFFFFF10]  }
0x22a: {  	v31 =	vld [tilespmem:s14+$0xFFFFFF90]  }
0x22b: {  	v32 =	vld [tilespmem:s14+$0xFFFFFF30];
	v34 =	vbroadcast v0, $0x0;
	v36 =	vbroadcast v0, $0x8  }
0x22c: {  	v35 =	vld [tilespmem:s14+$0xFFFFFFD0];
	v37 =	vbroadcast v0, $0x2;
	v40 =	vbroadcast v0, $0xC  }
0x22d: {  	v38 =	vld [tilespmem:s14+$0xFFFFFF20];
	v43 =	vbroadcast v0, $0x1;
	v44 =	vbroadcast v0, $0xB  }
0x22e: {  	v33 =	vld [tilespmem:s14+$0x0];
	v47 =	vbroadcast v0, $0xF;
	v1 =	vmul.f32 v34, v30  }
0x22f: {  	v46 =	vld [tilespmem:s14+$0xFFFFFFB0];
	v48 =	vbroadcast v0, $0xE;
	v2 =	vmul.f32 v31, v36  }
0x230: {  	v41 =	vld [tilespmem:s14+$0xFFFFFFA0];
	v50 =	vbroadcast v0, $0xA;
	v3 =	vmul.f32 v32, v37;
	[tilespmem:s14+$0xFFFFFF10] =	vst v1  }
0x231: {  	v12 =	vld [tilespmem:s14+$0xFFFFFF80];
	v52 =	vbroadcast v0, $0x9;
	v45 =	vmul.f32 v35, v40;
	[tilespmem:s14+$0xFFFFFF90] =	vst v2  }
0x232: {  	v54 =	vld [tilespmem:s14+$0xFFFFFF60];
	v53 =	vbroadcast v0, $0x4;
	v5 =	vmul.f32 v38, v43;
	[tilespmem:s14+$0xFFFFFF30] =	vst v3  }
0x233: {  	v51 =	vld [tilespmem:s14+$0xFFFFFFE0];
	v56 =	vbroadcast v0, $0x6;
	v4 =	vmul.f32 v33, v47;
	[tilespmem:s14+$0xFFFFFFD0] =	vst v45  }
0x234: {  	v57 =	vld [tilespmem:s14+$0xFFFFFF40];
	v58 =	vbroadcast v0, $0x7;
	v6 =	vmul.f32 v46, v50;
	[tilespmem:s14+$0xFFFFFF20] =	vst v5  }
0x235: {  	v39 =	vld [tilespmem:s14+$0xFFFFFFC0];
	v59 =	vbroadcast v0, $0x5;
	v55 =	vmul.f32 v41, v52;
	[tilespmem:s14+$0x0] =	vst v4  }
0x236: {  	v42 =	vld [tilespmem:s14+$0xFFFFFFF0];
	v60 =	vbroadcast v0, $0xD;
	v61 =	vmul.f32 v12, v58;
	[tilespmem:s14+$0xFFFFFFB0] =	vst v6  }
0x237: {  	v49 =	vld [tilespmem:s14+$0xFFFFFF70];
	v0 =	vbroadcast v0, $0x3;
	v62 =	vmul.f32 v54, v59;
	[tilespmem:s14+$0xFFFFFFA0] =	vst v55  }
0x238: {  	v11 =	vld [tilespmem:s14+$0xFFFFFF50];
	v63 =	vmul.f32 v51, v60;
	[tilespmem:s14+$0xFFFFFF80] =	vst v61  }
0x239: {  	v0 =	vmul.f32 v57, v0;
	[tilespmem:s14+$0xFFFFFF60] =	vst v62  }
0x23a: {  	v2 =	vmul.f32 v39, v44;
	[tilespmem:s14+$0xFFFFFFE0] =	vst v63  }
0x23b: {  	v1 =	vmul.f32 v42, v48;
	[tilespmem:s14+$0xFFFFFF40] =	vst v0  }
.Ltmp6:
0x23c: {  	v3 =	vmul.f32 v49, v56;
	[tilespmem:s14+$0xFFFFFFC0] =	vst v2;
	(pc) =	sbr.rel @p1 .LBB2_12-.Ltmp6, $4  }
0x23d: {  	[tilespmem:s14+$0xFFFFFFF0] =	vst v1;
	v2 =	vmul.f32 v11, v53  }
0x23e: {  	[tilespmem:s14+$0xFFFFFF70] =	vst v3  }
0x23f: {  	s26 =	simm.s32 $0x850;
	[tilespmem:s14+$0xFFFFFF50] =	vst v2  }
0x240: {  	[spmem:s5] =	stream.indirect.scatter.add.f32 [tilespmem:s16], [sflag:$0x8], $0x40, s26, s25, $0xb8;
	[tilespmem:$0x1B300] =	vst v63  }
.Ltmp7:
0x241: {  	(pc) =	sbr.rel .LBB2_2-.Ltmp7, $4  }
0x242: {  	_ =	swait.ge [sflag:s28], $0x2A0  }
0x243: {  	[sflag:s28] =	ssyncset.done $0x0  }
0x244: {  	s4 =	simm.s32 $0x2A0;
	s19 =	sadd.s32 $0x1, s19;
	[sflag:s28] =	ssyncadd.s32 $0xFFFFFD60  }
0x245: {  	[tilespmem:s29], [sflag:$0x2] =	stream.indirect.gather [spmem:s1], $0x40, s4, s25, $0xb8;
	[tilespmem:$0x1B300] =	vst v63  }
.LBB2_13:
0x246: {  	_ =	sfence.sel $0x180000  }
0x247: {  	[bflag:$0x0] =	sbarrier.arrive $0xFFFF  }
0x248: {  	_ =	strace $0x90000047  }
0x249: {  	s0 =	stileid.u32;
	[bflag:$0x2] =	sbarrier.arrive $0xFFFF  }
0x24a: {  	p0 =	sne.s32 s0, $0x0;
	s0 =	rddreg [dreg:$0x3]  }
0x24b: {  	s0 =	sadd.s32 @!p0 $0x100000, s0  }
0x24c: {  	[sflag:s0] =	ssyncadd.tile.s32 @!p0 $0x1;
	_ =	shalt  }
.Lfunc_end2:
_tile_overlayer_lowered:
.L_overlay_start_2:
0x24d: {  	(tag) =	ssettag $0x2  }
0x24e: {  	s0 =	rddreg [dreg:$0x0];
	s2 =	stileid.u32  }
0x24f: {  	s1 =	rddreg [dreg:$0x1];
	p0 =	sne.s32 s2, $0x0  }
0x250: {  	s3 =	rddreg [dreg:$0x2];
	[bflag:$0x3] =	sbarrier.arrive $0xFFFF;
	s2 =	simm.s32 @!p0 $0x1C0D  }
0x251: {  	[timem:s3], [sflag:s2] =	dma.local @!p0 [hbm:s0], s1  }
0x252: {  	s0 =	simm.s32 @!p0 $0xD  }
0x253: {  	_ =	swait.ge @!p0 [sflag:s0], s1  }
0x254: {  	s1 =	ssub.s32 @!p0 $0x0, s1;
	[sflag:s0] =	ssyncset.done @!p0 $0x0  }
0x255: {  	[sflag:s0] =	ssyncadd.s32 @!p0 s1  }
0x256: {  	[bflag:$0x3] =	sbarrier.arrive $0xFFFF  }
0x257: {  	_ =	shalt  }

</sc_bundles>
